<compile_context>
chip_gen: v7x
topology: tpu7x:2x2x1
jax: 0.10.2.dev20260603
libtpu: 0.0.44.dev20260713+nightly
codegen_flags: <defaults>
</compile_context>

<pallas_src>
import functools

import jax
import jax.numpy as jnp
from jax import lax
from jax.experimental import pallas as pl
from jax.experimental.pallas import tpu as pltpu
from jax.experimental.pallas import tpu_sc as plsc

_NMS_T = 0.3
_SCORE_T = 0.1
_K = 100
_NSUB = 16
_L = 16
_N = 5000
_NPAD = 5120
_PER = _NPAD // _NSUB
_CHUNKS = _PER // _L
_SLOTS = _NSUB * _L
_B = 4
_NEG = float("-inf")
_BIGF = 1e9


def _sup_vs(wx0, wy0, wx1, wy1, wa, a, b, c, d, area):
    ix0 = jnp.maximum(a, wx0)
    iy0 = jnp.maximum(b, wy0)
    ix1 = jnp.minimum(c, wx1)
    iy1 = jnp.minimum(d, wy1)
    inter = jnp.maximum(ix1 - ix0, 0.0) * jnp.maximum(iy1 - iy0, 0.0)
    union = area + wa - inter
    return inter > _NMS_T * union


def _sc_body(boxes_hbm, scores_hbm, out_hbm,
             bx, sv, lx0, ly0, lx1, ly1, ms,
             slotbuf, allslots, outbuf, shared):
    cid = lax.axis_index("c")
    sid = lax.axis_index("s")
    base = sid * _PER
    iota = lax.iota(jnp.int32, _L)
    iotaf = iota.astype(jnp.float32)
    is_out = jnp.logical_and(cid == 0, sid == 0)

    zero = jnp.zeros((_L,), jnp.float32)
    for j in range(4 * _N // _L, 4 * _NPAD // _L):
        bx[pl.ds(j * _L, _L)] = zero
    for j in range(_N // _L, _NPAD // _L):
        sv[pl.ds(j * _L, _L)] = zero
    pltpu.sync_copy(boxes_hbm, bx.at[pl.ds(0, 4 * _N)])
    pltpu.sync_copy(scores_hbm, sv.at[pl.ds(0, _N)])

    for j in range(_CHUNKS):
        sl = pl.ds(j * _L, _L)
        gi4 = (base + j * _L + iota) * 4
        a = plsc.load_gather(bx, [gi4])
        b = plsc.load_gather(bx, [gi4 + 1])
        c = plsc.load_gather(bx, [gi4 + 2])
        d = plsc.load_gather(bx, [gi4 + 3])
        lx0[sl] = a
        ly0[sl] = b
        lx1[sl] = c
        ly1[sl] = d
        sc = sv[pl.ds(base + j * _L, _L)]
        valid = (c > a) & (d > b) & (sc > _SCORE_T)
        ms[sl] = jnp.where(valid, sc, _NEG)

    basef = base.astype(jnp.float32)
    gidx0 = iotaf + basef

    def cond_fn(carry):
        return jnp.logical_and(carry[1] < _K, carry[2] > 0)

    def round_fn(carry):
        rnd, kc = carry[0], carry[1]
        wins = carry[3:]
        m1 = jnp.full((_L,), _NEG, jnp.float32)
        m2 = jnp.full((_L,), _NEG, jnp.float32)
        iv = jnp.full((_L,), _BIGF, jnp.float32)
        for j in range(_CHUNKS):
            sl = pl.ds(j * _L, _L)
            a = lx0[sl]
            b = ly0[sl]
            c = lx1[sl]
            d = ly1[sl]
            area = (c - a) * (d - b)
            msn = ms[sl]
            for t in range(_B):
                wx0, wy0, wx1, wy1, wa = wins[5 * t:5 * t + 5]
                sup = _sup_vs(wx0, wy0, wx1, wy1, wa, a, b, c, d, area)
                msn = jnp.where(sup, _NEG, msn)
            ms[sl] = msn
            upd = msn > m1
            m2 = jnp.maximum(m2, jnp.minimum(m1, msn))
            m1 = jnp.where(upd, msn, m1)
            iv = jnp.where(upd, gidx0 + jnp.float32(j * _L), iv)
        m_loc = jnp.max(m1)
        eq = m1 == m_loc
        i_loc = jnp.min(jnp.where(eq, iv, _BIGF))
        ncnt = plsc.all_reduce_population_count(eq)
        zvec = jnp.where(eq, m2, m1)
        m2_loc = jnp.where(ncnt >= 2, m_loc, jnp.max(zvec))

        slot = jnp.where(iota == 0, m_loc,
               jnp.where(iota == 1, i_loc,
               jnp.where(iota == 2, m2_loc, 0.0)))
        slotbuf[...] = slot
        par = (rnd & 1) * _SLOTS
        pltpu.sync_copy(slotbuf, shared.at[pl.ds(par + sid * _L, _L)])
        plsc.subcore_barrier()
        pltpu.sync_copy(shared.at[pl.ds(par, _SLOTS)], allslots)
        vals = plsc.load_gather(allslots, [iota * _L])
        idxs = plsc.load_gather(allslots, [iota * _L + 1])
        m2s = plsc.load_gather(allslots, [iota * _L + 2])
        bound = jnp.max(m2s)

        pci = jnp.where(vals > _NEG, idxs, 0.0).astype(jnp.int32) * 4
        px0 = plsc.load_gather(bx, [pci])
        py0 = plsc.load_gather(bx, [pci + 1])
        px1 = plsc.load_gather(bx, [pci + 2])
        py1 = plsc.load_gather(bx, [pci + 3])
        parea = (px1 - px0) * (py1 - py0)

        pv = vals
        ka = jnp.int32(0)
        new_wins = []
        for t in range(_B):
            m_t = jnp.max(pv)
            wi = jnp.min(jnp.where(pv == m_t, idxs, _BIGF))
            ok = m_t > _NEG
            if t == 0:
                acc = jnp.logical_and(ok, kc + ka < _K)
            else:
                acc = jnp.logical_and(jnp.logical_and(ok, m_t > bound),
                                      kc + ka < _K)
            wii = jnp.where(acc, wi, 0.0).astype(jnp.int32) * 4
            widx = jnp.broadcast_to(wii, (_L,))
            nwx0 = jnp.where(acc, plsc.load_gather(bx, [widx]), 0.0)
            nwy0 = jnp.where(acc, plsc.load_gather(bx, [widx + 1]), 0.0)
            nwx1 = jnp.where(acc, plsc.load_gather(bx, [widx + 2]), 0.0)
            nwy1 = jnp.where(acc, plsc.load_gather(bx, [widx + 3]), 0.0)
            nwa = (jnp.maximum(nwx1 - nwx0, 0.0)
                   * jnp.maximum(nwy1 - nwy0, 0.0))
            new_wins += [nwx0, nwy0, nwx1, nwy1, nwa]

            @pl.when(jnp.logical_and(acc, is_out))
            def _():
                row = jnp.where(iota == 0, nwx0,
                      jnp.where(iota == 1, nwy0,
                      jnp.where(iota == 2, nwx1,
                      jnp.where(iota == 3, nwy1,
                      jnp.where(iota == 4, jnp.broadcast_to(m_t, (_L,)),
                                0.0)))))
                plsc.store_scatter(outbuf, [(kc + ka) * 5 + iota], row,
                                   mask=iota < 5)

            psup = _sup_vs(nwx0, nwy0, nwx1, nwy1, nwa,
                           px0, py0, px1, py1, parea)
            pv = jnp.where(jnp.logical_and(acc, psup), _NEG, pv)
            ka = ka + acc.astype(jnp.int32)

        return tuple([rnd + 1, kc + ka, ka] + new_wins)

    init = tuple([jnp.int32(0), jnp.int32(0), jnp.int32(1)]
                 + [jnp.zeros((_L,), jnp.float32)] * (5 * _B))
    final = lax.while_loop(cond_fn, round_fn, init)
    kc_end = final[1]

    @pl.when(is_out)
    def _():
        def fill(r, c):
            plsc.store_scatter(outbuf, [r * 5 + iota], zero, mask=iota < 5)
            return c
        lax.fori_loop(kc_end, _K, fill, 0)
        pltpu.sync_copy(outbuf.at[pl.ds(0, 5 * _K)], out_hbm)


@jax.jit
def kernel(boxes, scores):
    flat = boxes.reshape(4 * _N)
    mesh = plsc.VectorSubcoreMesh(core_axis_name="c", subcore_axis_name="s",
                                  num_cores=2, num_subcores=_NSUB)
    f = pl.kernel(
        _sc_body,
        out_type=jax.ShapeDtypeStruct((5 * _K,), jnp.float32),
        mesh=mesh,
        compiler_params=pltpu.CompilerParams(needs_layout_passes=False),
        scratch_types=[
            pltpu.VMEM((4 * _NPAD,), jnp.float32),
            pltpu.VMEM((_NPAD,), jnp.float32),
            pltpu.VMEM((_PER,), jnp.float32),
            pltpu.VMEM((_PER,), jnp.float32),
            pltpu.VMEM((_PER,), jnp.float32),
            pltpu.VMEM((_PER,), jnp.float32),
            pltpu.VMEM((_PER,), jnp.float32),
            pltpu.VMEM((_L,), jnp.float32),
            pltpu.VMEM((_SLOTS,), jnp.float32),
            pltpu.VMEM((512,), jnp.float32),
            pltpu.VMEM_SHARED((2 * _SLOTS,), jnp.float32),
        ],
    )
    out = f(flat, scores)
    return out.reshape(_K, 5)

# --- scband reference (transcript-rebuilt; emitter-appended) ---
"""Pipeline reference for scband-instance-seg-algo-fpn-onnx-29446295782026 (READ-ONLY COPY).

The authoritative reference and input builder live on the scoring server;
editing this copy changes nothing except your own understanding.
"""

import jax, jax.numpy as jnp
import numpy as np

NMS_THRESHOLD = 0.3
SCORE_THRESHOLD = 0.1
MAX_PREDICTIONS = 100
N_BOXES = 5000


def setup_inputs(seed: int = 0) -> dict:
    key = jax.random.key(seed)
    k1, k2, k3 = jax.random.split(key, 3)
    xy = jax.random.uniform(k1, (N_BOXES, 2), minval=0.0, maxval=900.0)
    wh = jax.random.uniform(k2, (N_BOXES, 2), minval=5.0, maxval=120.0)
    boxes = jnp.concatenate([xy, xy + wh], axis=-1).astype(jnp.float32)
    scores = jax.random.uniform(k3, (N_BOXES,), dtype=jnp.float32)
    return {"boxes": boxes, "scores": scores}


def _iou_matrix(b):
    x0, y0, x1, y1 = b[:, 0], b[:, 1], b[:, 2], b[:, 3]
    area = jnp.maximum(x1 - x0, 0.0) * jnp.maximum(y1 - y0, 0.0)
    ix0 = jnp.maximum(x0[:, None], x0[None, :])
    iy0 = jnp.maximum(y0[:, None], y0[None, :])
    ix1 = jnp.minimum(x1[:, None], x1[None, :])
    iy1 = jnp.minimum(y1[:, None], y1[None, :])
    inter = jnp.maximum(ix1 - ix0, 0.0) * jnp.maximum(iy1 - iy0, 0.0)
    union = area[:, None] + area[None, :] - inter
    return inter / jnp.maximum(union, 1e-9)


def reference(boxes, scores):
    # Faithful translation of g_prediction_generator (class-agnostic case):
    # 1) score threshold filter  2) degenerate-box filter  3) greedy NMS
    # 4) keep top max_predictions by score.
    N = boxes.shape[0]
    valid = (boxes[:, 2] > boxes[:, 0]) & (boxes[:, 3] > boxes[:, 1]) & (scores > SCORE_THRESHOLD)
    masked_scores = jnp.where(valid, scores, -jnp.inf)
    order = jnp.argsort(-masked_scores)
    b = boxes[order]
    s = masked_scores[order]
    v = valid[order]
    iou = _iou_matrix(b)
    idx_range = jnp.arange(N)

    def body(i, keep):
        cur = keep[i]
        sup = (iou[i] > NMS_THRESHOLD) & (idx_range > i)
        return jnp.where(cur, keep & (~sup), keep)

    keep = jax.lax.fori_loop(0, N, body, v)
    kept_scores = jnp.where(keep, s, -jnp.inf)
    top_scores, top_idx = jax.lax.top_k(kept_scores, MAX_PREDICTIONS)
    top_boxes = jnp.take(b, top_idx, axis=0)
    sel = jnp.isfinite(top_scores)
    top_scores = jnp.where(sel, top_scores, 0.0)
    top_boxes = jnp.where(sel[:, None], top_boxes, 0.0)
    return jnp.concatenate([top_boxes, top_scores[:, None]], axis=-1)

if __name__ == "__main__":
    import jax
    _d = setup_inputs()
    print(jax.jit(kernel)(*tuple(_d.values())))

</pallas_src>

<mosaic_0001>
#map = affine_map<(d0, d1) -> (0)>
module attributes {stable_mosaic.version = 14 : i64} {
  func.func @_sc_body(%arg0: i32, %arg1: i32, %arg2: memref<20000xf32, #tpu.memory_space<hbm>>, %arg3: memref<5000xf32, #tpu.memory_space<hbm>>, %arg4: memref<500xf32, #tpu.memory_space<hbm>>, %arg5: memref<20480xf32, #tpu.memory_space<vmem>>, %arg6: memref<5120xf32, #tpu.memory_space<vmem>>, %arg7: memref<320xf32, #tpu.memory_space<vmem>>, %arg8: memref<320xf32, #tpu.memory_space<vmem>>, %arg9: memref<320xf32, #tpu.memory_space<vmem>>, %arg10: memref<320xf32, #tpu.memory_space<vmem>>, %arg11: memref<320xf32, #tpu.memory_space<vmem>>, %arg12: memref<16xf32, #tpu.memory_space<vmem>>, %arg13: memref<256xf32, #tpu.memory_space<vmem>>, %arg14: memref<512xf32, #tpu.memory_space<vmem>>, %arg15: memref<512xf32, #tpu.memory_space<vmem_shared>>) attributes {dimension_semantics = [#tpu.dimension_semantics<core_parallel>, #tpu.dimension_semantics<subcore_parallel>], iteration_bounds = array<i64: 2, 16>, scalar_prefetch = 0 : i64, scratch_operands = 11 : i64, tpu.core_type = #tpu.core_type<sc_vector_subcore>, window_params = [{transform_indices = #map}, {transform_indices = #map}, {transform_indices = #map}]} {
    %mul3A = arith.constant 320 : i32
    %mul3A_0 = arith.muli %arg1, %mul3A : i32
    %iota3A = tpu.iota {dimensions = array<i32: 0>} : vector<16xi32>
    %convert_element_type3A = arith.sitofp %iota3A : vector<16xi32> to vector<16xf32>
    %eq3A = arith.constant 0 : i32
    %eq3A_1 = arith.cmpi eq, %arg0, %eq3A : i32
    %eq3A_2 = arith.constant 0 : i32
    %eq3A_3 = arith.cmpi eq, %arg1, %eq3A_2 : i32
    %and3A = arith.andi %eq3A_1, %eq3A_3 : i1
    %broadcast_in_dim3A = arith.constant 0.000000e+00 : f32
    %broadcast_in_dim3A_4 = vector.broadcast %broadcast_in_dim3A : f32 to vector<16xf32>
    %swap3A = arith.constant 20000 : index
    %swap3A_5 = tpu.vector_load %arg5[%swap3A] {strides = array<i32>} : memref<20480xf32, #tpu.memory_space<vmem>>, vector<16xf32>,
    tpu.vector_store %arg5[%swap3A], %broadcast_in_dim3A_4 {strides = array<i32>} : memref<20480xf32, #tpu.memory_space<vmem>>, vector<16xf32>,
    %swap3A_6 = arith.constant 20016 : index
    %swap3A_7 = tpu.vector_load %arg5[%swap3A_6] {strides = array<i32>} : memref<20480xf32, #tpu.memory_space<vmem>>, vector<16xf32>,
    tpu.vector_store %arg5[%swap3A_6], %broadcast_in_dim3A_4 {strides = array<i32>} : memref<20480xf32, #tpu.memory_space<vmem>>, vector<16xf32>,
    %swap3A_8 = arith.constant 20032 : index
    %swap3A_9 = tpu.vector_load %arg5[%swap3A_8] {strides = array<i32>} : memref<20480xf32, #tpu.memory_space<vmem>>, vector<16xf32>,
    tpu.vector_store %arg5[%swap3A_8], %broadcast_in_dim3A_4 {strides = array<i32>} : memref<20480xf32, #tpu.memory_space<vmem>>, vector<16xf32>,
    %swap3A_10 = arith.constant 20048 : index
    %swap3A_11 = tpu.vector_load %arg5[%swap3A_10] {strides = array<i32>} : memref<20480xf32, #tpu.memory_space<vmem>>, vector<16xf32>,
    tpu.vector_store %arg5[%swap3A_10], %broadcast_in_dim3A_4 {strides = array<i32>} : memref<20480xf32, #tpu.memory_space<vmem>>, vector<16xf32>,
    %swap3A_12 = arith.constant 20064 : index
    %swap3A_13 = tpu.vector_load %arg5[%swap3A_12] {strides = array<i32>} : memref<20480xf32, #tpu.memory_space<vmem>>, vector<16xf32>,
    tpu.vector_store %arg5[%swap3A_12], %broadcast_in_dim3A_4 {strides = array<i32>} : memref<20480xf32, #tpu.memory_space<vmem>>, vector<16xf32>,
    %swap3A_14 = arith.constant 20080 : index
    %swap3A_15 = tpu.vector_load %arg5[%swap3A_14] {strides = array<i32>} : memref<20480xf32, #tpu.memory_space<vmem>>, vector<16xf32>,
    tpu.vector_store %arg5[%swap3A_14], %broadcast_in_dim3A_4 {strides = array<i32>} : memref<20480xf32, #tpu.memory_space<vmem>>, vector<16xf32>,
    %swap3A_16 = arith.constant 20096 : index
    %swap3A_17 = tpu.vector_load %arg5[%swap3A_16] {strides = array<i32>} : memref<20480xf32, #tpu.memory_space<vmem>>, vector<16xf32>,
    tpu.vector_store %arg5[%swap3A_16], %broadcast_in_dim3A_4 {strides = array<i32>} : memref<20480xf32, #tpu.memory_space<vmem>>, vector<16xf32>,
    %swap3A_18 = arith.constant 20112 : index
    %swap3A_19 = tpu.vector_load %arg5[%swap3A_18] {strides = array<i32>} : memref<20480xf32, #tpu.memory_space<vmem>>, vector<16xf32>,
    tpu.vector_store %arg5[%swap3A_18], %broadcast_in_dim3A_4 {strides = array<i32>} : memref<20480xf32, #tpu.memory_space<vmem>>, vector<16xf32>,
    %swap3A_20 = arith.constant 20128 : index
    %swap3A_21 = tpu.vector_load %arg5[%swap3A_20] {strides = array<i32>} : memref<20480xf32, #tpu.memory_space<vmem>>, vector<16xf32>,
    tpu.vector_store %arg5[%swap3A_20], %broadcast_in_dim3A_4 {strides = array<i32>} : memref<20480xf32, #tpu.memory_space<vmem>>, vector<16xf32>,
    %swap3A_22 = arith.constant 20144 : index
    %swap3A_23 = tpu.vector_load %arg5[%swap3A_22] {strides = array<i32>} : memref<20480xf32, #tpu.memory_space<vmem>>, vector<16xf32>,
    tpu.vector_store %arg5[%swap3A_22], %broadcast_in_dim3A_4 {strides = array<i32>} : memref<20480xf32, #tpu.memory_space<vmem>>, vector<16xf32>,
    %swap3A_24 = arith.constant 20160 : index
    %swap3A_25 = tpu.vector_load %arg5[%swap3A_24] {strides = array<i32>} : memref<20480xf32, #tpu.memory_space<vmem>>, vector<16xf32>,
    tpu.vector_store %arg5[%swap3A_24], %broadcast_in_dim3A_4 {strides = array<i32>} : memref<20480xf32, #tpu.memory_space<vmem>>, vector<16xf32>,
    %swap3A_26 = arith.constant 20176 : index
    %swap3A_27 = tpu.vector_load %arg5[%swap3A_26] {strides = array<i32>} : memref<20480xf32, #tpu.memory_space<vmem>>, vector<16xf32>,
    tpu.vector_store %arg5[%swap3A_26], %broadcast_in_dim3A_4 {strides = array<i32>} : memref<20480xf32, #tpu.memory_space<vmem>>, vector<16xf32>,
    %swap3A_28 = arith.constant 20192 : index
    %swap3A_29 = tpu.vector_load %arg5[%swap3A_28] {strides = array<i32>} : memref<20480xf32, #tpu.memory_space<vmem>>, vector<16xf32>,
    tpu.vector_store %arg5[%swap3A_28], %broadcast_in_dim3A_4 {strides = array<i32>} : memref<20480xf32, #tpu.memory_space<vmem>>, vector<16xf32>,
    %swap3A_30 = arith.constant 20208 : index
    %swap3A_31 = tpu.vector_load %arg5[%swap3A_30] {strides = array<i32>} : memref<20480xf32, #tpu.memory_space<vmem>>, vector<16xf32>,
    tpu.vector_store %arg5[%swap3A_30], %broadcast_in_dim3A_4 {strides = array<i32>} : memref<20480xf32, #tpu.memory_space<vmem>>, vector<16xf32>,
    %swap3A_32 = arith.constant 20224 : index
    %swap3A_33 = tpu.vector_load %arg5[%swap3A_32] {strides = array<i32>} : memref<20480xf32, #tpu.memory_space<vmem>>, vector<16xf32>,
    tpu.vector_store %arg5[%swap3A_32], %broadcast_in_dim3A_4 {strides = array<i32>} : memref<20480xf32, #tpu.memory_space<vmem>>, vector<16xf32>,
    %swap3A_34 = arith.constant 20240 : index
    %swap3A_35 = tpu.vector_load %arg5[%swap3A_34] {strides = array<i32>} : memref<20480xf32, #tpu.memory_space<vmem>>, vector<16xf32>,
    tpu.vector_store %arg5[%swap3A_34], %broadcast_in_dim3A_4 {strides = array<i32>} : memref<20480xf32, #tpu.memory_space<vmem>>, vector<16xf32>,
    %swap3A_36 = arith.constant 20256 : index
    %swap3A_37 = tpu.vector_load %arg5[%swap3A_36] {strides = array<i32>} : memref<20480xf32, #tpu.memory_space<vmem>>, vector<16xf32>,
    tpu.vector_store %arg5[%swap3A_36], %broadcast_in_dim3A_4 {strides = array<i32>} : memref<20480xf32, #tpu.memory_space<vmem>>, vector<16xf32>,
    %swap3A_38 = arith.constant 20272 : index
    %swap3A_39 = tpu.vector_load %arg5[%swap3A_38] {strides = array<i32>} : memref<20480xf32, #tpu.memory_space<vmem>>, vector<16xf32>,
    tpu.vector_store %arg5[%swap3A_38], %broadcast_in_dim3A_4 {strides = array<i32>} : memref<20480xf32, #tpu.memory_space<vmem>>, vector<16xf32>,
    %swap3A_40 = arith.constant 20288 : index
    %swap3A_41 = tpu.vector_load %arg5[%swap3A_40] {strides = array<i32>} : memref<20480xf32, #tpu.memory_space<vmem>>, vector<16xf32>,
    tpu.vector_store %arg5[%swap3A_40], %broadcast_in_dim3A_4 {strides = array<i32>} : memref<20480xf32, #tpu.memory_space<vmem>>, vector<16xf32>,
    %swap3A_42 = arith.constant 20304 : index
    %swap3A_43 = tpu.vector_load %arg5[%swap3A_42] {strides = array<i32>} : memref<20480xf32, #tpu.memory_space<vmem>>, vector<16xf32>,
    tpu.vector_store %arg5[%swap3A_42], %broadcast_in_dim3A_4 {strides = array<i32>} : memref<20480xf32, #tpu.memory_space<vmem>>, vector<16xf32>,
    %swap3A_44 = arith.constant 20320 : index
    %swap3A_45 = tpu.vector_load %arg5[%swap3A_44] {strides = array<i32>} : memref<20480xf32, #tpu.memory_space<vmem>>, vector<16xf32>,
    tpu.vector_store %arg5[%swap3A_44], %broadcast_in_dim3A_4 {strides = array<i32>} : memref<20480xf32, #tpu.memory_space<vmem>>, vector<16xf32>,
    %swap3A_46 = arith.constant 20336 : index
    %swap3A_47 = tpu.vector_load %arg5[%swap3A_46] {strides = array<i32>} : memref<20480xf32, #tpu.memory_space<vmem>>, vector<16xf32>,
    tpu.vector_store %arg5[%swap3A_46], %broadcast_in_dim3A_4 {strides = array<i32>} : memref<20480xf32, #tpu.memory_space<vmem>>, vector<16xf32>,
    %swap3A_48 = arith.constant 20352 : index
    %swap3A_49 = tpu.vector_load %arg5[%swap3A_48] {strides = array<i32>} : memref<20480xf32, #tpu.memory_space<vmem>>, vector<16xf32>,
    tpu.vector_store %arg5[%swap3A_48], %broadcast_in_dim3A_4 {strides = array<i32>} : memref<20480xf32, #tpu.memory_space<vmem>>, vector<16xf32>,
    %swap3A_50 = arith.constant 20368 : index
    %swap3A_51 = tpu.vector_load %arg5[%swap3A_50] {strides = array<i32>} : memref<20480xf32, #tpu.memory_space<vmem>>, vector<16xf32>,
    tpu.vector_store %arg5[%swap3A_50], %broadcast_in_dim3A_4 {strides = array<i32>} : memref<20480xf32, #tpu.memory_space<vmem>>, vector<16xf32>,
    %swap3A_52 = arith.constant 20384 : index
    %swap3A_53 = tpu.vector_load %arg5[%swap3A_52] {strides = array<i32>} : memref<20480xf32, #tpu.memory_space<vmem>>, vector<16xf32>,
    tpu.vector_store %arg5[%swap3A_52], %broadcast_in_dim3A_4 {strides = array<i32>} : memref<20480xf32, #tpu.memory_space<vmem>>, vector<16xf32>,
    %swap3A_54 = arith.constant 20400 : index
    %swap3A_55 = tpu.vector_load %arg5[%swap3A_54] {strides = array<i32>} : memref<20480xf32, #tpu.memory_space<vmem>>, vector<16xf32>,
    tpu.vector_store %arg5[%swap3A_54], %broadcast_in_dim3A_4 {strides = array<i32>} : memref<20480xf32, #tpu.memory_space<vmem>>, vector<16xf32>,
    %swap3A_56 = arith.constant 20416 : index
    %swap3A_57 = tpu.vector_load %arg5[%swap3A_56] {strides = array<i32>} : memref<20480xf32, #tpu.memory_space<vmem>>, vector<16xf32>,
    tpu.vector_store %arg5[%swap3A_56], %broadcast_in_dim3A_4 {strides = array<i32>} : memref<20480xf32, #tpu.memory_space<vmem>>, vector<16xf32>,
    %swap3A_58 = arith.constant 20432 : index
    %swap3A_59 = tpu.vector_load %arg5[%swap3A_58] {strides = array<i32>} : memref<20480xf32, #tpu.memory_space<vmem>>, vector<16xf32>,
    tpu.vector_store %arg5[%swap3A_58], %broadcast_in_dim3A_4 {strides = array<i32>} : memref<20480xf32, #tpu.memory_space<vmem>>, vector<16xf32>,
    %swap3A_60 = arith.constant 20448 : index
    %swap3A_61 = tpu.vector_load %arg5[%swap3A_60] {strides = array<i32>} : memref<20480xf32, #tpu.memory_space<vmem>>, vector<16xf32>,
    tpu.vector_store %arg5[%swap3A_60], %broadcast_in_dim3A_4 {strides = array<i32>} : memref<20480xf32, #tpu.memory_space<vmem>>, vector<16xf32>,
    %swap3A_62 = arith.constant 20464 : index
    %swap3A_63 = tpu.vector_load %arg5[%swap3A_62] {strides = array<i32>} : memref<20480xf32, #tpu.memory_space<vmem>>, vector<16xf32>,
    tpu.vector_store %arg5[%swap3A_62], %broadcast_in_dim3A_4 {strides = array<i32>} : memref<20480xf32, #tpu.memory_space<vmem>>, vector<16xf32>,
    %swap3A_64 = arith.constant 4992 : index
    %swap3A_65 = tpu.vector_load %arg6[%swap3A_64] {strides = array<i32>} : memref<5120xf32, #tpu.memory_space<vmem>>, vector<16xf32>,
    tpu.vector_store %arg6[%swap3A_64], %broadcast_in_dim3A_4 {strides = array<i32>} : memref<5120xf32, #tpu.memory_space<vmem>>, vector<16xf32>,
    %swap3A_66 = arith.constant 5008 : index
    %swap3A_67 = tpu.vector_load %arg6[%swap3A_66] {strides = array<i32>} : memref<5120xf32, #tpu.memory_space<vmem>>, vector<16xf32>,
    tpu.vector_store %arg6[%swap3A_66], %broadcast_in_dim3A_4 {strides = array<i32>} : memref<5120xf32, #tpu.memory_space<vmem>>, vector<16xf32>,
    %swap3A_68 = arith.constant 5024 : index
    %swap3A_69 = tpu.vector_load %arg6[%swap3A_68] {strides = array<i32>} : memref<5120xf32, #tpu.memory_space<vmem>>, vector<16xf32>,
    tpu.vector_store %arg6[%swap3A_68], %broadcast_in_dim3A_4 {strides = array<i32>} : memref<5120xf32, #tpu.memory_space<vmem>>, vector<16xf32>,
    %swap3A_70 = arith.constant 5040 : index
    %swap3A_71 = tpu.vector_load %arg6[%swap3A_70] {strides = array<i32>} : memref<5120xf32, #tpu.memory_space<vmem>>, vector<16xf32>,
    tpu.vector_store %arg6[%swap3A_70], %broadcast_in_dim3A_4 {strides = array<i32>} : memref<5120xf32, #tpu.memory_space<vmem>>, vector<16xf32>,
    %swap3A_72 = arith.constant 5056 : index
    %swap3A_73 = tpu.vector_load %arg6[%swap3A_72] {strides = array<i32>} : memref<5120xf32, #tpu.memory_space<vmem>>, vector<16xf32>,
    tpu.vector_store %arg6[%swap3A_72], %broadcast_in_dim3A_4 {strides = array<i32>} : memref<5120xf32, #tpu.memory_space<vmem>>, vector<16xf32>,
    %swap3A_74 = arith.constant 5072 : index
    %swap3A_75 = tpu.vector_load %arg6[%swap3A_74] {strides = array<i32>} : memref<5120xf32, #tpu.memory_space<vmem>>, vector<16xf32>,
    tpu.vector_store %arg6[%swap3A_74], %broadcast_in_dim3A_4 {strides = array<i32>} : memref<5120xf32, #tpu.memory_space<vmem>>, vector<16xf32>,
    %swap3A_76 = arith.constant 5088 : index
    %swap3A_77 = tpu.vector_load %arg6[%swap3A_76] {strides = array<i32>} : memref<5120xf32, #tpu.memory_space<vmem>>, vector<16xf32>,
    tpu.vector_store %arg6[%swap3A_76], %broadcast_in_dim3A_4 {strides = array<i32>} : memref<5120xf32, #tpu.memory_space<vmem>>, vector<16xf32>,
    %swap3A_78 = arith.constant 5104 : index
    %swap3A_79 = tpu.vector_load %arg6[%swap3A_78] {strides = array<i32>} : memref<5120xf32, #tpu.memory_space<vmem>>, vector<16xf32>,
    tpu.vector_store %arg6[%swap3A_78], %broadcast_in_dim3A_4 {strides = array<i32>} : memref<5120xf32, #tpu.memory_space<vmem>>, vector<16xf32>,
    "tpu.region"() ({
      %run_scoped3A = tpu.sem_alloc : memref<!tpu.dma_semaphore, #tpu.memory_space<semaphore_mem>>
      %dma_start3A = arith.constant 0 : i32
      %dma_start3A_964 = tpu.memref_slice %arg5[%dma_start3A] : memref<20480xf32, #tpu.memory_space<vmem>> -> memref<20000xf32, #tpu.memory_space<vmem>>
      %dma_start3A_965 = arith.constant 0 : i32
      %dma_start3A_966 = tpu.memref_slice %arg5[%dma_start3A_965] : memref<20480xf32, #tpu.memory_space<vmem>> -> memref<20000xf32, #tpu.memory_space<vmem>>
      tpu.enqueue_dma source(%arg2 : memref<20000xf32, #tpu.memory_space<hbm>>) target(%dma_start3A_966 : memref<20000xf32, #tpu.memory_space<vmem>>) target_semaphore(%run_scoped3A : memref<!tpu.dma_semaphore, #tpu.memory_space<semaphore_mem>>)
      %dma_wait3A = arith.constant 0 : i32
      %dma_wait3A_967 = tpu.memref_slice %arg5[%dma_wait3A] : memref<20480xf32, #tpu.memory_space<vmem>> -> memref<20000xf32, #tpu.memory_space<vmem>>
      %dma_wait3A_968 = arith.constant 0 : i32
      %dma_wait3A_969 = tpu.memref_slice %arg5[%dma_wait3A_968] : memref<20480xf32, #tpu.memory_space<vmem>> -> memref<20000xf32, #tpu.memory_space<vmem>>
      tpu.wait_dma2 semaphore(%run_scoped3A : memref<!tpu.dma_semaphore, #tpu.memory_space<semaphore_mem>>) src(%arg2 : memref<20000xf32, #tpu.memory_space<hbm>>) dst(%dma_wait3A_969 : memref<20000xf32, #tpu.memory_space<vmem>>)
      tpu.yield
    }) : () -> ()
    "tpu.region"() ({
      %run_scoped3A = tpu.sem_alloc : memref<!tpu.dma_semaphore, #tpu.memory_space<semaphore_mem>>
      %dma_start3A = arith.constant 0 : i32
      %dma_start3A_964 = tpu.memref_slice %arg6[%dma_start3A] : memref<5120xf32, #tpu.memory_space<vmem>> -> memref<5000xf32, #tpu.memory_space<vmem>>
      %dma_start3A_965 = arith.constant 0 : i32
      %dma_start3A_966 = tpu.memref_slice %arg6[%dma_start3A_965] : memref<5120xf32, #tpu.memory_space<vmem>> -> memref<5000xf32, #tpu.memory_space<vmem>>
      tpu.enqueue_dma source(%arg3 : memref<5000xf32, #tpu.memory_space<hbm>>) target(%dma_start3A_966 : memref<5000xf32, #tpu.memory_space<vmem>>) target_semaphore(%run_scoped3A : memref<!tpu.dma_semaphore, #tpu.memory_space<semaphore_mem>>)
      %dma_wait3A = arith.constant 0 : i32
      %dma_wait3A_967 = tpu.memref_slice %arg6[%dma_wait3A] : memref<5120xf32, #tpu.memory_space<vmem>> -> memref<5000xf32, #tpu.memory_space<vmem>>
      %dma_wait3A_968 = arith.constant 0 : i32
      %dma_wait3A_969 = tpu.memref_slice %arg6[%dma_wait3A_968] : memref<5120xf32, #tpu.memory_space<vmem>> -> memref<5000xf32, #tpu.memory_space<vmem>>
      tpu.wait_dma2 semaphore(%run_scoped3A : memref<!tpu.dma_semaphore, #tpu.memory_space<semaphore_mem>>) src(%arg3 : memref<5000xf32, #tpu.memory_space<hbm>>) dst(%dma_wait3A_969 : memref<5000xf32, #tpu.memory_space<vmem>>)
      tpu.yield
    }) : () -> ()
    %add3A = arith.constant 0 : i32
    %add3A_80 = arith.addi %mul3A_0, %add3A : i32
    %add3A_81 = vector.broadcast %add3A_80 : i32 to vector<16xi32>
    %add3A_82 = arith.addi %add3A_81, %iota3A : vector<16xi32>
    %mul3A_83 = arith.constant 4 : i32
    %mul3A_84 = vector.broadcast %mul3A_83 : i32 to vector<16xi32>
    %mul3A_85 = arith.muli %add3A_82, %mul3A_84 : vector<16xi32>
    %gather3A = tpu.vector_load_idx %arg5[%mul3A_85] : memref<20480xf32, #tpu.memory_space<vmem>>[vector<16xi32>], vector<16xf32>,
    %add3A_86 = arith.constant 1 : i32
    %add3A_87 = vector.broadcast %add3A_86 : i32 to vector<16xi32>
    %add3A_88 = arith.addi %mul3A_85, %add3A_87 : vector<16xi32>
    %gather3A_89 = tpu.vector_load_idx %arg5[%add3A_88] : memref<20480xf32, #tpu.memory_space<vmem>>[vector<16xi32>], vector<16xf32>,
    %add3A_90 = arith.constant 2 : i32
    %add3A_91 = vector.broadcast %add3A_90 : i32 to vector<16xi32>
    %add3A_92 = arith.addi %mul3A_85, %add3A_91 : vector<16xi32>
    %gather3A_93 = tpu.vector_load_idx %arg5[%add3A_92] : memref<20480xf32, #tpu.memory_space<vmem>>[vector<16xi32>], vector<16xf32>,
    %add3A_94 = arith.constant 3 : i32
    %add3A_95 = vector.broadcast %add3A_94 : i32 to vector<16xi32>
    %add3A_96 = arith.addi %mul3A_85, %add3A_95 : vector<16xi32>
    %gather3A_97 = tpu.vector_load_idx %arg5[%add3A_96] : memref<20480xf32, #tpu.memory_space<vmem>>[vector<16xi32>], vector<16xf32>,
    %swap3A_98 = arith.constant 0 : index
    %swap3A_99 = tpu.vector_load %arg7[%swap3A_98] {strides = array<i32>} : memref<320xf32, #tpu.memory_space<vmem>>, vector<16xf32>,
    tpu.vector_store %arg7[%swap3A_98], %gather3A {strides = array<i32>} : memref<320xf32, #tpu.memory_space<vmem>>, vector<16xf32>,
    %swap3A_100 = arith.constant 0 : index
    %swap3A_101 = tpu.vector_load %arg8[%swap3A_100] {strides = array<i32>} : memref<320xf32, #tpu.memory_space<vmem>>, vector<16xf32>,
    tpu.vector_store %arg8[%swap3A_100], %gather3A_89 {strides = array<i32>} : memref<320xf32, #tpu.memory_space<vmem>>, vector<16xf32>,
    %swap3A_102 = arith.constant 0 : index
    %swap3A_103 = tpu.vector_load %arg9[%swap3A_102] {strides = array<i32>} : memref<320xf32, #tpu.memory_space<vmem>>, vector<16xf32>,
    tpu.vector_store %arg9[%swap3A_102], %gather3A_93 {strides = array<i32>} : memref<320xf32, #tpu.memory_space<vmem>>, vector<16xf32>,
    %swap3A_104 = arith.constant 0 : index
    %swap3A_105 = tpu.vector_load %arg10[%swap3A_104] {strides = array<i32>} : memref<320xf32, #tpu.memory_space<vmem>>, vector<16xf32>,
    tpu.vector_store %arg10[%swap3A_104], %gather3A_97 {strides = array<i32>} : memref<320xf32, #tpu.memory_space<vmem>>, vector<16xf32>,
    %add3A_106 = arith.constant 0 : i32
    %add3A_107 = arith.addi %mul3A_0, %add3A_106 : i32
    %get3A = arith.index_cast %add3A_107 : i32 to index
    %get3A_108 = tpu.vector_load %arg6[%get3A] {strides = array<i32>} : memref<5120xf32, #tpu.memory_space<vmem>>, vector<16xf32>,
    %gt3A = arith.cmpf ogt, %gather3A_93, %gather3A : vector<16xf32>
    %gt3A_109 = arith.cmpf ogt, %gather3A_97, %gather3A_89 : vector<16xf32>
    %and3A_110 = arith.andi %gt3A, %gt3A_109 : vector<16xi1>
    %gt3A_111 = arith.constant 1.000000e-01 : f32
    %gt3A_112 = vector.broadcast %gt3A_111 : f32 to vector<16xf32>
    %gt3A_113 = arith.cmpf ogt, %get3A_108, %gt3A_112 : vector<16xf32>
    %and3A_114 = arith.andi %and3A_110, %gt3A_113 : vector<16xi1>
    %jit3A = arith.constant 0xFF800000 : f32
    %broadcast_in_dim3A_115 = vector.broadcast %jit3A : f32 to vector<16xf32>
    %select_n3A = arith.select %and3A_114, %get3A_108, %broadcast_in_dim3A_115 : vector<16xi1>, vector<16xf32>
    %swap3A_116 = arith.constant 0 : index
    %swap3A_117 = tpu.vector_load %arg11[%swap3A_116] {strides = array<i32>} : memref<320xf32, #tpu.memory_space<vmem>>, vector<16xf32>,
    tpu.vector_store %arg11[%swap3A_116], %select_n3A {strides = array<i32>} : memref<320xf32, #tpu.memory_space<vmem>>, vector<16xf32>,
    %add3A_118 = arith.constant 16 : i32
    %add3A_119 = arith.addi %mul3A_0, %add3A_118 : i32
    %add3A_120 = vector.broadcast %add3A_119 : i32 to vector<16xi32>
    %add3A_121 = arith.addi %add3A_120, %iota3A : vector<16xi32>
    %mul3A_122 = arith.constant 4 : i32
    %mul3A_123 = vector.broadcast %mul3A_122 : i32 to vector<16xi32>
    %mul3A_124 = arith.muli %add3A_121, %mul3A_123 : vector<16xi32>
    %gather3A_125 = tpu.vector_load_idx %arg5[%mul3A_124] : memref<20480xf32, #tpu.memory_space<vmem>>[vector<16xi32>], vector<16xf32>,
    %add3A_126 = arith.constant 1 : i32
    %add3A_127 = vector.broadcast %add3A_126 : i32 to vector<16xi32>
    %add3A_128 = arith.addi %mul3A_124, %add3A_127 : vector<16xi32>
    %gather3A_129 = tpu.vector_load_idx %arg5[%add3A_128] : memref<20480xf32, #tpu.memory_space<vmem>>[vector<16xi32>], vector<16xf32>,
    %add3A_130 = arith.constant 2 : i32
    %add3A_131 = vector.broadcast %add3A_130 : i32 to vector<16xi32>
    %add3A_132 = arith.addi %mul3A_124, %add3A_131 : vector<16xi32>
    %gather3A_133 = tpu.vector_load_idx %arg5[%add3A_132] : memref<20480xf32, #tpu.memory_space<vmem>>[vector<16xi32>], vector<16xf32>,
    %add3A_134 = arith.constant 3 : i32
    %add3A_135 = vector.broadcast %add3A_134 : i32 to vector<16xi32>
    %add3A_136 = arith.addi %mul3A_124, %add3A_135 : vector<16xi32>
    %gather3A_137 = tpu.vector_load_idx %arg5[%add3A_136] : memref<20480xf32, #tpu.memory_space<vmem>>[vector<16xi32>], vector<16xf32>,
    %swap3A_138 = arith.constant 16 : index
    %swap3A_139 = tpu.vector_load %arg7[%swap3A_138] {strides = array<i32>} : memref<320xf32, #tpu.memory_space<vmem>>, vector<16xf32>,
    tpu.vector_store %arg7[%swap3A_138], %gather3A_125 {strides = array<i32>} : memref<320xf32, #tpu.memory_space<vmem>>, vector<16xf32>,
    %swap3A_140 = arith.constant 16 : index
    %swap3A_141 = tpu.vector_load %arg8[%swap3A_140] {strides = array<i32>} : memref<320xf32, #tpu.memory_space<vmem>>, vector<16xf32>,
    tpu.vector_store %arg8[%swap3A_140], %gather3A_129 {strides = array<i32>} : memref<320xf32, #tpu.memory_space<vmem>>, vector<16xf32>,
    %swap3A_142 = arith.constant 16 : index
    %swap3A_143 = tpu.vector_load %arg9[%swap3A_142] {strides = array<i32>} : memref<320xf32, #tpu.memory_space<vmem>>, vector<16xf32>,
    tpu.vector_store %arg9[%swap3A_142], %gather3A_133 {strides = array<i32>} : memref<320xf32, #tpu.memory_space<vmem>>, vector<16xf32>,
    %swap3A_144 = arith.constant 16 : index
    %swap3A_145 = tpu.vector_load %arg10[%swap3A_144] {strides = array<i32>} : memref<320xf32, #tpu.memory_space<vmem>>, vector<16xf32>,
    tpu.vector_store %arg10[%swap3A_144], %gather3A_137 {strides = array<i32>} : memref<320xf32, #tpu.memory_space<vmem>>, vector<16xf32>,
    %add3A_146 = arith.constant 16 : i32
    %add3A_147 = arith.addi %mul3A_0, %add3A_146 : i32
    %get3A_148 = arith.index_cast %add3A_147 : i32 to index
    %get3A_149 = tpu.vector_load %arg6[%get3A_148] {strides = array<i32>} : memref<5120xf32, #tpu.memory_space<vmem>>, vector<16xf32>,
    %gt3A_150 = arith.cmpf ogt, %gather3A_133, %gather3A_125 : vector<16xf32>
    %gt3A_151 = arith.cmpf ogt, %gather3A_137, %gather3A_129 : vector<16xf32>
    %and3A_152 = arith.andi %gt3A_150, %gt3A_151 : vector<16xi1>
    %gt3A_153 = arith.constant 1.000000e-01 : f32
    %gt3A_154 = vector.broadcast %gt3A_153 : f32 to vector<16xf32>
    %gt3A_155 = arith.cmpf ogt, %get3A_149, %gt3A_154 : vector<16xf32>
    %and3A_156 = arith.andi %and3A_152, %gt3A_155 : vector<16xi1>
    %jit3A_157 = arith.constant 0xFF800000 : f32
    %broadcast_in_dim3A_158 = vector.broadcast %jit3A_157 : f32 to vector<16xf32>
    %select_n3A_159 = arith.select %and3A_156, %get3A_149, %broadcast_in_dim3A_158 : vector<16xi1>, vector<16xf32>
    %swap3A_160 = arith.constant 16 : index
    %swap3A_161 = tpu.vector_load %arg11[%swap3A_160] {strides = array<i32>} : memref<320xf32, #tpu.memory_space<vmem>>, vector<16xf32>,
    tpu.vector_store %arg11[%swap3A_160], %select_n3A_159 {strides = array<i32>} : memref<320xf32, #tpu.memory_space<vmem>>, vector<16xf32>,
    %add3A_162 = arith.constant 32 : i32
    %add3A_163 = arith.addi %mul3A_0, %add3A_162 : i32
    %add3A_164 = vector.broadcast %add3A_163 : i32 to vector<16xi32>
    %add3A_165 = arith.addi %add3A_164, %iota3A : vector<16xi32>
    %mul3A_166 = arith.constant 4 : i32
    %mul3A_167 = vector.broadcast %mul3A_166 : i32 to vector<16xi32>
    %mul3A_168 = arith.muli %add3A_165, %mul3A_167 : vector<16xi32>
    %gather3A_169 = tpu.vector_load_idx %arg5[%mul3A_168] : memref<20480xf32, #tpu.memory_space<vmem>>[vector<16xi32>], vector<16xf32>,
    %add3A_170 = arith.constant 1 : i32
    %add3A_171 = vector.broadcast %add3A_170 : i32 to vector<16xi32>
    %add3A_172 = arith.addi %mul3A_168, %add3A_171 : vector<16xi32>
    %gather3A_173 = tpu.vector_load_idx %arg5[%add3A_172] : memref<20480xf32, #tpu.memory_space<vmem>>[vector<16xi32>], vector<16xf32>,
    %add3A_174 = arith.constant 2 : i32
    %add3A_175 = vector.broadcast %add3A_174 : i32 to vector<16xi32>
    %add3A_176 = arith.addi %mul3A_168, %add3A_175 : vector<16xi32>
    %gather3A_177 = tpu.vector_load_idx %arg5[%add3A_176] : memref<20480xf32, #tpu.memory_space<vmem>>[vector<16xi32>], vector<16xf32>,
    %add3A_178 = arith.constant 3 : i32
    %add3A_179 = vector.broadcast %add3A_178 : i32 to vector<16xi32>
    %add3A_180 = arith.addi %mul3A_168, %add3A_179 : vector<16xi32>
    %gather3A_181 = tpu.vector_load_idx %arg5[%add3A_180] : memref<20480xf32, #tpu.memory_space<vmem>>[vector<16xi32>], vector<16xf32>,
    %swap3A_182 = arith.constant 32 : index
    %swap3A_183 = tpu.vector_load %arg7[%swap3A_182] {strides = array<i32>} : memref<320xf32, #tpu.memory_space<vmem>>, vector<16xf32>,
    tpu.vector_store %arg7[%swap3A_182], %gather3A_169 {strides = array<i32>} : memref<320xf32, #tpu.memory_space<vmem>>, vector<16xf32>,
    %swap3A_184 = arith.constant 32 : index
    %swap3A_185 = tpu.vector_load %arg8[%swap3A_184] {strides = array<i32>} : memref<320xf32, #tpu.memory_space<vmem>>, vector<16xf32>,
    tpu.vector_store %arg8[%swap3A_184], %gather3A_173 {strides = array<i32>} : memref<320xf32, #tpu.memory_space<vmem>>, vector<16xf32>,
    %swap3A_186 = arith.constant 32 : index
    %swap3A_187 = tpu.vector_load %arg9[%swap3A_186] {strides = array<i32>} : memref<320xf32, #tpu.memory_space<vmem>>, vector<16xf32>,
    tpu.vector_store %arg9[%swap3A_186], %gather3A_177 {strides = array<i32>} : memref<320xf32, #tpu.memory_space<vmem>>, vector<16xf32>,
    %swap3A_188 = arith.constant 32 : index
    %swap3A_189 = tpu.vector_load %arg10[%swap3A_188] {strides = array<i32>} : memref<320xf32, #tpu.memory_space<vmem>>, vector<16xf32>,
    tpu.vector_store %arg10[%swap3A_188], %gather3A_181 {strides = array<i32>} : memref<320xf32, #tpu.memory_space<vmem>>, vector<16xf32>,
    %add3A_190 = arith.constant 32 : i32
    %add3A_191 = arith.addi %mul3A_0, %add3A_190 : i32
    %get3A_192 = arith.index_cast %add3A_191 : i32 to index
    %get3A_193 = tpu.vector_load %arg6[%get3A_192] {strides = array<i32>} : memref<5120xf32, #tpu.memory_space<vmem>>, vector<16xf32>,
    %gt3A_194 = arith.cmpf ogt, %gather3A_177, %gather3A_169 : vector<16xf32>
    %gt3A_195 = arith.cmpf ogt, %gather3A_181, %gather3A_173 : vector<16xf32>
    %and3A_196 = arith.andi %gt3A_194, %gt3A_195 : vector<16xi1>
    %gt3A_197 = arith.constant 1.000000e-01 : f32
    %gt3A_198 = vector.broadcast %gt3A_197 : f32 to vector<16xf32>
    %gt3A_199 = arith.cmpf ogt, %get3A_193, %gt3A_198 : vector<16xf32>
    %and3A_200 = arith.andi %and3A_196, %gt3A_199 : vector<16xi1>
    %jit3A_201 = arith.constant 0xFF800000 : f32
    %broadcast_in_dim3A_202 = vector.broadcast %jit3A_201 : f32 to vector<16xf32>
    %select_n3A_203 = arith.select %and3A_200, %get3A_193, %broadcast_in_dim3A_202 : vector<16xi1>, vector<16xf32>
    %swap3A_204 = arith.constant 32 : index
    %swap3A_205 = tpu.vector_load %arg11[%swap3A_204] {strides = array<i32>} : memref<320xf32, #tpu.memory_space<vmem>>, vector<16xf32>,
    tpu.vector_store %arg11[%swap3A_204], %select_n3A_203 {strides = array<i32>} : memref<320xf32, #tpu.memory_space<vmem>>, vector<16xf32>,
    %add3A_206 = arith.constant 48 : i32
    %add3A_207 = arith.addi %mul3A_0, %add3A_206 : i32
    %add3A_208 = vector.broadcast %add3A_207 : i32 to vector<16xi32>
    %add3A_209 = arith.addi %add3A_208, %iota3A : vector<16xi32>
    %mul3A_210 = arith.constant 4 : i32
    %mul3A_211 = vector.broadcast %mul3A_210 : i32 to vector<16xi32>
    %mul3A_212 = arith.muli %add3A_209, %mul3A_211 : vector<16xi32>
    %gather3A_213 = tpu.vector_load_idx %arg5[%mul3A_212] : memref<20480xf32, #tpu.memory_space<vmem>>[vector<16xi32>], vector<16xf32>,
    %add3A_214 = arith.constant 1 : i32
    %add3A_215 = vector.broadcast %add3A_214 : i32 to vector<16xi32>
    %add3A_216 = arith.addi %mul3A_212, %add3A_215 : vector<16xi32>
    %gather3A_217 = tpu.vector_load_idx %arg5[%add3A_216] : memref<20480xf32, #tpu.memory_space<vmem>>[vector<16xi32>], vector<16xf32>,
    %add3A_218 = arith.constant 2 : i32
    %add3A_219 = vector.broadcast %add3A_218 : i32 to vector<16xi32>
    %add3A_220 = arith.addi %mul3A_212, %add3A_219 : vector<16xi32>
    %gather3A_221 = tpu.vector_load_idx %arg5[%add3A_220] : memref<20480xf32, #tpu.memory_space<vmem>>[vector<16xi32>], vector<16xf32>,
    %add3A_222 = arith.constant 3 : i32
    %add3A_223 = vector.broadcast %add3A_222 : i32 to vector<16xi32>
    %add3A_224 = arith.addi %mul3A_212, %add3A_223 : vector<16xi32>
    %gather3A_225 = tpu.vector_load_idx %arg5[%add3A_224] : memref<20480xf32, #tpu.memory_space<vmem>>[vector<16xi32>], vector<16xf32>,
    %swap3A_226 = arith.constant 48 : index
    %swap3A_227 = tpu.vector_load %arg7[%swap3A_226] {strides = array<i32>} : memref<320xf32, #tpu.memory_space<vmem>>, vector<16xf32>,
    tpu.vector_store %arg7[%swap3A_226], %gather3A_213 {strides = array<i32>} : memref<320xf32, #tpu.memory_space<vmem>>, vector<16xf32>,
    %swap3A_228 = arith.constant 48 : index
    %swap3A_229 = tpu.vector_load %arg8[%swap3A_228] {strides = array<i32>} : memref<320xf32, #tpu.memory_space<vmem>>, vector<16xf32>,
    tpu.vector_store %arg8[%swap3A_228], %gather3A_217 {strides = array<i32>} : memref<320xf32, #tpu.memory_space<vmem>>, vector<16xf32>,
    %swap3A_230 = arith.constant 48 : index
    %swap3A_231 = tpu.vector_load %arg9[%swap3A_230] {strides = array<i32>} : memref<320xf32, #tpu.memory_space<vmem>>, vector<16xf32>,
    tpu.vector_store %arg9[%swap3A_230], %gather3A_221 {strides = array<i32>} : memref<320xf32, #tpu.memory_space<vmem>>, vector<16xf32>,
    %swap3A_232 = arith.constant 48 : index
    %swap3A_233 = tpu.vector_load %arg10[%swap3A_232] {strides = array<i32>} : memref<320xf32, #tpu.memory_space<vmem>>, vector<16xf32>,
    tpu.vector_store %arg10[%swap3A_232], %gather3A_225 {strides = array<i32>} : memref<320xf32, #tpu.memory_space<vmem>>, vector<16xf32>,
    %add3A_234 = arith.constant 48 : i32
    %add3A_235 = arith.addi %mul3A_0, %add3A_234 : i32
    %get3A_236 = arith.index_cast %add3A_235 : i32 to index
    %get3A_237 = tpu.vector_load %arg6[%get3A_236] {strides = array<i32>} : memref<5120xf32, #tpu.memory_space<vmem>>, vector<16xf32>,
    %gt3A_238 = arith.cmpf ogt, %gather3A_221, %gather3A_213 : vector<16xf32>
    %gt3A_239 = arith.cmpf ogt, %gather3A_225, %gather3A_217 : vector<16xf32>
    %and3A_240 = arith.andi %gt3A_238, %gt3A_239 : vector<16xi1>
    %gt3A_241 = arith.constant 1.000000e-01 : f32
    %gt3A_242 = vector.broadcast %gt3A_241 : f32 to vector<16xf32>
    %gt3A_243 = arith.cmpf ogt, %get3A_237, %gt3A_242 : vector<16xf32>
    %and3A_244 = arith.andi %and3A_240, %gt3A_243 : vector<16xi1>
    %jit3A_245 = arith.constant 0xFF800000 : f32
    %broadcast_in_dim3A_246 = vector.broadcast %jit3A_245 : f32 to vector<16xf32>
    %select_n3A_247 = arith.select %and3A_244, %get3A_237, %broadcast_in_dim3A_246 : vector<16xi1>, vector<16xf32>
    %swap3A_248 = arith.constant 48 : index
    %swap3A_249 = tpu.vector_load %arg11[%swap3A_248] {strides = array<i32>} : memref<320xf32, #tpu.memory_space<vmem>>, vector<16xf32>,
    tpu.vector_store %arg11[%swap3A_248], %select_n3A_247 {strides = array<i32>} : memref<320xf32, #tpu.memory_space<vmem>>, vector<16xf32>,
    %add3A_250 = arith.constant 64 : i32
    %add3A_251 = arith.addi %mul3A_0, %add3A_250 : i32
    %add3A_252 = vector.broadcast %add3A_251 : i32 to vector<16xi32>
    %add3A_253 = arith.addi %add3A_252, %iota3A : vector<16xi32>
    %mul3A_254 = arith.constant 4 : i32
    %mul3A_255 = vector.broadcast %mul3A_254 : i32 to vector<16xi32>
    %mul3A_256 = arith.muli %add3A_253, %mul3A_255 : vector<16xi32>
    %gather3A_257 = tpu.vector_load_idx %arg5[%mul3A_256] : memref<20480xf32, #tpu.memory_space<vmem>>[vector<16xi32>], vector<16xf32>,
    %add3A_258 = arith.constant 1 : i32
    %add3A_259 = vector.broadcast %add3A_258 : i32 to vector<16xi32>
    %add3A_260 = arith.addi %mul3A_256, %add3A_259 : vector<16xi32>
    %gather3A_261 = tpu.vector_load_idx %arg5[%add3A_260] : memref<20480xf32, #tpu.memory_space<vmem>>[vector<16xi32>], vector<16xf32>,
    %add3A_262 = arith.constant 2 : i32
    %add3A_263 = vector.broadcast %add3A_262 : i32 to vector<16xi32>
    %add3A_264 = arith.addi %mul3A_256, %add3A_263 : vector<16xi32>
    %gather3A_265 = tpu.vector_load_idx %arg5[%add3A_264] : memref<20480xf32, #tpu.memory_space<vmem>>[vector<16xi32>], vector<16xf32>,
    %add3A_266 = arith.constant 3 : i32
    %add3A_267 = vector.broadcast %add3A_266 : i32 to vector<16xi32>
    %add3A_268 = arith.addi %mul3A_256, %add3A_267 : vector<16xi32>
    %gather3A_269 = tpu.vector_load_idx %arg5[%add3A_268] : memref<20480xf32, #tpu.memory_space<vmem>>[vector<16xi32>], vector<16xf32>,
    %swap3A_270 = arith.constant 64 : index
    %swap3A_271 = tpu.vector_load %arg7[%swap3A_270] {strides = array<i32>} : memref<320xf32, #tpu.memory_space<vmem>>, vector<16xf32>,
    tpu.vector_store %arg7[%swap3A_270], %gather3A_257 {strides = array<i32>} : memref<320xf32, #tpu.memory_space<vmem>>, vector<16xf32>,
    %swap3A_272 = arith.constant 64 : index
    %swap3A_273 = tpu.vector_load %arg8[%swap3A_272] {strides = array<i32>} : memref<320xf32, #tpu.memory_space<vmem>>, vector<16xf32>,
    tpu.vector_store %arg8[%swap3A_272], %gather3A_261 {strides = array<i32>} : memref<320xf32, #tpu.memory_space<vmem>>, vector<16xf32>,
    %swap3A_274 = arith.constant 64 : index
    %swap3A_275 = tpu.vector_load %arg9[%swap3A_274] {strides = array<i32>} : memref<320xf32, #tpu.memory_space<vmem>>, vector<16xf32>,
    tpu.vector_store %arg9[%swap3A_274], %gather3A_265 {strides = array<i32>} : memref<320xf32, #tpu.memory_space<vmem>>, vector<16xf32>,
    %swap3A_276 = arith.constant 64 : index
    %swap3A_277 = tpu.vector_load %arg10[%swap3A_276] {strides = array<i32>} : memref<320xf32, #tpu.memory_space<vmem>>, vector<16xf32>,
    tpu.vector_store %arg10[%swap3A_276], %gather3A_269 {strides = array<i32>} : memref<320xf32, #tpu.memory_space<vmem>>, vector<16xf32>,
    %add3A_278 = arith.constant 64 : i32
    %add3A_279 = arith.addi %mul3A_0, %add3A_278 : i32
    %get3A_280 = arith.index_cast %add3A_279 : i32 to index
    %get3A_281 = tpu.vector_load %arg6[%get3A_280] {strides = array<i32>} : memref<5120xf32, #tpu.memory_space<vmem>>, vector<16xf32>,
    %gt3A_282 = arith.cmpf ogt, %gather3A_265, %gather3A_257 : vector<16xf32>
    %gt3A_283 = arith.cmpf ogt, %gather3A_269, %gather3A_261 : vector<16xf32>
    %and3A_284 = arith.andi %gt3A_282, %gt3A_283 : vector<16xi1>
    %gt3A_285 = arith.constant 1.000000e-01 : f32
    %gt3A_286 = vector.broadcast %gt3A_285 : f32 to vector<16xf32>
    %gt3A_287 = arith.cmpf ogt, %get3A_281, %gt3A_286 : vector<16xf32>
    %and3A_288 = arith.andi %and3A_284, %gt3A_287 : vector<16xi1>
    %jit3A_289 = arith.constant 0xFF800000 : f32
    %broadcast_in_dim3A_290 = vector.broadcast %jit3A_289 : f32 to vector<16xf32>
    %select_n3A_291 = arith.select %and3A_288, %get3A_281, %broadcast_in_dim3A_290 : vector<16xi1>, vector<16xf32>
    %swap3A_292 = arith.constant 64 : index
    %swap3A_293 = tpu.vector_load %arg11[%swap3A_292] {strides = array<i32>} : memref<320xf32, #tpu.memory_space<vmem>>, vector<16xf32>,
    tpu.vector_store %arg11[%swap3A_292], %select_n3A_291 {strides = array<i32>} : memref<320xf32, #tpu.memory_space<vmem>>, vector<16xf32>,
    %add3A_294 = arith.constant 80 : i32
    %add3A_295 = arith.addi %mul3A_0, %add3A_294 : i32
    %add3A_296 = vector.broadcast %add3A_295 : i32 to vector<16xi32>
    %add3A_297 = arith.addi %add3A_296, %iota3A : vector<16xi32>
    %mul3A_298 = arith.constant 4 : i32
    %mul3A_299 = vector.broadcast %mul3A_298 : i32 to vector<16xi32>
    %mul3A_300 = arith.muli %add3A_297, %mul3A_299 : vector<16xi32>
    %gather3A_301 = tpu.vector_load_idx %arg5[%mul3A_300] : memref<20480xf32, #tpu.memory_space<vmem>>[vector<16xi32>], vector<16xf32>,
    %add3A_302 = arith.constant 1 : i32
    %add3A_303 = vector.broadcast %add3A_302 : i32 to vector<16xi32>
    %add3A_304 = arith.addi %mul3A_300, %add3A_303 : vector<16xi32>
    %gather3A_305 = tpu.vector_load_idx %arg5[%add3A_304] : memref<20480xf32, #tpu.memory_space<vmem>>[vector<16xi32>], vector<16xf32>,
    %add3A_306 = arith.constant 2 : i32
    %add3A_307 = vector.broadcast %add3A_306 : i32 to vector<16xi32>
    %add3A_308 = arith.addi %mul3A_300, %add3A_307 : vector<16xi32>
    %gather3A_309 = tpu.vector_load_idx %arg5[%add3A_308] : memref<20480xf32, #tpu.memory_space<vmem>>[vector<16xi32>], vector<16xf32>,
    %add3A_310 = arith.constant 3 : i32
    %add3A_311 = vector.broadcast %add3A_310 : i32 to vector<16xi32>
    %add3A_312 = arith.addi %mul3A_300, %add3A_311 : vector<16xi32>
    %gather3A_313 = tpu.vector_load_idx %arg5[%add3A_312] : memref<20480xf32, #tpu.memory_space<vmem>>[vector<16xi32>], vector<16xf32>,
    %swap3A_314 = arith.constant 80 : index
    %swap3A_315 = tpu.vector_load %arg7[%swap3A_314] {strides = array<i32>} : memref<320xf32, #tpu.memory_space<vmem>>, vector<16xf32>,
    tpu.vector_store %arg7[%swap3A_314], %gather3A_301 {strides = array<i32>} : memref<320xf32, #tpu.memory_space<vmem>>, vector<16xf32>,
    %swap3A_316 = arith.constant 80 : index
    %swap3A_317 = tpu.vector_load %arg8[%swap3A_316] {strides = array<i32>} : memref<320xf32, #tpu.memory_space<vmem>>, vector<16xf32>,
    tpu.vector_store %arg8[%swap3A_316], %gather3A_305 {strides = array<i32>} : memref<320xf32, #tpu.memory_space<vmem>>, vector<16xf32>,
    %swap3A_318 = arith.constant 80 : index
    %swap3A_319 = tpu.vector_load %arg9[%swap3A_318] {strides = array<i32>} : memref<320xf32, #tpu.memory_space<vmem>>, vector<16xf32>,
    tpu.vector_store %arg9[%swap3A_318], %gather3A_309 {strides = array<i32>} : memref<320xf32, #tpu.memory_space<vmem>>, vector<16xf32>,
    %swap3A_320 = arith.constant 80 : index
    %swap3A_321 = tpu.vector_load %arg10[%swap3A_320] {strides = array<i32>} : memref<320xf32, #tpu.memory_space<vmem>>, vector<16xf32>,
    tpu.vector_store %arg10[%swap3A_320], %gather3A_313 {strides = array<i32>} : memref<320xf32, #tpu.memory_space<vmem>>, vector<16xf32>,
    %add3A_322 = arith.constant 80 : i32
    %add3A_323 = arith.addi %mul3A_0, %add3A_322 : i32
    %get3A_324 = arith.index_cast %add3A_323 : i32 to index
    %get3A_325 = tpu.vector_load %arg6[%get3A_324] {strides = array<i32>} : memref<5120xf32, #tpu.memory_space<vmem>>, vector<16xf32>,
    %gt3A_326 = arith.cmpf ogt, %gather3A_309, %gather3A_301 : vector<16xf32>
    %gt3A_327 = arith.cmpf ogt, %gather3A_313, %gather3A_305 : vector<16xf32>
    %and3A_328 = arith.andi %gt3A_326, %gt3A_327 : vector<16xi1>
    %gt3A_329 = arith.constant 1.000000e-01 : f32
    %gt3A_330 = vector.broadcast %gt3A_329 : f32 to vector<16xf32>
    %gt3A_331 = arith.cmpf ogt, %get3A_325, %gt3A_330 : vector<16xf32>
    %and3A_332 = arith.andi %and3A_328, %gt3A_331 : vector<16xi1>
    %jit3A_333 = arith.constant 0xFF800000 : f32
    %broadcast_in_dim3A_334 = vector.broadcast %jit3A_333 : f32 to vector<16xf32>
    %select_n3A_335 = arith.select %and3A_332, %get3A_325, %broadcast_in_dim3A_334 : vector<16xi1>, vector<16xf32>
    %swap3A_336 = arith.constant 80 : index
    %swap3A_337 = tpu.vector_load %arg11[%swap3A_336] {strides = array<i32>} : memref<320xf32, #tpu.memory_space<vmem>>, vector<16xf32>,
    tpu.vector_store %arg11[%swap3A_336], %select_n3A_335 {strides = array<i32>} : memref<320xf32, #tpu.memory_space<vmem>>, vector<16xf32>,
    %add3A_338 = arith.constant 96 : i32
    %add3A_339 = arith.addi %mul3A_0, %add3A_338 : i32
    %add3A_340 = vector.broadcast %add3A_339 : i32 to vector<16xi32>
    %add3A_341 = arith.addi %add3A_340, %iota3A : vector<16xi32>
    %mul3A_342 = arith.constant 4 : i32
    %mul3A_343 = vector.broadcast %mul3A_342 : i32 to vector<16xi32>
    %mul3A_344 = arith.muli %add3A_341, %mul3A_343 : vector<16xi32>
    %gather3A_345 = tpu.vector_load_idx %arg5[%mul3A_344] : memref<20480xf32, #tpu.memory_space<vmem>>[vector<16xi32>], vector<16xf32>,
    %add3A_346 = arith.constant 1 : i32
    %add3A_347 = vector.broadcast %add3A_346 : i32 to vector<16xi32>
    %add3A_348 = arith.addi %mul3A_344, %add3A_347 : vector<16xi32>
    %gather3A_349 = tpu.vector_load_idx %arg5[%add3A_348] : memref<20480xf32, #tpu.memory_space<vmem>>[vector<16xi32>], vector<16xf32>,
    %add3A_350 = arith.constant 2 : i32
    %add3A_351 = vector.broadcast %add3A_350 : i32 to vector<16xi32>
    %add3A_352 = arith.addi %mul3A_344, %add3A_351 : vector<16xi32>
    %gather3A_353 = tpu.vector_load_idx %arg5[%add3A_352] : memref<20480xf32, #tpu.memory_space<vmem>>[vector<16xi32>], vector<16xf32>,
    %add3A_354 = arith.constant 3 : i32
    %add3A_355 = vector.broadcast %add3A_354 : i32 to vector<16xi32>
    %add3A_356 = arith.addi %mul3A_344, %add3A_355 : vector<16xi32>
    %gather3A_357 = tpu.vector_load_idx %arg5[%add3A_356] : memref<20480xf32, #tpu.memory_space<vmem>>[vector<16xi32>], vector<16xf32>,
    %swap3A_358 = arith.constant 96 : index
    %swap3A_359 = tpu.vector_load %arg7[%swap3A_358] {strides = array<i32>} : memref<320xf32, #tpu.memory_space<vmem>>, vector<16xf32>,
    tpu.vector_store %arg7[%swap3A_358], %gather3A_345 {strides = array<i32>} : memref<320xf32, #tpu.memory_space<vmem>>, vector<16xf32>,
    %swap3A_360 = arith.constant 96 : index
    %swap3A_361 = tpu.vector_load %arg8[%swap3A_360] {strides = array<i32>} : memref<320xf32, #tpu.memory_space<vmem>>, vector<16xf32>,
    tpu.vector_store %arg8[%swap3A_360], %gather3A_349 {strides = array<i32>} : memref<320xf32, #tpu.memory_space<vmem>>, vector<16xf32>,
    %swap3A_362 = arith.constant 96 : index
    %swap3A_363 = tpu.vector_load %arg9[%swap3A_362] {strides = array<i32>} : memref<320xf32, #tpu.memory_space<vmem>>, vector<16xf32>,
    tpu.vector_store %arg9[%swap3A_362], %gather3A_353 {strides = array<i32>} : memref<320xf32, #tpu.memory_space<vmem>>, vector<16xf32>,
    %swap3A_364 = arith.constant 96 : index
    %swap3A_365 = tpu.vector_load %arg10[%swap3A_364] {strides = array<i32>} : memref<320xf32, #tpu.memory_space<vmem>>, vector<16xf32>,
    tpu.vector_store %arg10[%swap3A_364], %gather3A_357 {strides = array<i32>} : memref<320xf32, #tpu.memory_space<vmem>>, vector<16xf32>,
    %add3A_366 = arith.constant 96 : i32
    %add3A_367 = arith.addi %mul3A_0, %add3A_366 : i32
    %get3A_368 = arith.index_cast %add3A_367 : i32 to index
    %get3A_369 = tpu.vector_load %arg6[%get3A_368] {strides = array<i32>} : memref<5120xf32, #tpu.memory_space<vmem>>, vector<16xf32>,
    %gt3A_370 = arith.cmpf ogt, %gather3A_353, %gather3A_345 : vector<16xf32>
    %gt3A_371 = arith.cmpf ogt, %gather3A_357, %gather3A_349 : vector<16xf32>
    %and3A_372 = arith.andi %gt3A_370, %gt3A_371 : vector<16xi1>
    %gt3A_373 = arith.constant 1.000000e-01 : f32
    %gt3A_374 = vector.broadcast %gt3A_373 : f32 to vector<16xf32>
    %gt3A_375 = arith.cmpf ogt, %get3A_369, %gt3A_374 : vector<16xf32>
    %and3A_376 = arith.andi %and3A_372, %gt3A_375 : vector<16xi1>
    %jit3A_377 = arith.constant 0xFF800000 : f32
    %broadcast_in_dim3A_378 = vector.broadcast %jit3A_377 : f32 to vector<16xf32>
    %select_n3A_379 = arith.select %and3A_376, %get3A_369, %broadcast_in_dim3A_378 : vector<16xi1>, vector<16xf32>
    %swap3A_380 = arith.constant 96 : index
    %swap3A_381 = tpu.vector_load %arg11[%swap3A_380] {strides = array<i32>} : memref<320xf32, #tpu.memory_space<vmem>>, vector<16xf32>,
    tpu.vector_store %arg11[%swap3A_380], %select_n3A_379 {strides = array<i32>} : memref<320xf32, #tpu.memory_space<vmem>>, vector<16xf32>,
    %add3A_382 = arith.constant 112 : i32
    %add3A_383 = arith.addi %mul3A_0, %add3A_382 : i32
    %add3A_384 = vector.broadcast %add3A_383 : i32 to vector<16xi32>
    %add3A_385 = arith.addi %add3A_384, %iota3A : vector<16xi32>
    %mul3A_386 = arith.constant 4 : i32
    %mul3A_387 = vector.broadcast %mul3A_386 : i32 to vector<16xi32>
    %mul3A_388 = arith.muli %add3A_385, %mul3A_387 : vector<16xi32>
    %gather3A_389 = tpu.vector_load_idx %arg5[%mul3A_388] : memref<20480xf32, #tpu.memory_space<vmem>>[vector<16xi32>], vector<16xf32>,
    %add3A_390 = arith.constant 1 : i32
    %add3A_391 = vector.broadcast %add3A_390 : i32 to vector<16xi32>
    %add3A_392 = arith.addi %mul3A_388, %add3A_391 : vector<16xi32>
    %gather3A_393 = tpu.vector_load_idx %arg5[%add3A_392] : memref<20480xf32, #tpu.memory_space<vmem>>[vector<16xi32>], vector<16xf32>,
    %add3A_394 = arith.constant 2 : i32
    %add3A_395 = vector.broadcast %add3A_394 : i32 to vector<16xi32>
    %add3A_396 = arith.addi %mul3A_388, %add3A_395 : vector<16xi32>
    %gather3A_397 = tpu.vector_load_idx %arg5[%add3A_396] : memref<20480xf32, #tpu.memory_space<vmem>>[vector<16xi32>], vector<16xf32>,
    %add3A_398 = arith.constant 3 : i32
    %add3A_399 = vector.broadcast %add3A_398 : i32 to vector<16xi32>
    %add3A_400 = arith.addi %mul3A_388, %add3A_399 : vector<16xi32>
    %gather3A_401 = tpu.vector_load_idx %arg5[%add3A_400] : memref<20480xf32, #tpu.memory_space<vmem>>[vector<16xi32>], vector<16xf32>,
    %swap3A_402 = arith.constant 112 : index
    %swap3A_403 = tpu.vector_load %arg7[%swap3A_402] {strides = array<i32>} : memref<320xf32, #tpu.memory_space<vmem>>, vector<16xf32>,
    tpu.vector_store %arg7[%swap3A_402], %gather3A_389 {strides = array<i32>} : memref<320xf32, #tpu.memory_space<vmem>>, vector<16xf32>,
    %swap3A_404 = arith.constant 112 : index
    %swap3A_405 = tpu.vector_load %arg8[%swap3A_404] {strides = array<i32>} : memref<320xf32, #tpu.memory_space<vmem>>, vector<16xf32>,
    tpu.vector_store %arg8[%swap3A_404], %gather3A_393 {strides = array<i32>} : memref<320xf32, #tpu.memory_space<vmem>>, vector<16xf32>,
    %swap3A_406 = arith.constant 112 : index
    %swap3A_407 = tpu.vector_load %arg9[%swap3A_406] {strides = array<i32>} : memref<320xf32, #tpu.memory_space<vmem>>, vector<16xf32>,
    tpu.vector_store %arg9[%swap3A_406], %gather3A_397 {strides = array<i32>} : memref<320xf32, #tpu.memory_space<vmem>>, vector<16xf32>,
    %swap3A_408 = arith.constant 112 : index
    %swap3A_409 = tpu.vector_load %arg10[%swap3A_408] {strides = array<i32>} : memref<320xf32, #tpu.memory_space<vmem>>, vector<16xf32>,
    tpu.vector_store %arg10[%swap3A_408], %gather3A_401 {strides = array<i32>} : memref<320xf32, #tpu.memory_space<vmem>>, vector<16xf32>,
    %add3A_410 = arith.constant 112 : i32
    %add3A_411 = arith.addi %mul3A_0, %add3A_410 : i32
    %get3A_412 = arith.index_cast %add3A_411 : i32 to index
    %get3A_413 = tpu.vector_load %arg6[%get3A_412] {strides = array<i32>} : memref<5120xf32, #tpu.memory_space<vmem>>, vector<16xf32>,
    %gt3A_414 = arith.cmpf ogt, %gather3A_397, %gather3A_389 : vector<16xf32>
    %gt3A_415 = arith.cmpf ogt, %gather3A_401, %gather3A_393 : vector<16xf32>
    %and3A_416 = arith.andi %gt3A_414, %gt3A_415 : vector<16xi1>
    %gt3A_417 = arith.constant 1.000000e-01 : f32
    %gt3A_418 = vector.broadcast %gt3A_417 : f32 to vector<16xf32>
    %gt3A_419 = arith.cmpf ogt, %get3A_413, %gt3A_418 : vector<16xf32>
    %and3A_420 = arith.andi %and3A_416, %gt3A_419 : vector<16xi1>
    %jit3A_421 = arith.constant 0xFF800000 : f32
    %broadcast_in_dim3A_422 = vector.broadcast %jit3A_421 : f32 to vector<16xf32>
    %select_n3A_423 = arith.select %and3A_420, %get3A_413, %broadcast_in_dim3A_422 : vector<16xi1>, vector<16xf32>
    %swap3A_424 = arith.constant 112 : index
    %swap3A_425 = tpu.vector_load %arg11[%swap3A_424] {strides = array<i32>} : memref<320xf32, #tpu.memory_space<vmem>>, vector<16xf32>,
    tpu.vector_store %arg11[%swap3A_424], %select_n3A_423 {strides = array<i32>} : memref<320xf32, #tpu.memory_space<vmem>>, vector<16xf32>,
    %add3A_426 = arith.constant 128 : i32
    %add3A_427 = arith.addi %mul3A_0, %add3A_426 : i32
    %add3A_428 = vector.broadcast %add3A_427 : i32 to vector<16xi32>
    %add3A_429 = arith.addi %add3A_428, %iota3A : vector<16xi32>
    %mul3A_430 = arith.constant 4 : i32
    %mul3A_431 = vector.broadcast %mul3A_430 : i32 to vector<16xi32>
    %mul3A_432 = arith.muli %add3A_429, %mul3A_431 : vector<16xi32>
    %gather3A_433 = tpu.vector_load_idx %arg5[%mul3A_432] : memref<20480xf32, #tpu.memory_space<vmem>>[vector<16xi32>], vector<16xf32>,
    %add3A_434 = arith.constant 1 : i32
    %add3A_435 = vector.broadcast %add3A_434 : i32 to vector<16xi32>
    %add3A_436 = arith.addi %mul3A_432, %add3A_435 : vector<16xi32>
    %gather3A_437 = tpu.vector_load_idx %arg5[%add3A_436] : memref<20480xf32, #tpu.memory_space<vmem>>[vector<16xi32>], vector<16xf32>,
    %add3A_438 = arith.constant 2 : i32
    %add3A_439 = vector.broadcast %add3A_438 : i32 to vector<16xi32>
    %add3A_440 = arith.addi %mul3A_432, %add3A_439 : vector<16xi32>
    %gather3A_441 = tpu.vector_load_idx %arg5[%add3A_440] : memref<20480xf32, #tpu.memory_space<vmem>>[vector<16xi32>], vector<16xf32>,
    %add3A_442 = arith.constant 3 : i32
    %add3A_443 = vector.broadcast %add3A_442 : i32 to vector<16xi32>
    %add3A_444 = arith.addi %mul3A_432, %add3A_443 : vector<16xi32>
    %gather3A_445 = tpu.vector_load_idx %arg5[%add3A_444] : memref<20480xf32, #tpu.memory_space<vmem>>[vector<16xi32>], vector<16xf32>,
    %swap3A_446 = arith.constant 128 : index
    %swap3A_447 = tpu.vector_load %arg7[%swap3A_446] {strides = array<i32>} : memref<320xf32, #tpu.memory_space<vmem>>, vector<16xf32>,
    tpu.vector_store %arg7[%swap3A_446], %gather3A_433 {strides = array<i32>} : memref<320xf32, #tpu.memory_space<vmem>>, vector<16xf32>,
    %swap3A_448 = arith.constant 128 : index
    %swap3A_449 = tpu.vector_load %arg8[%swap3A_448] {strides = array<i32>} : memref<320xf32, #tpu.memory_space<vmem>>, vector<16xf32>,
    tpu.vector_store %arg8[%swap3A_448], %gather3A_437 {strides = array<i32>} : memref<320xf32, #tpu.memory_space<vmem>>, vector<16xf32>,
    %swap3A_450 = arith.constant 128 : index
    %swap3A_451 = tpu.vector_load %arg9[%swap3A_450] {strides = array<i32>} : memref<320xf32, #tpu.memory_space<vmem>>, vector<16xf32>,
    tpu.vector_store %arg9[%swap3A_450], %gather3A_441 {strides = array<i32>} : memref<320xf32, #tpu.memory_space<vmem>>, vector<16xf32>,
    %swap3A_452 = arith.constant 128 : index
    %swap3A_453 = tpu.vector_load %arg10[%swap3A_452] {strides = array<i32>} : memref<320xf32, #tpu.memory_space<vmem>>, vector<16xf32>,
    tpu.vector_store %arg10[%swap3A_452], %gather3A_445 {strides = array<i32>} : memref<320xf32, #tpu.memory_space<vmem>>, vector<16xf32>,
    %add3A_454 = arith.constant 128 : i32
    %add3A_455 = arith.addi %mul3A_0, %add3A_454 : i32
    %get3A_456 = arith.index_cast %add3A_455 : i32 to index
    %get3A_457 = tpu.vector_load %arg6[%get3A_456] {strides = array<i32>} : memref<5120xf32, #tpu.memory_space<vmem>>, vector<16xf32>,
    %gt3A_458 = arith.cmpf ogt, %gather3A_441, %gather3A_433 : vector<16xf32>
    %gt3A_459 = arith.cmpf ogt, %gather3A_445, %gather3A_437 : vector<16xf32>
    %and3A_460 = arith.andi %gt3A_458, %gt3A_459 : vector<16xi1>
    %gt3A_461 = arith.constant 1.000000e-01 : f32
    %gt3A_462 = vector.broadcast %gt3A_461 : f32 to vector<16xf32>
    %gt3A_463 = arith.cmpf ogt, %get3A_457, %gt3A_462 : vector<16xf32>
    %and3A_464 = arith.andi %and3A_460, %gt3A_463 : vector<16xi1>
    %jit3A_465 = arith.constant 0xFF800000 : f32
    %broadcast_in_dim3A_466 = vector.broadcast %jit3A_465 : f32 to vector<16xf32>
    %select_n3A_467 = arith.select %and3A_464, %get3A_457, %broadcast_in_dim3A_466 : vector<16xi1>, vector<16xf32>
    %swap3A_468 = arith.constant 128 : index
    %swap3A_469 = tpu.vector_load %arg11[%swap3A_468] {strides = array<i32>} : memref<320xf32, #tpu.memory_space<vmem>>, vector<16xf32>,
    tpu.vector_store %arg11[%swap3A_468], %select_n3A_467 {strides = array<i32>} : memref<320xf32, #tpu.memory_space<vmem>>, vector<16xf32>,
    %add3A_470 = arith.constant 144 : i32
    %add3A_471 = arith.addi %mul3A_0, %add3A_470 : i32
    %add3A_472 = vector.broadcast %add3A_471 : i32 to vector<16xi32>
    %add3A_473 = arith.addi %add3A_472, %iota3A : vector<16xi32>
    %mul3A_474 = arith.constant 4 : i32
    %mul3A_475 = vector.broadcast %mul3A_474 : i32 to vector<16xi32>
    %mul3A_476 = arith.muli %add3A_473, %mul3A_475 : vector<16xi32>
    %gather3A_477 = tpu.vector_load_idx %arg5[%mul3A_476] : memref<20480xf32, #tpu.memory_space<vmem>>[vector<16xi32>], vector<16xf32>,
    %add3A_478 = arith.constant 1 : i32
    %add3A_479 = vector.broadcast %add3A_478 : i32 to vector<16xi32>
    %add3A_480 = arith.addi %mul3A_476, %add3A_479 : vector<16xi32>
    %gather3A_481 = tpu.vector_load_idx %arg5[%add3A_480] : memref<20480xf32, #tpu.memory_space<vmem>>[vector<16xi32>], vector<16xf32>,
    %add3A_482 = arith.constant 2 : i32
    %add3A_483 = vector.broadcast %add3A_482 : i32 to vector<16xi32>
    %add3A_484 = arith.addi %mul3A_476, %add3A_483 : vector<16xi32>
    %gather3A_485 = tpu.vector_load_idx %arg5[%add3A_484] : memref<20480xf32, #tpu.memory_space<vmem>>[vector<16xi32>], vector<16xf32>,
    %add3A_486 = arith.constant 3 : i32
    %add3A_487 = vector.broadcast %add3A_486 : i32 to vector<16xi32>
    %add3A_488 = arith.addi %mul3A_476, %add3A_487 : vector<16xi32>
    %gather3A_489 = tpu.vector_load_idx %arg5[%add3A_488] : memref<20480xf32, #tpu.memory_space<vmem>>[vector<16xi32>], vector<16xf32>,
    %swap3A_490 = arith.constant 144 : index
    %swap3A_491 = tpu.vector_load %arg7[%swap3A_490] {strides = array<i32>} : memref<320xf32, #tpu.memory_space<vmem>>, vector<16xf32>,
    tpu.vector_store %arg7[%swap3A_490], %gather3A_477 {strides = array<i32>} : memref<320xf32, #tpu.memory_space<vmem>>, vector<16xf32>,
    %swap3A_492 = arith.constant 144 : index
    %swap3A_493 = tpu.vector_load %arg8[%swap3A_492] {strides = array<i32>} : memref<320xf32, #tpu.memory_space<vmem>>, vector<16xf32>,
    tpu.vector_store %arg8[%swap3A_492], %gather3A_481 {strides = array<i32>} : memref<320xf32, #tpu.memory_space<vmem>>, vector<16xf32>,
    %swap3A_494 = arith.constant 144 : index
    %swap3A_495 = tpu.vector_load %arg9[%swap3A_494] {strides = array<i32>} : memref<320xf32, #tpu.memory_space<vmem>>, vector<16xf32>,
    tpu.vector_store %arg9[%swap3A_494], %gather3A_485 {strides = array<i32>} : memref<320xf32, #tpu.memory_space<vmem>>, vector<16xf32>,
    %swap3A_496 = arith.constant 144 : index
    %swap3A_497 = tpu.vector_load %arg10[%swap3A_496] {strides = array<i32>} : memref<320xf32, #tpu.memory_space<vmem>>, vector<16xf32>,
    tpu.vector_store %arg10[%swap3A_496], %gather3A_489 {strides = array<i32>} : memref<320xf32, #tpu.memory_space<vmem>>, vector<16xf32>,
    %add3A_498 = arith.constant 144 : i32
    %add3A_499 = arith.addi %mul3A_0, %add3A_498 : i32
    %get3A_500 = arith.index_cast %add3A_499 : i32 to index
    %get3A_501 = tpu.vector_load %arg6[%get3A_500] {strides = array<i32>} : memref<5120xf32, #tpu.memory_space<vmem>>, vector<16xf32>,
    %gt3A_502 = arith.cmpf ogt, %gather3A_485, %gather3A_477 : vector<16xf32>
    %gt3A_503 = arith.cmpf ogt, %gather3A_489, %gather3A_481 : vector<16xf32>
    %and3A_504 = arith.andi %gt3A_502, %gt3A_503 : vector<16xi1>
    %gt3A_505 = arith.constant 1.000000e-01 : f32
    %gt3A_506 = vector.broadcast %gt3A_505 : f32 to vector<16xf32>
    %gt3A_507 = arith.cmpf ogt, %get3A_501, %gt3A_506 : vector<16xf32>
    %and3A_508 = arith.andi %and3A_504, %gt3A_507 : vector<16xi1>
    %jit3A_509 = arith.constant 0xFF800000 : f32
    %broadcast_in_dim3A_510 = vector.broadcast %jit3A_509 : f32 to vector<16xf32>
    %select_n3A_511 = arith.select %and3A_508, %get3A_501, %broadcast_in_dim3A_510 : vector<16xi1>, vector<16xf32>
    %swap3A_512 = arith.constant 144 : index
    %swap3A_513 = tpu.vector_load %arg11[%swap3A_512] {strides = array<i32>} : memref<320xf32, #tpu.memory_space<vmem>>, vector<16xf32>,
    tpu.vector_store %arg11[%swap3A_512], %select_n3A_511 {strides = array<i32>} : memref<320xf32, #tpu.memory_space<vmem>>, vector<16xf32>,
    %add3A_514 = arith.constant 160 : i32
    %add3A_515 = arith.addi %mul3A_0, %add3A_514 : i32
    %add3A_516 = vector.broadcast %add3A_515 : i32 to vector<16xi32>
    %add3A_517 = arith.addi %add3A_516, %iota3A : vector<16xi32>
    %mul3A_518 = arith.constant 4 : i32
    %mul3A_519 = vector.broadcast %mul3A_518 : i32 to vector<16xi32>
    %mul3A_520 = arith.muli %add3A_517, %mul3A_519 : vector<16xi32>
    %gather3A_521 = tpu.vector_load_idx %arg5[%mul3A_520] : memref<20480xf32, #tpu.memory_space<vmem>>[vector<16xi32>], vector<16xf32>,
    %add3A_522 = arith.constant 1 : i32
    %add3A_523 = vector.broadcast %add3A_522 : i32 to vector<16xi32>
    %add3A_524 = arith.addi %mul3A_520, %add3A_523 : vector<16xi32>
    %gather3A_525 = tpu.vector_load_idx %arg5[%add3A_524] : memref<20480xf32, #tpu.memory_space<vmem>>[vector<16xi32>], vector<16xf32>,
    %add3A_526 = arith.constant 2 : i32
    %add3A_527 = vector.broadcast %add3A_526 : i32 to vector<16xi32>
    %add3A_528 = arith.addi %mul3A_520, %add3A_527 : vector<16xi32>
    %gather3A_529 = tpu.vector_load_idx %arg5[%add3A_528] : memref<20480xf32, #tpu.memory_space<vmem>>[vector<16xi32>], vector<16xf32>,
    %add3A_530 = arith.constant 3 : i32
    %add3A_531 = vector.broadcast %add3A_530 : i32 to vector<16xi32>
    %add3A_532 = arith.addi %mul3A_520, %add3A_531 : vector<16xi32>
    %gather3A_533 = tpu.vector_load_idx %arg5[%add3A_532] : memref<20480xf32, #tpu.memory_space<vmem>>[vector<16xi32>], vector<16xf32>,
    %swap3A_534 = arith.constant 160 : index
    %swap3A_535 = tpu.vector_load %arg7[%swap3A_534] {strides = array<i32>} : memref<320xf32, #tpu.memory_space<vmem>>, vector<16xf32>,
    tpu.vector_store %arg7[%swap3A_534], %gather3A_521 {strides = array<i32>} : memref<320xf32, #tpu.memory_space<vmem>>, vector<16xf32>,
    %swap3A_536 = arith.constant 160 : index
    %swap3A_537 = tpu.vector_load %arg8[%swap3A_536] {strides = array<i32>} : memref<320xf32, #tpu.memory_space<vmem>>, vector<16xf32>,
    tpu.vector_store %arg8[%swap3A_536], %gather3A_525 {strides = array<i32>} : memref<320xf32, #tpu.memory_space<vmem>>, vector<16xf32>,
    %swap3A_538 = arith.constant 160 : index
    %swap3A_539 = tpu.vector_load %arg9[%swap3A_538] {strides = array<i32>} : memref<320xf32, #tpu.memory_space<vmem>>, vector<16xf32>,
    tpu.vector_store %arg9[%swap3A_538], %gather3A_529 {strides = array<i32>} : memref<320xf32, #tpu.memory_space<vmem>>, vector<16xf32>,
    %swap3A_540 = arith.constant 160 : index
    %swap3A_541 = tpu.vector_load %arg10[%swap3A_540] {strides = array<i32>} : memref<320xf32, #tpu.memory_space<vmem>>, vector<16xf32>,
    tpu.vector_store %arg10[%swap3A_540], %gather3A_533 {strides = array<i32>} : memref<320xf32, #tpu.memory_space<vmem>>, vector<16xf32>,
    %add3A_542 = arith.constant 160 : i32
    %add3A_543 = arith.addi %mul3A_0, %add3A_542 : i32
    %get3A_544 = arith.index_cast %add3A_543 : i32 to index
    %get3A_545 = tpu.vector_load %arg6[%get3A_544] {strides = array<i32>} : memref<5120xf32, #tpu.memory_space<vmem>>, vector<16xf32>,
    %gt3A_546 = arith.cmpf ogt, %gather3A_529, %gather3A_521 : vector<16xf32>
    %gt3A_547 = arith.cmpf ogt, %gather3A_533, %gather3A_525 : vector<16xf32>
    %and3A_548 = arith.andi %gt3A_546, %gt3A_547 : vector<16xi1>
    %gt3A_549 = arith.constant 1.000000e-01 : f32
    %gt3A_550 = vector.broadcast %gt3A_549 : f32 to vector<16xf32>
    %gt3A_551 = arith.cmpf ogt, %get3A_545, %gt3A_550 : vector<16xf32>
    %and3A_552 = arith.andi %and3A_548, %gt3A_551 : vector<16xi1>
    %jit3A_553 = arith.constant 0xFF800000 : f32
    %broadcast_in_dim3A_554 = vector.broadcast %jit3A_553 : f32 to vector<16xf32>
    %select_n3A_555 = arith.select %and3A_552, %get3A_545, %broadcast_in_dim3A_554 : vector<16xi1>, vector<16xf32>
    %swap3A_556 = arith.constant 160 : index
    %swap3A_557 = tpu.vector_load %arg11[%swap3A_556] {strides = array<i32>} : memref<320xf32, #tpu.memory_space<vmem>>, vector<16xf32>,
    tpu.vector_store %arg11[%swap3A_556], %select_n3A_555 {strides = array<i32>} : memref<320xf32, #tpu.memory_space<vmem>>, vector<16xf32>,
    %add3A_558 = arith.constant 176 : i32
    %add3A_559 = arith.addi %mul3A_0, %add3A_558 : i32
    %add3A_560 = vector.broadcast %add3A_559 : i32 to vector<16xi32>
    %add3A_561 = arith.addi %add3A_560, %iota3A : vector<16xi32>
    %mul3A_562 = arith.constant 4 : i32
    %mul3A_563 = vector.broadcast %mul3A_562 : i32 to vector<16xi32>
    %mul3A_564 = arith.muli %add3A_561, %mul3A_563 : vector<16xi32>
    %gather3A_565 = tpu.vector_load_idx %arg5[%mul3A_564] : memref<20480xf32, #tpu.memory_space<vmem>>[vector<16xi32>], vector<16xf32>,
    %add3A_566 = arith.constant 1 : i32
    %add3A_567 = vector.broadcast %add3A_566 : i32 to vector<16xi32>
    %add3A_568 = arith.addi %mul3A_564, %add3A_567 : vector<16xi32>
    %gather3A_569 = tpu.vector_load_idx %arg5[%add3A_568] : memref<20480xf32, #tpu.memory_space<vmem>>[vector<16xi32>], vector<16xf32>,
    %add3A_570 = arith.constant 2 : i32
    %add3A_571 = vector.broadcast %add3A_570 : i32 to vector<16xi32>
    %add3A_572 = arith.addi %mul3A_564, %add3A_571 : vector<16xi32>
    %gather3A_573 = tpu.vector_load_idx %arg5[%add3A_572] : memref<20480xf32, #tpu.memory_space<vmem>>[vector<16xi32>], vector<16xf32>,
    %add3A_574 = arith.constant 3 : i32
    %add3A_575 = vector.broadcast %add3A_574 : i32 to vector<16xi32>
    %add3A_576 = arith.addi %mul3A_564, %add3A_575 : vector<16xi32>
    %gather3A_577 = tpu.vector_load_idx %arg5[%add3A_576] : memref<20480xf32, #tpu.memory_space<vmem>>[vector<16xi32>], vector<16xf32>,
    %swap3A_578 = arith.constant 176 : index
    %swap3A_579 = tpu.vector_load %arg7[%swap3A_578] {strides = array<i32>} : memref<320xf32, #tpu.memory_space<vmem>>, vector<16xf32>,
    tpu.vector_store %arg7[%swap3A_578], %gather3A_565 {strides = array<i32>} : memref<320xf32, #tpu.memory_space<vmem>>, vector<16xf32>,
    %swap3A_580 = arith.constant 176 : index
    %swap3A_581 = tpu.vector_load %arg8[%swap3A_580] {strides = array<i32>} : memref<320xf32, #tpu.memory_space<vmem>>, vector<16xf32>,
    tpu.vector_store %arg8[%swap3A_580], %gather3A_569 {strides = array<i32>} : memref<320xf32, #tpu.memory_space<vmem>>, vector<16xf32>,
    %swap3A_582 = arith.constant 176 : index
    %swap3A_583 = tpu.vector_load %arg9[%swap3A_582] {strides = array<i32>} : memref<320xf32, #tpu.memory_space<vmem>>, vector<16xf32>,
    tpu.vector_store %arg9[%swap3A_582], %gather3A_573 {strides = array<i32>} : memref<320xf32, #tpu.memory_space<vmem>>, vector<16xf32>,
    %swap3A_584 = arith.constant 176 : index
    %swap3A_585 = tpu.vector_load %arg10[%swap3A_584] {strides = array<i32>} : memref<320xf32, #tpu.memory_space<vmem>>, vector<16xf32>,
    tpu.vector_store %arg10[%swap3A_584], %gather3A_577 {strides = array<i32>} : memref<320xf32, #tpu.memory_space<vmem>>, vector<16xf32>,
    %add3A_586 = arith.constant 176 : i32
    %add3A_587 = arith.addi %mul3A_0, %add3A_586 : i32
    %get3A_588 = arith.index_cast %add3A_587 : i32 to index
    %get3A_589 = tpu.vector_load %arg6[%get3A_588] {strides = array<i32>} : memref<5120xf32, #tpu.memory_space<vmem>>, vector<16xf32>,
    %gt3A_590 = arith.cmpf ogt, %gather3A_573, %gather3A_565 : vector<16xf32>
    %gt3A_591 = arith.cmpf ogt, %gather3A_577, %gather3A_569 : vector<16xf32>
    %and3A_592 = arith.andi %gt3A_590, %gt3A_591 : vector<16xi1>
    %gt3A_593 = arith.constant 1.000000e-01 : f32
    %gt3A_594 = vector.broadcast %gt3A_593 : f32 to vector<16xf32>
    %gt3A_595 = arith.cmpf ogt, %get3A_589, %gt3A_594 : vector<16xf32>
    %and3A_596 = arith.andi %and3A_592, %gt3A_595 : vector<16xi1>
    %jit3A_597 = arith.constant 0xFF800000 : f32
    %broadcast_in_dim3A_598 = vector.broadcast %jit3A_597 : f32 to vector<16xf32>
    %select_n3A_599 = arith.select %and3A_596, %get3A_589, %broadcast_in_dim3A_598 : vector<16xi1>, vector<16xf32>
    %swap3A_600 = arith.constant 176 : index
    %swap3A_601 = tpu.vector_load %arg11[%swap3A_600] {strides = array<i32>} : memref<320xf32, #tpu.memory_space<vmem>>, vector<16xf32>,
    tpu.vector_store %arg11[%swap3A_600], %select_n3A_599 {strides = array<i32>} : memref<320xf32, #tpu.memory_space<vmem>>, vector<16xf32>,
    %add3A_602 = arith.constant 192 : i32
    %add3A_603 = arith.addi %mul3A_0, %add3A_602 : i32
    %add3A_604 = vector.broadcast %add3A_603 : i32 to vector<16xi32>
    %add3A_605 = arith.addi %add3A_604, %iota3A : vector<16xi32>
    %mul3A_606 = arith.constant 4 : i32
    %mul3A_607 = vector.broadcast %mul3A_606 : i32 to vector<16xi32>
    %mul3A_608 = arith.muli %add3A_605, %mul3A_607 : vector<16xi32>
    %gather3A_609 = tpu.vector_load_idx %arg5[%mul3A_608] : memref<20480xf32, #tpu.memory_space<vmem>>[vector<16xi32>], vector<16xf32>,
    %add3A_610 = arith.constant 1 : i32
    %add3A_611 = vector.broadcast %add3A_610 : i32 to vector<16xi32>
    %add3A_612 = arith.addi %mul3A_608, %add3A_611 : vector<16xi32>
    %gather3A_613 = tpu.vector_load_idx %arg5[%add3A_612] : memref<20480xf32, #tpu.memory_space<vmem>>[vector<16xi32>], vector<16xf32>,
    %add3A_614 = arith.constant 2 : i32
    %add3A_615 = vector.broadcast %add3A_614 : i32 to vector<16xi32>
    %add3A_616 = arith.addi %mul3A_608, %add3A_615 : vector<16xi32>
    %gather3A_617 = tpu.vector_load_idx %arg5[%add3A_616] : memref<20480xf32, #tpu.memory_space<vmem>>[vector<16xi32>], vector<16xf32>,
    %add3A_618 = arith.constant 3 : i32
    %add3A_619 = vector.broadcast %add3A_618 : i32 to vector<16xi32>
    %add3A_620 = arith.addi %mul3A_608, %add3A_619 : vector<16xi32>
    %gather3A_621 = tpu.vector_load_idx %arg5[%add3A_620] : memref<20480xf32, #tpu.memory_space<vmem>>[vector<16xi32>], vector<16xf32>,
    %swap3A_622 = arith.constant 192 : index
    %swap3A_623 = tpu.vector_load %arg7[%swap3A_622] {strides = array<i32>} : memref<320xf32, #tpu.memory_space<vmem>>, vector<16xf32>,
    tpu.vector_store %arg7[%swap3A_622], %gather3A_609 {strides = array<i32>} : memref<320xf32, #tpu.memory_space<vmem>>, vector<16xf32>,
    %swap3A_624 = arith.constant 192 : index
    %swap3A_625 = tpu.vector_load %arg8[%swap3A_624] {strides = array<i32>} : memref<320xf32, #tpu.memory_space<vmem>>, vector<16xf32>,
    tpu.vector_store %arg8[%swap3A_624], %gather3A_613 {strides = array<i32>} : memref<320xf32, #tpu.memory_space<vmem>>, vector<16xf32>,
    %swap3A_626 = arith.constant 192 : index
    %swap3A_627 = tpu.vector_load %arg9[%swap3A_626] {strides = array<i32>} : memref<320xf32, #tpu.memory_space<vmem>>, vector<16xf32>,
    tpu.vector_store %arg9[%swap3A_626], %gather3A_617 {strides = array<i32>} : memref<320xf32, #tpu.memory_space<vmem>>, vector<16xf32>,
    %swap3A_628 = arith.constant 192 : index
    %swap3A_629 = tpu.vector_load %arg10[%swap3A_628] {strides = array<i32>} : memref<320xf32, #tpu.memory_space<vmem>>, vector<16xf32>,
    tpu.vector_store %arg10[%swap3A_628], %gather3A_621 {strides = array<i32>} : memref<320xf32, #tpu.memory_space<vmem>>, vector<16xf32>,
    %add3A_630 = arith.constant 192 : i32
    %add3A_631 = arith.addi %mul3A_0, %add3A_630 : i32
    %get3A_632 = arith.index_cast %add3A_631 : i32 to index
    %get3A_633 = tpu.vector_load %arg6[%get3A_632] {strides = array<i32>} : memref<5120xf32, #tpu.memory_space<vmem>>, vector<16xf32>,
    %gt3A_634 = arith.cmpf ogt, %gather3A_617, %gather3A_609 : vector<16xf32>
    %gt3A_635 = arith.cmpf ogt, %gather3A_621, %gather3A_613 : vector<16xf32>
    %and3A_636 = arith.andi %gt3A_634, %gt3A_635 : vector<16xi1>
    %gt3A_637 = arith.constant 1.000000e-01 : f32
    %gt3A_638 = vector.broadcast %gt3A_637 : f32 to vector<16xf32>
    %gt3A_639 = arith.cmpf ogt, %get3A_633, %gt3A_638 : vector<16xf32>
    %and3A_640 = arith.andi %and3A_636, %gt3A_639 : vector<16xi1>
    %jit3A_641 = arith.constant 0xFF800000 : f32
    %broadcast_in_dim3A_642 = vector.broadcast %jit3A_641 : f32 to vector<16xf32>
    %select_n3A_643 = arith.select %and3A_640, %get3A_633, %broadcast_in_dim3A_642 : vector<16xi1>, vector<16xf32>
    %swap3A_644 = arith.constant 192 : index
    %swap3A_645 = tpu.vector_load %arg11[%swap3A_644] {strides = array<i32>} : memref<320xf32, #tpu.memory_space<vmem>>, vector<16xf32>,
    tpu.vector_store %arg11[%swap3A_644], %select_n3A_643 {strides = array<i32>} : memref<320xf32, #tpu.memory_space<vmem>>, vector<16xf32>,
    %add3A_646 = arith.constant 208 : i32
    %add3A_647 = arith.addi %mul3A_0, %add3A_646 : i32
    %add3A_648 = vector.broadcast %add3A_647 : i32 to vector<16xi32>
    %add3A_649 = arith.addi %add3A_648, %iota3A : vector<16xi32>
    %mul3A_650 = arith.constant 4 : i32
    %mul3A_651 = vector.broadcast %mul3A_650 : i32 to vector<16xi32>
    %mul3A_652 = arith.muli %add3A_649, %mul3A_651 : vector<16xi32>
    %gather3A_653 = tpu.vector_load_idx %arg5[%mul3A_652] : memref<20480xf32, #tpu.memory_space<vmem>>[vector<16xi32>], vector<16xf32>,
    %add3A_654 = arith.constant 1 : i32
    %add3A_655 = vector.broadcast %add3A_654 : i32 to vector<16xi32>
    %add3A_656 = arith.addi %mul3A_652, %add3A_655 : vector<16xi32>
    %gather3A_657 = tpu.vector_load_idx %arg5[%add3A_656] : memref<20480xf32, #tpu.memory_space<vmem>>[vector<16xi32>], vector<16xf32>,
    %add3A_658 = arith.constant 2 : i32
    %add3A_659 = vector.broadcast %add3A_658 : i32 to vector<16xi32>
    %add3A_660 = arith.addi %mul3A_652, %add3A_659 : vector<16xi32>
    %gather3A_661 = tpu.vector_load_idx %arg5[%add3A_660] : memref<20480xf32, #tpu.memory_space<vmem>>[vector<16xi32>], vector<16xf32>,
    %add3A_662 = arith.constant 3 : i32
    %add3A_663 = vector.broadcast %add3A_662 : i32 to vector<16xi32>
    %add3A_664 = arith.addi %mul3A_652, %add3A_663 : vector<16xi32>
    %gather3A_665 = tpu.vector_load_idx %arg5[%add3A_664] : memref<20480xf32, #tpu.memory_space<vmem>>[vector<16xi32>], vector<16xf32>,
    %swap3A_666 = arith.constant 208 : index
    %swap3A_667 = tpu.vector_load %arg7[%swap3A_666] {strides = array<i32>} : memref<320xf32, #tpu.memory_space<vmem>>, vector<16xf32>,
    tpu.vector_store %arg7[%swap3A_666], %gather3A_653 {strides = array<i32>} : memref<320xf32, #tpu.memory_space<vmem>>, vector<16xf32>,
    %swap3A_668 = arith.constant 208 : index
    %swap3A_669 = tpu.vector_load %arg8[%swap3A_668] {strides = array<i32>} : memref<320xf32, #tpu.memory_space<vmem>>, vector<16xf32>,
    tpu.vector_store %arg8[%swap3A_668], %gather3A_657 {strides = array<i32>} : memref<320xf32, #tpu.memory_space<vmem>>, vector<16xf32>,
    %swap3A_670 = arith.constant 208 : index
    %swap3A_671 = tpu.vector_load %arg9[%swap3A_670] {strides = array<i32>} : memref<320xf32, #tpu.memory_space<vmem>>, vector<16xf32>,
    tpu.vector_store %arg9[%swap3A_670], %gather3A_661 {strides = array<i32>} : memref<320xf32, #tpu.memory_space<vmem>>, vector<16xf32>,
    %swap3A_672 = arith.constant 208 : index
    %swap3A_673 = tpu.vector_load %arg10[%swap3A_672] {strides = array<i32>} : memref<320xf32, #tpu.memory_space<vmem>>, vector<16xf32>,
    tpu.vector_store %arg10[%swap3A_672], %gather3A_665 {strides = array<i32>} : memref<320xf32, #tpu.memory_space<vmem>>, vector<16xf32>,
    %add3A_674 = arith.constant 208 : i32
    %add3A_675 = arith.addi %mul3A_0, %add3A_674 : i32
    %get3A_676 = arith.index_cast %add3A_675 : i32 to index
    %get3A_677 = tpu.vector_load %arg6[%get3A_676] {strides = array<i32>} : memref<5120xf32, #tpu.memory_space<vmem>>, vector<16xf32>,
    %gt3A_678 = arith.cmpf ogt, %gather3A_661, %gather3A_653 : vector<16xf32>
    %gt3A_679 = arith.cmpf ogt, %gather3A_665, %gather3A_657 : vector<16xf32>
    %and3A_680 = arith.andi %gt3A_678, %gt3A_679 : vector<16xi1>
    %gt3A_681 = arith.constant 1.000000e-01 : f32
    %gt3A_682 = vector.broadcast %gt3A_681 : f32 to vector<16xf32>
    %gt3A_683 = arith.cmpf ogt, %get3A_677, %gt3A_682 : vector<16xf32>
    %and3A_684 = arith.andi %and3A_680, %gt3A_683 : vector<16xi1>
    %jit3A_685 = arith.constant 0xFF800000 : f32
    %broadcast_in_dim3A_686 = vector.broadcast %jit3A_685 : f32 to vector<16xf32>
    %select_n3A_687 = arith.select %and3A_684, %get3A_677, %broadcast_in_dim3A_686 : vector<16xi1>, vector<16xf32>
    %swap3A_688 = arith.constant 208 : index
    %swap3A_689 = tpu.vector_load %arg11[%swap3A_688] {strides = array<i32>} : memref<320xf32, #tpu.memory_space<vmem>>, vector<16xf32>,
    tpu.vector_store %arg11[%swap3A_688], %select_n3A_687 {strides = array<i32>} : memref<320xf32, #tpu.memory_space<vmem>>, vector<16xf32>,
    %add3A_690 = arith.constant 224 : i32
    %add3A_691 = arith.addi %mul3A_0, %add3A_690 : i32
    %add3A_692 = vector.broadcast %add3A_691 : i32 to vector<16xi32>
    %add3A_693 = arith.addi %add3A_692, %iota3A : vector<16xi32>
    %mul3A_694 = arith.constant 4 : i32
    %mul3A_695 = vector.broadcast %mul3A_694 : i32 to vector<16xi32>
    %mul3A_696 = arith.muli %add3A_693, %mul3A_695 : vector<16xi32>
    %gather3A_697 = tpu.vector_load_idx %arg5[%mul3A_696] : memref<20480xf32, #tpu.memory_space<vmem>>[vector<16xi32>], vector<16xf32>,
    %add3A_698 = arith.constant 1 : i32
    %add3A_699 = vector.broadcast %add3A_698 : i32 to vector<16xi32>
    %add3A_700 = arith.addi %mul3A_696, %add3A_699 : vector<16xi32>
    %gather3A_701 = tpu.vector_load_idx %arg5[%add3A_700] : memref<20480xf32, #tpu.memory_space<vmem>>[vector<16xi32>], vector<16xf32>,
    %add3A_702 = arith.constant 2 : i32
    %add3A_703 = vector.broadcast %add3A_702 : i32 to vector<16xi32>
    %add3A_704 = arith.addi %mul3A_696, %add3A_703 : vector<16xi32>
    %gather3A_705 = tpu.vector_load_idx %arg5[%add3A_704] : memref<20480xf32, #tpu.memory_space<vmem>>[vector<16xi32>], vector<16xf32>,
    %add3A_706 = arith.constant 3 : i32
    %add3A_707 = vector.broadcast %add3A_706 : i32 to vector<16xi32>
    %add3A_708 = arith.addi %mul3A_696, %add3A_707 : vector<16xi32>
    %gather3A_709 = tpu.vector_load_idx %arg5[%add3A_708] : memref<20480xf32, #tpu.memory_space<vmem>>[vector<16xi32>], vector<16xf32>,
    %swap3A_710 = arith.constant 224 : index
    %swap3A_711 = tpu.vector_load %arg7[%swap3A_710] {strides = array<i32>} : memref<320xf32, #tpu.memory_space<vmem>>, vector<16xf32>,
    tpu.vector_store %arg7[%swap3A_710], %gather3A_697 {strides = array<i32>} : memref<320xf32, #tpu.memory_space<vmem>>, vector<16xf32>,
    %swap3A_712 = arith.constant 224 : index
    %swap3A_713 = tpu.vector_load %arg8[%swap3A_712] {strides = array<i32>} : memref<320xf32, #tpu.memory_space<vmem>>, vector<16xf32>,
    tpu.vector_store %arg8[%swap3A_712], %gather3A_701 {strides = array<i32>} : memref<320xf32, #tpu.memory_space<vmem>>, vector<16xf32>,
    %swap3A_714 = arith.constant 224 : index
    %swap3A_715 = tpu.vector_load %arg9[%swap3A_714] {strides = array<i32>} : memref<320xf32, #tpu.memory_space<vmem>>, vector<16xf32>,
    tpu.vector_store %arg9[%swap3A_714], %gather3A_705 {strides = array<i32>} : memref<320xf32, #tpu.memory_space<vmem>>, vector<16xf32>,
    %swap3A_716 = arith.constant 224 : index
    %swap3A_717 = tpu.vector_load %arg10[%swap3A_716] {strides = array<i32>} : memref<320xf32, #tpu.memory_space<vmem>>, vector<16xf32>,
    tpu.vector_store %arg10[%swap3A_716], %gather3A_709 {strides = array<i32>} : memref<320xf32, #tpu.memory_space<vmem>>, vector<16xf32>,
    %add3A_718 = arith.constant 224 : i32
    %add3A_719 = arith.addi %mul3A_0, %add3A_718 : i32
    %get3A_720 = arith.index_cast %add3A_719 : i32 to index
    %get3A_721 = tpu.vector_load %arg6[%get3A_720] {strides = array<i32>} : memref<5120xf32, #tpu.memory_space<vmem>>, vector<16xf32>,
    %gt3A_722 = arith.cmpf ogt, %gather3A_705, %gather3A_697 : vector<16xf32>
    %gt3A_723 = arith.cmpf ogt, %gather3A_709, %gather3A_701 : vector<16xf32>
    %and3A_724 = arith.andi %gt3A_722, %gt3A_723 : vector<16xi1>
    %gt3A_725 = arith.constant 1.000000e-01 : f32
    %gt3A_726 = vector.broadcast %gt3A_725 : f32 to vector<16xf32>
    %gt3A_727 = arith.cmpf ogt, %get3A_721, %gt3A_726 : vector<16xf32>
    %and3A_728 = arith.andi %and3A_724, %gt3A_727 : vector<16xi1>
    %jit3A_729 = arith.constant 0xFF800000 : f32
    %broadcast_in_dim3A_730 = vector.broadcast %jit3A_729 : f32 to vector<16xf32>
    %select_n3A_731 = arith.select %and3A_728, %get3A_721, %broadcast_in_dim3A_730 : vector<16xi1>, vector<16xf32>
    %swap3A_732 = arith.constant 224 : index
    %swap3A_733 = tpu.vector_load %arg11[%swap3A_732] {strides = array<i32>} : memref<320xf32, #tpu.memory_space<vmem>>, vector<16xf32>,
    tpu.vector_store %arg11[%swap3A_732], %select_n3A_731 {strides = array<i32>} : memref<320xf32, #tpu.memory_space<vmem>>, vector<16xf32>,
    %add3A_734 = arith.constant 240 : i32
    %add3A_735 = arith.addi %mul3A_0, %add3A_734 : i32
    %add3A_736 = vector.broadcast %add3A_735 : i32 to vector<16xi32>
    %add3A_737 = arith.addi %add3A_736, %iota3A : vector<16xi32>
    %mul3A_738 = arith.constant 4 : i32
    %mul3A_739 = vector.broadcast %mul3A_738 : i32 to vector<16xi32>
    %mul3A_740 = arith.muli %add3A_737, %mul3A_739 : vector<16xi32>
    %gather3A_741 = tpu.vector_load_idx %arg5[%mul3A_740] : memref<20480xf32, #tpu.memory_space<vmem>>[vector<16xi32>], vector<16xf32>,
    %add3A_742 = arith.constant 1 : i32
    %add3A_743 = vector.broadcast %add3A_742 : i32 to vector<16xi32>
    %add3A_744 = arith.addi %mul3A_740, %add3A_743 : vector<16xi32>
    %gather3A_745 = tpu.vector_load_idx %arg5[%add3A_744] : memref<20480xf32, #tpu.memory_space<vmem>>[vector<16xi32>], vector<16xf32>,
    %add3A_746 = arith.constant 2 : i32
    %add3A_747 = vector.broadcast %add3A_746 : i32 to vector<16xi32>
    %add3A_748 = arith.addi %mul3A_740, %add3A_747 : vector<16xi32>
    %gather3A_749 = tpu.vector_load_idx %arg5[%add3A_748] : memref<20480xf32, #tpu.memory_space<vmem>>[vector<16xi32>], vector<16xf32>,
    %add3A_750 = arith.constant 3 : i32
    %add3A_751 = vector.broadcast %add3A_750 : i32 to vector<16xi32>
    %add3A_752 = arith.addi %mul3A_740, %add3A_751 : vector<16xi32>
    %gather3A_753 = tpu.vector_load_idx %arg5[%add3A_752] : memref<20480xf32, #tpu.memory_space<vmem>>[vector<16xi32>], vector<16xf32>,
    %swap3A_754 = arith.constant 240 : index
    %swap3A_755 = tpu.vector_load %arg7[%swap3A_754] {strides = array<i32>} : memref<320xf32, #tpu.memory_space<vmem>>, vector<16xf32>,
    tpu.vector_store %arg7[%swap3A_754], %gather3A_741 {strides = array<i32>} : memref<320xf32, #tpu.memory_space<vmem>>, vector<16xf32>,
    %swap3A_756 = arith.constant 240 : index
    %swap3A_757 = tpu.vector_load %arg8[%swap3A_756] {strides = array<i32>} : memref<320xf32, #tpu.memory_space<vmem>>, vector<16xf32>,
    tpu.vector_store %arg8[%swap3A_756], %gather3A_745 {strides = array<i32>} : memref<320xf32, #tpu.memory_space<vmem>>, vector<16xf32>,
    %swap3A_758 = arith.constant 240 : index
    %swap3A_759 = tpu.vector_load %arg9[%swap3A_758] {strides = array<i32>} : memref<320xf32, #tpu.memory_space<vmem>>, vector<16xf32>,
    tpu.vector_store %arg9[%swap3A_758], %gather3A_749 {strides = array<i32>} : memref<320xf32, #tpu.memory_space<vmem>>, vector<16xf32>,
    %swap3A_760 = arith.constant 240 : index
    %swap3A_761 = tpu.vector_load %arg10[%swap3A_760] {strides = array<i32>} : memref<320xf32, #tpu.memory_space<vmem>>, vector<16xf32>,
    tpu.vector_store %arg10[%swap3A_760], %gather3A_753 {strides = array<i32>} : memref<320xf32, #tpu.memory_space<vmem>>, vector<16xf32>,
    %add3A_762 = arith.constant 240 : i32
    %add3A_763 = arith.addi %mul3A_0, %add3A_762 : i32
    %get3A_764 = arith.index_cast %add3A_763 : i32 to index
    %get3A_765 = tpu.vector_load %arg6[%get3A_764] {strides = array<i32>} : memref<5120xf32, #tpu.memory_space<vmem>>, vector<16xf32>,
    %gt3A_766 = arith.cmpf ogt, %gather3A_749, %gather3A_741 : vector<16xf32>
    %gt3A_767 = arith.cmpf ogt, %gather3A_753, %gather3A_745 : vector<16xf32>
    %and3A_768 = arith.andi %gt3A_766, %gt3A_767 : vector<16xi1>
    %gt3A_769 = arith.constant 1.000000e-01 : f32
    %gt3A_770 = vector.broadcast %gt3A_769 : f32 to vector<16xf32>
    %gt3A_771 = arith.cmpf ogt, %get3A_765, %gt3A_770 : vector<16xf32>
    %and3A_772 = arith.andi %and3A_768, %gt3A_771 : vector<16xi1>
    %jit3A_773 = arith.constant 0xFF800000 : f32
    %broadcast_in_dim3A_774 = vector.broadcast %jit3A_773 : f32 to vector<16xf32>
    %select_n3A_775 = arith.select %and3A_772, %get3A_765, %broadcast_in_dim3A_774 : vector<16xi1>, vector<16xf32>
    %swap3A_776 = arith.constant 240 : index
    %swap3A_777 = tpu.vector_load %arg11[%swap3A_776] {strides = array<i32>} : memref<320xf32, #tpu.memory_space<vmem>>, vector<16xf32>,
    tpu.vector_store %arg11[%swap3A_776], %select_n3A_775 {strides = array<i32>} : memref<320xf32, #tpu.memory_space<vmem>>, vector<16xf32>,
    %add3A_778 = arith.constant 256 : i32
    %add3A_779 = arith.addi %mul3A_0, %add3A_778 : i32
    %add3A_780 = vector.broadcast %add3A_779 : i32 to vector<16xi32>
    %add3A_781 = arith.addi %add3A_780, %iota3A : vector<16xi32>
    %mul3A_782 = arith.constant 4 : i32
    %mul3A_783 = vector.broadcast %mul3A_782 : i32 to vector<16xi32>
    %mul3A_784 = arith.muli %add3A_781, %mul3A_783 : vector<16xi32>
    %gather3A_785 = tpu.vector_load_idx %arg5[%mul3A_784] : memref<20480xf32, #tpu.memory_space<vmem>>[vector<16xi32>], vector<16xf32>,
    %add3A_786 = arith.constant 1 : i32
    %add3A_787 = vector.broadcast %add3A_786 : i32 to vector<16xi32>
    %add3A_788 = arith.addi %mul3A_784, %add3A_787 : vector<16xi32>
    %gather3A_789 = tpu.vector_load_idx %arg5[%add3A_788] : memref<20480xf32, #tpu.memory_space<vmem>>[vector<16xi32>], vector<16xf32>,
    %add3A_790 = arith.constant 2 : i32
    %add3A_791 = vector.broadcast %add3A_790 : i32 to vector<16xi32>
    %add3A_792 = arith.addi %mul3A_784, %add3A_791 : vector<16xi32>
    %gather3A_793 = tpu.vector_load_idx %arg5[%add3A_792] : memref<20480xf32, #tpu.memory_space<vmem>>[vector<16xi32>], vector<16xf32>,
    %add3A_794 = arith.constant 3 : i32
    %add3A_795 = vector.broadcast %add3A_794 : i32 to vector<16xi32>
    %add3A_796 = arith.addi %mul3A_784, %add3A_795 : vector<16xi32>
    %gather3A_797 = tpu.vector_load_idx %arg5[%add3A_796] : memref<20480xf32, #tpu.memory_space<vmem>>[vector<16xi32>], vector<16xf32>,
    %swap3A_798 = arith.constant 256 : index
    %swap3A_799 = tpu.vector_load %arg7[%swap3A_798] {strides = array<i32>} : memref<320xf32, #tpu.memory_space<vmem>>, vector<16xf32>,
    tpu.vector_store %arg7[%swap3A_798], %gather3A_785 {strides = array<i32>} : memref<320xf32, #tpu.memory_space<vmem>>, vector<16xf32>,
    %swap3A_800 = arith.constant 256 : index
    %swap3A_801 = tpu.vector_load %arg8[%swap3A_800] {strides = array<i32>} : memref<320xf32, #tpu.memory_space<vmem>>, vector<16xf32>,
    tpu.vector_store %arg8[%swap3A_800], %gather3A_789 {strides = array<i32>} : memref<320xf32, #tpu.memory_space<vmem>>, vector<16xf32>,
    %swap3A_802 = arith.constant 256 : index
    %swap3A_803 = tpu.vector_load %arg9[%swap3A_802] {strides = array<i32>} : memref<320xf32, #tpu.memory_space<vmem>>, vector<16xf32>,
    tpu.vector_store %arg9[%swap3A_802], %gather3A_793 {strides = array<i32>} : memref<320xf32, #tpu.memory_space<vmem>>, vector<16xf32>,
    %swap3A_804 = arith.constant 256 : index
    %swap3A_805 = tpu.vector_load %arg10[%swap3A_804] {strides = array<i32>} : memref<320xf32, #tpu.memory_space<vmem>>, vector<16xf32>,
    tpu.vector_store %arg10[%swap3A_804], %gather3A_797 {strides = array<i32>} : memref<320xf32, #tpu.memory_space<vmem>>, vector<16xf32>,
    %add3A_806 = arith.constant 256 : i32
    %add3A_807 = arith.addi %mul3A_0, %add3A_806 : i32
    %get3A_808 = arith.index_cast %add3A_807 : i32 to index
    %get3A_809 = tpu.vector_load %arg6[%get3A_808] {strides = array<i32>} : memref<5120xf32, #tpu.memory_space<vmem>>, vector<16xf32>,
    %gt3A_810 = arith.cmpf ogt, %gather3A_793, %gather3A_785 : vector<16xf32>
    %gt3A_811 = arith.cmpf ogt, %gather3A_797, %gather3A_789 : vector<16xf32>
    %and3A_812 = arith.andi %gt3A_810, %gt3A_811 : vector<16xi1>
    %gt3A_813 = arith.constant 1.000000e-01 : f32
    %gt3A_814 = vector.broadcast %gt3A_813 : f32 to vector<16xf32>
    %gt3A_815 = arith.cmpf ogt, %get3A_809, %gt3A_814 : vector<16xf32>
    %and3A_816 = arith.andi %and3A_812, %gt3A_815 : vector<16xi1>
    %jit3A_817 = arith.constant 0xFF800000 : f32
    %broadcast_in_dim3A_818 = vector.broadcast %jit3A_817 : f32 to vector<16xf32>
    %select_n3A_819 = arith.select %and3A_816, %get3A_809, %broadcast_in_dim3A_818 : vector<16xi1>, vector<16xf32>
    %swap3A_820 = arith.constant 256 : index
    %swap3A_821 = tpu.vector_load %arg11[%swap3A_820] {strides = array<i32>} : memref<320xf32, #tpu.memory_space<vmem>>, vector<16xf32>,
    tpu.vector_store %arg11[%swap3A_820], %select_n3A_819 {strides = array<i32>} : memref<320xf32, #tpu.memory_space<vmem>>, vector<16xf32>,
    %add3A_822 = arith.constant 272 : i32
    %add3A_823 = arith.addi %mul3A_0, %add3A_822 : i32
    %add3A_824 = vector.broadcast %add3A_823 : i32 to vector<16xi32>
    %add3A_825 = arith.addi %add3A_824, %iota3A : vector<16xi32>
    %mul3A_826 = arith.constant 4 : i32
    %mul3A_827 = vector.broadcast %mul3A_826 : i32 to vector<16xi32>
    %mul3A_828 = arith.muli %add3A_825, %mul3A_827 : vector<16xi32>
    %gather3A_829 = tpu.vector_load_idx %arg5[%mul3A_828] : memref<20480xf32, #tpu.memory_space<vmem>>[vector<16xi32>], vector<16xf32>,
    %add3A_830 = arith.constant 1 : i32
    %add3A_831 = vector.broadcast %add3A_830 : i32 to vector<16xi32>
    %add3A_832 = arith.addi %mul3A_828, %add3A_831 : vector<16xi32>
    %gather3A_833 = tpu.vector_load_idx %arg5[%add3A_832] : memref<20480xf32, #tpu.memory_space<vmem>>[vector<16xi32>], vector<16xf32>,
    %add3A_834 = arith.constant 2 : i32
    %add3A_835 = vector.broadcast %add3A_834 : i32 to vector<16xi32>
    %add3A_836 = arith.addi %mul3A_828, %add3A_835 : vector<16xi32>
    %gather3A_837 = tpu.vector_load_idx %arg5[%add3A_836] : memref<20480xf32, #tpu.memory_space<vmem>>[vector<16xi32>], vector<16xf32>,
    %add3A_838 = arith.constant 3 : i32
    %add3A_839 = vector.broadcast %add3A_838 : i32 to vector<16xi32>
    %add3A_840 = arith.addi %mul3A_828, %add3A_839 : vector<16xi32>
    %gather3A_841 = tpu.vector_load_idx %arg5[%add3A_840] : memref<20480xf32, #tpu.memory_space<vmem>>[vector<16xi32>], vector<16xf32>,
    %swap3A_842 = arith.constant 272 : index
    %swap3A_843 = tpu.vector_load %arg7[%swap3A_842] {strides = array<i32>} : memref<320xf32, #tpu.memory_space<vmem>>, vector<16xf32>,
    tpu.vector_store %arg7[%swap3A_842], %gather3A_829 {strides = array<i32>} : memref<320xf32, #tpu.memory_space<vmem>>, vector<16xf32>,
    %swap3A_844 = arith.constant 272 : index
    %swap3A_845 = tpu.vector_load %arg8[%swap3A_844] {strides = array<i32>} : memref<320xf32, #tpu.memory_space<vmem>>, vector<16xf32>,
    tpu.vector_store %arg8[%swap3A_844], %gather3A_833 {strides = array<i32>} : memref<320xf32, #tpu.memory_space<vmem>>, vector<16xf32>,
    %swap3A_846 = arith.constant 272 : index
    %swap3A_847 = tpu.vector_load %arg9[%swap3A_846] {strides = array<i32>} : memref<320xf32, #tpu.memory_space<vmem>>, vector<16xf32>,
    tpu.vector_store %arg9[%swap3A_846], %gather3A_837 {strides = array<i32>} : memref<320xf32, #tpu.memory_space<vmem>>, vector<16xf32>,
    %swap3A_848 = arith.constant 272 : index
    %swap3A_849 = tpu.vector_load %arg10[%swap3A_848] {strides = array<i32>} : memref<320xf32, #tpu.memory_space<vmem>>, vector<16xf32>,
    tpu.vector_store %arg10[%swap3A_848], %gather3A_841 {strides = array<i32>} : memref<320xf32, #tpu.memory_space<vmem>>, vector<16xf32>,
    %add3A_850 = arith.constant 272 : i32
    %add3A_851 = arith.addi %mul3A_0, %add3A_850 : i32
    %get3A_852 = arith.index_cast %add3A_851 : i32 to index
    %get3A_853 = tpu.vector_load %arg6[%get3A_852] {strides = array<i32>} : memref<5120xf32, #tpu.memory_space<vmem>>, vector<16xf32>,
    %gt3A_854 = arith.cmpf ogt, %gather3A_837, %gather3A_829 : vector<16xf32>
    %gt3A_855 = arith.cmpf ogt, %gather3A_841, %gather3A_833 : vector<16xf32>
    %and3A_856 = arith.andi %gt3A_854, %gt3A_855 : vector<16xi1>
    %gt3A_857 = arith.constant 1.000000e-01 : f32
    %gt3A_858 = vector.broadcast %gt3A_857 : f32 to vector<16xf32>
    %gt3A_859 = arith.cmpf ogt, %get3A_853, %gt3A_858 : vector<16xf32>
    %and3A_860 = arith.andi %and3A_856, %gt3A_859 : vector<16xi1>
    %jit3A_861 = arith.constant 0xFF800000 : f32
    %broadcast_in_dim3A_862 = vector.broadcast %jit3A_861 : f32 to vector<16xf32>
    %select_n3A_863 = arith.select %and3A_860, %get3A_853, %broadcast_in_dim3A_862 : vector<16xi1>, vector<16xf32>
    %swap3A_864 = arith.constant 272 : index
    %swap3A_865 = tpu.vector_load %arg11[%swap3A_864] {strides = array<i32>} : memref<320xf32, #tpu.memory_space<vmem>>, vector<16xf32>,
    tpu.vector_store %arg11[%swap3A_864], %select_n3A_863 {strides = array<i32>} : memref<320xf32, #tpu.memory_space<vmem>>, vector<16xf32>,
    %add3A_866 = arith.constant 288 : i32
    %add3A_867 = arith.addi %mul3A_0, %add3A_866 : i32
    %add3A_868 = vector.broadcast %add3A_867 : i32 to vector<16xi32>
    %add3A_869 = arith.addi %add3A_868, %iota3A : vector<16xi32>
    %mul3A_870 = arith.constant 4 : i32
    %mul3A_871 = vector.broadcast %mul3A_870 : i32 to vector<16xi32>
    %mul3A_872 = arith.muli %add3A_869, %mul3A_871 : vector<16xi32>
    %gather3A_873 = tpu.vector_load_idx %arg5[%mul3A_872] : memref<20480xf32, #tpu.memory_space<vmem>>[vector<16xi32>], vector<16xf32>,
    %add3A_874 = arith.constant 1 : i32
    %add3A_875 = vector.broadcast %add3A_874 : i32 to vector<16xi32>
    %add3A_876 = arith.addi %mul3A_872, %add3A_875 : vector<16xi32>
    %gather3A_877 = tpu.vector_load_idx %arg5[%add3A_876] : memref<20480xf32, #tpu.memory_space<vmem>>[vector<16xi32>], vector<16xf32>,
    %add3A_878 = arith.constant 2 : i32
    %add3A_879 = vector.broadcast %add3A_878 : i32 to vector<16xi32>
    %add3A_880 = arith.addi %mul3A_872, %add3A_879 : vector<16xi32>
    %gather3A_881 = tpu.vector_load_idx %arg5[%add3A_880] : memref<20480xf32, #tpu.memory_space<vmem>>[vector<16xi32>], vector<16xf32>,
    %add3A_882 = arith.constant 3 : i32
    %add3A_883 = vector.broadcast %add3A_882 : i32 to vector<16xi32>
    %add3A_884 = arith.addi %mul3A_872, %add3A_883 : vector<16xi32>
    %gather3A_885 = tpu.vector_load_idx %arg5[%add3A_884] : memref<20480xf32, #tpu.memory_space<vmem>>[vector<16xi32>], vector<16xf32>,
    %swap3A_886 = arith.constant 288 : index
    %swap3A_887 = tpu.vector_load %arg7[%swap3A_886] {strides = array<i32>} : memref<320xf32, #tpu.memory_space<vmem>>, vector<16xf32>,
    tpu.vector_store %arg7[%swap3A_886], %gather3A_873 {strides = array<i32>} : memref<320xf32, #tpu.memory_space<vmem>>, vector<16xf32>,
    %swap3A_888 = arith.constant 288 : index
    %swap3A_889 = tpu.vector_load %arg8[%swap3A_888] {strides = array<i32>} : memref<320xf32, #tpu.memory_space<vmem>>, vector<16xf32>,
    tpu.vector_store %arg8[%swap3A_888], %gather3A_877 {strides = array<i32>} : memref<320xf32, #tpu.memory_space<vmem>>, vector<16xf32>,
    %swap3A_890 = arith.constant 288 : index
    %swap3A_891 = tpu.vector_load %arg9[%swap3A_890] {strides = array<i32>} : memref<320xf32, #tpu.memory_space<vmem>>, vector<16xf32>,
    tpu.vector_store %arg9[%swap3A_890], %gather3A_881 {strides = array<i32>} : memref<320xf32, #tpu.memory_space<vmem>>, vector<16xf32>,
    %swap3A_892 = arith.constant 288 : index
    %swap3A_893 = tpu.vector_load %arg10[%swap3A_892] {strides = array<i32>} : memref<320xf32, #tpu.memory_space<vmem>>, vector<16xf32>,
    tpu.vector_store %arg10[%swap3A_892], %gather3A_885 {strides = array<i32>} : memref<320xf32, #tpu.memory_space<vmem>>, vector<16xf32>,
    %add3A_894 = arith.constant 288 : i32
    %add3A_895 = arith.addi %mul3A_0, %add3A_894 : i32
    %get3A_896 = arith.index_cast %add3A_895 : i32 to index
    %get3A_897 = tpu.vector_load %arg6[%get3A_896] {strides = array<i32>} : memref<5120xf32, #tpu.memory_space<vmem>>, vector<16xf32>,
    %gt3A_898 = arith.cmpf ogt, %gather3A_881, %gather3A_873 : vector<16xf32>
    %gt3A_899 = arith.cmpf ogt, %gather3A_885, %gather3A_877 : vector<16xf32>
    %and3A_900 = arith.andi %gt3A_898, %gt3A_899 : vector<16xi1>
    %gt3A_901 = arith.constant 1.000000e-01 : f32
    %gt3A_902 = vector.broadcast %gt3A_901 : f32 to vector<16xf32>
    %gt3A_903 = arith.cmpf ogt, %get3A_897, %gt3A_902 : vector<16xf32>
    %and3A_904 = arith.andi %and3A_900, %gt3A_903 : vector<16xi1>
    %jit3A_905 = arith.constant 0xFF800000 : f32
    %broadcast_in_dim3A_906 = vector.broadcast %jit3A_905 : f32 to vector<16xf32>
    %select_n3A_907 = arith.select %and3A_904, %get3A_897, %broadcast_in_dim3A_906 : vector<16xi1>, vector<16xf32>
    %swap3A_908 = arith.constant 288 : index
    %swap3A_909 = tpu.vector_load %arg11[%swap3A_908] {strides = array<i32>} : memref<320xf32, #tpu.memory_space<vmem>>, vector<16xf32>,
    tpu.vector_store %arg11[%swap3A_908], %select_n3A_907 {strides = array<i32>} : memref<320xf32, #tpu.memory_space<vmem>>, vector<16xf32>,
    %add3A_910 = arith.constant 304 : i32
    %add3A_911 = arith.addi %mul3A_0, %add3A_910 : i32
    %add3A_912 = vector.broadcast %add3A_911 : i32 to vector<16xi32>
    %add3A_913 = arith.addi %add3A_912, %iota3A : vector<16xi32>
    %mul3A_914 = arith.constant 4 : i32
    %mul3A_915 = vector.broadcast %mul3A_914 : i32 to vector<16xi32>
    %mul3A_916 = arith.muli %add3A_913, %mul3A_915 : vector<16xi32>
    %gather3A_917 = tpu.vector_load_idx %arg5[%mul3A_916] : memref<20480xf32, #tpu.memory_space<vmem>>[vector<16xi32>], vector<16xf32>,
    %add3A_918 = arith.constant 1 : i32
    %add3A_919 = vector.broadcast %add3A_918 : i32 to vector<16xi32>
    %add3A_920 = arith.addi %mul3A_916, %add3A_919 : vector<16xi32>
    %gather3A_921 = tpu.vector_load_idx %arg5[%add3A_920] : memref<20480xf32, #tpu.memory_space<vmem>>[vector<16xi32>], vector<16xf32>,
    %add3A_922 = arith.constant 2 : i32
    %add3A_923 = vector.broadcast %add3A_922 : i32 to vector<16xi32>
    %add3A_924 = arith.addi %mul3A_916, %add3A_923 : vector<16xi32>
    %gather3A_925 = tpu.vector_load_idx %arg5[%add3A_924] : memref<20480xf32, #tpu.memory_space<vmem>>[vector<16xi32>], vector<16xf32>,
    %add3A_926 = arith.constant 3 : i32
    %add3A_927 = vector.broadcast %add3A_926 : i32 to vector<16xi32>
    %add3A_928 = arith.addi %mul3A_916, %add3A_927 : vector<16xi32>
    %gather3A_929 = tpu.vector_load_idx %arg5[%add3A_928] : memref<20480xf32, #tpu.memory_space<vmem>>[vector<16xi32>], vector<16xf32>,
    %swap3A_930 = arith.constant 304 : index
    %swap3A_931 = tpu.vector_load %arg7[%swap3A_930] {strides = array<i32>} : memref<320xf32, #tpu.memory_space<vmem>>, vector<16xf32>,
    tpu.vector_store %arg7[%swap3A_930], %gather3A_917 {strides = array<i32>} : memref<320xf32, #tpu.memory_space<vmem>>, vector<16xf32>,
    %swap3A_932 = arith.constant 304 : index
    %swap3A_933 = tpu.vector_load %arg8[%swap3A_932] {strides = array<i32>} : memref<320xf32, #tpu.memory_space<vmem>>, vector<16xf32>,
    tpu.vector_store %arg8[%swap3A_932], %gather3A_921 {strides = array<i32>} : memref<320xf32, #tpu.memory_space<vmem>>, vector<16xf32>,
    %swap3A_934 = arith.constant 304 : index
    %swap3A_935 = tpu.vector_load %arg9[%swap3A_934] {strides = array<i32>} : memref<320xf32, #tpu.memory_space<vmem>>, vector<16xf32>,
    tpu.vector_store %arg9[%swap3A_934], %gather3A_925 {strides = array<i32>} : memref<320xf32, #tpu.memory_space<vmem>>, vector<16xf32>,
    %swap3A_936 = arith.constant 304 : index
    %swap3A_937 = tpu.vector_load %arg10[%swap3A_936] {strides = array<i32>} : memref<320xf32, #tpu.memory_space<vmem>>, vector<16xf32>,
    tpu.vector_store %arg10[%swap3A_936], %gather3A_929 {strides = array<i32>} : memref<320xf32, #tpu.memory_space<vmem>>, vector<16xf32>,
    %add3A_938 = arith.constant 304 : i32
    %add3A_939 = arith.addi %mul3A_0, %add3A_938 : i32
    %get3A_940 = arith.index_cast %add3A_939 : i32 to index
    %get3A_941 = tpu.vector_load %arg6[%get3A_940] {strides = array<i32>} : memref<5120xf32, #tpu.memory_space<vmem>>, vector<16xf32>,
    %gt3A_942 = arith.cmpf ogt, %gather3A_925, %gather3A_917 : vector<16xf32>
    %gt3A_943 = arith.cmpf ogt, %gather3A_929, %gather3A_921 : vector<16xf32>
    %and3A_944 = arith.andi %gt3A_942, %gt3A_943 : vector<16xi1>
    %gt3A_945 = arith.constant 1.000000e-01 : f32
    %gt3A_946 = vector.broadcast %gt3A_945 : f32 to vector<16xf32>
    %gt3A_947 = arith.cmpf ogt, %get3A_941, %gt3A_946 : vector<16xf32>
    %and3A_948 = arith.andi %and3A_944, %gt3A_947 : vector<16xi1>
    %jit3A_949 = arith.constant 0xFF800000 : f32
    %broadcast_in_dim3A_950 = vector.broadcast %jit3A_949 : f32 to vector<16xf32>
    %select_n3A_951 = arith.select %and3A_948, %get3A_941, %broadcast_in_dim3A_950 : vector<16xi1>, vector<16xf32>
    %swap3A_952 = arith.constant 304 : index
    %swap3A_953 = tpu.vector_load %arg11[%swap3A_952] {strides = array<i32>} : memref<320xf32, #tpu.memory_space<vmem>>, vector<16xf32>,
    tpu.vector_store %arg11[%swap3A_952], %select_n3A_951 {strides = array<i32>} : memref<320xf32, #tpu.memory_space<vmem>>, vector<16xf32>,
    %convert_element_type3A_954 = arith.sitofp %mul3A_0 : i32 to f32
    %add3A_955 = vector.broadcast %convert_element_type3A_954 : f32 to vector<16xf32>
    %add3A_956 = arith.addf %convert_element_type3A, %add3A_955 : vector<16xf32>
    %broadcast_in_dim3A_957 = arith.constant 0.000000e+00 : f32
    %broadcast_in_dim3A_958 = vector.broadcast %broadcast_in_dim3A_957 : f32 to vector<16xf32>
    %while3A = arith.constant 0 : i32
    %while3A_959 = arith.constant 0 : i32
    %while3A_960 = arith.constant 1 : i32
    %while3A_961:23 = scf.while (%while3A_964 = %while3A, %while3A_965 = %while3A_959, %while3A_966 = %while3A_960, %while3A_967 = %broadcast_in_dim3A_958, %while3A_968 = %broadcast_in_dim3A_958, %while3A_969 = %broadcast_in_dim3A_958, %while3A_970 = %broadcast_in_dim3A_958, %while3A_971 = %broadcast_in_dim3A_958, %while3A_972 = %broadcast_in_dim3A_958, %while3A_973 = %broadcast_in_dim3A_958, %while3A_974 = %broadcast_in_dim3A_958, %while3A_975 = %broadcast_in_dim3A_958, %while3A_976 = %broadcast_in_dim3A_958, %while3A_977 = %broadcast_in_dim3A_958, %while3A_978 = %broadcast_in_dim3A_958, %while3A_979 = %broadcast_in_dim3A_958, %while3A_980 = %broadcast_in_dim3A_958, %while3A_981 = %broadcast_in_dim3A_958, %while3A_982 = %broadcast_in_dim3A_958, %while3A_983 = %broadcast_in_dim3A_958, %while3A_984 = %broadcast_in_dim3A_958, %while3A_985 = %broadcast_in_dim3A_958, %while3A_986 = %broadcast_in_dim3A_958) : (i32, i32, i32, vector<16xf32>, vector<16xf32>, vector<16xf32>, vector<16xf32>, vector<16xf32>, vector<16xf32>, vector<16xf32>, vector<16xf32>, vector<16xf32>, vector<16xf32>, vector<16xf32>, vector<16xf32>, vector<16xf32>, vector<16xf32>, vector<16xf32>, vector<16xf32>, vector<16xf32>, vector<16xf32>, vector<16xf32>, vector<16xf32>) -> (i32, i32, i32, vector<16xf32>, vector<16xf32>, vector<16xf32>, vector<16xf32>, vector<16xf32>, vector<16xf32>, vector<16xf32>, vector<16xf32>, vector<16xf32>, vector<16xf32>, vector<16xf32>, vector<16xf32>, vector<16xf32>, vector<16xf32>, vector<16xf32>, vector<16xf32>, vector<16xf32>, vector<16xf32>, vector<16xf32>, vector<16xf32>) {
      %lt3A = arith.constant 100 : i32
      %lt3A_987 = arith.cmpi slt, %while3A_965, %lt3A : i32
      %gt3A_988 = arith.constant 0 : i32
      %gt3A_989 = arith.cmpi sgt, %while3A_966, %gt3A_988 : i32
      %and3A_990 = arith.andi %lt3A_987, %gt3A_989 : i1
      scf.condition(%and3A_990) %while3A_964, %while3A_965, %while3A_966, %while3A_967, %while3A_968, %while3A_969, %while3A_970, %while3A_971, %while3A_972, %while3A_973, %while3A_974, %while3A_975, %while3A_976, %while3A_977, %while3A_978, %while3A_979, %while3A_980, %while3A_981, %while3A_982, %while3A_983, %while3A_984, %while3A_985, %while3A_986 : i32, i32, i32, vector<16xf32>, vector<16xf32>, vector<16xf32>, vector<16xf32>, vector<16xf32>, vector<16xf32>, vector<16xf32>, vector<16xf32>, vector<16xf32>, vector<16xf32>, vector<16xf32>, vector<16xf32>, vector<16xf32>, vector<16xf32>, vector<16xf32>, vector<16xf32>, vector<16xf32>, vector<16xf32>, vector<16xf32>, vector<16xf32>
    } do {
    ^bb0(%while3A_964: i32, %while3A_965: i32, %while3A_966: i32, %while3A_967: vector<16xf32>, %while3A_968: vector<16xf32>, %while3A_969: vector<16xf32>, %while3A_970: vector<16xf32>, %while3A_971: vector<16xf32>, %while3A_972: vector<16xf32>, %while3A_973: vector<16xf32>, %while3A_974: vector<16xf32>, %while3A_975: vector<16xf32>, %while3A_976: vector<16xf32>, %while3A_977: vector<16xf32>, %while3A_978: vector<16xf32>, %while3A_979: vector<16xf32>, %while3A_980: vector<16xf32>, %while3A_981: vector<16xf32>, %while3A_982: vector<16xf32>, %while3A_983: vector<16xf32>, %while3A_984: vector<16xf32>, %while3A_985: vector<16xf32>, %while3A_986: vector<16xf32>):
      %broadcast_in_dim3A_987 = arith.constant 0xFF800000 : f32
      %broadcast_in_dim3A_988 = vector.broadcast %broadcast_in_dim3A_987 : f32 to vector<16xf32>
      %broadcast_in_dim3A_989 = arith.constant 0xFF800000 : f32
      %broadcast_in_dim3A_990 = vector.broadcast %broadcast_in_dim3A_989 : f32 to vector<16xf32>
      %broadcast_in_dim3A_991 = arith.constant 1.000000e+09 : f32
      %broadcast_in_dim3A_992 = vector.broadcast %broadcast_in_dim3A_991 : f32 to vector<16xf32>
      %get3A_993 = arith.constant 0 : index
      %get3A_994 = tpu.vector_load %arg7[%get3A_993] {strides = array<i32>} : memref<320xf32, #tpu.memory_space<vmem>>, vector<16xf32>,
      %get3A_995 = arith.constant 0 : index
      %get3A_996 = tpu.vector_load %arg8[%get3A_995] {strides = array<i32>} : memref<320xf32, #tpu.memory_space<vmem>>, vector<16xf32>,
      %get3A_997 = arith.constant 0 : index
      %get3A_998 = tpu.vector_load %arg9[%get3A_997] {strides = array<i32>} : memref<320xf32, #tpu.memory_space<vmem>>, vector<16xf32>,
      %get3A_999 = arith.constant 0 : index
      %get3A_1000 = tpu.vector_load %arg10[%get3A_999] {strides = array<i32>} : memref<320xf32, #tpu.memory_space<vmem>>, vector<16xf32>,
      %sub3A = arith.subf %get3A_998, %get3A_994 : vector<16xf32>
      %sub3A_1001 = arith.subf %get3A_1000, %get3A_996 : vector<16xf32>
      %mul3A_1002 = arith.mulf %sub3A, %sub3A_1001 : vector<16xf32>
      %get3A_1003 = arith.constant 0 : index
      %get3A_1004 = tpu.vector_load %arg11[%get3A_1003] {strides = array<i32>} : memref<320xf32, #tpu.memory_space<vmem>>, vector<16xf32>,
      %max3A = arith.maximumf %get3A_994, %while3A_967 : vector<16xf32>
      %max3A_1005 = arith.maximumf %get3A_996, %while3A_968 : vector<16xf32>
      %min3A = arith.minimumf %get3A_998, %while3A_969 : vector<16xf32>
      %min3A_1006 = arith.minimumf %get3A_1000, %while3A_970 : vector<16xf32>
      %sub3A_1007 = arith.subf %min3A, %max3A : vector<16xf32>
      %max3A_1008 = arith.constant 0.000000e+00 : f32
      %max3A_1009 = vector.broadcast %max3A_1008 : f32 to vector<16xf32>
      %max3A_1010 = arith.maximumf %sub3A_1007, %max3A_1009 : vector<16xf32>
      %sub3A_1011 = arith.subf %min3A_1006, %max3A_1005 : vector<16xf32>
      %max3A_1012 = arith.constant 0.000000e+00 : f32
      %max3A_1013 = vector.broadcast %max3A_1012 : f32 to vector<16xf32>
      %max3A_1014 = arith.maximumf %sub3A_1011, %max3A_1013 : vector<16xf32>
      %mul3A_1015 = arith.mulf %max3A_1010, %max3A_1014 : vector<16xf32>
      %add3A_1016 = arith.addf %mul3A_1002, %while3A_971 : vector<16xf32>
      %sub3A_1017 = arith.subf %add3A_1016, %mul3A_1015 : vector<16xf32>
      %mul3A_1018 = arith.constant 3.000000e-01 : f32
      %mul3A_1019 = vector.broadcast %mul3A_1018 : f32 to vector<16xf32>
      %mul3A_1020 = arith.mulf %mul3A_1019, %sub3A_1017 : vector<16xf32>
      %gt3A_1021 = arith.cmpf ogt, %mul3A_1015, %mul3A_1020 : vector<16xf32>
      %jit3A_1022 = arith.constant 0xFF800000 : f32
      %broadcast_in_dim3A_1023 = vector.broadcast %jit3A_1022 : f32 to vector<16xf32>
      %select_n3A_1024 = arith.select %gt3A_1021, %broadcast_in_dim3A_1023, %get3A_1004 : vector<16xi1>, vector<16xf32>
      %max3A_1025 = arith.maximumf %get3A_994, %while3A_972 : vector<16xf32>
      %max3A_1026 = arith.maximumf %get3A_996, %while3A_973 : vector<16xf32>
      %min3A_1027 = arith.minimumf %get3A_998, %while3A_974 : vector<16xf32>
      %min3A_1028 = arith.minimumf %get3A_1000, %while3A_975 : vector<16xf32>
      %sub3A_1029 = arith.subf %min3A_1027, %max3A_1025 : vector<16xf32>
      %max3A_1030 = arith.constant 0.000000e+00 : f32
      %max3A_1031 = vector.broadcast %max3A_1030 : f32 to vector<16xf32>
      %max3A_1032 = arith.maximumf %sub3A_1029, %max3A_1031 : vector<16xf32>
      %sub3A_1033 = arith.subf %min3A_1028, %max3A_1026 : vector<16xf32>
      %max3A_1034 = arith.constant 0.000000e+00 : f32
      %max3A_1035 = vector.broadcast %max3A_1034 : f32 to vector<16xf32>
      %max3A_1036 = arith.maximumf %sub3A_1033, %max3A_1035 : vector<16xf32>
      %mul3A_1037 = arith.mulf %max3A_1032, %max3A_1036 : vector<16xf32>
      %add3A_1038 = arith.addf %mul3A_1002, %while3A_976 : vector<16xf32>
      %sub3A_1039 = arith.subf %add3A_1038, %mul3A_1037 : vector<16xf32>
      %mul3A_1040 = arith.constant 3.000000e-01 : f32
      %mul3A_1041 = vector.broadcast %mul3A_1040 : f32 to vector<16xf32>
      %mul3A_1042 = arith.mulf %mul3A_1041, %sub3A_1039 : vector<16xf32>
      %gt3A_1043 = arith.cmpf ogt, %mul3A_1037, %mul3A_1042 : vector<16xf32>
      %jit3A_1044 = arith.constant 0xFF800000 : f32
      %broadcast_in_dim3A_1045 = vector.broadcast %jit3A_1044 : f32 to vector<16xf32>
      %select_n3A_1046 = arith.select %gt3A_1043, %broadcast_in_dim3A_1045, %select_n3A_1024 : vector<16xi1>, vector<16xf32>
      %max3A_1047 = arith.maximumf %get3A_994, %while3A_977 : vector<16xf32>
      %max3A_1048 = arith.maximumf %get3A_996, %while3A_978 : vector<16xf32>
      %min3A_1049 = arith.minimumf %get3A_998, %while3A_979 : vector<16xf32>
      %min3A_1050 = arith.minimumf %get3A_1000, %while3A_980 : vector<16xf32>
      %sub3A_1051 = arith.subf %min3A_1049, %max3A_1047 : vector<16xf32>
      %max3A_1052 = arith.constant 0.000000e+00 : f32
      %max3A_1053 = vector.broadcast %max3A_1052 : f32 to vector<16xf32>
      %max3A_1054 = arith.maximumf %sub3A_1051, %max3A_1053 : vector<16xf32>
      %sub3A_1055 = arith.subf %min3A_1050, %max3A_1048 : vector<16xf32>
      %max3A_1056 = arith.constant 0.000000e+00 : f32
      %max3A_1057 = vector.broadcast %max3A_1056 : f32 to vector<16xf32>
      %max3A_1058 = arith.maximumf %sub3A_1055, %max3A_1057 : vector<16xf32>
      %mul3A_1059 = arith.mulf %max3A_1054, %max3A_1058 : vector<16xf32>
      %add3A_1060 = arith.addf %mul3A_1002, %while3A_981 : vector<16xf32>
      %sub3A_1061 = arith.subf %add3A_1060, %mul3A_1059 : vector<16xf32>
      %mul3A_1062 = arith.constant 3.000000e-01 : f32
      %mul3A_1063 = vector.broadcast %mul3A_1062 : f32 to vector<16xf32>
      %mul3A_1064 = arith.mulf %mul3A_1063, %sub3A_1061 : vector<16xf32>
      %gt3A_1065 = arith.cmpf ogt, %mul3A_1059, %mul3A_1064 : vector<16xf32>
      %jit3A_1066 = arith.constant 0xFF800000 : f32
      %broadcast_in_dim3A_1067 = vector.broadcast %jit3A_1066 : f32 to vector<16xf32>
      %select_n3A_1068 = arith.select %gt3A_1065, %broadcast_in_dim3A_1067, %select_n3A_1046 : vector<16xi1>, vector<16xf32>
      %max3A_1069 = arith.maximumf %get3A_994, %while3A_982 : vector<16xf32>
      %max3A_1070 = arith.maximumf %get3A_996, %while3A_983 : vector<16xf32>
      %min3A_1071 = arith.minimumf %get3A_998, %while3A_984 : vector<16xf32>
      %min3A_1072 = arith.minimumf %get3A_1000, %while3A_985 : vector<16xf32>
      %sub3A_1073 = arith.subf %min3A_1071, %max3A_1069 : vector<16xf32>
      %max3A_1074 = arith.constant 0.000000e+00 : f32
      %max3A_1075 = vector.broadcast %max3A_1074 : f32 to vector<16xf32>
      %max3A_1076 = arith.maximumf %sub3A_1073, %max3A_1075 : vector<16xf32>
      %sub3A_1077 = arith.subf %min3A_1072, %max3A_1070 : vector<16xf32>
      %max3A_1078 = arith.constant 0.000000e+00 : f32
      %max3A_1079 = vector.broadcast %max3A_1078 : f32 to vector<16xf32>
      %max3A_1080 = arith.maximumf %sub3A_1077, %max3A_1079 : vector<16xf32>
      %mul3A_1081 = arith.mulf %max3A_1076, %max3A_1080 : vector<16xf32>
      %add3A_1082 = arith.addf %mul3A_1002, %while3A_986 : vector<16xf32>
      %sub3A_1083 = arith.subf %add3A_1082, %mul3A_1081 : vector<16xf32>
      %mul3A_1084 = arith.constant 3.000000e-01 : f32
      %mul3A_1085 = vector.broadcast %mul3A_1084 : f32 to vector<16xf32>
      %mul3A_1086 = arith.mulf %mul3A_1085, %sub3A_1083 : vector<16xf32>
      %gt3A_1087 = arith.cmpf ogt, %mul3A_1081, %mul3A_1086 : vector<16xf32>
      %jit3A_1088 = arith.constant 0xFF800000 : f32
      %broadcast_in_dim3A_1089 = vector.broadcast %jit3A_1088 : f32 to vector<16xf32>
      %select_n3A_1090 = arith.select %gt3A_1087, %broadcast_in_dim3A_1089, %select_n3A_1068 : vector<16xi1>, vector<16xf32>
      %swap3A_1091 = arith.constant 0 : index
      %swap3A_1092 = tpu.vector_load %arg11[%swap3A_1091] {strides = array<i32>} : memref<320xf32, #tpu.memory_space<vmem>>, vector<16xf32>,
      tpu.vector_store %arg11[%swap3A_1091], %select_n3A_1090 {strides = array<i32>} : memref<320xf32, #tpu.memory_space<vmem>>, vector<16xf32>,
      %gt3A_1093 = arith.cmpf ogt, %select_n3A_1090, %broadcast_in_dim3A_988 : vector<16xf32>
      %min3A_1094 = arith.minimumf %broadcast_in_dim3A_988, %select_n3A_1090 : vector<16xf32>
      %max3A_1095 = arith.maximumf %broadcast_in_dim3A_990, %min3A_1094 : vector<16xf32>
      %select_n3A_1096 = arith.select %gt3A_1093, %select_n3A_1090, %broadcast_in_dim3A_988 : vector<16xi1>, vector<16xf32>
      %add3A_1097 = arith.constant 0.000000e+00 : f32
      %add3A_1098 = vector.broadcast %add3A_1097 : f32 to vector<16xf32>
      %add3A_1099 = arith.addf %add3A_956, %add3A_1098 : vector<16xf32>
      %select_n3A_1100 = arith.select %gt3A_1093, %add3A_1099, %broadcast_in_dim3A_992 : vector<16xi1>, vector<16xf32>
      %get3A_1101 = arith.constant 16 : index
      %get3A_1102 = tpu.vector_load %arg7[%get3A_1101] {strides = array<i32>} : memref<320xf32, #tpu.memory_space<vmem>>, vector<16xf32>,
      %get3A_1103 = arith.constant 16 : index
      %get3A_1104 = tpu.vector_load %arg8[%get3A_1103] {strides = array<i32>} : memref<320xf32, #tpu.memory_space<vmem>>, vector<16xf32>,
      %get3A_1105 = arith.constant 16 : index
      %get3A_1106 = tpu.vector_load %arg9[%get3A_1105] {strides = array<i32>} : memref<320xf32, #tpu.memory_space<vmem>>, vector<16xf32>,
      %get3A_1107 = arith.constant 16 : index
      %get3A_1108 = tpu.vector_load %arg10[%get3A_1107] {strides = array<i32>} : memref<320xf32, #tpu.memory_space<vmem>>, vector<16xf32>,
      %sub3A_1109 = arith.subf %get3A_1106, %get3A_1102 : vector<16xf32>
      %sub3A_1110 = arith.subf %get3A_1108, %get3A_1104 : vector<16xf32>
      %mul3A_1111 = arith.mulf %sub3A_1109, %sub3A_1110 : vector<16xf32>
      %get3A_1112 = arith.constant 16 : index
      %get3A_1113 = tpu.vector_load %arg11[%get3A_1112] {strides = array<i32>} : memref<320xf32, #tpu.memory_space<vmem>>, vector<16xf32>,
      %max3A_1114 = arith.maximumf %get3A_1102, %while3A_967 : vector<16xf32>
      %max3A_1115 = arith.maximumf %get3A_1104, %while3A_968 : vector<16xf32>
      %min3A_1116 = arith.minimumf %get3A_1106, %while3A_969 : vector<16xf32>
      %min3A_1117 = arith.minimumf %get3A_1108, %while3A_970 : vector<16xf32>
      %sub3A_1118 = arith.subf %min3A_1116, %max3A_1114 : vector<16xf32>
      %max3A_1119 = arith.constant 0.000000e+00 : f32
      %max3A_1120 = vector.broadcast %max3A_1119 : f32 to vector<16xf32>
      %max3A_1121 = arith.maximumf %sub3A_1118, %max3A_1120 : vector<16xf32>
      %sub3A_1122 = arith.subf %min3A_1117, %max3A_1115 : vector<16xf32>
      %max3A_1123 = arith.constant 0.000000e+00 : f32
      %max3A_1124 = vector.broadcast %max3A_1123 : f32 to vector<16xf32>
      %max3A_1125 = arith.maximumf %sub3A_1122, %max3A_1124 : vector<16xf32>
      %mul3A_1126 = arith.mulf %max3A_1121, %max3A_1125 : vector<16xf32>
      %add3A_1127 = arith.addf %mul3A_1111, %while3A_971 : vector<16xf32>
      %sub3A_1128 = arith.subf %add3A_1127, %mul3A_1126 : vector<16xf32>
      %mul3A_1129 = arith.constant 3.000000e-01 : f32
      %mul3A_1130 = vector.broadcast %mul3A_1129 : f32 to vector<16xf32>
      %mul3A_1131 = arith.mulf %mul3A_1130, %sub3A_1128 : vector<16xf32>
      %gt3A_1132 = arith.cmpf ogt, %mul3A_1126, %mul3A_1131 : vector<16xf32>
      %jit3A_1133 = arith.constant 0xFF800000 : f32
      %broadcast_in_dim3A_1134 = vector.broadcast %jit3A_1133 : f32 to vector<16xf32>
      %select_n3A_1135 = arith.select %gt3A_1132, %broadcast_in_dim3A_1134, %get3A_1113 : vector<16xi1>, vector<16xf32>
      %max3A_1136 = arith.maximumf %get3A_1102, %while3A_972 : vector<16xf32>
      %max3A_1137 = arith.maximumf %get3A_1104, %while3A_973 : vector<16xf32>
      %min3A_1138 = arith.minimumf %get3A_1106, %while3A_974 : vector<16xf32>
      %min3A_1139 = arith.minimumf %get3A_1108, %while3A_975 : vector<16xf32>
      %sub3A_1140 = arith.subf %min3A_1138, %max3A_1136 : vector<16xf32>
      %max3A_1141 = arith.constant 0.000000e+00 : f32
      %max3A_1142 = vector.broadcast %max3A_1141 : f32 to vector<16xf32>
      %max3A_1143 = arith.maximumf %sub3A_1140, %max3A_1142 : vector<16xf32>
      %sub3A_1144 = arith.subf %min3A_1139, %max3A_1137 : vector<16xf32>
      %max3A_1145 = arith.constant 0.000000e+00 : f32
      %max3A_1146 = vector.broadcast %max3A_1145 : f32 to vector<16xf32>
      %max3A_1147 = arith.maximumf %sub3A_1144, %max3A_1146 : vector<16xf32>
      %mul3A_1148 = arith.mulf %max3A_1143, %max3A_1147 : vector<16xf32>
      %add3A_1149 = arith.addf %mul3A_1111, %while3A_976 : vector<16xf32>
      %sub3A_1150 = arith.subf %add3A_1149, %mul3A_1148 : vector<16xf32>
      %mul3A_1151 = arith.constant 3.000000e-01 : f32
      %mul3A_1152 = vector.broadcast %mul3A_1151 : f32 to vector<16xf32>
      %mul3A_1153 = arith.mulf %mul3A_1152, %sub3A_1150 : vector<16xf32>
      %gt3A_1154 = arith.cmpf ogt, %mul3A_1148, %mul3A_1153 : vector<16xf32>
      %jit3A_1155 = arith.constant 0xFF800000 : f32
      %broadcast_in_dim3A_1156 = vector.broadcast %jit3A_1155 : f32 to vector<16xf32>
      %select_n3A_1157 = arith.select %gt3A_1154, %broadcast_in_dim3A_1156, %select_n3A_1135 : vector<16xi1>, vector<16xf32>
      %max3A_1158 = arith.maximumf %get3A_1102, %while3A_977 : vector<16xf32>
      %max3A_1159 = arith.maximumf %get3A_1104, %while3A_978 : vector<16xf32>
      %min3A_1160 = arith.minimumf %get3A_1106, %while3A_979 : vector<16xf32>
      %min3A_1161 = arith.minimumf %get3A_1108, %while3A_980 : vector<16xf32>
      %sub3A_1162 = arith.subf %min3A_1160, %max3A_1158 : vector<16xf32>
      %max3A_1163 = arith.constant 0.000000e+00 : f32
      %max3A_1164 = vector.broadcast %max3A_1163 : f32 to vector<16xf32>
      %max3A_1165 = arith.maximumf %sub3A_1162, %max3A_1164 : vector<16xf32>
      %sub3A_1166 = arith.subf %min3A_1161, %max3A_1159 : vector<16xf32>
      %max3A_1167 = arith.constant 0.000000e+00 : f32
      %max3A_1168 = vector.broadcast %max3A_1167 : f32 to vector<16xf32>
      %max3A_1169 = arith.maximumf %sub3A_1166, %max3A_1168 : vector<16xf32>
      %mul3A_1170 = arith.mulf %max3A_1165, %max3A_1169 : vector<16xf32>
      %add3A_1171 = arith.addf %mul3A_1111, %while3A_981 : vector<16xf32>
      %sub3A_1172 = arith.subf %add3A_1171, %mul3A_1170 : vector<16xf32>
      %mul3A_1173 = arith.constant 3.000000e-01 : f32
      %mul3A_1174 = vector.broadcast %mul3A_1173 : f32 to vector<16xf32>
      %mul3A_1175 = arith.mulf %mul3A_1174, %sub3A_1172 : vector<16xf32>
      %gt3A_1176 = arith.cmpf ogt, %mul3A_1170, %mul3A_1175 : vector<16xf32>
      %jit3A_1177 = arith.constant 0xFF800000 : f32
      %broadcast_in_dim3A_1178 = vector.broadcast %jit3A_1177 : f32 to vector<16xf32>
      %select_n3A_1179 = arith.select %gt3A_1176, %broadcast_in_dim3A_1178, %select_n3A_1157 : vector<16xi1>, vector<16xf32>
      %max3A_1180 = arith.maximumf %get3A_1102, %while3A_982 : vector<16xf32>
      %max3A_1181 = arith.maximumf %get3A_1104, %while3A_983 : vector<16xf32>
      %min3A_1182 = arith.minimumf %get3A_1106, %while3A_984 : vector<16xf32>
      %min3A_1183 = arith.minimumf %get3A_1108, %while3A_985 : vector<16xf32>
      %sub3A_1184 = arith.subf %min3A_1182, %max3A_1180 : vector<16xf32>
      %max3A_1185 = arith.constant 0.000000e+00 : f32
      %max3A_1186 = vector.broadcast %max3A_1185 : f32 to vector<16xf32>
      %max3A_1187 = arith.maximumf %sub3A_1184, %max3A_1186 : vector<16xf32>
      %sub3A_1188 = arith.subf %min3A_1183, %max3A_1181 : vector<16xf32>
      %max3A_1189 = arith.constant 0.000000e+00 : f32
      %max3A_1190 = vector.broadcast %max3A_1189 : f32 to vector<16xf32>
      %max3A_1191 = arith.maximumf %sub3A_1188, %max3A_1190 : vector<16xf32>
      %mul3A_1192 = arith.mulf %max3A_1187, %max3A_1191 : vector<16xf32>
      %add3A_1193 = arith.addf %mul3A_1111, %while3A_986 : vector<16xf32>
      %sub3A_1194 = arith.subf %add3A_1193, %mul3A_1192 : vector<16xf32>
      %mul3A_1195 = arith.constant 3.000000e-01 : f32
      %mul3A_1196 = vector.broadcast %mul3A_1195 : f32 to vector<16xf32>
      %mul3A_1197 = arith.mulf %mul3A_1196, %sub3A_1194 : vector<16xf32>
      %gt3A_1198 = arith.cmpf ogt, %mul3A_1192, %mul3A_1197 : vector<16xf32>
      %jit3A_1199 = arith.constant 0xFF800000 : f32
      %broadcast_in_dim3A_1200 = vector.broadcast %jit3A_1199 : f32 to vector<16xf32>
      %select_n3A_1201 = arith.select %gt3A_1198, %broadcast_in_dim3A_1200, %select_n3A_1179 : vector<16xi1>, vector<16xf32>
      %swap3A_1202 = arith.constant 16 : index
      %swap3A_1203 = tpu.vector_load %arg11[%swap3A_1202] {strides = array<i32>} : memref<320xf32, #tpu.memory_space<vmem>>, vector<16xf32>,
      tpu.vector_store %arg11[%swap3A_1202], %select_n3A_1201 {strides = array<i32>} : memref<320xf32, #tpu.memory_space<vmem>>, vector<16xf32>,
      %gt3A_1204 = arith.cmpf ogt, %select_n3A_1201, %select_n3A_1096 : vector<16xf32>
      %min3A_1205 = arith.minimumf %select_n3A_1096, %select_n3A_1201 : vector<16xf32>
      %max3A_1206 = arith.maximumf %max3A_1095, %min3A_1205 : vector<16xf32>
      %select_n3A_1207 = arith.select %gt3A_1204, %select_n3A_1201, %select_n3A_1096 : vector<16xi1>, vector<16xf32>
      %add3A_1208 = arith.constant 1.600000e+01 : f32
      %add3A_1209 = vector.broadcast %add3A_1208 : f32 to vector<16xf32>
      %add3A_1210 = arith.addf %add3A_956, %add3A_1209 : vector<16xf32>
      %select_n3A_1211 = arith.select %gt3A_1204, %add3A_1210, %select_n3A_1100 : vector<16xi1>, vector<16xf32>
      %get3A_1212 = arith.constant 32 : index
      %get3A_1213 = tpu.vector_load %arg7[%get3A_1212] {strides = array<i32>} : memref<320xf32, #tpu.memory_space<vmem>>, vector<16xf32>,
      %get3A_1214 = arith.constant 32 : index
      %get3A_1215 = tpu.vector_load %arg8[%get3A_1214] {strides = array<i32>} : memref<320xf32, #tpu.memory_space<vmem>>, vector<16xf32>,
      %get3A_1216 = arith.constant 32 : index
      %get3A_1217 = tpu.vector_load %arg9[%get3A_1216] {strides = array<i32>} : memref<320xf32, #tpu.memory_space<vmem>>, vector<16xf32>,
      %get3A_1218 = arith.constant 32 : index
      %get3A_1219 = tpu.vector_load %arg10[%get3A_1218] {strides = array<i32>} : memref<320xf32, #tpu.memory_space<vmem>>, vector<16xf32>,
      %sub3A_1220 = arith.subf %get3A_1217, %get3A_1213 : vector<16xf32>
      %sub3A_1221 = arith.subf %get3A_1219, %get3A_1215 : vector<16xf32>
      %mul3A_1222 = arith.mulf %sub3A_1220, %sub3A_1221 : vector<16xf32>
      %get3A_1223 = arith.constant 32 : index
      %get3A_1224 = tpu.vector_load %arg11[%get3A_1223] {strides = array<i32>} : memref<320xf32, #tpu.memory_space<vmem>>, vector<16xf32>,
      %max3A_1225 = arith.maximumf %get3A_1213, %while3A_967 : vector<16xf32>
      %max3A_1226 = arith.maximumf %get3A_1215, %while3A_968 : vector<16xf32>
      %min3A_1227 = arith.minimumf %get3A_1217, %while3A_969 : vector<16xf32>
      %min3A_1228 = arith.minimumf %get3A_1219, %while3A_970 : vector<16xf32>
      %sub3A_1229 = arith.subf %min3A_1227, %max3A_1225 : vector<16xf32>
      %max3A_1230 = arith.constant 0.000000e+00 : f32
      %max3A_1231 = vector.broadcast %max3A_1230 : f32 to vector<16xf32>
      %max3A_1232 = arith.maximumf %sub3A_1229, %max3A_1231 : vector<16xf32>
      %sub3A_1233 = arith.subf %min3A_1228, %max3A_1226 : vector<16xf32>
      %max3A_1234 = arith.constant 0.000000e+00 : f32
      %max3A_1235 = vector.broadcast %max3A_1234 : f32 to vector<16xf32>
      %max3A_1236 = arith.maximumf %sub3A_1233, %max3A_1235 : vector<16xf32>
      %mul3A_1237 = arith.mulf %max3A_1232, %max3A_1236 : vector<16xf32>
      %add3A_1238 = arith.addf %mul3A_1222, %while3A_971 : vector<16xf32>
      %sub3A_1239 = arith.subf %add3A_1238, %mul3A_1237 : vector<16xf32>
      %mul3A_1240 = arith.constant 3.000000e-01 : f32
      %mul3A_1241 = vector.broadcast %mul3A_1240 : f32 to vector<16xf32>
      %mul3A_1242 = arith.mulf %mul3A_1241, %sub3A_1239 : vector<16xf32>
      %gt3A_1243 = arith.cmpf ogt, %mul3A_1237, %mul3A_1242 : vector<16xf32>
      %jit3A_1244 = arith.constant 0xFF800000 : f32
      %broadcast_in_dim3A_1245 = vector.broadcast %jit3A_1244 : f32 to vector<16xf32>
      %select_n3A_1246 = arith.select %gt3A_1243, %broadcast_in_dim3A_1245, %get3A_1224 : vector<16xi1>, vector<16xf32>
      %max3A_1247 = arith.maximumf %get3A_1213, %while3A_972 : vector<16xf32>
      %max3A_1248 = arith.maximumf %get3A_1215, %while3A_973 : vector<16xf32>
      %min3A_1249 = arith.minimumf %get3A_1217, %while3A_974 : vector<16xf32>
      %min3A_1250 = arith.minimumf %get3A_1219, %while3A_975 : vector<16xf32>
      %sub3A_1251 = arith.subf %min3A_1249, %max3A_1247 : vector<16xf32>
      %max3A_1252 = arith.constant 0.000000e+00 : f32
      %max3A_1253 = vector.broadcast %max3A_1252 : f32 to vector<16xf32>
      %max3A_1254 = arith.maximumf %sub3A_1251, %max3A_1253 : vector<16xf32>
      %sub3A_1255 = arith.subf %min3A_1250, %max3A_1248 : vector<16xf32>
      %max3A_1256 = arith.constant 0.000000e+00 : f32
      %max3A_1257 = vector.broadcast %max3A_1256 : f32 to vector<16xf32>
      %max3A_1258 = arith.maximumf %sub3A_1255, %max3A_1257 : vector<16xf32>
      %mul3A_1259 = arith.mulf %max3A_1254, %max3A_1258 : vector<16xf32>
      %add3A_1260 = arith.addf %mul3A_1222, %while3A_976 : vector<16xf32>
      %sub3A_1261 = arith.subf %add3A_1260, %mul3A_1259 : vector<16xf32>
      %mul3A_1262 = arith.constant 3.000000e-01 : f32
      %mul3A_1263 = vector.broadcast %mul3A_1262 : f32 to vector<16xf32>
      %mul3A_1264 = arith.mulf %mul3A_1263, %sub3A_1261 : vector<16xf32>
      %gt3A_1265 = arith.cmpf ogt, %mul3A_1259, %mul3A_1264 : vector<16xf32>
      %jit3A_1266 = arith.constant 0xFF800000 : f32
      %broadcast_in_dim3A_1267 = vector.broadcast %jit3A_1266 : f32 to vector<16xf32>
      %select_n3A_1268 = arith.select %gt3A_1265, %broadcast_in_dim3A_1267, %select_n3A_1246 : vector<16xi1>, vector<16xf32>
      %max3A_1269 = arith.maximumf %get3A_1213, %while3A_977 : vector<16xf32>
      %max3A_1270 = arith.maximumf %get3A_1215, %while3A_978 : vector<16xf32>
      %min3A_1271 = arith.minimumf %get3A_1217, %while3A_979 : vector<16xf32>
      %min3A_1272 = arith.minimumf %get3A_1219, %while3A_980 : vector<16xf32>
      %sub3A_1273 = arith.subf %min3A_1271, %max3A_1269 : vector<16xf32>
      %max3A_1274 = arith.constant 0.000000e+00 : f32
      %max3A_1275 = vector.broadcast %max3A_1274 : f32 to vector<16xf32>
      %max3A_1276 = arith.maximumf %sub3A_1273, %max3A_1275 : vector<16xf32>
      %sub3A_1277 = arith.subf %min3A_1272, %max3A_1270 : vector<16xf32>
      %max3A_1278 = arith.constant 0.000000e+00 : f32
      %max3A_1279 = vector.broadcast %max3A_1278 : f32 to vector<16xf32>
      %max3A_1280 = arith.maximumf %sub3A_1277, %max3A_1279 : vector<16xf32>
      %mul3A_1281 = arith.mulf %max3A_1276, %max3A_1280 : vector<16xf32>
      %add3A_1282 = arith.addf %mul3A_1222, %while3A_981 : vector<16xf32>
      %sub3A_1283 = arith.subf %add3A_1282, %mul3A_1281 : vector<16xf32>
      %mul3A_1284 = arith.constant 3.000000e-01 : f32
      %mul3A_1285 = vector.broadcast %mul3A_1284 : f32 to vector<16xf32>
      %mul3A_1286 = arith.mulf %mul3A_1285, %sub3A_1283 : vector<16xf32>
      %gt3A_1287 = arith.cmpf ogt, %mul3A_1281, %mul3A_1286 : vector<16xf32>
      %jit3A_1288 = arith.constant 0xFF800000 : f32
      %broadcast_in_dim3A_1289 = vector.broadcast %jit3A_1288 : f32 to vector<16xf32>
      %select_n3A_1290 = arith.select %gt3A_1287, %broadcast_in_dim3A_1289, %select_n3A_1268 : vector<16xi1>, vector<16xf32>
      %max3A_1291 = arith.maximumf %get3A_1213, %while3A_982 : vector<16xf32>
      %max3A_1292 = arith.maximumf %get3A_1215, %while3A_983 : vector<16xf32>
      %min3A_1293 = arith.minimumf %get3A_1217, %while3A_984 : vector<16xf32>
      %min3A_1294 = arith.minimumf %get3A_1219, %while3A_985 : vector<16xf32>
      %sub3A_1295 = arith.subf %min3A_1293, %max3A_1291 : vector<16xf32>
      %max3A_1296 = arith.constant 0.000000e+00 : f32
      %max3A_1297 = vector.broadcast %max3A_1296 : f32 to vector<16xf32>
      %max3A_1298 = arith.maximumf %sub3A_1295, %max3A_1297 : vector<16xf32>
      %sub3A_1299 = arith.subf %min3A_1294, %max3A_1292 : vector<16xf32>
      %max3A_1300 = arith.constant 0.000000e+00 : f32
      %max3A_1301 = vector.broadcast %max3A_1300 : f32 to vector<16xf32>
      %max3A_1302 = arith.maximumf %sub3A_1299, %max3A_1301 : vector<16xf32>
      %mul3A_1303 = arith.mulf %max3A_1298, %max3A_1302 : vector<16xf32>
      %add3A_1304 = arith.addf %mul3A_1222, %while3A_986 : vector<16xf32>
      %sub3A_1305 = arith.subf %add3A_1304, %mul3A_1303 : vector<16xf32>
      %mul3A_1306 = arith.constant 3.000000e-01 : f32
      %mul3A_1307 = vector.broadcast %mul3A_1306 : f32 to vector<16xf32>
      %mul3A_1308 = arith.mulf %mul3A_1307, %sub3A_1305 : vector<16xf32>
      %gt3A_1309 = arith.cmpf ogt, %mul3A_1303, %mul3A_1308 : vector<16xf32>
      %jit3A_1310 = arith.constant 0xFF800000 : f32
      %broadcast_in_dim3A_1311 = vector.broadcast %jit3A_1310 : f32 to vector<16xf32>
      %select_n3A_1312 = arith.select %gt3A_1309, %broadcast_in_dim3A_1311, %select_n3A_1290 : vector<16xi1>, vector<16xf32>
      %swap3A_1313 = arith.constant 32 : index
      %swap3A_1314 = tpu.vector_load %arg11[%swap3A_1313] {strides = array<i32>} : memref<320xf32, #tpu.memory_space<vmem>>, vector<16xf32>,
      tpu.vector_store %arg11[%swap3A_1313], %select_n3A_1312 {strides = array<i32>} : memref<320xf32, #tpu.memory_space<vmem>>, vector<16xf32>,
      %gt3A_1315 = arith.cmpf ogt, %select_n3A_1312, %select_n3A_1207 : vector<16xf32>
      %min3A_1316 = arith.minimumf %select_n3A_1207, %select_n3A_1312 : vector<16xf32>
      %max3A_1317 = arith.maximumf %max3A_1206, %min3A_1316 : vector<16xf32>
      %select_n3A_1318 = arith.select %gt3A_1315, %select_n3A_1312, %select_n3A_1207 : vector<16xi1>, vector<16xf32>
      %add3A_1319 = arith.constant 3.200000e+01 : f32
      %add3A_1320 = vector.broadcast %add3A_1319 : f32 to vector<16xf32>
      %add3A_1321 = arith.addf %add3A_956, %add3A_1320 : vector<16xf32>
      %select_n3A_1322 = arith.select %gt3A_1315, %add3A_1321, %select_n3A_1211 : vector<16xi1>, vector<16xf32>
      %get3A_1323 = arith.constant 48 : index
      %get3A_1324 = tpu.vector_load %arg7[%get3A_1323] {strides = array<i32>} : memref<320xf32, #tpu.memory_space<vmem>>, vector<16xf32>,
      %get3A_1325 = arith.constant 48 : index
      %get3A_1326 = tpu.vector_load %arg8[%get3A_1325] {strides = array<i32>} : memref<320xf32, #tpu.memory_space<vmem>>, vector<16xf32>,
      %get3A_1327 = arith.constant 48 : index
      %get3A_1328 = tpu.vector_load %arg9[%get3A_1327] {strides = array<i32>} : memref<320xf32, #tpu.memory_space<vmem>>, vector<16xf32>,
      %get3A_1329 = arith.constant 48 : index
      %get3A_1330 = tpu.vector_load %arg10[%get3A_1329] {strides = array<i32>} : memref<320xf32, #tpu.memory_space<vmem>>, vector<16xf32>,
      %sub3A_1331 = arith.subf %get3A_1328, %get3A_1324 : vector<16xf32>
      %sub3A_1332 = arith.subf %get3A_1330, %get3A_1326 : vector<16xf32>
      %mul3A_1333 = arith.mulf %sub3A_1331, %sub3A_1332 : vector<16xf32>
      %get3A_1334 = arith.constant 48 : index
      %get3A_1335 = tpu.vector_load %arg11[%get3A_1334] {strides = array<i32>} : memref<320xf32, #tpu.memory_space<vmem>>, vector<16xf32>,
      %max3A_1336 = arith.maximumf %get3A_1324, %while3A_967 : vector<16xf32>
      %max3A_1337 = arith.maximumf %get3A_1326, %while3A_968 : vector<16xf32>
      %min3A_1338 = arith.minimumf %get3A_1328, %while3A_969 : vector<16xf32>
      %min3A_1339 = arith.minimumf %get3A_1330, %while3A_970 : vector<16xf32>
      %sub3A_1340 = arith.subf %min3A_1338, %max3A_1336 : vector<16xf32>
      %max3A_1341 = arith.constant 0.000000e+00 : f32
      %max3A_1342 = vector.broadcast %max3A_1341 : f32 to vector<16xf32>
      %max3A_1343 = arith.maximumf %sub3A_1340, %max3A_1342 : vector<16xf32>
      %sub3A_1344 = arith.subf %min3A_1339, %max3A_1337 : vector<16xf32>
      %max3A_1345 = arith.constant 0.000000e+00 : f32
      %max3A_1346 = vector.broadcast %max3A_1345 : f32 to vector<16xf32>
      %max3A_1347 = arith.maximumf %sub3A_1344, %max3A_1346 : vector<16xf32>
      %mul3A_1348 = arith.mulf %max3A_1343, %max3A_1347 : vector<16xf32>
      %add3A_1349 = arith.addf %mul3A_1333, %while3A_971 : vector<16xf32>
      %sub3A_1350 = arith.subf %add3A_1349, %mul3A_1348 : vector<16xf32>
      %mul3A_1351 = arith.constant 3.000000e-01 : f32
      %mul3A_1352 = vector.broadcast %mul3A_1351 : f32 to vector<16xf32>
      %mul3A_1353 = arith.mulf %mul3A_1352, %sub3A_1350 : vector<16xf32>
      %gt3A_1354 = arith.cmpf ogt, %mul3A_1348, %mul3A_1353 : vector<16xf32>
      %jit3A_1355 = arith.constant 0xFF800000 : f32
      %broadcast_in_dim3A_1356 = vector.broadcast %jit3A_1355 : f32 to vector<16xf32>
      %select_n3A_1357 = arith.select %gt3A_1354, %broadcast_in_dim3A_1356, %get3A_1335 : vector<16xi1>, vector<16xf32>
      %max3A_1358 = arith.maximumf %get3A_1324, %while3A_972 : vector<16xf32>
      %max3A_1359 = arith.maximumf %get3A_1326, %while3A_973 : vector<16xf32>
      %min3A_1360 = arith.minimumf %get3A_1328, %while3A_974 : vector<16xf32>
      %min3A_1361 = arith.minimumf %get3A_1330, %while3A_975 : vector<16xf32>
      %sub3A_1362 = arith.subf %min3A_1360, %max3A_1358 : vector<16xf32>
      %max3A_1363 = arith.constant 0.000000e+00 : f32
      %max3A_1364 = vector.broadcast %max3A_1363 : f32 to vector<16xf32>
      %max3A_1365 = arith.maximumf %sub3A_1362, %max3A_1364 : vector<16xf32>
      %sub3A_1366 = arith.subf %min3A_1361, %max3A_1359 : vector<16xf32>
      %max3A_1367 = arith.constant 0.000000e+00 : f32
      %max3A_1368 = vector.broadcast %max3A_1367 : f32 to vector<16xf32>
      %max3A_1369 = arith.maximumf %sub3A_1366, %max3A_1368 : vector<16xf32>
      %mul3A_1370 = arith.mulf %max3A_1365, %max3A_1369 : vector<16xf32>
      %add3A_1371 = arith.addf %mul3A_1333, %while3A_976 : vector<16xf32>
      %sub3A_1372 = arith.subf %add3A_1371, %mul3A_1370 : vector<16xf32>
      %mul3A_1373 = arith.constant 3.000000e-01 : f32
      %mul3A_1374 = vector.broadcast %mul3A_1373 : f32 to vector<16xf32>
      %mul3A_1375 = arith.mulf %mul3A_1374, %sub3A_1372 : vector<16xf32>
      %gt3A_1376 = arith.cmpf ogt, %mul3A_1370, %mul3A_1375 : vector<16xf32>
      %jit3A_1377 = arith.constant 0xFF800000 : f32
      %broadcast_in_dim3A_1378 = vector.broadcast %jit3A_1377 : f32 to vector<16xf32>
      %select_n3A_1379 = arith.select %gt3A_1376, %broadcast_in_dim3A_1378, %select_n3A_1357 : vector<16xi1>, vector<16xf32>
      %max3A_1380 = arith.maximumf %get3A_1324, %while3A_977 : vector<16xf32>
      %max3A_1381 = arith.maximumf %get3A_1326, %while3A_978 : vector<16xf32>
      %min3A_1382 = arith.minimumf %get3A_1328, %while3A_979 : vector<16xf32>
      %min3A_1383 = arith.minimumf %get3A_1330, %while3A_980 : vector<16xf32>
      %sub3A_1384 = arith.subf %min3A_1382, %max3A_1380 : vector<16xf32>
      %max3A_1385 = arith.constant 0.000000e+00 : f32
      %max3A_1386 = vector.broadcast %max3A_1385 : f32 to vector<16xf32>
      %max3A_1387 = arith.maximumf %sub3A_1384, %max3A_1386 : vector<16xf32>
      %sub3A_1388 = arith.subf %min3A_1383, %max3A_1381 : vector<16xf32>
      %max3A_1389 = arith.constant 0.000000e+00 : f32
      %max3A_1390 = vector.broadcast %max3A_1389 : f32 to vector<16xf32>
      %max3A_1391 = arith.maximumf %sub3A_1388, %max3A_1390 : vector<16xf32>
      %mul3A_1392 = arith.mulf %max3A_1387, %max3A_1391 : vector<16xf32>
      %add3A_1393 = arith.addf %mul3A_1333, %while3A_981 : vector<16xf32>
      %sub3A_1394 = arith.subf %add3A_1393, %mul3A_1392 : vector<16xf32>
      %mul3A_1395 = arith.constant 3.000000e-01 : f32
      %mul3A_1396 = vector.broadcast %mul3A_1395 : f32 to vector<16xf32>
      %mul3A_1397 = arith.mulf %mul3A_1396, %sub3A_1394 : vector<16xf32>
      %gt3A_1398 = arith.cmpf ogt, %mul3A_1392, %mul3A_1397 : vector<16xf32>
      %jit3A_1399 = arith.constant 0xFF800000 : f32
      %broadcast_in_dim3A_1400 = vector.broadcast %jit3A_1399 : f32 to vector<16xf32>
      %select_n3A_1401 = arith.select %gt3A_1398, %broadcast_in_dim3A_1400, %select_n3A_1379 : vector<16xi1>, vector<16xf32>
      %max3A_1402 = arith.maximumf %get3A_1324, %while3A_982 : vector<16xf32>
      %max3A_1403 = arith.maximumf %get3A_1326, %while3A_983 : vector<16xf32>
      %min3A_1404 = arith.minimumf %get3A_1328, %while3A_984 : vector<16xf32>
      %min3A_1405 = arith.minimumf %get3A_1330, %while3A_985 : vector<16xf32>
      %sub3A_1406 = arith.subf %min3A_1404, %max3A_1402 : vector<16xf32>
      %max3A_1407 = arith.constant 0.000000e+00 : f32
      %max3A_1408 = vector.broadcast %max3A_1407 : f32 to vector<16xf32>
      %max3A_1409 = arith.maximumf %sub3A_1406, %max3A_1408 : vector<16xf32>
      %sub3A_1410 = arith.subf %min3A_1405, %max3A_1403 : vector<16xf32>
      %max3A_1411 = arith.constant 0.000000e+00 : f32
      %max3A_1412 = vector.broadcast %max3A_1411 : f32 to vector<16xf32>
      %max3A_1413 = arith.maximumf %sub3A_1410, %max3A_1412 : vector<16xf32>
      %mul3A_1414 = arith.mulf %max3A_1409, %max3A_1413 : vector<16xf32>
      %add3A_1415 = arith.addf %mul3A_1333, %while3A_986 : vector<16xf32>
      %sub3A_1416 = arith.subf %add3A_1415, %mul3A_1414 : vector<16xf32>
      %mul3A_1417 = arith.constant 3.000000e-01 : f32
      %mul3A_1418 = vector.broadcast %mul3A_1417 : f32 to vector<16xf32>
      %mul3A_1419 = arith.mulf %mul3A_1418, %sub3A_1416 : vector<16xf32>
      %gt3A_1420 = arith.cmpf ogt, %mul3A_1414, %mul3A_1419 : vector<16xf32>
      %jit3A_1421 = arith.constant 0xFF800000 : f32
      %broadcast_in_dim3A_1422 = vector.broadcast %jit3A_1421 : f32 to vector<16xf32>
      %select_n3A_1423 = arith.select %gt3A_1420, %broadcast_in_dim3A_1422, %select_n3A_1401 : vector<16xi1>, vector<16xf32>
      %swap3A_1424 = arith.constant 48 : index
      %swap3A_1425 = tpu.vector_load %arg11[%swap3A_1424] {strides = array<i32>} : memref<320xf32, #tpu.memory_space<vmem>>, vector<16xf32>,
      tpu.vector_store %arg11[%swap3A_1424], %select_n3A_1423 {strides = array<i32>} : memref<320xf32, #tpu.memory_space<vmem>>, vector<16xf32>,
      %gt3A_1426 = arith.cmpf ogt, %select_n3A_1423, %select_n3A_1318 : vector<16xf32>
      %min3A_1427 = arith.minimumf %select_n3A_1318, %select_n3A_1423 : vector<16xf32>
      %max3A_1428 = arith.maximumf %max3A_1317, %min3A_1427 : vector<16xf32>
      %select_n3A_1429 = arith.select %gt3A_1426, %select_n3A_1423, %select_n3A_1318 : vector<16xi1>, vector<16xf32>
      %add3A_1430 = arith.constant 4.800000e+01 : f32
      %add3A_1431 = vector.broadcast %add3A_1430 : f32 to vector<16xf32>
      %add3A_1432 = arith.addf %add3A_956, %add3A_1431 : vector<16xf32>
      %select_n3A_1433 = arith.select %gt3A_1426, %add3A_1432, %select_n3A_1322 : vector<16xi1>, vector<16xf32>
      %get3A_1434 = arith.constant 64 : index
      %get3A_1435 = tpu.vector_load %arg7[%get3A_1434] {strides = array<i32>} : memref<320xf32, #tpu.memory_space<vmem>>, vector<16xf32>,
      %get3A_1436 = arith.constant 64 : index
      %get3A_1437 = tpu.vector_load %arg8[%get3A_1436] {strides = array<i32>} : memref<320xf32, #tpu.memory_space<vmem>>, vector<16xf32>,
      %get3A_1438 = arith.constant 64 : index
      %get3A_1439 = tpu.vector_load %arg9[%get3A_1438] {strides = array<i32>} : memref<320xf32, #tpu.memory_space<vmem>>, vector<16xf32>,
      %get3A_1440 = arith.constant 64 : index
      %get3A_1441 = tpu.vector_load %arg10[%get3A_1440] {strides = array<i32>} : memref<320xf32, #tpu.memory_space<vmem>>, vector<16xf32>,
      %sub3A_1442 = arith.subf %get3A_1439, %get3A_1435 : vector<16xf32>
      %sub3A_1443 = arith.subf %get3A_1441, %get3A_1437 : vector<16xf32>
      %mul3A_1444 = arith.mulf %sub3A_1442, %sub3A_1443 : vector<16xf32>
      %get3A_1445 = arith.constant 64 : index
      %get3A_1446 = tpu.vector_load %arg11[%get3A_1445] {strides = array<i32>} : memref<320xf32, #tpu.memory_space<vmem>>, vector<16xf32>,
      %max3A_1447 = arith.maximumf %get3A_1435, %while3A_967 : vector<16xf32>
      %max3A_1448 = arith.maximumf %get3A_1437, %while3A_968 : vector<16xf32>
      %min3A_1449 = arith.minimumf %get3A_1439, %while3A_969 : vector<16xf32>
      %min3A_1450 = arith.minimumf %get3A_1441, %while3A_970 : vector<16xf32>
      %sub3A_1451 = arith.subf %min3A_1449, %max3A_1447 : vector<16xf32>
      %max3A_1452 = arith.constant 0.000000e+00 : f32
      %max3A_1453 = vector.broadcast %max3A_1452 : f32 to vector<16xf32>
      %max3A_1454 = arith.maximumf %sub3A_1451, %max3A_1453 : vector<16xf32>
      %sub3A_1455 = arith.subf %min3A_1450, %max3A_1448 : vector<16xf32>
      %max3A_1456 = arith.constant 0.000000e+00 : f32
      %max3A_1457 = vector.broadcast %max3A_1456 : f32 to vector<16xf32>
      %max3A_1458 = arith.maximumf %sub3A_1455, %max3A_1457 : vector<16xf32>
      %mul3A_1459 = arith.mulf %max3A_1454, %max3A_1458 : vector<16xf32>
      %add3A_1460 = arith.addf %mul3A_1444, %while3A_971 : vector<16xf32>
      %sub3A_1461 = arith.subf %add3A_1460, %mul3A_1459 : vector<16xf32>
      %mul3A_1462 = arith.constant 3.000000e-01 : f32
      %mul3A_1463 = vector.broadcast %mul3A_1462 : f32 to vector<16xf32>
      %mul3A_1464 = arith.mulf %mul3A_1463, %sub3A_1461 : vector<16xf32>
      %gt3A_1465 = arith.cmpf ogt, %mul3A_1459, %mul3A_1464 : vector<16xf32>
      %jit3A_1466 = arith.constant 0xFF800000 : f32
      %broadcast_in_dim3A_1467 = vector.broadcast %jit3A_1466 : f32 to vector<16xf32>
      %select_n3A_1468 = arith.select %gt3A_1465, %broadcast_in_dim3A_1467, %get3A_1446 : vector<16xi1>, vector<16xf32>
      %max3A_1469 = arith.maximumf %get3A_1435, %while3A_972 : vector<16xf32>
      %max3A_1470 = arith.maximumf %get3A_1437, %while3A_973 : vector<16xf32>
      %min3A_1471 = arith.minimumf %get3A_1439, %while3A_974 : vector<16xf32>
      %min3A_1472 = arith.minimumf %get3A_1441, %while3A_975 : vector<16xf32>
      %sub3A_1473 = arith.subf %min3A_1471, %max3A_1469 : vector<16xf32>
      %max3A_1474 = arith.constant 0.000000e+00 : f32
      %max3A_1475 = vector.broadcast %max3A_1474 : f32 to vector<16xf32>
      %max3A_1476 = arith.maximumf %sub3A_1473, %max3A_1475 : vector<16xf32>
      %sub3A_1477 = arith.subf %min3A_1472, %max3A_1470 : vector<16xf32>
      %max3A_1478 = arith.constant 0.000000e+00 : f32
      %max3A_1479 = vector.broadcast %max3A_1478 : f32 to vector<16xf32>
      %max3A_1480 = arith.maximumf %sub3A_1477, %max3A_1479 : vector<16xf32>
      %mul3A_1481 = arith.mulf %max3A_1476, %max3A_1480 : vector<16xf32>
      %add3A_1482 = arith.addf %mul3A_1444, %while3A_976 : vector<16xf32>
      %sub3A_1483 = arith.subf %add3A_1482, %mul3A_1481 : vector<16xf32>
      %mul3A_1484 = arith.constant 3.000000e-01 : f32
      %mul3A_1485 = vector.broadcast %mul3A_1484 : f32 to vector<16xf32>
      %mul3A_1486 = arith.mulf %mul3A_1485, %sub3A_1483 : vector<16xf32>
      %gt3A_1487 = arith.cmpf ogt, %mul3A_1481, %mul3A_1486 : vector<16xf32>
      %jit3A_1488 = arith.constant 0xFF800000 : f32
      %broadcast_in_dim3A_1489 = vector.broadcast %jit3A_1488 : f32 to vector<16xf32>
      %select_n3A_1490 = arith.select %gt3A_1487, %broadcast_in_dim3A_1489, %select_n3A_1468 : vector<16xi1>, vector<16xf32>
      %max3A_1491 = arith.maximumf %get3A_1435, %while3A_977 : vector<16xf32>
      %max3A_1492 = arith.maximumf %get3A_1437, %while3A_978 : vector<16xf32>
      %min3A_1493 = arith.minimumf %get3A_1439, %while3A_979 : vector<16xf32>
      %min3A_1494 = arith.minimumf %get3A_1441, %while3A_980 : vector<16xf32>
      %sub3A_1495 = arith.subf %min3A_1493, %max3A_1491 : vector<16xf32>
      %max3A_1496 = arith.constant 0.000000e+00 : f32
      %max3A_1497 = vector.broadcast %max3A_1496 : f32 to vector<16xf32>
      %max3A_1498 = arith.maximumf %sub3A_1495, %max3A_1497 : vector<16xf32>
      %sub3A_1499 = arith.subf %min3A_1494, %max3A_1492 : vector<16xf32>
      %max3A_1500 = arith.constant 0.000000e+00 : f32
      %max3A_1501 = vector.broadcast %max3A_1500 : f32 to vector<16xf32>
      %max3A_1502 = arith.maximumf %sub3A_1499, %max3A_1501 : vector<16xf32>
      %mul3A_1503 = arith.mulf %max3A_1498, %max3A_1502 : vector<16xf32>
      %add3A_1504 = arith.addf %mul3A_1444, %while3A_981 : vector<16xf32>
      %sub3A_1505 = arith.subf %add3A_1504, %mul3A_1503 : vector<16xf32>
      %mul3A_1506 = arith.constant 3.000000e-01 : f32
      %mul3A_1507 = vector.broadcast %mul3A_1506 : f32 to vector<16xf32>
      %mul3A_1508 = arith.mulf %mul3A_1507, %sub3A_1505 : vector<16xf32>
      %gt3A_1509 = arith.cmpf ogt, %mul3A_1503, %mul3A_1508 : vector<16xf32>
      %jit3A_1510 = arith.constant 0xFF800000 : f32
      %broadcast_in_dim3A_1511 = vector.broadcast %jit3A_1510 : f32 to vector<16xf32>
      %select_n3A_1512 = arith.select %gt3A_1509, %broadcast_in_dim3A_1511, %select_n3A_1490 : vector<16xi1>, vector<16xf32>
      %max3A_1513 = arith.maximumf %get3A_1435, %while3A_982 : vector<16xf32>
      %max3A_1514 = arith.maximumf %get3A_1437, %while3A_983 : vector<16xf32>
      %min3A_1515 = arith.minimumf %get3A_1439, %while3A_984 : vector<16xf32>
      %min3A_1516 = arith.minimumf %get3A_1441, %while3A_985 : vector<16xf32>
      %sub3A_1517 = arith.subf %min3A_1515, %max3A_1513 : vector<16xf32>
      %max3A_1518 = arith.constant 0.000000e+00 : f32
      %max3A_1519 = vector.broadcast %max3A_1518 : f32 to vector<16xf32>
      %max3A_1520 = arith.maximumf %sub3A_1517, %max3A_1519 : vector<16xf32>
      %sub3A_1521 = arith.subf %min3A_1516, %max3A_1514 : vector<16xf32>
      %max3A_1522 = arith.constant 0.000000e+00 : f32
      %max3A_1523 = vector.broadcast %max3A_1522 : f32 to vector<16xf32>
      %max3A_1524 = arith.maximumf %sub3A_1521, %max3A_1523 : vector<16xf32>
      %mul3A_1525 = arith.mulf %max3A_1520, %max3A_1524 : vector<16xf32>
      %add3A_1526 = arith.addf %mul3A_1444, %while3A_986 : vector<16xf32>
      %sub3A_1527 = arith.subf %add3A_1526, %mul3A_1525 : vector<16xf32>
      %mul3A_1528 = arith.constant 3.000000e-01 : f32
      %mul3A_1529 = vector.broadcast %mul3A_1528 : f32 to vector<16xf32>
      %mul3A_1530 = arith.mulf %mul3A_1529, %sub3A_1527 : vector<16xf32>
      %gt3A_1531 = arith.cmpf ogt, %mul3A_1525, %mul3A_1530 : vector<16xf32>
      %jit3A_1532 = arith.constant 0xFF800000 : f32
      %broadcast_in_dim3A_1533 = vector.broadcast %jit3A_1532 : f32 to vector<16xf32>
      %select_n3A_1534 = arith.select %gt3A_1531, %broadcast_in_dim3A_1533, %select_n3A_1512 : vector<16xi1>, vector<16xf32>
      %swap3A_1535 = arith.constant 64 : index
      %swap3A_1536 = tpu.vector_load %arg11[%swap3A_1535] {strides = array<i32>} : memref<320xf32, #tpu.memory_space<vmem>>, vector<16xf32>,
      tpu.vector_store %arg11[%swap3A_1535], %select_n3A_1534 {strides = array<i32>} : memref<320xf32, #tpu.memory_space<vmem>>, vector<16xf32>,
      %gt3A_1537 = arith.cmpf ogt, %select_n3A_1534, %select_n3A_1429 : vector<16xf32>
      %min3A_1538 = arith.minimumf %select_n3A_1429, %select_n3A_1534 : vector<16xf32>
      %max3A_1539 = arith.maximumf %max3A_1428, %min3A_1538 : vector<16xf32>
      %select_n3A_1540 = arith.select %gt3A_1537, %select_n3A_1534, %select_n3A_1429 : vector<16xi1>, vector<16xf32>
      %add3A_1541 = arith.constant 6.400000e+01 : f32
      %add3A_1542 = vector.broadcast %add3A_1541 : f32 to vector<16xf32>
      %add3A_1543 = arith.addf %add3A_956, %add3A_1542 : vector<16xf32>
      %select_n3A_1544 = arith.select %gt3A_1537, %add3A_1543, %select_n3A_1433 : vector<16xi1>, vector<16xf32>
      %get3A_1545 = arith.constant 80 : index
      %get3A_1546 = tpu.vector_load %arg7[%get3A_1545] {strides = array<i32>} : memref<320xf32, #tpu.memory_space<vmem>>, vector<16xf32>,
      %get3A_1547 = arith.constant 80 : index
      %get3A_1548 = tpu.vector_load %arg8[%get3A_1547] {strides = array<i32>} : memref<320xf32, #tpu.memory_space<vmem>>, vector<16xf32>,
      %get3A_1549 = arith.constant 80 : index
      %get3A_1550 = tpu.vector_load %arg9[%get3A_1549] {strides = array<i32>} : memref<320xf32, #tpu.memory_space<vmem>>, vector<16xf32>,
      %get3A_1551 = arith.constant 80 : index
      %get3A_1552 = tpu.vector_load %arg10[%get3A_1551] {strides = array<i32>} : memref<320xf32, #tpu.memory_space<vmem>>, vector<16xf32>,
      %sub3A_1553 = arith.subf %get3A_1550, %get3A_1546 : vector<16xf32>
      %sub3A_1554 = arith.subf %get3A_1552, %get3A_1548 : vector<16xf32>
      %mul3A_1555 = arith.mulf %sub3A_1553, %sub3A_1554 : vector<16xf32>
      %get3A_1556 = arith.constant 80 : index
      %get3A_1557 = tpu.vector_load %arg11[%get3A_1556] {strides = array<i32>} : memref<320xf32, #tpu.memory_space<vmem>>, vector<16xf32>,
      %max3A_1558 = arith.maximumf %get3A_1546, %while3A_967 : vector<16xf32>
      %max3A_1559 = arith.maximumf %get3A_1548, %while3A_968 : vector<16xf32>
      %min3A_1560 = arith.minimumf %get3A_1550, %while3A_969 : vector<16xf32>
      %min3A_1561 = arith.minimumf %get3A_1552, %while3A_970 : vector<16xf32>
      %sub3A_1562 = arith.subf %min3A_1560, %max3A_1558 : vector<16xf32>
      %max3A_1563 = arith.constant 0.000000e+00 : f32
      %max3A_1564 = vector.broadcast %max3A_1563 : f32 to vector<16xf32>
      %max3A_1565 = arith.maximumf %sub3A_1562, %max3A_1564 : vector<16xf32>
      %sub3A_1566 = arith.subf %min3A_1561, %max3A_1559 : vector<16xf32>
      %max3A_1567 = arith.constant 0.000000e+00 : f32
      %max3A_1568 = vector.broadcast %max3A_1567 : f32 to vector<16xf32>
      %max3A_1569 = arith.maximumf %sub3A_1566, %max3A_1568 : vector<16xf32>
      %mul3A_1570 = arith.mulf %max3A_1565, %max3A_1569 : vector<16xf32>
      %add3A_1571 = arith.addf %mul3A_1555, %while3A_971 : vector<16xf32>
      %sub3A_1572 = arith.subf %add3A_1571, %mul3A_1570 : vector<16xf32>
      %mul3A_1573 = arith.constant 3.000000e-01 : f32
      %mul3A_1574 = vector.broadcast %mul3A_1573 : f32 to vector<16xf32>
      %mul3A_1575 = arith.mulf %mul3A_1574, %sub3A_1572 : vector<16xf32>
      %gt3A_1576 = arith.cmpf ogt, %mul3A_1570, %mul3A_1575 : vector<16xf32>
      %jit3A_1577 = arith.constant 0xFF800000 : f32
      %broadcast_in_dim3A_1578 = vector.broadcast %jit3A_1577 : f32 to vector<16xf32>
      %select_n3A_1579 = arith.select %gt3A_1576, %broadcast_in_dim3A_1578, %get3A_1557 : vector<16xi1>, vector<16xf32>
      %max3A_1580 = arith.maximumf %get3A_1546, %while3A_972 : vector<16xf32>
      %max3A_1581 = arith.maximumf %get3A_1548, %while3A_973 : vector<16xf32>
      %min3A_1582 = arith.minimumf %get3A_1550, %while3A_974 : vector<16xf32>
      %min3A_1583 = arith.minimumf %get3A_1552, %while3A_975 : vector<16xf32>
      %sub3A_1584 = arith.subf %min3A_1582, %max3A_1580 : vector<16xf32>
      %max3A_1585 = arith.constant 0.000000e+00 : f32
      %max3A_1586 = vector.broadcast %max3A_1585 : f32 to vector<16xf32>
      %max3A_1587 = arith.maximumf %sub3A_1584, %max3A_1586 : vector<16xf32>
      %sub3A_1588 = arith.subf %min3A_1583, %max3A_1581 : vector<16xf32>
      %max3A_1589 = arith.constant 0.000000e+00 : f32
      %max3A_1590 = vector.broadcast %max3A_1589 : f32 to vector<16xf32>
      %max3A_1591 = arith.maximumf %sub3A_1588, %max3A_1590 : vector<16xf32>
      %mul3A_1592 = arith.mulf %max3A_1587, %max3A_1591 : vector<16xf32>
      %add3A_1593 = arith.addf %mul3A_1555, %while3A_976 : vector<16xf32>
      %sub3A_1594 = arith.subf %add3A_1593, %mul3A_1592 : vector<16xf32>
      %mul3A_1595 = arith.constant 3.000000e-01 : f32
      %mul3A_1596 = vector.broadcast %mul3A_1595 : f32 to vector<16xf32>
      %mul3A_1597 = arith.mulf %mul3A_1596, %sub3A_1594 : vector<16xf32>
      %gt3A_1598 = arith.cmpf ogt, %mul3A_1592, %mul3A_1597 : vector<16xf32>
      %jit3A_1599 = arith.constant 0xFF800000 : f32
      %broadcast_in_dim3A_1600 = vector.broadcast %jit3A_1599 : f32 to vector<16xf32>
      %select_n3A_1601 = arith.select %gt3A_1598, %broadcast_in_dim3A_1600, %select_n3A_1579 : vector<16xi1>, vector<16xf32>
      %max3A_1602 = arith.maximumf %get3A_1546, %while3A_977 : vector<16xf32>
      %max3A_1603 = arith.maximumf %get3A_1548, %while3A_978 : vector<16xf32>
      %min3A_1604 = arith.minimumf %get3A_1550, %while3A_979 : vector<16xf32>
      %min3A_1605 = arith.minimumf %get3A_1552, %while3A_980 : vector<16xf32>
      %sub3A_1606 = arith.subf %min3A_1604, %max3A_1602 : vector<16xf32>
      %max3A_1607 = arith.constant 0.000000e+00 : f32
      %max3A_1608 = vector.broadcast %max3A_1607 : f32 to vector<16xf32>
      %max3A_1609 = arith.maximumf %sub3A_1606, %max3A_1608 : vector<16xf32>
      %sub3A_1610 = arith.subf %min3A_1605, %max3A_1603 : vector<16xf32>
      %max3A_1611 = arith.constant 0.000000e+00 : f32
      %max3A_1612 = vector.broadcast %max3A_1611 : f32 to vector<16xf32>
      %max3A_1613 = arith.maximumf %sub3A_1610, %max3A_1612 : vector<16xf32>
      %mul3A_1614 = arith.mulf %max3A_1609, %max3A_1613 : vector<16xf32>
      %add3A_1615 = arith.addf %mul3A_1555, %while3A_981 : vector<16xf32>
      %sub3A_1616 = arith.subf %add3A_1615, %mul3A_1614 : vector<16xf32>
      %mul3A_1617 = arith.constant 3.000000e-01 : f32
      %mul3A_1618 = vector.broadcast %mul3A_1617 : f32 to vector<16xf32>
      %mul3A_1619 = arith.mulf %mul3A_1618, %sub3A_1616 : vector<16xf32>
      %gt3A_1620 = arith.cmpf ogt, %mul3A_1614, %mul3A_1619 : vector<16xf32>
      %jit3A_1621 = arith.constant 0xFF800000 : f32
      %broadcast_in_dim3A_1622 = vector.broadcast %jit3A_1621 : f32 to vector<16xf32>
      %select_n3A_1623 = arith.select %gt3A_1620, %broadcast_in_dim3A_1622, %select_n3A_1601 : vector<16xi1>, vector<16xf32>
      %max3A_1624 = arith.maximumf %get3A_1546, %while3A_982 : vector<16xf32>
      %max3A_1625 = arith.maximumf %get3A_1548, %while3A_983 : vector<16xf32>
      %min3A_1626 = arith.minimumf %get3A_1550, %while3A_984 : vector<16xf32>
      %min3A_1627 = arith.minimumf %get3A_1552, %while3A_985 : vector<16xf32>
      %sub3A_1628 = arith.subf %min3A_1626, %max3A_1624 : vector<16xf32>
      %max3A_1629 = arith.constant 0.000000e+00 : f32
      %max3A_1630 = vector.broadcast %max3A_1629 : f32 to vector<16xf32>
      %max3A_1631 = arith.maximumf %sub3A_1628, %max3A_1630 : vector<16xf32>
      %sub3A_1632 = arith.subf %min3A_1627, %max3A_1625 : vector<16xf32>
      %max3A_1633 = arith.constant 0.000000e+00 : f32
      %max3A_1634 = vector.broadcast %max3A_1633 : f32 to vector<16xf32>
      %max3A_1635 = arith.maximumf %sub3A_1632, %max3A_1634 : vector<16xf32>
      %mul3A_1636 = arith.mulf %max3A_1631, %max3A_1635 : vector<16xf32>
      %add3A_1637 = arith.addf %mul3A_1555, %while3A_986 : vector<16xf32>
      %sub3A_1638 = arith.subf %add3A_1637, %mul3A_1636 : vector<16xf32>
      %mul3A_1639 = arith.constant 3.000000e-01 : f32
      %mul3A_1640 = vector.broadcast %mul3A_1639 : f32 to vector<16xf32>
      %mul3A_1641 = arith.mulf %mul3A_1640, %sub3A_1638 : vector<16xf32>
      %gt3A_1642 = arith.cmpf ogt, %mul3A_1636, %mul3A_1641 : vector<16xf32>
      %jit3A_1643 = arith.constant 0xFF800000 : f32
      %broadcast_in_dim3A_1644 = vector.broadcast %jit3A_1643 : f32 to vector<16xf32>
      %select_n3A_1645 = arith.select %gt3A_1642, %broadcast_in_dim3A_1644, %select_n3A_1623 : vector<16xi1>, vector<16xf32>
      %swap3A_1646 = arith.constant 80 : index
      %swap3A_1647 = tpu.vector_load %arg11[%swap3A_1646] {strides = array<i32>} : memref<320xf32, #tpu.memory_space<vmem>>, vector<16xf32>,
      tpu.vector_store %arg11[%swap3A_1646], %select_n3A_1645 {strides = array<i32>} : memref<320xf32, #tpu.memory_space<vmem>>, vector<16xf32>,
      %gt3A_1648 = arith.cmpf ogt, %select_n3A_1645, %select_n3A_1540 : vector<16xf32>
      %min3A_1649 = arith.minimumf %select_n3A_1540, %select_n3A_1645 : vector<16xf32>
      %max3A_1650 = arith.maximumf %max3A_1539, %min3A_1649 : vector<16xf32>
      %select_n3A_1651 = arith.select %gt3A_1648, %select_n3A_1645, %select_n3A_1540 : vector<16xi1>, vector<16xf32>
      %add3A_1652 = arith.constant 8.000000e+01 : f32
      %add3A_1653 = vector.broadcast %add3A_1652 : f32 to vector<16xf32>
      %add3A_1654 = arith.addf %add3A_956, %add3A_1653 : vector<16xf32>
      %select_n3A_1655 = arith.select %gt3A_1648, %add3A_1654, %select_n3A_1544 : vector<16xi1>, vector<16xf32>
      %get3A_1656 = arith.constant 96 : index
      %get3A_1657 = tpu.vector_load %arg7[%get3A_1656] {strides = array<i32>} : memref<320xf32, #tpu.memory_space<vmem>>, vector<16xf32>,
      %get3A_1658 = arith.constant 96 : index
      %get3A_1659 = tpu.vector_load %arg8[%get3A_1658] {strides = array<i32>} : memref<320xf32, #tpu.memory_space<vmem>>, vector<16xf32>,
      %get3A_1660 = arith.constant 96 : index
      %get3A_1661 = tpu.vector_load %arg9[%get3A_1660] {strides = array<i32>} : memref<320xf32, #tpu.memory_space<vmem>>, vector<16xf32>,
      %get3A_1662 = arith.constant 96 : index
      %get3A_1663 = tpu.vector_load %arg10[%get3A_1662] {strides = array<i32>} : memref<320xf32, #tpu.memory_space<vmem>>, vector<16xf32>,
      %sub3A_1664 = arith.subf %get3A_1661, %get3A_1657 : vector<16xf32>
      %sub3A_1665 = arith.subf %get3A_1663, %get3A_1659 : vector<16xf32>
      %mul3A_1666 = arith.mulf %sub3A_1664, %sub3A_1665 : vector<16xf32>
      %get3A_1667 = arith.constant 96 : index
      %get3A_1668 = tpu.vector_load %arg11[%get3A_1667] {strides = array<i32>} : memref<320xf32, #tpu.memory_space<vmem>>, vector<16xf32>,
      %max3A_1669 = arith.maximumf %get3A_1657, %while3A_967 : vector<16xf32>
      %max3A_1670 = arith.maximumf %get3A_1659, %while3A_968 : vector<16xf32>
      %min3A_1671 = arith.minimumf %get3A_1661, %while3A_969 : vector<16xf32>
      %min3A_1672 = arith.minimumf %get3A_1663, %while3A_970 : vector<16xf32>
      %sub3A_1673 = arith.subf %min3A_1671, %max3A_1669 : vector<16xf32>
      %max3A_1674 = arith.constant 0.000000e+00 : f32
      %max3A_1675 = vector.broadcast %max3A_1674 : f32 to vector<16xf32>
      %max3A_1676 = arith.maximumf %sub3A_1673, %max3A_1675 : vector<16xf32>
      %sub3A_1677 = arith.subf %min3A_1672, %max3A_1670 : vector<16xf32>
      %max3A_1678 = arith.constant 0.000000e+00 : f32
      %max3A_1679 = vector.broadcast %max3A_1678 : f32 to vector<16xf32>
      %max3A_1680 = arith.maximumf %sub3A_1677, %max3A_1679 : vector<16xf32>
      %mul3A_1681 = arith.mulf %max3A_1676, %max3A_1680 : vector<16xf32>
      %add3A_1682 = arith.addf %mul3A_1666, %while3A_971 : vector<16xf32>
      %sub3A_1683 = arith.subf %add3A_1682, %mul3A_1681 : vector<16xf32>
      %mul3A_1684 = arith.constant 3.000000e-01 : f32
      %mul3A_1685 = vector.broadcast %mul3A_1684 : f32 to vector<16xf32>
      %mul3A_1686 = arith.mulf %mul3A_1685, %sub3A_1683 : vector<16xf32>
      %gt3A_1687 = arith.cmpf ogt, %mul3A_1681, %mul3A_1686 : vector<16xf32>
      %jit3A_1688 = arith.constant 0xFF800000 : f32
      %broadcast_in_dim3A_1689 = vector.broadcast %jit3A_1688 : f32 to vector<16xf32>
      %select_n3A_1690 = arith.select %gt3A_1687, %broadcast_in_dim3A_1689, %get3A_1668 : vector<16xi1>, vector<16xf32>
      %max3A_1691 = arith.maximumf %get3A_1657, %while3A_972 : vector<16xf32>
      %max3A_1692 = arith.maximumf %get3A_1659, %while3A_973 : vector<16xf32>
      %min3A_1693 = arith.minimumf %get3A_1661, %while3A_974 : vector<16xf32>
      %min3A_1694 = arith.minimumf %get3A_1663, %while3A_975 : vector<16xf32>
      %sub3A_1695 = arith.subf %min3A_1693, %max3A_1691 : vector<16xf32>
      %max3A_1696 = arith.constant 0.000000e+00 : f32
      %max3A_1697 = vector.broadcast %max3A_1696 : f32 to vector<16xf32>
      %max3A_1698 = arith.maximumf %sub3A_1695, %max3A_1697 : vector<16xf32>
      %sub3A_1699 = arith.subf %min3A_1694, %max3A_1692 : vector<16xf32>
      %max3A_1700 = arith.constant 0.000000e+00 : f32
      %max3A_1701 = vector.broadcast %max3A_1700 : f32 to vector<16xf32>
      %max3A_1702 = arith.maximumf %sub3A_1699, %max3A_1701 : vector<16xf32>
      %mul3A_1703 = arith.mulf %max3A_1698, %max3A_1702 : vector<16xf32>
      %add3A_1704 = arith.addf %mul3A_1666, %while3A_976 : vector<16xf32>
      %sub3A_1705 = arith.subf %add3A_1704, %mul3A_1703 : vector<16xf32>
      %mul3A_1706 = arith.constant 3.000000e-01 : f32
      %mul3A_1707 = vector.broadcast %mul3A_1706 : f32 to vector<16xf32>
      %mul3A_1708 = arith.mulf %mul3A_1707, %sub3A_1705 : vector<16xf32>
      %gt3A_1709 = arith.cmpf ogt, %mul3A_1703, %mul3A_1708 : vector<16xf32>
      %jit3A_1710 = arith.constant 0xFF800000 : f32
      %broadcast_in_dim3A_1711 = vector.broadcast %jit3A_1710 : f32 to vector<16xf32>
      %select_n3A_1712 = arith.select %gt3A_1709, %broadcast_in_dim3A_1711, %select_n3A_1690 : vector<16xi1>, vector<16xf32>
      %max3A_1713 = arith.maximumf %get3A_1657, %while3A_977 : vector<16xf32>
      %max3A_1714 = arith.maximumf %get3A_1659, %while3A_978 : vector<16xf32>
      %min3A_1715 = arith.minimumf %get3A_1661, %while3A_979 : vector<16xf32>
      %min3A_1716 = arith.minimumf %get3A_1663, %while3A_980 : vector<16xf32>
      %sub3A_1717 = arith.subf %min3A_1715, %max3A_1713 : vector<16xf32>
      %max3A_1718 = arith.constant 0.000000e+00 : f32
      %max3A_1719 = vector.broadcast %max3A_1718 : f32 to vector<16xf32>
      %max3A_1720 = arith.maximumf %sub3A_1717, %max3A_1719 : vector<16xf32>
      %sub3A_1721 = arith.subf %min3A_1716, %max3A_1714 : vector<16xf32>
      %max3A_1722 = arith.constant 0.000000e+00 : f32
      %max3A_1723 = vector.broadcast %max3A_1722 : f32 to vector<16xf32>
      %max3A_1724 = arith.maximumf %sub3A_1721, %max3A_1723 : vector<16xf32>
      %mul3A_1725 = arith.mulf %max3A_1720, %max3A_1724 : vector<16xf32>
      %add3A_1726 = arith.addf %mul3A_1666, %while3A_981 : vector<16xf32>
      %sub3A_1727 = arith.subf %add3A_1726, %mul3A_1725 : vector<16xf32>
      %mul3A_1728 = arith.constant 3.000000e-01 : f32
      %mul3A_1729 = vector.broadcast %mul3A_1728 : f32 to vector<16xf32>
      %mul3A_1730 = arith.mulf %mul3A_1729, %sub3A_1727 : vector<16xf32>
      %gt3A_1731 = arith.cmpf ogt, %mul3A_1725, %mul3A_1730 : vector<16xf32>
      %jit3A_1732 = arith.constant 0xFF800000 : f32
      %broadcast_in_dim3A_1733 = vector.broadcast %jit3A_1732 : f32 to vector<16xf32>
      %select_n3A_1734 = arith.select %gt3A_1731, %broadcast_in_dim3A_1733, %select_n3A_1712 : vector<16xi1>, vector<16xf32>
      %max3A_1735 = arith.maximumf %get3A_1657, %while3A_982 : vector<16xf32>
      %max3A_1736 = arith.maximumf %get3A_1659, %while3A_983 : vector<16xf32>
      %min3A_1737 = arith.minimumf %get3A_1661, %while3A_984 : vector<16xf32>
      %min3A_1738 = arith.minimumf %get3A_1663, %while3A_985 : vector<16xf32>
      %sub3A_1739 = arith.subf %min3A_1737, %max3A_1735 : vector<16xf32>
      %max3A_1740 = arith.constant 0.000000e+00 : f32
      %max3A_1741 = vector.broadcast %max3A_1740 : f32 to vector<16xf32>
      %max3A_1742 = arith.maximumf %sub3A_1739, %max3A_1741 : vector<16xf32>
      %sub3A_1743 = arith.subf %min3A_1738, %max3A_1736 : vector<16xf32>
      %max3A_1744 = arith.constant 0.000000e+00 : f32
      %max3A_1745 = vector.broadcast %max3A_1744 : f32 to vector<16xf32>
      %max3A_1746 = arith.maximumf %sub3A_1743, %max3A_1745 : vector<16xf32>
      %mul3A_1747 = arith.mulf %max3A_1742, %max3A_1746 : vector<16xf32>
      %add3A_1748 = arith.addf %mul3A_1666, %while3A_986 : vector<16xf32>
      %sub3A_1749 = arith.subf %add3A_1748, %mul3A_1747 : vector<16xf32>
      %mul3A_1750 = arith.constant 3.000000e-01 : f32
      %mul3A_1751 = vector.broadcast %mul3A_1750 : f32 to vector<16xf32>
      %mul3A_1752 = arith.mulf %mul3A_1751, %sub3A_1749 : vector<16xf32>
      %gt3A_1753 = arith.cmpf ogt, %mul3A_1747, %mul3A_1752 : vector<16xf32>
      %jit3A_1754 = arith.constant 0xFF800000 : f32
      %broadcast_in_dim3A_1755 = vector.broadcast %jit3A_1754 : f32 to vector<16xf32>
      %select_n3A_1756 = arith.select %gt3A_1753, %broadcast_in_dim3A_1755, %select_n3A_1734 : vector<16xi1>, vector<16xf32>
      %swap3A_1757 = arith.constant 96 : index
      %swap3A_1758 = tpu.vector_load %arg11[%swap3A_1757] {strides = array<i32>} : memref<320xf32, #tpu.memory_space<vmem>>, vector<16xf32>,
      tpu.vector_store %arg11[%swap3A_1757], %select_n3A_1756 {strides = array<i32>} : memref<320xf32, #tpu.memory_space<vmem>>, vector<16xf32>,
      %gt3A_1759 = arith.cmpf ogt, %select_n3A_1756, %select_n3A_1651 : vector<16xf32>
      %min3A_1760 = arith.minimumf %select_n3A_1651, %select_n3A_1756 : vector<16xf32>
      %max3A_1761 = arith.maximumf %max3A_1650, %min3A_1760 : vector<16xf32>
      %select_n3A_1762 = arith.select %gt3A_1759, %select_n3A_1756, %select_n3A_1651 : vector<16xi1>, vector<16xf32>
      %add3A_1763 = arith.constant 9.600000e+01 : f32
      %add3A_1764 = vector.broadcast %add3A_1763 : f32 to vector<16xf32>
      %add3A_1765 = arith.addf %add3A_956, %add3A_1764 : vector<16xf32>
      %select_n3A_1766 = arith.select %gt3A_1759, %add3A_1765, %select_n3A_1655 : vector<16xi1>, vector<16xf32>
      %get3A_1767 = arith.constant 112 : index
      %get3A_1768 = tpu.vector_load %arg7[%get3A_1767] {strides = array<i32>} : memref<320xf32, #tpu.memory_space<vmem>>, vector<16xf32>,
      %get3A_1769 = arith.constant 112 : index
      %get3A_1770 = tpu.vector_load %arg8[%get3A_1769] {strides = array<i32>} : memref<320xf32, #tpu.memory_space<vmem>>, vector<16xf32>,
      %get3A_1771 = arith.constant 112 : index
      %get3A_1772 = tpu.vector_load %arg9[%get3A_1771] {strides = array<i32>} : memref<320xf32, #tpu.memory_space<vmem>>, vector<16xf32>,
      %get3A_1773 = arith.constant 112 : index
      %get3A_1774 = tpu.vector_load %arg10[%get3A_1773] {strides = array<i32>} : memref<320xf32, #tpu.memory_space<vmem>>, vector<16xf32>,
      %sub3A_1775 = arith.subf %get3A_1772, %get3A_1768 : vector<16xf32>
      %sub3A_1776 = arith.subf %get3A_1774, %get3A_1770 : vector<16xf32>
      %mul3A_1777 = arith.mulf %sub3A_1775, %sub3A_1776 : vector<16xf32>
      %get3A_1778 = arith.constant 112 : index
      %get3A_1779 = tpu.vector_load %arg11[%get3A_1778] {strides = array<i32>} : memref<320xf32, #tpu.memory_space<vmem>>, vector<16xf32>,
      %max3A_1780 = arith.maximumf %get3A_1768, %while3A_967 : vector<16xf32>
      %max3A_1781 = arith.maximumf %get3A_1770, %while3A_968 : vector<16xf32>
      %min3A_1782 = arith.minimumf %get3A_1772, %while3A_969 : vector<16xf32>
      %min3A_1783 = arith.minimumf %get3A_1774, %while3A_970 : vector<16xf32>
      %sub3A_1784 = arith.subf %min3A_1782, %max3A_1780 : vector<16xf32>
      %max3A_1785 = arith.constant 0.000000e+00 : f32
      %max3A_1786 = vector.broadcast %max3A_1785 : f32 to vector<16xf32>
      %max3A_1787 = arith.maximumf %sub3A_1784, %max3A_1786 : vector<16xf32>
      %sub3A_1788 = arith.subf %min3A_1783, %max3A_1781 : vector<16xf32>
      %max3A_1789 = arith.constant 0.000000e+00 : f32
      %max3A_1790 = vector.broadcast %max3A_1789 : f32 to vector<16xf32>
      %max3A_1791 = arith.maximumf %sub3A_1788, %max3A_1790 : vector<16xf32>
      %mul3A_1792 = arith.mulf %max3A_1787, %max3A_1791 : vector<16xf32>
      %add3A_1793 = arith.addf %mul3A_1777, %while3A_971 : vector<16xf32>
      %sub3A_1794 = arith.subf %add3A_1793, %mul3A_1792 : vector<16xf32>
      %mul3A_1795 = arith.constant 3.000000e-01 : f32
      %mul3A_1796 = vector.broadcast %mul3A_1795 : f32 to vector<16xf32>
      %mul3A_1797 = arith.mulf %mul3A_1796, %sub3A_1794 : vector<16xf32>
      %gt3A_1798 = arith.cmpf ogt, %mul3A_1792, %mul3A_1797 : vector<16xf32>
      %jit3A_1799 = arith.constant 0xFF800000 : f32
      %broadcast_in_dim3A_1800 = vector.broadcast %jit3A_1799 : f32 to vector<16xf32>
      %select_n3A_1801 = arith.select %gt3A_1798, %broadcast_in_dim3A_1800, %get3A_1779 : vector<16xi1>, vector<16xf32>
      %max3A_1802 = arith.maximumf %get3A_1768, %while3A_972 : vector<16xf32>
      %max3A_1803 = arith.maximumf %get3A_1770, %while3A_973 : vector<16xf32>
      %min3A_1804 = arith.minimumf %get3A_1772, %while3A_974 : vector<16xf32>
      %min3A_1805 = arith.minimumf %get3A_1774, %while3A_975 : vector<16xf32>
      %sub3A_1806 = arith.subf %min3A_1804, %max3A_1802 : vector<16xf32>
      %max3A_1807 = arith.constant 0.000000e+00 : f32
      %max3A_1808 = vector.broadcast %max3A_1807 : f32 to vector<16xf32>
      %max3A_1809 = arith.maximumf %sub3A_1806, %max3A_1808 : vector<16xf32>
      %sub3A_1810 = arith.subf %min3A_1805, %max3A_1803 : vector<16xf32>
      %max3A_1811 = arith.constant 0.000000e+00 : f32
      %max3A_1812 = vector.broadcast %max3A_1811 : f32 to vector<16xf32>
      %max3A_1813 = arith.maximumf %sub3A_1810, %max3A_1812 : vector<16xf32>
      %mul3A_1814 = arith.mulf %max3A_1809, %max3A_1813 : vector<16xf32>
      %add3A_1815 = arith.addf %mul3A_1777, %while3A_976 : vector<16xf32>
      %sub3A_1816 = arith.subf %add3A_1815, %mul3A_1814 : vector<16xf32>
      %mul3A_1817 = arith.constant 3.000000e-01 : f32
      %mul3A_1818 = vector.broadcast %mul3A_1817 : f32 to vector<16xf32>
      %mul3A_1819 = arith.mulf %mul3A_1818, %sub3A_1816 : vector<16xf32>
      %gt3A_1820 = arith.cmpf ogt, %mul3A_1814, %mul3A_1819 : vector<16xf32>
      %jit3A_1821 = arith.constant 0xFF800000 : f32
      %broadcast_in_dim3A_1822 = vector.broadcast %jit3A_1821 : f32 to vector<16xf32>
      %select_n3A_1823 = arith.select %gt3A_1820, %broadcast_in_dim3A_1822, %select_n3A_1801 : vector<16xi1>, vector<16xf32>
      %max3A_1824 = arith.maximumf %get3A_1768, %while3A_977 : vector<16xf32>
      %max3A_1825 = arith.maximumf %get3A_1770, %while3A_978 : vector<16xf32>
      %min3A_1826 = arith.minimumf %get3A_1772, %while3A_979 : vector<16xf32>
      %min3A_1827 = arith.minimumf %get3A_1774, %while3A_980 : vector<16xf32>
      %sub3A_1828 = arith.subf %min3A_1826, %max3A_1824 : vector<16xf32>
      %max3A_1829 = arith.constant 0.000000e+00 : f32
      %max3A_1830 = vector.broadcast %max3A_1829 : f32 to vector<16xf32>
      %max3A_1831 = arith.maximumf %sub3A_1828, %max3A_1830 : vector<16xf32>
      %sub3A_1832 = arith.subf %min3A_1827, %max3A_1825 : vector<16xf32>
      %max3A_1833 = arith.constant 0.000000e+00 : f32
      %max3A_1834 = vector.broadcast %max3A_1833 : f32 to vector<16xf32>
      %max3A_1835 = arith.maximumf %sub3A_1832, %max3A_1834 : vector<16xf32>
      %mul3A_1836 = arith.mulf %max3A_1831, %max3A_1835 : vector<16xf32>
      %add3A_1837 = arith.addf %mul3A_1777, %while3A_981 : vector<16xf32>
      %sub3A_1838 = arith.subf %add3A_1837, %mul3A_1836 : vector<16xf32>
      %mul3A_1839 = arith.constant 3.000000e-01 : f32
      %mul3A_1840 = vector.broadcast %mul3A_1839 : f32 to vector<16xf32>
      %mul3A_1841 = arith.mulf %mul3A_1840, %sub3A_1838 : vector<16xf32>
      %gt3A_1842 = arith.cmpf ogt, %mul3A_1836, %mul3A_1841 : vector<16xf32>
      %jit3A_1843 = arith.constant 0xFF800000 : f32
      %broadcast_in_dim3A_1844 = vector.broadcast %jit3A_1843 : f32 to vector<16xf32>
      %select_n3A_1845 = arith.select %gt3A_1842, %broadcast_in_dim3A_1844, %select_n3A_1823 : vector<16xi1>, vector<16xf32>
      %max3A_1846 = arith.maximumf %get3A_1768, %while3A_982 : vector<16xf32>
      %max3A_1847 = arith.maximumf %get3A_1770, %while3A_983 : vector<16xf32>
      %min3A_1848 = arith.minimumf %get3A_1772, %while3A_984 : vector<16xf32>
      %min3A_1849 = arith.minimumf %get3A_1774, %while3A_985 : vector<16xf32>
      %sub3A_1850 = arith.subf %min3A_1848, %max3A_1846 : vector<16xf32>
      %max3A_1851 = arith.constant 0.000000e+00 : f32
      %max3A_1852 = vector.broadcast %max3A_1851 : f32 to vector<16xf32>
      %max3A_1853 = arith.maximumf %sub3A_1850, %max3A_1852 : vector<16xf32>
      %sub3A_1854 = arith.subf %min3A_1849, %max3A_1847 : vector<16xf32>
      %max3A_1855 = arith.constant 0.000000e+00 : f32
      %max3A_1856 = vector.broadcast %max3A_1855 : f32 to vector<16xf32>
      %max3A_1857 = arith.maximumf %sub3A_1854, %max3A_1856 : vector<16xf32>
      %mul3A_1858 = arith.mulf %max3A_1853, %max3A_1857 : vector<16xf32>
      %add3A_1859 = arith.addf %mul3A_1777, %while3A_986 : vector<16xf32>
      %sub3A_1860 = arith.subf %add3A_1859, %mul3A_1858 : vector<16xf32>
      %mul3A_1861 = arith.constant 3.000000e-01 : f32
      %mul3A_1862 = vector.broadcast %mul3A_1861 : f32 to vector<16xf32>
      %mul3A_1863 = arith.mulf %mul3A_1862, %sub3A_1860 : vector<16xf32>
      %gt3A_1864 = arith.cmpf ogt, %mul3A_1858, %mul3A_1863 : vector<16xf32>
      %jit3A_1865 = arith.constant 0xFF800000 : f32
      %broadcast_in_dim3A_1866 = vector.broadcast %jit3A_1865 : f32 to vector<16xf32>
      %select_n3A_1867 = arith.select %gt3A_1864, %broadcast_in_dim3A_1866, %select_n3A_1845 : vector<16xi1>, vector<16xf32>
      %swap3A_1868 = arith.constant 112 : index
      %swap3A_1869 = tpu.vector_load %arg11[%swap3A_1868] {strides = array<i32>} : memref<320xf32, #tpu.memory_space<vmem>>, vector<16xf32>,
      tpu.vector_store %arg11[%swap3A_1868], %select_n3A_1867 {strides = array<i32>} : memref<320xf32, #tpu.memory_space<vmem>>, vector<16xf32>,
      %gt3A_1870 = arith.cmpf ogt, %select_n3A_1867, %select_n3A_1762 : vector<16xf32>
      %min3A_1871 = arith.minimumf %select_n3A_1762, %select_n3A_1867 : vector<16xf32>
      %max3A_1872 = arith.maximumf %max3A_1761, %min3A_1871 : vector<16xf32>
      %select_n3A_1873 = arith.select %gt3A_1870, %select_n3A_1867, %select_n3A_1762 : vector<16xi1>, vector<16xf32>
      %add3A_1874 = arith.constant 1.120000e+02 : f32
      %add3A_1875 = vector.broadcast %add3A_1874 : f32 to vector<16xf32>
      %add3A_1876 = arith.addf %add3A_956, %add3A_1875 : vector<16xf32>
      %select_n3A_1877 = arith.select %gt3A_1870, %add3A_1876, %select_n3A_1766 : vector<16xi1>, vector<16xf32>
      %get3A_1878 = arith.constant 128 : index
      %get3A_1879 = tpu.vector_load %arg7[%get3A_1878] {strides = array<i32>} : memref<320xf32, #tpu.memory_space<vmem>>, vector<16xf32>,
      %get3A_1880 = arith.constant 128 : index
      %get3A_1881 = tpu.vector_load %arg8[%get3A_1880] {strides = array<i32>} : memref<320xf32, #tpu.memory_space<vmem>>, vector<16xf32>,
      %get3A_1882 = arith.constant 128 : index
      %get3A_1883 = tpu.vector_load %arg9[%get3A_1882] {strides = array<i32>} : memref<320xf32, #tpu.memory_space<vmem>>, vector<16xf32>,
      %get3A_1884 = arith.constant 128 : index
      %get3A_1885 = tpu.vector_load %arg10[%get3A_1884] {strides = array<i32>} : memref<320xf32, #tpu.memory_space<vmem>>, vector<16xf32>,
      %sub3A_1886 = arith.subf %get3A_1883, %get3A_1879 : vector<16xf32>
      %sub3A_1887 = arith.subf %get3A_1885, %get3A_1881 : vector<16xf32>
      %mul3A_1888 = arith.mulf %sub3A_1886, %sub3A_1887 : vector<16xf32>
      %get3A_1889 = arith.constant 128 : index
      %get3A_1890 = tpu.vector_load %arg11[%get3A_1889] {strides = array<i32>} : memref<320xf32, #tpu.memory_space<vmem>>, vector<16xf32>,
      %max3A_1891 = arith.maximumf %get3A_1879, %while3A_967 : vector<16xf32>
      %max3A_1892 = arith.maximumf %get3A_1881, %while3A_968 : vector<16xf32>
      %min3A_1893 = arith.minimumf %get3A_1883, %while3A_969 : vector<16xf32>
      %min3A_1894 = arith.minimumf %get3A_1885, %while3A_970 : vector<16xf32>
      %sub3A_1895 = arith.subf %min3A_1893, %max3A_1891 : vector<16xf32>
      %max3A_1896 = arith.constant 0.000000e+00 : f32
      %max3A_1897 = vector.broadcast %max3A_1896 : f32 to vector<16xf32>
      %max3A_1898 = arith.maximumf %sub3A_1895, %max3A_1897 : vector<16xf32>
      %sub3A_1899 = arith.subf %min3A_1894, %max3A_1892 : vector<16xf32>
      %max3A_1900 = arith.constant 0.000000e+00 : f32
      %max3A_1901 = vector.broadcast %max3A_1900 : f32 to vector<16xf32>
      %max3A_1902 = arith.maximumf %sub3A_1899, %max3A_1901 : vector<16xf32>
      %mul3A_1903 = arith.mulf %max3A_1898, %max3A_1902 : vector<16xf32>
      %add3A_1904 = arith.addf %mul3A_1888, %while3A_971 : vector<16xf32>
      %sub3A_1905 = arith.subf %add3A_1904, %mul3A_1903 : vector<16xf32>
      %mul3A_1906 = arith.constant 3.000000e-01 : f32
      %mul3A_1907 = vector.broadcast %mul3A_1906 : f32 to vector<16xf32>
      %mul3A_1908 = arith.mulf %mul3A_1907, %sub3A_1905 : vector<16xf32>
      %gt3A_1909 = arith.cmpf ogt, %mul3A_1903, %mul3A_1908 : vector<16xf32>
      %jit3A_1910 = arith.constant 0xFF800000 : f32
      %broadcast_in_dim3A_1911 = vector.broadcast %jit3A_1910 : f32 to vector<16xf32>
      %select_n3A_1912 = arith.select %gt3A_1909, %broadcast_in_dim3A_1911, %get3A_1890 : vector<16xi1>, vector<16xf32>
      %max3A_1913 = arith.maximumf %get3A_1879, %while3A_972 : vector<16xf32>
      %max3A_1914 = arith.maximumf %get3A_1881, %while3A_973 : vector<16xf32>
      %min3A_1915 = arith.minimumf %get3A_1883, %while3A_974 : vector<16xf32>
      %min3A_1916 = arith.minimumf %get3A_1885, %while3A_975 : vector<16xf32>
      %sub3A_1917 = arith.subf %min3A_1915, %max3A_1913 : vector<16xf32>
      %max3A_1918 = arith.constant 0.000000e+00 : f32
      %max3A_1919 = vector.broadcast %max3A_1918 : f32 to vector<16xf32>
      %max3A_1920 = arith.maximumf %sub3A_1917, %max3A_1919 : vector<16xf32>
      %sub3A_1921 = arith.subf %min3A_1916, %max3A_1914 : vector<16xf32>
      %max3A_1922 = arith.constant 0.000000e+00 : f32
      %max3A_1923 = vector.broadcast %max3A_1922 : f32 to vector<16xf32>
      %max3A_1924 = arith.maximumf %sub3A_1921, %max3A_1923 : vector<16xf32>
      %mul3A_1925 = arith.mulf %max3A_1920, %max3A_1924 : vector<16xf32>
      %add3A_1926 = arith.addf %mul3A_1888, %while3A_976 : vector<16xf32>
      %sub3A_1927 = arith.subf %add3A_1926, %mul3A_1925 : vector<16xf32>
      %mul3A_1928 = arith.constant 3.000000e-01 : f32
      %mul3A_1929 = vector.broadcast %mul3A_1928 : f32 to vector<16xf32>
      %mul3A_1930 = arith.mulf %mul3A_1929, %sub3A_1927 : vector<16xf32>
      %gt3A_1931 = arith.cmpf ogt, %mul3A_1925, %mul3A_1930 : vector<16xf32>
      %jit3A_1932 = arith.constant 0xFF800000 : f32
      %broadcast_in_dim3A_1933 = vector.broadcast %jit3A_1932 : f32 to vector<16xf32>
      %select_n3A_1934 = arith.select %gt3A_1931, %broadcast_in_dim3A_1933, %select_n3A_1912 : vector<16xi1>, vector<16xf32>
      %max3A_1935 = arith.maximumf %get3A_1879, %while3A_977 : vector<16xf32>
      %max3A_1936 = arith.maximumf %get3A_1881, %while3A_978 : vector<16xf32>
      %min3A_1937 = arith.minimumf %get3A_1883, %while3A_979 : vector<16xf32>
      %min3A_1938 = arith.minimumf %get3A_1885, %while3A_980 : vector<16xf32>
      %sub3A_1939 = arith.subf %min3A_1937, %max3A_1935 : vector<16xf32>
      %max3A_1940 = arith.constant 0.000000e+00 : f32
      %max3A_1941 = vector.broadcast %max3A_1940 : f32 to vector<16xf32>
      %max3A_1942 = arith.maximumf %sub3A_1939, %max3A_1941 : vector<16xf32>
      %sub3A_1943 = arith.subf %min3A_1938, %max3A_1936 : vector<16xf32>
      %max3A_1944 = arith.constant 0.000000e+00 : f32
      %max3A_1945 = vector.broadcast %max3A_1944 : f32 to vector<16xf32>
      %max3A_1946 = arith.maximumf %sub3A_1943, %max3A_1945 : vector<16xf32>
      %mul3A_1947 = arith.mulf %max3A_1942, %max3A_1946 : vector<16xf32>
      %add3A_1948 = arith.addf %mul3A_1888, %while3A_981 : vector<16xf32>
      %sub3A_1949 = arith.subf %add3A_1948, %mul3A_1947 : vector<16xf32>
      %mul3A_1950 = arith.constant 3.000000e-01 : f32
      %mul3A_1951 = vector.broadcast %mul3A_1950 : f32 to vector<16xf32>
      %mul3A_1952 = arith.mulf %mul3A_1951, %sub3A_1949 : vector<16xf32>
      %gt3A_1953 = arith.cmpf ogt, %mul3A_1947, %mul3A_1952 : vector<16xf32>
      %jit3A_1954 = arith.constant 0xFF800000 : f32
      %broadcast_in_dim3A_1955 = vector.broadcast %jit3A_1954 : f32 to vector<16xf32>
      %select_n3A_1956 = arith.select %gt3A_1953, %broadcast_in_dim3A_1955, %select_n3A_1934 : vector<16xi1>, vector<16xf32>
      %max3A_1957 = arith.maximumf %get3A_1879, %while3A_982 : vector<16xf32>
      %max3A_1958 = arith.maximumf %get3A_1881, %while3A_983 : vector<16xf32>
      %min3A_1959 = arith.minimumf %get3A_1883, %while3A_984 : vector<16xf32>
      %min3A_1960 = arith.minimumf %get3A_1885, %while3A_985 : vector<16xf32>
      %sub3A_1961 = arith.subf %min3A_1959, %max3A_1957 : vector<16xf32>
      %max3A_1962 = arith.constant 0.000000e+00 : f32
      %max3A_1963 = vector.broadcast %max3A_1962 : f32 to vector<16xf32>
      %max3A_1964 = arith.maximumf %sub3A_1961, %max3A_1963 : vector<16xf32>
      %sub3A_1965 = arith.subf %min3A_1960, %max3A_1958 : vector<16xf32>
      %max3A_1966 = arith.constant 0.000000e+00 : f32
      %max3A_1967 = vector.broadcast %max3A_1966 : f32 to vector<16xf32>
      %max3A_1968 = arith.maximumf %sub3A_1965, %max3A_1967 : vector<16xf32>
      %mul3A_1969 = arith.mulf %max3A_1964, %max3A_1968 : vector<16xf32>
      %add3A_1970 = arith.addf %mul3A_1888, %while3A_986 : vector<16xf32>
      %sub3A_1971 = arith.subf %add3A_1970, %mul3A_1969 : vector<16xf32>
      %mul3A_1972 = arith.constant 3.000000e-01 : f32
      %mul3A_1973 = vector.broadcast %mul3A_1972 : f32 to vector<16xf32>
      %mul3A_1974 = arith.mulf %mul3A_1973, %sub3A_1971 : vector<16xf32>
      %gt3A_1975 = arith.cmpf ogt, %mul3A_1969, %mul3A_1974 : vector<16xf32>
      %jit3A_1976 = arith.constant 0xFF800000 : f32
      %broadcast_in_dim3A_1977 = vector.broadcast %jit3A_1976 : f32 to vector<16xf32>
      %select_n3A_1978 = arith.select %gt3A_1975, %broadcast_in_dim3A_1977, %select_n3A_1956 : vector<16xi1>, vector<16xf32>
      %swap3A_1979 = arith.constant 128 : index
      %swap3A_1980 = tpu.vector_load %arg11[%swap3A_1979] {strides = array<i32>} : memref<320xf32, #tpu.memory_space<vmem>>, vector<16xf32>,
      tpu.vector_store %arg11[%swap3A_1979], %select_n3A_1978 {strides = array<i32>} : memref<320xf32, #tpu.memory_space<vmem>>, vector<16xf32>,
      %gt3A_1981 = arith.cmpf ogt, %select_n3A_1978, %select_n3A_1873 : vector<16xf32>
      %min3A_1982 = arith.minimumf %select_n3A_1873, %select_n3A_1978 : vector<16xf32>
      %max3A_1983 = arith.maximumf %max3A_1872, %min3A_1982 : vector<16xf32>
      %select_n3A_1984 = arith.select %gt3A_1981, %select_n3A_1978, %select_n3A_1873 : vector<16xi1>, vector<16xf32>
      %add3A_1985 = arith.constant 1.280000e+02 : f32
      %add3A_1986 = vector.broadcast %add3A_1985 : f32 to vector<16xf32>
      %add3A_1987 = arith.addf %add3A_956, %add3A_1986 : vector<16xf32>
      %select_n3A_1988 = arith.select %gt3A_1981, %add3A_1987, %select_n3A_1877 : vector<16xi1>, vector<16xf32>
      %get3A_1989 = arith.constant 144 : index
      %get3A_1990 = tpu.vector_load %arg7[%get3A_1989] {strides = array<i32>} : memref<320xf32, #tpu.memory_space<vmem>>, vector<16xf32>,
      %get3A_1991 = arith.constant 144 : index
      %get3A_1992 = tpu.vector_load %arg8[%get3A_1991] {strides = array<i32>} : memref<320xf32, #tpu.memory_space<vmem>>, vector<16xf32>,
      %get3A_1993 = arith.constant 144 : index
      %get3A_1994 = tpu.vector_load %arg9[%get3A_1993] {strides = array<i32>} : memref<320xf32, #tpu.memory_space<vmem>>, vector<16xf32>,
      %get3A_1995 = arith.constant 144 : index
      %get3A_1996 = tpu.vector_load %arg10[%get3A_1995] {strides = array<i32>} : memref<320xf32, #tpu.memory_space<vmem>>, vector<16xf32>,
      %sub3A_1997 = arith.subf %get3A_1994, %get3A_1990 : vector<16xf32>
      %sub3A_1998 = arith.subf %get3A_1996, %get3A_1992 : vector<16xf32>
      %mul3A_1999 = arith.mulf %sub3A_1997, %sub3A_1998 : vector<16xf32>
      %get3A_2000 = arith.constant 144 : index
      %get3A_2001 = tpu.vector_load %arg11[%get3A_2000] {strides = array<i32>} : memref<320xf32, #tpu.memory_space<vmem>>, vector<16xf32>,
      %max3A_2002 = arith.maximumf %get3A_1990, %while3A_967 : vector<16xf32>
      %max3A_2003 = arith.maximumf %get3A_1992, %while3A_968 : vector<16xf32>
      %min3A_2004 = arith.minimumf %get3A_1994, %while3A_969 : vector<16xf32>
      %min3A_2005 = arith.minimumf %get3A_1996, %while3A_970 : vector<16xf32>
      %sub3A_2006 = arith.subf %min3A_2004, %max3A_2002 : vector<16xf32>
      %max3A_2007 = arith.constant 0.000000e+00 : f32
      %max3A_2008 = vector.broadcast %max3A_2007 : f32 to vector<16xf32>
      %max3A_2009 = arith.maximumf %sub3A_2006, %max3A_2008 : vector<16xf32>
      %sub3A_2010 = arith.subf %min3A_2005, %max3A_2003 : vector<16xf32>
      %max3A_2011 = arith.constant 0.000000e+00 : f32
      %max3A_2012 = vector.broadcast %max3A_2011 : f32 to vector<16xf32>
      %max3A_2013 = arith.maximumf %sub3A_2010, %max3A_2012 : vector<16xf32>
      %mul3A_2014 = arith.mulf %max3A_2009, %max3A_2013 : vector<16xf32>
      %add3A_2015 = arith.addf %mul3A_1999, %while3A_971 : vector<16xf32>
      %sub3A_2016 = arith.subf %add3A_2015, %mul3A_2014 : vector<16xf32>
      %mul3A_2017 = arith.constant 3.000000e-01 : f32
      %mul3A_2018 = vector.broadcast %mul3A_2017 : f32 to vector<16xf32>
      %mul3A_2019 = arith.mulf %mul3A_2018, %sub3A_2016 : vector<16xf32>
      %gt3A_2020 = arith.cmpf ogt, %mul3A_2014, %mul3A_2019 : vector<16xf32>
      %jit3A_2021 = arith.constant 0xFF800000 : f32
      %broadcast_in_dim3A_2022 = vector.broadcast %jit3A_2021 : f32 to vector<16xf32>
      %select_n3A_2023 = arith.select %gt3A_2020, %broadcast_in_dim3A_2022, %get3A_2001 : vector<16xi1>, vector<16xf32>
      %max3A_2024 = arith.maximumf %get3A_1990, %while3A_972 : vector<16xf32>
      %max3A_2025 = arith.maximumf %get3A_1992, %while3A_973 : vector<16xf32>
      %min3A_2026 = arith.minimumf %get3A_1994, %while3A_974 : vector<16xf32>
      %min3A_2027 = arith.minimumf %get3A_1996, %while3A_975 : vector<16xf32>
      %sub3A_2028 = arith.subf %min3A_2026, %max3A_2024 : vector<16xf32>
      %max3A_2029 = arith.constant 0.000000e+00 : f32
      %max3A_2030 = vector.broadcast %max3A_2029 : f32 to vector<16xf32>
      %max3A_2031 = arith.maximumf %sub3A_2028, %max3A_2030 : vector<16xf32>
      %sub3A_2032 = arith.subf %min3A_2027, %max3A_2025 : vector<16xf32>
      %max3A_2033 = arith.constant 0.000000e+00 : f32
      %max3A_2034 = vector.broadcast %max3A_2033 : f32 to vector<16xf32>
      %max3A_2035 = arith.maximumf %sub3A_2032, %max3A_2034 : vector<16xf32>
      %mul3A_2036 = arith.mulf %max3A_2031, %max3A_2035 : vector<16xf32>
      %add3A_2037 = arith.addf %mul3A_1999, %while3A_976 : vector<16xf32>
      %sub3A_2038 = arith.subf %add3A_2037, %mul3A_2036 : vector<16xf32>
      %mul3A_2039 = arith.constant 3.000000e-01 : f32
      %mul3A_2040 = vector.broadcast %mul3A_2039 : f32 to vector<16xf32>
      %mul3A_2041 = arith.mulf %mul3A_2040, %sub3A_2038 : vector<16xf32>
      %gt3A_2042 = arith.cmpf ogt, %mul3A_2036, %mul3A_2041 : vector<16xf32>
      %jit3A_2043 = arith.constant 0xFF800000 : f32
      %broadcast_in_dim3A_2044 = vector.broadcast %jit3A_2043 : f32 to vector<16xf32>
      %select_n3A_2045 = arith.select %gt3A_2042, %broadcast_in_dim3A_2044, %select_n3A_2023 : vector<16xi1>, vector<16xf32>
      %max3A_2046 = arith.maximumf %get3A_1990, %while3A_977 : vector<16xf32>
      %max3A_2047 = arith.maximumf %get3A_1992, %while3A_978 : vector<16xf32>
      %min3A_2048 = arith.minimumf %get3A_1994, %while3A_979 : vector<16xf32>
      %min3A_2049 = arith.minimumf %get3A_1996, %while3A_980 : vector<16xf32>
      %sub3A_2050 = arith.subf %min3A_2048, %max3A_2046 : vector<16xf32>
      %max3A_2051 = arith.constant 0.000000e+00 : f32
      %max3A_2052 = vector.broadcast %max3A_2051 : f32 to vector<16xf32>
      %max3A_2053 = arith.maximumf %sub3A_2050, %max3A_2052 : vector<16xf32>
      %sub3A_2054 = arith.subf %min3A_2049, %max3A_2047 : vector<16xf32>
      %max3A_2055 = arith.constant 0.000000e+00 : f32
      %max3A_2056 = vector.broadcast %max3A_2055 : f32 to vector<16xf32>
      %max3A_2057 = arith.maximumf %sub3A_2054, %max3A_2056 : vector<16xf32>
      %mul3A_2058 = arith.mulf %max3A_2053, %max3A_2057 : vector<16xf32>
      %add3A_2059 = arith.addf %mul3A_1999, %while3A_981 : vector<16xf32>
      %sub3A_2060 = arith.subf %add3A_2059, %mul3A_2058 : vector<16xf32>
      %mul3A_2061 = arith.constant 3.000000e-01 : f32
      %mul3A_2062 = vector.broadcast %mul3A_2061 : f32 to vector<16xf32>
      %mul3A_2063 = arith.mulf %mul3A_2062, %sub3A_2060 : vector<16xf32>
      %gt3A_2064 = arith.cmpf ogt, %mul3A_2058, %mul3A_2063 : vector<16xf32>
      %jit3A_2065 = arith.constant 0xFF800000 : f32
      %broadcast_in_dim3A_2066 = vector.broadcast %jit3A_2065 : f32 to vector<16xf32>
      %select_n3A_2067 = arith.select %gt3A_2064, %broadcast_in_dim3A_2066, %select_n3A_2045 : vector<16xi1>, vector<16xf32>
      %max3A_2068 = arith.maximumf %get3A_1990, %while3A_982 : vector<16xf32>
      %max3A_2069 = arith.maximumf %get3A_1992, %while3A_983 : vector<16xf32>
      %min3A_2070 = arith.minimumf %get3A_1994, %while3A_984 : vector<16xf32>
      %min3A_2071 = arith.minimumf %get3A_1996, %while3A_985 : vector<16xf32>
      %sub3A_2072 = arith.subf %min3A_2070, %max3A_2068 : vector<16xf32>
      %max3A_2073 = arith.constant 0.000000e+00 : f32
      %max3A_2074 = vector.broadcast %max3A_2073 : f32 to vector<16xf32>
      %max3A_2075 = arith.maximumf %sub3A_2072, %max3A_2074 : vector<16xf32>
      %sub3A_2076 = arith.subf %min3A_2071, %max3A_2069 : vector<16xf32>
      %max3A_2077 = arith.constant 0.000000e+00 : f32
      %max3A_2078 = vector.broadcast %max3A_2077 : f32 to vector<16xf32>
      %max3A_2079 = arith.maximumf %sub3A_2076, %max3A_2078 : vector<16xf32>
      %mul3A_2080 = arith.mulf %max3A_2075, %max3A_2079 : vector<16xf32>
      %add3A_2081 = arith.addf %mul3A_1999, %while3A_986 : vector<16xf32>
      %sub3A_2082 = arith.subf %add3A_2081, %mul3A_2080 : vector<16xf32>
      %mul3A_2083 = arith.constant 3.000000e-01 : f32
      %mul3A_2084 = vector.broadcast %mul3A_2083 : f32 to vector<16xf32>
      %mul3A_2085 = arith.mulf %mul3A_2084, %sub3A_2082 : vector<16xf32>
      %gt3A_2086 = arith.cmpf ogt, %mul3A_2080, %mul3A_2085 : vector<16xf32>
      %jit3A_2087 = arith.constant 0xFF800000 : f32
      %broadcast_in_dim3A_2088 = vector.broadcast %jit3A_2087 : f32 to vector<16xf32>
      %select_n3A_2089 = arith.select %gt3A_2086, %broadcast_in_dim3A_2088, %select_n3A_2067 : vector<16xi1>, vector<16xf32>
      %swap3A_2090 = arith.constant 144 : index
      %swap3A_2091 = tpu.vector_load %arg11[%swap3A_2090] {strides = array<i32>} : memref<320xf32, #tpu.memory_space<vmem>>, vector<16xf32>,
      tpu.vector_store %arg11[%swap3A_2090], %select_n3A_2089 {strides = array<i32>} : memref<320xf32, #tpu.memory_space<vmem>>, vector<16xf32>,
      %gt3A_2092 = arith.cmpf ogt, %select_n3A_2089, %select_n3A_1984 : vector<16xf32>
      %min3A_2093 = arith.minimumf %select_n3A_1984, %select_n3A_2089 : vector<16xf32>
      %max3A_2094 = arith.maximumf %max3A_1983, %min3A_2093 : vector<16xf32>
      %select_n3A_2095 = arith.select %gt3A_2092, %select_n3A_2089, %select_n3A_1984 : vector<16xi1>, vector<16xf32>
      %add3A_2096 = arith.constant 1.440000e+02 : f32
      %add3A_2097 = vector.broadcast %add3A_2096 : f32 to vector<16xf32>
      %add3A_2098 = arith.addf %add3A_956, %add3A_2097 : vector<16xf32>
      %select_n3A_2099 = arith.select %gt3A_2092, %add3A_2098, %select_n3A_1988 : vector<16xi1>, vector<16xf32>
      %get3A_2100 = arith.constant 160 : index
      %get3A_2101 = tpu.vector_load %arg7[%get3A_2100] {strides = array<i32>} : memref<320xf32, #tpu.memory_space<vmem>>, vector<16xf32>,
      %get3A_2102 = arith.constant 160 : index
      %get3A_2103 = tpu.vector_load %arg8[%get3A_2102] {strides = array<i32>} : memref<320xf32, #tpu.memory_space<vmem>>, vector<16xf32>,
      %get3A_2104 = arith.constant 160 : index
      %get3A_2105 = tpu.vector_load %arg9[%get3A_2104] {strides = array<i32>} : memref<320xf32, #tpu.memory_space<vmem>>, vector<16xf32>,
      %get3A_2106 = arith.constant 160 : index
      %get3A_2107 = tpu.vector_load %arg10[%get3A_2106] {strides = array<i32>} : memref<320xf32, #tpu.memory_space<vmem>>, vector<16xf32>,
      %sub3A_2108 = arith.subf %get3A_2105, %get3A_2101 : vector<16xf32>
      %sub3A_2109 = arith.subf %get3A_2107, %get3A_2103 : vector<16xf32>
      %mul3A_2110 = arith.mulf %sub3A_2108, %sub3A_2109 : vector<16xf32>
      %get3A_2111 = arith.constant 160 : index
      %get3A_2112 = tpu.vector_load %arg11[%get3A_2111] {strides = array<i32>} : memref<320xf32, #tpu.memory_space<vmem>>, vector<16xf32>,
      %max3A_2113 = arith.maximumf %get3A_2101, %while3A_967 : vector<16xf32>
      %max3A_2114 = arith.maximumf %get3A_2103, %while3A_968 : vector<16xf32>
      %min3A_2115 = arith.minimumf %get3A_2105, %while3A_969 : vector<16xf32>
      %min3A_2116 = arith.minimumf %get3A_2107, %while3A_970 : vector<16xf32>
      %sub3A_2117 = arith.subf %min3A_2115, %max3A_2113 : vector<16xf32>
      %max3A_2118 = arith.constant 0.000000e+00 : f32
      %max3A_2119 = vector.broadcast %max3A_2118 : f32 to vector<16xf32>
      %max3A_2120 = arith.maximumf %sub3A_2117, %max3A_2119 : vector<16xf32>
      %sub3A_2121 = arith.subf %min3A_2116, %max3A_2114 : vector<16xf32>
      %max3A_2122 = arith.constant 0.000000e+00 : f32
      %max3A_2123 = vector.broadcast %max3A_2122 : f32 to vector<16xf32>
      %max3A_2124 = arith.maximumf %sub3A_2121, %max3A_2123 : vector<16xf32>
      %mul3A_2125 = arith.mulf %max3A_2120, %max3A_2124 : vector<16xf32>
      %add3A_2126 = arith.addf %mul3A_2110, %while3A_971 : vector<16xf32>
      %sub3A_2127 = arith.subf %add3A_2126, %mul3A_2125 : vector<16xf32>
      %mul3A_2128 = arith.constant 3.000000e-01 : f32
      %mul3A_2129 = vector.broadcast %mul3A_2128 : f32 to vector<16xf32>
      %mul3A_2130 = arith.mulf %mul3A_2129, %sub3A_2127 : vector<16xf32>
      %gt3A_2131 = arith.cmpf ogt, %mul3A_2125, %mul3A_2130 : vector<16xf32>
      %jit3A_2132 = arith.constant 0xFF800000 : f32
      %broadcast_in_dim3A_2133 = vector.broadcast %jit3A_2132 : f32 to vector<16xf32>
      %select_n3A_2134 = arith.select %gt3A_2131, %broadcast_in_dim3A_2133, %get3A_2112 : vector<16xi1>, vector<16xf32>
      %max3A_2135 = arith.maximumf %get3A_2101, %while3A_972 : vector<16xf32>
      %max3A_2136 = arith.maximumf %get3A_2103, %while3A_973 : vector<16xf32>
      %min3A_2137 = arith.minimumf %get3A_2105, %while3A_974 : vector<16xf32>
      %min3A_2138 = arith.minimumf %get3A_2107, %while3A_975 : vector<16xf32>
      %sub3A_2139 = arith.subf %min3A_2137, %max3A_2135 : vector<16xf32>
      %max3A_2140 = arith.constant 0.000000e+00 : f32
      %max3A_2141 = vector.broadcast %max3A_2140 : f32 to vector<16xf32>
      %max3A_2142 = arith.maximumf %sub3A_2139, %max3A_2141 : vector<16xf32>
      %sub3A_2143 = arith.subf %min3A_2138, %max3A_2136 : vector<16xf32>
      %max3A_2144 = arith.constant 0.000000e+00 : f32
      %max3A_2145 = vector.broadcast %max3A_2144 : f32 to vector<16xf32>
      %max3A_2146 = arith.maximumf %sub3A_2143, %max3A_2145 : vector<16xf32>
      %mul3A_2147 = arith.mulf %max3A_2142, %max3A_2146 : vector<16xf32>
      %add3A_2148 = arith.addf %mul3A_2110, %while3A_976 : vector<16xf32>
      %sub3A_2149 = arith.subf %add3A_2148, %mul3A_2147 : vector<16xf32>
      %mul3A_2150 = arith.constant 3.000000e-01 : f32
      %mul3A_2151 = vector.broadcast %mul3A_2150 : f32 to vector<16xf32>
      %mul3A_2152 = arith.mulf %mul3A_2151, %sub3A_2149 : vector<16xf32>
      %gt3A_2153 = arith.cmpf ogt, %mul3A_2147, %mul3A_2152 : vector<16xf32>
      %jit3A_2154 = arith.constant 0xFF800000 : f32
      %broadcast_in_dim3A_2155 = vector.broadcast %jit3A_2154 : f32 to vector<16xf32>
      %select_n3A_2156 = arith.select %gt3A_2153, %broadcast_in_dim3A_2155, %select_n3A_2134 : vector<16xi1>, vector<16xf32>
      %max3A_2157 = arith.maximumf %get3A_2101, %while3A_977 : vector<16xf32>
      %max3A_2158 = arith.maximumf %get3A_2103, %while3A_978 : vector<16xf32>
      %min3A_2159 = arith.minimumf %get3A_2105, %while3A_979 : vector<16xf32>
      %min3A_2160 = arith.minimumf %get3A_2107, %while3A_980 : vector<16xf32>
      %sub3A_2161 = arith.subf %min3A_2159, %max3A_2157 : vector<16xf32>
      %max3A_2162 = arith.constant 0.000000e+00 : f32
      %max3A_2163 = vector.broadcast %max3A_2162 : f32 to vector<16xf32>
      %max3A_2164 = arith.maximumf %sub3A_2161, %max3A_2163 : vector<16xf32>
      %sub3A_2165 = arith.subf %min3A_2160, %max3A_2158 : vector<16xf32>
      %max3A_2166 = arith.constant 0.000000e+00 : f32
      %max3A_2167 = vector.broadcast %max3A_2166 : f32 to vector<16xf32>
      %max3A_2168 = arith.maximumf %sub3A_2165, %max3A_2167 : vector<16xf32>
      %mul3A_2169 = arith.mulf %max3A_2164, %max3A_2168 : vector<16xf32>
      %add3A_2170 = arith.addf %mul3A_2110, %while3A_981 : vector<16xf32>
      %sub3A_2171 = arith.subf %add3A_2170, %mul3A_2169 : vector<16xf32>
      %mul3A_2172 = arith.constant 3.000000e-01 : f32
      %mul3A_2173 = vector.broadcast %mul3A_2172 : f32 to vector<16xf32>
      %mul3A_2174 = arith.mulf %mul3A_2173, %sub3A_2171 : vector<16xf32>
      %gt3A_2175 = arith.cmpf ogt, %mul3A_2169, %mul3A_2174 : vector<16xf32>
      %jit3A_2176 = arith.constant 0xFF800000 : f32
      %broadcast_in_dim3A_2177 = vector.broadcast %jit3A_2176 : f32 to vector<16xf32>
      %select_n3A_2178 = arith.select %gt3A_2175, %broadcast_in_dim3A_2177, %select_n3A_2156 : vector<16xi1>, vector<16xf32>
      %max3A_2179 = arith.maximumf %get3A_2101, %while3A_982 : vector<16xf32>
      %max3A_2180 = arith.maximumf %get3A_2103, %while3A_983 : vector<16xf32>
      %min3A_2181 = arith.minimumf %get3A_2105, %while3A_984 : vector<16xf32>
      %min3A_2182 = arith.minimumf %get3A_2107, %while3A_985 : vector<16xf32>
      %sub3A_2183 = arith.subf %min3A_2181, %max3A_2179 : vector<16xf32>
      %max3A_2184 = arith.constant 0.000000e+00 : f32
      %max3A_2185 = vector.broadcast %max3A_2184 : f32 to vector<16xf32>
      %max3A_2186 = arith.maximumf %sub3A_2183, %max3A_2185 : vector<16xf32>
      %sub3A_2187 = arith.subf %min3A_2182, %max3A_2180 : vector<16xf32>
      %max3A_2188 = arith.constant 0.000000e+00 : f32
      %max3A_2189 = vector.broadcast %max3A_2188 : f32 to vector<16xf32>
      %max3A_2190 = arith.maximumf %sub3A_2187, %max3A_2189 : vector<16xf32>
      %mul3A_2191 = arith.mulf %max3A_2186, %max3A_2190 : vector<16xf32>
      %add3A_2192 = arith.addf %mul3A_2110, %while3A_986 : vector<16xf32>
      %sub3A_2193 = arith.subf %add3A_2192, %mul3A_2191 : vector<16xf32>
      %mul3A_2194 = arith.constant 3.000000e-01 : f32
      %mul3A_2195 = vector.broadcast %mul3A_2194 : f32 to vector<16xf32>
      %mul3A_2196 = arith.mulf %mul3A_2195, %sub3A_2193 : vector<16xf32>
      %gt3A_2197 = arith.cmpf ogt, %mul3A_2191, %mul3A_2196 : vector<16xf32>
      %jit3A_2198 = arith.constant 0xFF800000 : f32
      %broadcast_in_dim3A_2199 = vector.broadcast %jit3A_2198 : f32 to vector<16xf32>
      %select_n3A_2200 = arith.select %gt3A_2197, %broadcast_in_dim3A_2199, %select_n3A_2178 : vector<16xi1>, vector<16xf32>
      %swap3A_2201 = arith.constant 160 : index
      %swap3A_2202 = tpu.vector_load %arg11[%swap3A_2201] {strides = array<i32>} : memref<320xf32, #tpu.memory_space<vmem>>, vector<16xf32>,
      tpu.vector_store %arg11[%swap3A_2201], %select_n3A_2200 {strides = array<i32>} : memref<320xf32, #tpu.memory_space<vmem>>, vector<16xf32>,
      %gt3A_2203 = arith.cmpf ogt, %select_n3A_2200, %select_n3A_2095 : vector<16xf32>
      %min3A_2204 = arith.minimumf %select_n3A_2095, %select_n3A_2200 : vector<16xf32>
      %max3A_2205 = arith.maximumf %max3A_2094, %min3A_2204 : vector<16xf32>
      %select_n3A_2206 = arith.select %gt3A_2203, %select_n3A_2200, %select_n3A_2095 : vector<16xi1>, vector<16xf32>
      %add3A_2207 = arith.constant 1.600000e+02 : f32
      %add3A_2208 = vector.broadcast %add3A_2207 : f32 to vector<16xf32>
      %add3A_2209 = arith.addf %add3A_956, %add3A_2208 : vector<16xf32>
      %select_n3A_2210 = arith.select %gt3A_2203, %add3A_2209, %select_n3A_2099 : vector<16xi1>, vector<16xf32>
      %get3A_2211 = arith.constant 176 : index
      %get3A_2212 = tpu.vector_load %arg7[%get3A_2211] {strides = array<i32>} : memref<320xf32, #tpu.memory_space<vmem>>, vector<16xf32>,
      %get3A_2213 = arith.constant 176 : index
      %get3A_2214 = tpu.vector_load %arg8[%get3A_2213] {strides = array<i32>} : memref<320xf32, #tpu.memory_space<vmem>>, vector<16xf32>,
      %get3A_2215 = arith.constant 176 : index
      %get3A_2216 = tpu.vector_load %arg9[%get3A_2215] {strides = array<i32>} : memref<320xf32, #tpu.memory_space<vmem>>, vector<16xf32>,
      %get3A_2217 = arith.constant 176 : index
      %get3A_2218 = tpu.vector_load %arg10[%get3A_2217] {strides = array<i32>} : memref<320xf32, #tpu.memory_space<vmem>>, vector<16xf32>,
      %sub3A_2219 = arith.subf %get3A_2216, %get3A_2212 : vector<16xf32>
      %sub3A_2220 = arith.subf %get3A_2218, %get3A_2214 : vector<16xf32>
      %mul3A_2221 = arith.mulf %sub3A_2219, %sub3A_2220 : vector<16xf32>
      %get3A_2222 = arith.constant 176 : index
      %get3A_2223 = tpu.vector_load %arg11[%get3A_2222] {strides = array<i32>} : memref<320xf32, #tpu.memory_space<vmem>>, vector<16xf32>,
      %max3A_2224 = arith.maximumf %get3A_2212, %while3A_967 : vector<16xf32>
      %max3A_2225 = arith.maximumf %get3A_2214, %while3A_968 : vector<16xf32>
      %min3A_2226 = arith.minimumf %get3A_2216, %while3A_969 : vector<16xf32>
      %min3A_2227 = arith.minimumf %get3A_2218, %while3A_970 : vector<16xf32>
      %sub3A_2228 = arith.subf %min3A_2226, %max3A_2224 : vector<16xf32>
      %max3A_2229 = arith.constant 0.000000e+00 : f32
      %max3A_2230 = vector.broadcast %max3A_2229 : f32 to vector<16xf32>
      %max3A_2231 = arith.maximumf %sub3A_2228, %max3A_2230 : vector<16xf32>
      %sub3A_2232 = arith.subf %min3A_2227, %max3A_2225 : vector<16xf32>
      %max3A_2233 = arith.constant 0.000000e+00 : f32
      %max3A_2234 = vector.broadcast %max3A_2233 : f32 to vector<16xf32>
      %max3A_2235 = arith.maximumf %sub3A_2232, %max3A_2234 : vector<16xf32>
      %mul3A_2236 = arith.mulf %max3A_2231, %max3A_2235 : vector<16xf32>
      %add3A_2237 = arith.addf %mul3A_2221, %while3A_971 : vector<16xf32>
      %sub3A_2238 = arith.subf %add3A_2237, %mul3A_2236 : vector<16xf32>
      %mul3A_2239 = arith.constant 3.000000e-01 : f32
      %mul3A_2240 = vector.broadcast %mul3A_2239 : f32 to vector<16xf32>
      %mul3A_2241 = arith.mulf %mul3A_2240, %sub3A_2238 : vector<16xf32>
      %gt3A_2242 = arith.cmpf ogt, %mul3A_2236, %mul3A_2241 : vector<16xf32>
      %jit3A_2243 = arith.constant 0xFF800000 : f32
      %broadcast_in_dim3A_2244 = vector.broadcast %jit3A_2243 : f32 to vector<16xf32>
      %select_n3A_2245 = arith.select %gt3A_2242, %broadcast_in_dim3A_2244, %get3A_2223 : vector<16xi1>, vector<16xf32>
      %max3A_2246 = arith.maximumf %get3A_2212, %while3A_972 : vector<16xf32>
      %max3A_2247 = arith.maximumf %get3A_2214, %while3A_973 : vector<16xf32>
      %min3A_2248 = arith.minimumf %get3A_2216, %while3A_974 : vector<16xf32>
      %min3A_2249 = arith.minimumf %get3A_2218, %while3A_975 : vector<16xf32>
      %sub3A_2250 = arith.subf %min3A_2248, %max3A_2246 : vector<16xf32>
      %max3A_2251 = arith.constant 0.000000e+00 : f32
      %max3A_2252 = vector.broadcast %max3A_2251 : f32 to vector<16xf32>
      %max3A_2253 = arith.maximumf %sub3A_2250, %max3A_2252 : vector<16xf32>
      %sub3A_2254 = arith.subf %min3A_2249, %max3A_2247 : vector<16xf32>
      %max3A_2255 = arith.constant 0.000000e+00 : f32
      %max3A_2256 = vector.broadcast %max3A_2255 : f32 to vector<16xf32>
      %max3A_2257 = arith.maximumf %sub3A_2254, %max3A_2256 : vector<16xf32>
      %mul3A_2258 = arith.mulf %max3A_2253, %max3A_2257 : vector<16xf32>
      %add3A_2259 = arith.addf %mul3A_2221, %while3A_976 : vector<16xf32>
      %sub3A_2260 = arith.subf %add3A_2259, %mul3A_2258 : vector<16xf32>
      %mul3A_2261 = arith.constant 3.000000e-01 : f32
      %mul3A_2262 = vector.broadcast %mul3A_2261 : f32 to vector<16xf32>
      %mul3A_2263 = arith.mulf %mul3A_2262, %sub3A_2260 : vector<16xf32>
      %gt3A_2264 = arith.cmpf ogt, %mul3A_2258, %mul3A_2263 : vector<16xf32>
      %jit3A_2265 = arith.constant 0xFF800000 : f32
      %broadcast_in_dim3A_2266 = vector.broadcast %jit3A_2265 : f32 to vector<16xf32>
      %select_n3A_2267 = arith.select %gt3A_2264, %broadcast_in_dim3A_2266, %select_n3A_2245 : vector<16xi1>, vector<16xf32>
      %max3A_2268 = arith.maximumf %get3A_2212, %while3A_977 : vector<16xf32>
      %max3A_2269 = arith.maximumf %get3A_2214, %while3A_978 : vector<16xf32>
      %min3A_2270 = arith.minimumf %get3A_2216, %while3A_979 : vector<16xf32>
      %min3A_2271 = arith.minimumf %get3A_2218, %while3A_980 : vector<16xf32>
      %sub3A_2272 = arith.subf %min3A_2270, %max3A_2268 : vector<16xf32>
      %max3A_2273 = arith.constant 0.000000e+00 : f32
      %max3A_2274 = vector.broadcast %max3A_2273 : f32 to vector<16xf32>
      %max3A_2275 = arith.maximumf %sub3A_2272, %max3A_2274 : vector<16xf32>
      %sub3A_2276 = arith.subf %min3A_2271, %max3A_2269 : vector<16xf32>
      %max3A_2277 = arith.constant 0.000000e+00 : f32
      %max3A_2278 = vector.broadcast %max3A_2277 : f32 to vector<16xf32>
      %max3A_2279 = arith.maximumf %sub3A_2276, %max3A_2278 : vector<16xf32>
      %mul3A_2280 = arith.mulf %max3A_2275, %max3A_2279 : vector<16xf32>
      %add3A_2281 = arith.addf %mul3A_2221, %while3A_981 : vector<16xf32>
      %sub3A_2282 = arith.subf %add3A_2281, %mul3A_2280 : vector<16xf32>
      %mul3A_2283 = arith.constant 3.000000e-01 : f32
      %mul3A_2284 = vector.broadcast %mul3A_2283 : f32 to vector<16xf32>
      %mul3A_2285 = arith.mulf %mul3A_2284, %sub3A_2282 : vector<16xf32>
      %gt3A_2286 = arith.cmpf ogt, %mul3A_2280, %mul3A_2285 : vector<16xf32>
      %jit3A_2287 = arith.constant 0xFF800000 : f32
      %broadcast_in_dim3A_2288 = vector.broadcast %jit3A_2287 : f32 to vector<16xf32>
      %select_n3A_2289 = arith.select %gt3A_2286, %broadcast_in_dim3A_2288, %select_n3A_2267 : vector<16xi1>, vector<16xf32>
      %max3A_2290 = arith.maximumf %get3A_2212, %while3A_982 : vector<16xf32>
      %max3A_2291 = arith.maximumf %get3A_2214, %while3A_983 : vector<16xf32>
      %min3A_2292 = arith.minimumf %get3A_2216, %while3A_984 : vector<16xf32>
      %min3A_2293 = arith.minimumf %get3A_2218, %while3A_985 : vector<16xf32>
      %sub3A_2294 = arith.subf %min3A_2292, %max3A_2290 : vector<16xf32>
      %max3A_2295 = arith.constant 0.000000e+00 : f32
      %max3A_2296 = vector.broadcast %max3A_2295 : f32 to vector<16xf32>
      %max3A_2297 = arith.maximumf %sub3A_2294, %max3A_2296 : vector<16xf32>
      %sub3A_2298 = arith.subf %min3A_2293, %max3A_2291 : vector<16xf32>
      %max3A_2299 = arith.constant 0.000000e+00 : f32
      %max3A_2300 = vector.broadcast %max3A_2299 : f32 to vector<16xf32>
      %max3A_2301 = arith.maximumf %sub3A_2298, %max3A_2300 : vector<16xf32>
      %mul3A_2302 = arith.mulf %max3A_2297, %max3A_2301 : vector<16xf32>
      %add3A_2303 = arith.addf %mul3A_2221, %while3A_986 : vector<16xf32>
      %sub3A_2304 = arith.subf %add3A_2303, %mul3A_2302 : vector<16xf32>
      %mul3A_2305 = arith.constant 3.000000e-01 : f32
      %mul3A_2306 = vector.broadcast %mul3A_2305 : f32 to vector<16xf32>
      %mul3A_2307 = arith.mulf %mul3A_2306, %sub3A_2304 : vector<16xf32>
      %gt3A_2308 = arith.cmpf ogt, %mul3A_2302, %mul3A_2307 : vector<16xf32>
      %jit3A_2309 = arith.constant 0xFF800000 : f32
      %broadcast_in_dim3A_2310 = vector.broadcast %jit3A_2309 : f32 to vector<16xf32>
      %select_n3A_2311 = arith.select %gt3A_2308, %broadcast_in_dim3A_2310, %select_n3A_2289 : vector<16xi1>, vector<16xf32>
      %swap3A_2312 = arith.constant 176 : index
      %swap3A_2313 = tpu.vector_load %arg11[%swap3A_2312] {strides = array<i32>} : memref<320xf32, #tpu.memory_space<vmem>>, vector<16xf32>,
      tpu.vector_store %arg11[%swap3A_2312], %select_n3A_2311 {strides = array<i32>} : memref<320xf32, #tpu.memory_space<vmem>>, vector<16xf32>,
      %gt3A_2314 = arith.cmpf ogt, %select_n3A_2311, %select_n3A_2206 : vector<16xf32>
      %min3A_2315 = arith.minimumf %select_n3A_2206, %select_n3A_2311 : vector<16xf32>
      %max3A_2316 = arith.maximumf %max3A_2205, %min3A_2315 : vector<16xf32>
      %select_n3A_2317 = arith.select %gt3A_2314, %select_n3A_2311, %select_n3A_2206 : vector<16xi1>, vector<16xf32>
      %add3A_2318 = arith.constant 1.760000e+02 : f32
      %add3A_2319 = vector.broadcast %add3A_2318 : f32 to vector<16xf32>
      %add3A_2320 = arith.addf %add3A_956, %add3A_2319 : vector<16xf32>
      %select_n3A_2321 = arith.select %gt3A_2314, %add3A_2320, %select_n3A_2210 : vector<16xi1>, vector<16xf32>
      %get3A_2322 = arith.constant 192 : index
      %get3A_2323 = tpu.vector_load %arg7[%get3A_2322] {strides = array<i32>} : memref<320xf32, #tpu.memory_space<vmem>>, vector<16xf32>,
      %get3A_2324 = arith.constant 192 : index
      %get3A_2325 = tpu.vector_load %arg8[%get3A_2324] {strides = array<i32>} : memref<320xf32, #tpu.memory_space<vmem>>, vector<16xf32>,
      %get3A_2326 = arith.constant 192 : index
      %get3A_2327 = tpu.vector_load %arg9[%get3A_2326] {strides = array<i32>} : memref<320xf32, #tpu.memory_space<vmem>>, vector<16xf32>,
      %get3A_2328 = arith.constant 192 : index
      %get3A_2329 = tpu.vector_load %arg10[%get3A_2328] {strides = array<i32>} : memref<320xf32, #tpu.memory_space<vmem>>, vector<16xf32>,
      %sub3A_2330 = arith.subf %get3A_2327, %get3A_2323 : vector<16xf32>
      %sub3A_2331 = arith.subf %get3A_2329, %get3A_2325 : vector<16xf32>
      %mul3A_2332 = arith.mulf %sub3A_2330, %sub3A_2331 : vector<16xf32>
      %get3A_2333 = arith.constant 192 : index
      %get3A_2334 = tpu.vector_load %arg11[%get3A_2333] {strides = array<i32>} : memref<320xf32, #tpu.memory_space<vmem>>, vector<16xf32>,
      %max3A_2335 = arith.maximumf %get3A_2323, %while3A_967 : vector<16xf32>
      %max3A_2336 = arith.maximumf %get3A_2325, %while3A_968 : vector<16xf32>
      %min3A_2337 = arith.minimumf %get3A_2327, %while3A_969 : vector<16xf32>
      %min3A_2338 = arith.minimumf %get3A_2329, %while3A_970 : vector<16xf32>
      %sub3A_2339 = arith.subf %min3A_2337, %max3A_2335 : vector<16xf32>
      %max3A_2340 = arith.constant 0.000000e+00 : f32
      %max3A_2341 = vector.broadcast %max3A_2340 : f32 to vector<16xf32>
      %max3A_2342 = arith.maximumf %sub3A_2339, %max3A_2341 : vector<16xf32>
      %sub3A_2343 = arith.subf %min3A_2338, %max3A_2336 : vector<16xf32>
      %max3A_2344 = arith.constant 0.000000e+00 : f32
      %max3A_2345 = vector.broadcast %max3A_2344 : f32 to vector<16xf32>
      %max3A_2346 = arith.maximumf %sub3A_2343, %max3A_2345 : vector<16xf32>
      %mul3A_2347 = arith.mulf %max3A_2342, %max3A_2346 : vector<16xf32>
      %add3A_2348 = arith.addf %mul3A_2332, %while3A_971 : vector<16xf32>
      %sub3A_2349 = arith.subf %add3A_2348, %mul3A_2347 : vector<16xf32>
      %mul3A_2350 = arith.constant 3.000000e-01 : f32
      %mul3A_2351 = vector.broadcast %mul3A_2350 : f32 to vector<16xf32>
      %mul3A_2352 = arith.mulf %mul3A_2351, %sub3A_2349 : vector<16xf32>
      %gt3A_2353 = arith.cmpf ogt, %mul3A_2347, %mul3A_2352 : vector<16xf32>
      %jit3A_2354 = arith.constant 0xFF800000 : f32
      %broadcast_in_dim3A_2355 = vector.broadcast %jit3A_2354 : f32 to vector<16xf32>
      %select_n3A_2356 = arith.select %gt3A_2353, %broadcast_in_dim3A_2355, %get3A_2334 : vector<16xi1>, vector<16xf32>
      %max3A_2357 = arith.maximumf %get3A_2323, %while3A_972 : vector<16xf32>
      %max3A_2358 = arith.maximumf %get3A_2325, %while3A_973 : vector<16xf32>
      %min3A_2359 = arith.minimumf %get3A_2327, %while3A_974 : vector<16xf32>
      %min3A_2360 = arith.minimumf %get3A_2329, %while3A_975 : vector<16xf32>
      %sub3A_2361 = arith.subf %min3A_2359, %max3A_2357 : vector<16xf32>
      %max3A_2362 = arith.constant 0.000000e+00 : f32
      %max3A_2363 = vector.broadcast %max3A_2362 : f32 to vector<16xf32>
      %max3A_2364 = arith.maximumf %sub3A_2361, %max3A_2363 : vector<16xf32>
      %sub3A_2365 = arith.subf %min3A_2360, %max3A_2358 : vector<16xf32>
      %max3A_2366 = arith.constant 0.000000e+00 : f32
      %max3A_2367 = vector.broadcast %max3A_2366 : f32 to vector<16xf32>
      %max3A_2368 = arith.maximumf %sub3A_2365, %max3A_2367 : vector<16xf32>
      %mul3A_2369 = arith.mulf %max3A_2364, %max3A_2368 : vector<16xf32>
      %add3A_2370 = arith.addf %mul3A_2332, %while3A_976 : vector<16xf32>
      %sub3A_2371 = arith.subf %add3A_2370, %mul3A_2369 : vector<16xf32>
      %mul3A_2372 = arith.constant 3.000000e-01 : f32
      %mul3A_2373 = vector.broadcast %mul3A_2372 : f32 to vector<16xf32>
      %mul3A_2374 = arith.mulf %mul3A_2373, %sub3A_2371 : vector<16xf32>
      %gt3A_2375 = arith.cmpf ogt, %mul3A_2369, %mul3A_2374 : vector<16xf32>
      %jit3A_2376 = arith.constant 0xFF800000 : f32
      %broadcast_in_dim3A_2377 = vector.broadcast %jit3A_2376 : f32 to vector<16xf32>
      %select_n3A_2378 = arith.select %gt3A_2375, %broadcast_in_dim3A_2377, %select_n3A_2356 : vector<16xi1>, vector<16xf32>
      %max3A_2379 = arith.maximumf %get3A_2323, %while3A_977 : vector<16xf32>
      %max3A_2380 = arith.maximumf %get3A_2325, %while3A_978 : vector<16xf32>
      %min3A_2381 = arith.minimumf %get3A_2327, %while3A_979 : vector<16xf32>
      %min3A_2382 = arith.minimumf %get3A_2329, %while3A_980 : vector<16xf32>
      %sub3A_2383 = arith.subf %min3A_2381, %max3A_2379 : vector<16xf32>
      %max3A_2384 = arith.constant 0.000000e+00 : f32
      %max3A_2385 = vector.broadcast %max3A_2384 : f32 to vector<16xf32>
      %max3A_2386 = arith.maximumf %sub3A_2383, %max3A_2385 : vector<16xf32>
      %sub3A_2387 = arith.subf %min3A_2382, %max3A_2380 : vector<16xf32>
      %max3A_2388 = arith.constant 0.000000e+00 : f32
      %max3A_2389 = vector.broadcast %max3A_2388 : f32 to vector<16xf32>
      %max3A_2390 = arith.maximumf %sub3A_2387, %max3A_2389 : vector<16xf32>
      %mul3A_2391 = arith.mulf %max3A_2386, %max3A_2390 : vector<16xf32>
      %add3A_2392 = arith.addf %mul3A_2332, %while3A_981 : vector<16xf32>
      %sub3A_2393 = arith.subf %add3A_2392, %mul3A_2391 : vector<16xf32>
      %mul3A_2394 = arith.constant 3.000000e-01 : f32
      %mul3A_2395 = vector.broadcast %mul3A_2394 : f32 to vector<16xf32>
      %mul3A_2396 = arith.mulf %mul3A_2395, %sub3A_2393 : vector<16xf32>
      %gt3A_2397 = arith.cmpf ogt, %mul3A_2391, %mul3A_2396 : vector<16xf32>
      %jit3A_2398 = arith.constant 0xFF800000 : f32
      %broadcast_in_dim3A_2399 = vector.broadcast %jit3A_2398 : f32 to vector<16xf32>
      %select_n3A_2400 = arith.select %gt3A_2397, %broadcast_in_dim3A_2399, %select_n3A_2378 : vector<16xi1>, vector<16xf32>
      %max3A_2401 = arith.maximumf %get3A_2323, %while3A_982 : vector<16xf32>
      %max3A_2402 = arith.maximumf %get3A_2325, %while3A_983 : vector<16xf32>
      %min3A_2403 = arith.minimumf %get3A_2327, %while3A_984 : vector<16xf32>
      %min3A_2404 = arith.minimumf %get3A_2329, %while3A_985 : vector<16xf32>
      %sub3A_2405 = arith.subf %min3A_2403, %max3A_2401 : vector<16xf32>
      %max3A_2406 = arith.constant 0.000000e+00 : f32
      %max3A_2407 = vector.broadcast %max3A_2406 : f32 to vector<16xf32>
      %max3A_2408 = arith.maximumf %sub3A_2405, %max3A_2407 : vector<16xf32>
      %sub3A_2409 = arith.subf %min3A_2404, %max3A_2402 : vector<16xf32>
      %max3A_2410 = arith.constant 0.000000e+00 : f32
      %max3A_2411 = vector.broadcast %max3A_2410 : f32 to vector<16xf32>
      %max3A_2412 = arith.maximumf %sub3A_2409, %max3A_2411 : vector<16xf32>
      %mul3A_2413 = arith.mulf %max3A_2408, %max3A_2412 : vector<16xf32>
      %add3A_2414 = arith.addf %mul3A_2332, %while3A_986 : vector<16xf32>
      %sub3A_2415 = arith.subf %add3A_2414, %mul3A_2413 : vector<16xf32>
      %mul3A_2416 = arith.constant 3.000000e-01 : f32
      %mul3A_2417 = vector.broadcast %mul3A_2416 : f32 to vector<16xf32>
      %mul3A_2418 = arith.mulf %mul3A_2417, %sub3A_2415 : vector<16xf32>
      %gt3A_2419 = arith.cmpf ogt, %mul3A_2413, %mul3A_2418 : vector<16xf32>
      %jit3A_2420 = arith.constant 0xFF800000 : f32
      %broadcast_in_dim3A_2421 = vector.broadcast %jit3A_2420 : f32 to vector<16xf32>
      %select_n3A_2422 = arith.select %gt3A_2419, %broadcast_in_dim3A_2421, %select_n3A_2400 : vector<16xi1>, vector<16xf32>
      %swap3A_2423 = arith.constant 192 : index
      %swap3A_2424 = tpu.vector_load %arg11[%swap3A_2423] {strides = array<i32>} : memref<320xf32, #tpu.memory_space<vmem>>, vector<16xf32>,
      tpu.vector_store %arg11[%swap3A_2423], %select_n3A_2422 {strides = array<i32>} : memref<320xf32, #tpu.memory_space<vmem>>, vector<16xf32>,
      %gt3A_2425 = arith.cmpf ogt, %select_n3A_2422, %select_n3A_2317 : vector<16xf32>
      %min3A_2426 = arith.minimumf %select_n3A_2317, %select_n3A_2422 : vector<16xf32>
      %max3A_2427 = arith.maximumf %max3A_2316, %min3A_2426 : vector<16xf32>
      %select_n3A_2428 = arith.select %gt3A_2425, %select_n3A_2422, %select_n3A_2317 : vector<16xi1>, vector<16xf32>
      %add3A_2429 = arith.constant 1.920000e+02 : f32
      %add3A_2430 = vector.broadcast %add3A_2429 : f32 to vector<16xf32>
      %add3A_2431 = arith.addf %add3A_956, %add3A_2430 : vector<16xf32>
      %select_n3A_2432 = arith.select %gt3A_2425, %add3A_2431, %select_n3A_2321 : vector<16xi1>, vector<16xf32>
      %get3A_2433 = arith.constant 208 : index
      %get3A_2434 = tpu.vector_load %arg7[%get3A_2433] {strides = array<i32>} : memref<320xf32, #tpu.memory_space<vmem>>, vector<16xf32>,
      %get3A_2435 = arith.constant 208 : index
      %get3A_2436 = tpu.vector_load %arg8[%get3A_2435] {strides = array<i32>} : memref<320xf32, #tpu.memory_space<vmem>>, vector<16xf32>,
      %get3A_2437 = arith.constant 208 : index
      %get3A_2438 = tpu.vector_load %arg9[%get3A_2437] {strides = array<i32>} : memref<320xf32, #tpu.memory_space<vmem>>, vector<16xf32>,
      %get3A_2439 = arith.constant 208 : index
      %get3A_2440 = tpu.vector_load %arg10[%get3A_2439] {strides = array<i32>} : memref<320xf32, #tpu.memory_space<vmem>>, vector<16xf32>,
      %sub3A_2441 = arith.subf %get3A_2438, %get3A_2434 : vector<16xf32>
      %sub3A_2442 = arith.subf %get3A_2440, %get3A_2436 : vector<16xf32>
      %mul3A_2443 = arith.mulf %sub3A_2441, %sub3A_2442 : vector<16xf32>
      %get3A_2444 = arith.constant 208 : index
      %get3A_2445 = tpu.vector_load %arg11[%get3A_2444] {strides = array<i32>} : memref<320xf32, #tpu.memory_space<vmem>>, vector<16xf32>,
      %max3A_2446 = arith.maximumf %get3A_2434, %while3A_967 : vector<16xf32>
      %max3A_2447 = arith.maximumf %get3A_2436, %while3A_968 : vector<16xf32>
      %min3A_2448 = arith.minimumf %get3A_2438, %while3A_969 : vector<16xf32>
      %min3A_2449 = arith.minimumf %get3A_2440, %while3A_970 : vector<16xf32>
      %sub3A_2450 = arith.subf %min3A_2448, %max3A_2446 : vector<16xf32>
      %max3A_2451 = arith.constant 0.000000e+00 : f32
      %max3A_2452 = vector.broadcast %max3A_2451 : f32 to vector<16xf32>
      %max3A_2453 = arith.maximumf %sub3A_2450, %max3A_2452 : vector<16xf32>
      %sub3A_2454 = arith.subf %min3A_2449, %max3A_2447 : vector<16xf32>
      %max3A_2455 = arith.constant 0.000000e+00 : f32
      %max3A_2456 = vector.broadcast %max3A_2455 : f32 to vector<16xf32>
      %max3A_2457 = arith.maximumf %sub3A_2454, %max3A_2456 : vector<16xf32>
      %mul3A_2458 = arith.mulf %max3A_2453, %max3A_2457 : vector<16xf32>
      %add3A_2459 = arith.addf %mul3A_2443, %while3A_971 : vector<16xf32>
      %sub3A_2460 = arith.subf %add3A_2459, %mul3A_2458 : vector<16xf32>
      %mul3A_2461 = arith.constant 3.000000e-01 : f32
      %mul3A_2462 = vector.broadcast %mul3A_2461 : f32 to vector<16xf32>
      %mul3A_2463 = arith.mulf %mul3A_2462, %sub3A_2460 : vector<16xf32>
      %gt3A_2464 = arith.cmpf ogt, %mul3A_2458, %mul3A_2463 : vector<16xf32>
      %jit3A_2465 = arith.constant 0xFF800000 : f32
      %broadcast_in_dim3A_2466 = vector.broadcast %jit3A_2465 : f32 to vector<16xf32>
      %select_n3A_2467 = arith.select %gt3A_2464, %broadcast_in_dim3A_2466, %get3A_2445 : vector<16xi1>, vector<16xf32>
      %max3A_2468 = arith.maximumf %get3A_2434, %while3A_972 : vector<16xf32>
      %max3A_2469 = arith.maximumf %get3A_2436, %while3A_973 : vector<16xf32>
      %min3A_2470 = arith.minimumf %get3A_2438, %while3A_974 : vector<16xf32>
      %min3A_2471 = arith.minimumf %get3A_2440, %while3A_975 : vector<16xf32>
      %sub3A_2472 = arith.subf %min3A_2470, %max3A_2468 : vector<16xf32>
      %max3A_2473 = arith.constant 0.000000e+00 : f32
      %max3A_2474 = vector.broadcast %max3A_2473 : f32 to vector<16xf32>
      %max3A_2475 = arith.maximumf %sub3A_2472, %max3A_2474 : vector<16xf32>
      %sub3A_2476 = arith.subf %min3A_2471, %max3A_2469 : vector<16xf32>
      %max3A_2477 = arith.constant 0.000000e+00 : f32
      %max3A_2478 = vector.broadcast %max3A_2477 : f32 to vector<16xf32>
      %max3A_2479 = arith.maximumf %sub3A_2476, %max3A_2478 : vector<16xf32>
      %mul3A_2480 = arith.mulf %max3A_2475, %max3A_2479 : vector<16xf32>
      %add3A_2481 = arith.addf %mul3A_2443, %while3A_976 : vector<16xf32>
      %sub3A_2482 = arith.subf %add3A_2481, %mul3A_2480 : vector<16xf32>
      %mul3A_2483 = arith.constant 3.000000e-01 : f32
      %mul3A_2484 = vector.broadcast %mul3A_2483 : f32 to vector<16xf32>
      %mul3A_2485 = arith.mulf %mul3A_2484, %sub3A_2482 : vector<16xf32>
      %gt3A_2486 = arith.cmpf ogt, %mul3A_2480, %mul3A_2485 : vector<16xf32>
      %jit3A_2487 = arith.constant 0xFF800000 : f32
      %broadcast_in_dim3A_2488 = vector.broadcast %jit3A_2487 : f32 to vector<16xf32>
      %select_n3A_2489 = arith.select %gt3A_2486, %broadcast_in_dim3A_2488, %select_n3A_2467 : vector<16xi1>, vector<16xf32>
      %max3A_2490 = arith.maximumf %get3A_2434, %while3A_977 : vector<16xf32>
      %max3A_2491 = arith.maximumf %get3A_2436, %while3A_978 : vector<16xf32>
      %min3A_2492 = arith.minimumf %get3A_2438, %while3A_979 : vector<16xf32>
      %min3A_2493 = arith.minimumf %get3A_2440, %while3A_980 : vector<16xf32>
      %sub3A_2494 = arith.subf %min3A_2492, %max3A_2490 : vector<16xf32>
      %max3A_2495 = arith.constant 0.000000e+00 : f32
      %max3A_2496 = vector.broadcast %max3A_2495 : f32 to vector<16xf32>
      %max3A_2497 = arith.maximumf %sub3A_2494, %max3A_2496 : vector<16xf32>
      %sub3A_2498 = arith.subf %min3A_2493, %max3A_2491 : vector<16xf32>
      %max3A_2499 = arith.constant 0.000000e+00 : f32
      %max3A_2500 = vector.broadcast %max3A_2499 : f32 to vector<16xf32>
      %max3A_2501 = arith.maximumf %sub3A_2498, %max3A_2500 : vector<16xf32>
      %mul3A_2502 = arith.mulf %max3A_2497, %max3A_2501 : vector<16xf32>
      %add3A_2503 = arith.addf %mul3A_2443, %while3A_981 : vector<16xf32>
      %sub3A_2504 = arith.subf %add3A_2503, %mul3A_2502 : vector<16xf32>
      %mul3A_2505 = arith.constant 3.000000e-01 : f32
      %mul3A_2506 = vector.broadcast %mul3A_2505 : f32 to vector<16xf32>
      %mul3A_2507 = arith.mulf %mul3A_2506, %sub3A_2504 : vector<16xf32>
      %gt3A_2508 = arith.cmpf ogt, %mul3A_2502, %mul3A_2507 : vector<16xf32>
      %jit3A_2509 = arith.constant 0xFF800000 : f32
      %broadcast_in_dim3A_2510 = vector.broadcast %jit3A_2509 : f32 to vector<16xf32>
      %select_n3A_2511 = arith.select %gt3A_2508, %broadcast_in_dim3A_2510, %select_n3A_2489 : vector<16xi1>, vector<16xf32>
      %max3A_2512 = arith.maximumf %get3A_2434, %while3A_982 : vector<16xf32>
      %max3A_2513 = arith.maximumf %get3A_2436, %while3A_983 : vector<16xf32>
      %min3A_2514 = arith.minimumf %get3A_2438, %while3A_984 : vector<16xf32>
      %min3A_2515 = arith.minimumf %get3A_2440, %while3A_985 : vector<16xf32>
      %sub3A_2516 = arith.subf %min3A_2514, %max3A_2512 : vector<16xf32>
      %max3A_2517 = arith.constant 0.000000e+00 : f32
      %max3A_2518 = vector.broadcast %max3A_2517 : f32 to vector<16xf32>
      %max3A_2519 = arith.maximumf %sub3A_2516, %max3A_2518 : vector<16xf32>
      %sub3A_2520 = arith.subf %min3A_2515, %max3A_2513 : vector<16xf32>
      %max3A_2521 = arith.constant 0.000000e+00 : f32
      %max3A_2522 = vector.broadcast %max3A_2521 : f32 to vector<16xf32>
      %max3A_2523 = arith.maximumf %sub3A_2520, %max3A_2522 : vector<16xf32>
      %mul3A_2524 = arith.mulf %max3A_2519, %max3A_2523 : vector<16xf32>
      %add3A_2525 = arith.addf %mul3A_2443, %while3A_986 : vector<16xf32>
      %sub3A_2526 = arith.subf %add3A_2525, %mul3A_2524 : vector<16xf32>
      %mul3A_2527 = arith.constant 3.000000e-01 : f32
      %mul3A_2528 = vector.broadcast %mul3A_2527 : f32 to vector<16xf32>
      %mul3A_2529 = arith.mulf %mul3A_2528, %sub3A_2526 : vector<16xf32>
      %gt3A_2530 = arith.cmpf ogt, %mul3A_2524, %mul3A_2529 : vector<16xf32>
      %jit3A_2531 = arith.constant 0xFF800000 : f32
      %broadcast_in_dim3A_2532 = vector.broadcast %jit3A_2531 : f32 to vector<16xf32>
      %select_n3A_2533 = arith.select %gt3A_2530, %broadcast_in_dim3A_2532, %select_n3A_2511 : vector<16xi1>, vector<16xf32>
      %swap3A_2534 = arith.constant 208 : index
      %swap3A_2535 = tpu.vector_load %arg11[%swap3A_2534] {strides = array<i32>} : memref<320xf32, #tpu.memory_space<vmem>>, vector<16xf32>,
      tpu.vector_store %arg11[%swap3A_2534], %select_n3A_2533 {strides = array<i32>} : memref<320xf32, #tpu.memory_space<vmem>>, vector<16xf32>,
      %gt3A_2536 = arith.cmpf ogt, %select_n3A_2533, %select_n3A_2428 : vector<16xf32>
      %min3A_2537 = arith.minimumf %select_n3A_2428, %select_n3A_2533 : vector<16xf32>
      %max3A_2538 = arith.maximumf %max3A_2427, %min3A_2537 : vector<16xf32>
      %select_n3A_2539 = arith.select %gt3A_2536, %select_n3A_2533, %select_n3A_2428 : vector<16xi1>, vector<16xf32>
      %add3A_2540 = arith.constant 2.080000e+02 : f32
      %add3A_2541 = vector.broadcast %add3A_2540 : f32 to vector<16xf32>
      %add3A_2542 = arith.addf %add3A_956, %add3A_2541 : vector<16xf32>
      %select_n3A_2543 = arith.select %gt3A_2536, %add3A_2542, %select_n3A_2432 : vector<16xi1>, vector<16xf32>
      %get3A_2544 = arith.constant 224 : index
      %get3A_2545 = tpu.vector_load %arg7[%get3A_2544] {strides = array<i32>} : memref<320xf32, #tpu.memory_space<vmem>>, vector<16xf32>,
      %get3A_2546 = arith.constant 224 : index
      %get3A_2547 = tpu.vector_load %arg8[%get3A_2546] {strides = array<i32>} : memref<320xf32, #tpu.memory_space<vmem>>, vector<16xf32>,
      %get3A_2548 = arith.constant 224 : index
      %get3A_2549 = tpu.vector_load %arg9[%get3A_2548] {strides = array<i32>} : memref<320xf32, #tpu.memory_space<vmem>>, vector<16xf32>,
      %get3A_2550 = arith.constant 224 : index
      %get3A_2551 = tpu.vector_load %arg10[%get3A_2550] {strides = array<i32>} : memref<320xf32, #tpu.memory_space<vmem>>, vector<16xf32>,
      %sub3A_2552 = arith.subf %get3A_2549, %get3A_2545 : vector<16xf32>
      %sub3A_2553 = arith.subf %get3A_2551, %get3A_2547 : vector<16xf32>
      %mul3A_2554 = arith.mulf %sub3A_2552, %sub3A_2553 : vector<16xf32>
      %get3A_2555 = arith.constant 224 : index
      %get3A_2556 = tpu.vector_load %arg11[%get3A_2555] {strides = array<i32>} : memref<320xf32, #tpu.memory_space<vmem>>, vector<16xf32>,
      %max3A_2557 = arith.maximumf %get3A_2545, %while3A_967 : vector<16xf32>
      %max3A_2558 = arith.maximumf %get3A_2547, %while3A_968 : vector<16xf32>
      %min3A_2559 = arith.minimumf %get3A_2549, %while3A_969 : vector<16xf32>
      %min3A_2560 = arith.minimumf %get3A_2551, %while3A_970 : vector<16xf32>
      %sub3A_2561 = arith.subf %min3A_2559, %max3A_2557 : vector<16xf32>
      %max3A_2562 = arith.constant 0.000000e+00 : f32
      %max3A_2563 = vector.broadcast %max3A_2562 : f32 to vector<16xf32>
      %max3A_2564 = arith.maximumf %sub3A_2561, %max3A_2563 : vector<16xf32>
      %sub3A_2565 = arith.subf %min3A_2560, %max3A_2558 : vector<16xf32>
      %max3A_2566 = arith.constant 0.000000e+00 : f32
      %max3A_2567 = vector.broadcast %max3A_2566 : f32 to vector<16xf32>
      %max3A_2568 = arith.maximumf %sub3A_2565, %max3A_2567 : vector<16xf32>
      %mul3A_2569 = arith.mulf %max3A_2564, %max3A_2568 : vector<16xf32>
      %add3A_2570 = arith.addf %mul3A_2554, %while3A_971 : vector<16xf32>
      %sub3A_2571 = arith.subf %add3A_2570, %mul3A_2569 : vector<16xf32>
      %mul3A_2572 = arith.constant 3.000000e-01 : f32
      %mul3A_2573 = vector.broadcast %mul3A_2572 : f32 to vector<16xf32>
      %mul3A_2574 = arith.mulf %mul3A_2573, %sub3A_2571 : vector<16xf32>
      %gt3A_2575 = arith.cmpf ogt, %mul3A_2569, %mul3A_2574 : vector<16xf32>
      %jit3A_2576 = arith.constant 0xFF800000 : f32
      %broadcast_in_dim3A_2577 = vector.broadcast %jit3A_2576 : f32 to vector<16xf32>
      %select_n3A_2578 = arith.select %gt3A_2575, %broadcast_in_dim3A_2577, %get3A_2556 : vector<16xi1>, vector<16xf32>
      %max3A_2579 = arith.maximumf %get3A_2545, %while3A_972 : vector<16xf32>
      %max3A_2580 = arith.maximumf %get3A_2547, %while3A_973 : vector<16xf32>
      %min3A_2581 = arith.minimumf %get3A_2549, %while3A_974 : vector<16xf32>
      %min3A_2582 = arith.minimumf %get3A_2551, %while3A_975 : vector<16xf32>
      %sub3A_2583 = arith.subf %min3A_2581, %max3A_2579 : vector<16xf32>
      %max3A_2584 = arith.constant 0.000000e+00 : f32
      %max3A_2585 = vector.broadcast %max3A_2584 : f32 to vector<16xf32>
      %max3A_2586 = arith.maximumf %sub3A_2583, %max3A_2585 : vector<16xf32>
      %sub3A_2587 = arith.subf %min3A_2582, %max3A_2580 : vector<16xf32>
      %max3A_2588 = arith.constant 0.000000e+00 : f32
      %max3A_2589 = vector.broadcast %max3A_2588 : f32 to vector<16xf32>
      %max3A_2590 = arith.maximumf %sub3A_2587, %max3A_2589 : vector<16xf32>
      %mul3A_2591 = arith.mulf %max3A_2586, %max3A_2590 : vector<16xf32>
      %add3A_2592 = arith.addf %mul3A_2554, %while3A_976 : vector<16xf32>
      %sub3A_2593 = arith.subf %add3A_2592, %mul3A_2591 : vector<16xf32>
      %mul3A_2594 = arith.constant 3.000000e-01 : f32
      %mul3A_2595 = vector.broadcast %mul3A_2594 : f32 to vector<16xf32>
      %mul3A_2596 = arith.mulf %mul3A_2595, %sub3A_2593 : vector<16xf32>
      %gt3A_2597 = arith.cmpf ogt, %mul3A_2591, %mul3A_2596 : vector<16xf32>
      %jit3A_2598 = arith.constant 0xFF800000 : f32
      %broadcast_in_dim3A_2599 = vector.broadcast %jit3A_2598 : f32 to vector<16xf32>
      %select_n3A_2600 = arith.select %gt3A_2597, %broadcast_in_dim3A_2599, %select_n3A_2578 : vector<16xi1>, vector<16xf32>
      %max3A_2601 = arith.maximumf %get3A_2545, %while3A_977 : vector<16xf32>
      %max3A_2602 = arith.maximumf %get3A_2547, %while3A_978 : vector<16xf32>
      %min3A_2603 = arith.minimumf %get3A_2549, %while3A_979 : vector<16xf32>
      %min3A_2604 = arith.minimumf %get3A_2551, %while3A_980 : vector<16xf32>
      %sub3A_2605 = arith.subf %min3A_2603, %max3A_2601 : vector<16xf32>
      %max3A_2606 = arith.constant 0.000000e+00 : f32
      %max3A_2607 = vector.broadcast %max3A_2606 : f32 to vector<16xf32>
      %max3A_2608 = arith.maximumf %sub3A_2605, %max3A_2607 : vector<16xf32>
      %sub3A_2609 = arith.subf %min3A_2604, %max3A_2602 : vector<16xf32>
      %max3A_2610 = arith.constant 0.000000e+00 : f32
      %max3A_2611 = vector.broadcast %max3A_2610 : f32 to vector<16xf32>
      %max3A_2612 = arith.maximumf %sub3A_2609, %max3A_2611 : vector<16xf32>
      %mul3A_2613 = arith.mulf %max3A_2608, %max3A_2612 : vector<16xf32>
      %add3A_2614 = arith.addf %mul3A_2554, %while3A_981 : vector<16xf32>
      %sub3A_2615 = arith.subf %add3A_2614, %mul3A_2613 : vector<16xf32>
      %mul3A_2616 = arith.constant 3.000000e-01 : f32
      %mul3A_2617 = vector.broadcast %mul3A_2616 : f32 to vector<16xf32>
      %mul3A_2618 = arith.mulf %mul3A_2617, %sub3A_2615 : vector<16xf32>
      %gt3A_2619 = arith.cmpf ogt, %mul3A_2613, %mul3A_2618 : vector<16xf32>
      %jit3A_2620 = arith.constant 0xFF800000 : f32
      %broadcast_in_dim3A_2621 = vector.broadcast %jit3A_2620 : f32 to vector<16xf32>
      %select_n3A_2622 = arith.select %gt3A_2619, %broadcast_in_dim3A_2621, %select_n3A_2600 : vector<16xi1>, vector<16xf32>
      %max3A_2623 = arith.maximumf %get3A_2545, %while3A_982 : vector<16xf32>
      %max3A_2624 = arith.maximumf %get3A_2547, %while3A_983 : vector<16xf32>
      %min3A_2625 = arith.minimumf %get3A_2549, %while3A_984 : vector<16xf32>
      %min3A_2626 = arith.minimumf %get3A_2551, %while3A_985 : vector<16xf32>
      %sub3A_2627 = arith.subf %min3A_2625, %max3A_2623 : vector<16xf32>
      %max3A_2628 = arith.constant 0.000000e+00 : f32
      %max3A_2629 = vector.broadcast %max3A_2628 : f32 to vector<16xf32>
      %max3A_2630 = arith.maximumf %sub3A_2627, %max3A_2629 : vector<16xf32>
      %sub3A_2631 = arith.subf %min3A_2626, %max3A_2624 : vector<16xf32>
      %max3A_2632 = arith.constant 0.000000e+00 : f32
      %max3A_2633 = vector.broadcast %max3A_2632 : f32 to vector<16xf32>
      %max3A_2634 = arith.maximumf %sub3A_2631, %max3A_2633 : vector<16xf32>
      %mul3A_2635 = arith.mulf %max3A_2630, %max3A_2634 : vector<16xf32>
      %add3A_2636 = arith.addf %mul3A_2554, %while3A_986 : vector<16xf32>
      %sub3A_2637 = arith.subf %add3A_2636, %mul3A_2635 : vector<16xf32>
      %mul3A_2638 = arith.constant 3.000000e-01 : f32
      %mul3A_2639 = vector.broadcast %mul3A_2638 : f32 to vector<16xf32>
      %mul3A_2640 = arith.mulf %mul3A_2639, %sub3A_2637 : vector<16xf32>
      %gt3A_2641 = arith.cmpf ogt, %mul3A_2635, %mul3A_2640 : vector<16xf32>
      %jit3A_2642 = arith.constant 0xFF800000 : f32
      %broadcast_in_dim3A_2643 = vector.broadcast %jit3A_2642 : f32 to vector<16xf32>
      %select_n3A_2644 = arith.select %gt3A_2641, %broadcast_in_dim3A_2643, %select_n3A_2622 : vector<16xi1>, vector<16xf32>
      %swap3A_2645 = arith.constant 224 : index
      %swap3A_2646 = tpu.vector_load %arg11[%swap3A_2645] {strides = array<i32>} : memref<320xf32, #tpu.memory_space<vmem>>, vector<16xf32>,
      tpu.vector_store %arg11[%swap3A_2645], %select_n3A_2644 {strides = array<i32>} : memref<320xf32, #tpu.memory_space<vmem>>, vector<16xf32>,
      %gt3A_2647 = arith.cmpf ogt, %select_n3A_2644, %select_n3A_2539 : vector<16xf32>
      %min3A_2648 = arith.minimumf %select_n3A_2539, %select_n3A_2644 : vector<16xf32>
      %max3A_2649 = arith.maximumf %max3A_2538, %min3A_2648 : vector<16xf32>
      %select_n3A_2650 = arith.select %gt3A_2647, %select_n3A_2644, %select_n3A_2539 : vector<16xi1>, vector<16xf32>
      %add3A_2651 = arith.constant 2.240000e+02 : f32
      %add3A_2652 = vector.broadcast %add3A_2651 : f32 to vector<16xf32>
      %add3A_2653 = arith.addf %add3A_956, %add3A_2652 : vector<16xf32>
      %select_n3A_2654 = arith.select %gt3A_2647, %add3A_2653, %select_n3A_2543 : vector<16xi1>, vector<16xf32>
      %get3A_2655 = arith.constant 240 : index
      %get3A_2656 = tpu.vector_load %arg7[%get3A_2655] {strides = array<i32>} : memref<320xf32, #tpu.memory_space<vmem>>, vector<16xf32>,
      %get3A_2657 = arith.constant 240 : index
      %get3A_2658 = tpu.vector_load %arg8[%get3A_2657] {strides = array<i32>} : memref<320xf32, #tpu.memory_space<vmem>>, vector<16xf32>,
      %get3A_2659 = arith.constant 240 : index
      %get3A_2660 = tpu.vector_load %arg9[%get3A_2659] {strides = array<i32>} : memref<320xf32, #tpu.memory_space<vmem>>, vector<16xf32>,
      %get3A_2661 = arith.constant 240 : index
      %get3A_2662 = tpu.vector_load %arg10[%get3A_2661] {strides = array<i32>} : memref<320xf32, #tpu.memory_space<vmem>>, vector<16xf32>,
      %sub3A_2663 = arith.subf %get3A_2660, %get3A_2656 : vector<16xf32>
      %sub3A_2664 = arith.subf %get3A_2662, %get3A_2658 : vector<16xf32>
      %mul3A_2665 = arith.mulf %sub3A_2663, %sub3A_2664 : vector<16xf32>
      %get3A_2666 = arith.constant 240 : index
      %get3A_2667 = tpu.vector_load %arg11[%get3A_2666] {strides = array<i32>} : memref<320xf32, #tpu.memory_space<vmem>>, vector<16xf32>,
      %max3A_2668 = arith.maximumf %get3A_2656, %while3A_967 : vector<16xf32>
      %max3A_2669 = arith.maximumf %get3A_2658, %while3A_968 : vector<16xf32>
      %min3A_2670 = arith.minimumf %get3A_2660, %while3A_969 : vector<16xf32>
      %min3A_2671 = arith.minimumf %get3A_2662, %while3A_970 : vector<16xf32>
      %sub3A_2672 = arith.subf %min3A_2670, %max3A_2668 : vector<16xf32>
      %max3A_2673 = arith.constant 0.000000e+00 : f32
      %max3A_2674 = vector.broadcast %max3A_2673 : f32 to vector<16xf32>
      %max3A_2675 = arith.maximumf %sub3A_2672, %max3A_2674 : vector<16xf32>
      %sub3A_2676 = arith.subf %min3A_2671, %max3A_2669 : vector<16xf32>
      %max3A_2677 = arith.constant 0.000000e+00 : f32
      %max3A_2678 = vector.broadcast %max3A_2677 : f32 to vector<16xf32>
      %max3A_2679 = arith.maximumf %sub3A_2676, %max3A_2678 : vector<16xf32>
      %mul3A_2680 = arith.mulf %max3A_2675, %max3A_2679 : vector<16xf32>
      %add3A_2681 = arith.addf %mul3A_2665, %while3A_971 : vector<16xf32>
      %sub3A_2682 = arith.subf %add3A_2681, %mul3A_2680 : vector<16xf32>
      %mul3A_2683 = arith.constant 3.000000e-01 : f32
      %mul3A_2684 = vector.broadcast %mul3A_2683 : f32 to vector<16xf32>
      %mul3A_2685 = arith.mulf %mul3A_2684, %sub3A_2682 : vector<16xf32>
      %gt3A_2686 = arith.cmpf ogt, %mul3A_2680, %mul3A_2685 : vector<16xf32>
      %jit3A_2687 = arith.constant 0xFF800000 : f32
      %broadcast_in_dim3A_2688 = vector.broadcast %jit3A_2687 : f32 to vector<16xf32>
      %select_n3A_2689 = arith.select %gt3A_2686, %broadcast_in_dim3A_2688, %get3A_2667 : vector<16xi1>, vector<16xf32>
      %max3A_2690 = arith.maximumf %get3A_2656, %while3A_972 : vector<16xf32>
      %max3A_2691 = arith.maximumf %get3A_2658, %while3A_973 : vector<16xf32>
      %min3A_2692 = arith.minimumf %get3A_2660, %while3A_974 : vector<16xf32>
      %min3A_2693 = arith.minimumf %get3A_2662, %while3A_975 : vector<16xf32>
      %sub3A_2694 = arith.subf %min3A_2692, %max3A_2690 : vector<16xf32>
      %max3A_2695 = arith.constant 0.000000e+00 : f32
      %max3A_2696 = vector.broadcast %max3A_2695 : f32 to vector<16xf32>
      %max3A_2697 = arith.maximumf %sub3A_2694, %max3A_2696 : vector<16xf32>
      %sub3A_2698 = arith.subf %min3A_2693, %max3A_2691 : vector<16xf32>
      %max3A_2699 = arith.constant 0.000000e+00 : f32
      %max3A_2700 = vector.broadcast %max3A_2699 : f32 to vector<16xf32>
      %max3A_2701 = arith.maximumf %sub3A_2698, %max3A_2700 : vector<16xf32>
      %mul3A_2702 = arith.mulf %max3A_2697, %max3A_2701 : vector<16xf32>
      %add3A_2703 = arith.addf %mul3A_2665, %while3A_976 : vector<16xf32>
      %sub3A_2704 = arith.subf %add3A_2703, %mul3A_2702 : vector<16xf32>
      %mul3A_2705 = arith.constant 3.000000e-01 : f32
      %mul3A_2706 = vector.broadcast %mul3A_2705 : f32 to vector<16xf32>
      %mul3A_2707 = arith.mulf %mul3A_2706, %sub3A_2704 : vector<16xf32>
      %gt3A_2708 = arith.cmpf ogt, %mul3A_2702, %mul3A_2707 : vector<16xf32>
      %jit3A_2709 = arith.constant 0xFF800000 : f32
      %broadcast_in_dim3A_2710 = vector.broadcast %jit3A_2709 : f32 to vector<16xf32>
      %select_n3A_2711 = arith.select %gt3A_2708, %broadcast_in_dim3A_2710, %select_n3A_2689 : vector<16xi1>, vector<16xf32>
      %max3A_2712 = arith.maximumf %get3A_2656, %while3A_977 : vector<16xf32>
      %max3A_2713 = arith.maximumf %get3A_2658, %while3A_978 : vector<16xf32>
      %min3A_2714 = arith.minimumf %get3A_2660, %while3A_979 : vector<16xf32>
      %min3A_2715 = arith.minimumf %get3A_2662, %while3A_980 : vector<16xf32>
      %sub3A_2716 = arith.subf %min3A_2714, %max3A_2712 : vector<16xf32>
      %max3A_2717 = arith.constant 0.000000e+00 : f32
      %max3A_2718 = vector.broadcast %max3A_2717 : f32 to vector<16xf32>
      %max3A_2719 = arith.maximumf %sub3A_2716, %max3A_2718 : vector<16xf32>
      %sub3A_2720 = arith.subf %min3A_2715, %max3A_2713 : vector<16xf32>
      %max3A_2721 = arith.constant 0.000000e+00 : f32
      %max3A_2722 = vector.broadcast %max3A_2721 : f32 to vector<16xf32>
      %max3A_2723 = arith.maximumf %sub3A_2720, %max3A_2722 : vector<16xf32>
      %mul3A_2724 = arith.mulf %max3A_2719, %max3A_2723 : vector<16xf32>
      %add3A_2725 = arith.addf %mul3A_2665, %while3A_981 : vector<16xf32>
      %sub3A_2726 = arith.subf %add3A_2725, %mul3A_2724 : vector<16xf32>
      %mul3A_2727 = arith.constant 3.000000e-01 : f32
      %mul3A_2728 = vector.broadcast %mul3A_2727 : f32 to vector<16xf32>
      %mul3A_2729 = arith.mulf %mul3A_2728, %sub3A_2726 : vector<16xf32>
      %gt3A_2730 = arith.cmpf ogt, %mul3A_2724, %mul3A_2729 : vector<16xf32>
      %jit3A_2731 = arith.constant 0xFF800000 : f32
      %broadcast_in_dim3A_2732 = vector.broadcast %jit3A_2731 : f32 to vector<16xf32>
      %select_n3A_2733 = arith.select %gt3A_2730, %broadcast_in_dim3A_2732, %select_n3A_2711 : vector<16xi1>, vector<16xf32>
      %max3A_2734 = arith.maximumf %get3A_2656, %while3A_982 : vector<16xf32>
      %max3A_2735 = arith.maximumf %get3A_2658, %while3A_983 : vector<16xf32>
      %min3A_2736 = arith.minimumf %get3A_2660, %while3A_984 : vector<16xf32>
      %min3A_2737 = arith.minimumf %get3A_2662, %while3A_985 : vector<16xf32>
      %sub3A_2738 = arith.subf %min3A_2736, %max3A_2734 : vector<16xf32>
      %max3A_2739 = arith.constant 0.000000e+00 : f32
      %max3A_2740 = vector.broadcast %max3A_2739 : f32 to vector<16xf32>
      %max3A_2741 = arith.maximumf %sub3A_2738, %max3A_2740 : vector<16xf32>
      %sub3A_2742 = arith.subf %min3A_2737, %max3A_2735 : vector<16xf32>
      %max3A_2743 = arith.constant 0.000000e+00 : f32
      %max3A_2744 = vector.broadcast %max3A_2743 : f32 to vector<16xf32>
      %max3A_2745 = arith.maximumf %sub3A_2742, %max3A_2744 : vector<16xf32>
      %mul3A_2746 = arith.mulf %max3A_2741, %max3A_2745 : vector<16xf32>
      %add3A_2747 = arith.addf %mul3A_2665, %while3A_986 : vector<16xf32>
      %sub3A_2748 = arith.subf %add3A_2747, %mul3A_2746 : vector<16xf32>
      %mul3A_2749 = arith.constant 3.000000e-01 : f32
      %mul3A_2750 = vector.broadcast %mul3A_2749 : f32 to vector<16xf32>
      %mul3A_2751 = arith.mulf %mul3A_2750, %sub3A_2748 : vector<16xf32>
      %gt3A_2752 = arith.cmpf ogt, %mul3A_2746, %mul3A_2751 : vector<16xf32>
      %jit3A_2753 = arith.constant 0xFF800000 : f32
      %broadcast_in_dim3A_2754 = vector.broadcast %jit3A_2753 : f32 to vector<16xf32>
      %select_n3A_2755 = arith.select %gt3A_2752, %broadcast_in_dim3A_2754, %select_n3A_2733 : vector<16xi1>, vector<16xf32>
      %swap3A_2756 = arith.constant 240 : index
      %swap3A_2757 = tpu.vector_load %arg11[%swap3A_2756] {strides = array<i32>} : memref<320xf32, #tpu.memory_space<vmem>>, vector<16xf32>,
      tpu.vector_store %arg11[%swap3A_2756], %select_n3A_2755 {strides = array<i32>} : memref<320xf32, #tpu.memory_space<vmem>>, vector<16xf32>,
      %gt3A_2758 = arith.cmpf ogt, %select_n3A_2755, %select_n3A_2650 : vector<16xf32>
      %min3A_2759 = arith.minimumf %select_n3A_2650, %select_n3A_2755 : vector<16xf32>
      %max3A_2760 = arith.maximumf %max3A_2649, %min3A_2759 : vector<16xf32>
      %select_n3A_2761 = arith.select %gt3A_2758, %select_n3A_2755, %select_n3A_2650 : vector<16xi1>, vector<16xf32>
      %add3A_2762 = arith.constant 2.400000e+02 : f32
      %add3A_2763 = vector.broadcast %add3A_2762 : f32 to vector<16xf32>
      %add3A_2764 = arith.addf %add3A_956, %add3A_2763 : vector<16xf32>
      %select_n3A_2765 = arith.select %gt3A_2758, %add3A_2764, %select_n3A_2654 : vector<16xi1>, vector<16xf32>
      %get3A_2766 = arith.constant 256 : index
      %get3A_2767 = tpu.vector_load %arg7[%get3A_2766] {strides = array<i32>} : memref<320xf32, #tpu.memory_space<vmem>>, vector<16xf32>,
      %get3A_2768 = arith.constant 256 : index
      %get3A_2769 = tpu.vector_load %arg8[%get3A_2768] {strides = array<i32>} : memref<320xf32, #tpu.memory_space<vmem>>, vector<16xf32>,
      %get3A_2770 = arith.constant 256 : index
      %get3A_2771 = tpu.vector_load %arg9[%get3A_2770] {strides = array<i32>} : memref<320xf32, #tpu.memory_space<vmem>>, vector<16xf32>,
      %get3A_2772 = arith.constant 256 : index
      %get3A_2773 = tpu.vector_load %arg10[%get3A_2772] {strides = array<i32>} : memref<320xf32, #tpu.memory_space<vmem>>, vector<16xf32>,
      %sub3A_2774 = arith.subf %get3A_2771, %get3A_2767 : vector<16xf32>
      %sub3A_2775 = arith.subf %get3A_2773, %get3A_2769 : vector<16xf32>
      %mul3A_2776 = arith.mulf %sub3A_2774, %sub3A_2775 : vector<16xf32>
      %get3A_2777 = arith.constant 256 : index
      %get3A_2778 = tpu.vector_load %arg11[%get3A_2777] {strides = array<i32>} : memref<320xf32, #tpu.memory_space<vmem>>, vector<16xf32>,
      %max3A_2779 = arith.maximumf %get3A_2767, %while3A_967 : vector<16xf32>
      %max3A_2780 = arith.maximumf %get3A_2769, %while3A_968 : vector<16xf32>
      %min3A_2781 = arith.minimumf %get3A_2771, %while3A_969 : vector<16xf32>
      %min3A_2782 = arith.minimumf %get3A_2773, %while3A_970 : vector<16xf32>
      %sub3A_2783 = arith.subf %min3A_2781, %max3A_2779 : vector<16xf32>
      %max3A_2784 = arith.constant 0.000000e+00 : f32
      %max3A_2785 = vector.broadcast %max3A_2784 : f32 to vector<16xf32>
      %max3A_2786 = arith.maximumf %sub3A_2783, %max3A_2785 : vector<16xf32>
      %sub3A_2787 = arith.subf %min3A_2782, %max3A_2780 : vector<16xf32>
      %max3A_2788 = arith.constant 0.000000e+00 : f32
      %max3A_2789 = vector.broadcast %max3A_2788 : f32 to vector<16xf32>
      %max3A_2790 = arith.maximumf %sub3A_2787, %max3A_2789 : vector<16xf32>
      %mul3A_2791 = arith.mulf %max3A_2786, %max3A_2790 : vector<16xf32>
      %add3A_2792 = arith.addf %mul3A_2776, %while3A_971 : vector<16xf32>
      %sub3A_2793 = arith.subf %add3A_2792, %mul3A_2791 : vector<16xf32>
      %mul3A_2794 = arith.constant 3.000000e-01 : f32
      %mul3A_2795 = vector.broadcast %mul3A_2794 : f32 to vector<16xf32>
      %mul3A_2796 = arith.mulf %mul3A_2795, %sub3A_2793 : vector<16xf32>
      %gt3A_2797 = arith.cmpf ogt, %mul3A_2791, %mul3A_2796 : vector<16xf32>
      %jit3A_2798 = arith.constant 0xFF800000 : f32
      %broadcast_in_dim3A_2799 = vector.broadcast %jit3A_2798 : f32 to vector<16xf32>
      %select_n3A_2800 = arith.select %gt3A_2797, %broadcast_in_dim3A_2799, %get3A_2778 : vector<16xi1>, vector<16xf32>
      %max3A_2801 = arith.maximumf %get3A_2767, %while3A_972 : vector<16xf32>
      %max3A_2802 = arith.maximumf %get3A_2769, %while3A_973 : vector<16xf32>
      %min3A_2803 = arith.minimumf %get3A_2771, %while3A_974 : vector<16xf32>
      %min3A_2804 = arith.minimumf %get3A_2773, %while3A_975 : vector<16xf32>
      %sub3A_2805 = arith.subf %min3A_2803, %max3A_2801 : vector<16xf32>
      %max3A_2806 = arith.constant 0.000000e+00 : f32
      %max3A_2807 = vector.broadcast %max3A_2806 : f32 to vector<16xf32>
      %max3A_2808 = arith.maximumf %sub3A_2805, %max3A_2807 : vector<16xf32>
      %sub3A_2809 = arith.subf %min3A_2804, %max3A_2802 : vector<16xf32>
      %max3A_2810 = arith.constant 0.000000e+00 : f32
      %max3A_2811 = vector.broadcast %max3A_2810 : f32 to vector<16xf32>
      %max3A_2812 = arith.maximumf %sub3A_2809, %max3A_2811 : vector<16xf32>
      %mul3A_2813 = arith.mulf %max3A_2808, %max3A_2812 : vector<16xf32>
      %add3A_2814 = arith.addf %mul3A_2776, %while3A_976 : vector<16xf32>
      %sub3A_2815 = arith.subf %add3A_2814, %mul3A_2813 : vector<16xf32>
      %mul3A_2816 = arith.constant 3.000000e-01 : f32
      %mul3A_2817 = vector.broadcast %mul3A_2816 : f32 to vector<16xf32>
      %mul3A_2818 = arith.mulf %mul3A_2817, %sub3A_2815 : vector<16xf32>
      %gt3A_2819 = arith.cmpf ogt, %mul3A_2813, %mul3A_2818 : vector<16xf32>
      %jit3A_2820 = arith.constant 0xFF800000 : f32
      %broadcast_in_dim3A_2821 = vector.broadcast %jit3A_2820 : f32 to vector<16xf32>
      %select_n3A_2822 = arith.select %gt3A_2819, %broadcast_in_dim3A_2821, %select_n3A_2800 : vector<16xi1>, vector<16xf32>
      %max3A_2823 = arith.maximumf %get3A_2767, %while3A_977 : vector<16xf32>
      %max3A_2824 = arith.maximumf %get3A_2769, %while3A_978 : vector<16xf32>
      %min3A_2825 = arith.minimumf %get3A_2771, %while3A_979 : vector<16xf32>
      %min3A_2826 = arith.minimumf %get3A_2773, %while3A_980 : vector<16xf32>
      %sub3A_2827 = arith.subf %min3A_2825, %max3A_2823 : vector<16xf32>
      %max3A_2828 = arith.constant 0.000000e+00 : f32
      %max3A_2829 = vector.broadcast %max3A_2828 : f32 to vector<16xf32>
      %max3A_2830 = arith.maximumf %sub3A_2827, %max3A_2829 : vector<16xf32>
      %sub3A_2831 = arith.subf %min3A_2826, %max3A_2824 : vector<16xf32>
      %max3A_2832 = arith.constant 0.000000e+00 : f32
      %max3A_2833 = vector.broadcast %max3A_2832 : f32 to vector<16xf32>
      %max3A_2834 = arith.maximumf %sub3A_2831, %max3A_2833 : vector<16xf32>
      %mul3A_2835 = arith.mulf %max3A_2830, %max3A_2834 : vector<16xf32>
      %add3A_2836 = arith.addf %mul3A_2776, %while3A_981 : vector<16xf32>
      %sub3A_2837 = arith.subf %add3A_2836, %mul3A_2835 : vector<16xf32>
      %mul3A_2838 = arith.constant 3.000000e-01 : f32
      %mul3A_2839 = vector.broadcast %mul3A_2838 : f32 to vector<16xf32>
      %mul3A_2840 = arith.mulf %mul3A_2839, %sub3A_2837 : vector<16xf32>
      %gt3A_2841 = arith.cmpf ogt, %mul3A_2835, %mul3A_2840 : vector<16xf32>
      %jit3A_2842 = arith.constant 0xFF800000 : f32
      %broadcast_in_dim3A_2843 = vector.broadcast %jit3A_2842 : f32 to vector<16xf32>
      %select_n3A_2844 = arith.select %gt3A_2841, %broadcast_in_dim3A_2843, %select_n3A_2822 : vector<16xi1>, vector<16xf32>
      %max3A_2845 = arith.maximumf %get3A_2767, %while3A_982 : vector<16xf32>
      %max3A_2846 = arith.maximumf %get3A_2769, %while3A_983 : vector<16xf32>
      %min3A_2847 = arith.minimumf %get3A_2771, %while3A_984 : vector<16xf32>
      %min3A_2848 = arith.minimumf %get3A_2773, %while3A_985 : vector<16xf32>
      %sub3A_2849 = arith.subf %min3A_2847, %max3A_2845 : vector<16xf32>
      %max3A_2850 = arith.constant 0.000000e+00 : f32
      %max3A_2851 = vector.broadcast %max3A_2850 : f32 to vector<16xf32>
      %max3A_2852 = arith.maximumf %sub3A_2849, %max3A_2851 : vector<16xf32>
      %sub3A_2853 = arith.subf %min3A_2848, %max3A_2846 : vector<16xf32>
      %max3A_2854 = arith.constant 0.000000e+00 : f32
      %max3A_2855 = vector.broadcast %max3A_2854 : f32 to vector<16xf32>
      %max3A_2856 = arith.maximumf %sub3A_2853, %max3A_2855 : vector<16xf32>
      %mul3A_2857 = arith.mulf %max3A_2852, %max3A_2856 : vector<16xf32>
      %add3A_2858 = arith.addf %mul3A_2776, %while3A_986 : vector<16xf32>
      %sub3A_2859 = arith.subf %add3A_2858, %mul3A_2857 : vector<16xf32>
      %mul3A_2860 = arith.constant 3.000000e-01 : f32
      %mul3A_2861 = vector.broadcast %mul3A_2860 : f32 to vector<16xf32>
      %mul3A_2862 = arith.mulf %mul3A_2861, %sub3A_2859 : vector<16xf32>
      %gt3A_2863 = arith.cmpf ogt, %mul3A_2857, %mul3A_2862 : vector<16xf32>
      %jit3A_2864 = arith.constant 0xFF800000 : f32
      %broadcast_in_dim3A_2865 = vector.broadcast %jit3A_2864 : f32 to vector<16xf32>
      %select_n3A_2866 = arith.select %gt3A_2863, %broadcast_in_dim3A_2865, %select_n3A_2844 : vector<16xi1>, vector<16xf32>
      %swap3A_2867 = arith.constant 256 : index
      %swap3A_2868 = tpu.vector_load %arg11[%swap3A_2867] {strides = array<i32>} : memref<320xf32, #tpu.memory_space<vmem>>, vector<16xf32>,
      tpu.vector_store %arg11[%swap3A_2867], %select_n3A_2866 {strides = array<i32>} : memref<320xf32, #tpu.memory_space<vmem>>, vector<16xf32>,
      %gt3A_2869 = arith.cmpf ogt, %select_n3A_2866, %select_n3A_2761 : vector<16xf32>
      %min3A_2870 = arith.minimumf %select_n3A_2761, %select_n3A_2866 : vector<16xf32>
      %max3A_2871 = arith.maximumf %max3A_2760, %min3A_2870 : vector<16xf32>
      %select_n3A_2872 = arith.select %gt3A_2869, %select_n3A_2866, %select_n3A_2761 : vector<16xi1>, vector<16xf32>
      %add3A_2873 = arith.constant 2.560000e+02 : f32
      %add3A_2874 = vector.broadcast %add3A_2873 : f32 to vector<16xf32>
      %add3A_2875 = arith.addf %add3A_956, %add3A_2874 : vector<16xf32>
      %select_n3A_2876 = arith.select %gt3A_2869, %add3A_2875, %select_n3A_2765 : vector<16xi1>, vector<16xf32>
      %get3A_2877 = arith.constant 272 : index
      %get3A_2878 = tpu.vector_load %arg7[%get3A_2877] {strides = array<i32>} : memref<320xf32, #tpu.memory_space<vmem>>, vector<16xf32>,
      %get3A_2879 = arith.constant 272 : index
      %get3A_2880 = tpu.vector_load %arg8[%get3A_2879] {strides = array<i32>} : memref<320xf32, #tpu.memory_space<vmem>>, vector<16xf32>,
      %get3A_2881 = arith.constant 272 : index
      %get3A_2882 = tpu.vector_load %arg9[%get3A_2881] {strides = array<i32>} : memref<320xf32, #tpu.memory_space<vmem>>, vector<16xf32>,
      %get3A_2883 = arith.constant 272 : index
      %get3A_2884 = tpu.vector_load %arg10[%get3A_2883] {strides = array<i32>} : memref<320xf32, #tpu.memory_space<vmem>>, vector<16xf32>,
      %sub3A_2885 = arith.subf %get3A_2882, %get3A_2878 : vector<16xf32>
      %sub3A_2886 = arith.subf %get3A_2884, %get3A_2880 : vector<16xf32>
      %mul3A_2887 = arith.mulf %sub3A_2885, %sub3A_2886 : vector<16xf32>
      %get3A_2888 = arith.constant 272 : index
      %get3A_2889 = tpu.vector_load %arg11[%get3A_2888] {strides = array<i32>} : memref<320xf32, #tpu.memory_space<vmem>>, vector<16xf32>,
      %max3A_2890 = arith.maximumf %get3A_2878, %while3A_967 : vector<16xf32>
      %max3A_2891 = arith.maximumf %get3A_2880, %while3A_968 : vector<16xf32>
      %min3A_2892 = arith.minimumf %get3A_2882, %while3A_969 : vector<16xf32>
      %min3A_2893 = arith.minimumf %get3A_2884, %while3A_970 : vector<16xf32>
      %sub3A_2894 = arith.subf %min3A_2892, %max3A_2890 : vector<16xf32>
      %max3A_2895 = arith.constant 0.000000e+00 : f32
      %max3A_2896 = vector.broadcast %max3A_2895 : f32 to vector<16xf32>
      %max3A_2897 = arith.maximumf %sub3A_2894, %max3A_2896 : vector<16xf32>
      %sub3A_2898 = arith.subf %min3A_2893, %max3A_2891 : vector<16xf32>
      %max3A_2899 = arith.constant 0.000000e+00 : f32
      %max3A_2900 = vector.broadcast %max3A_2899 : f32 to vector<16xf32>
      %max3A_2901 = arith.maximumf %sub3A_2898, %max3A_2900 : vector<16xf32>
      %mul3A_2902 = arith.mulf %max3A_2897, %max3A_2901 : vector<16xf32>
      %add3A_2903 = arith.addf %mul3A_2887, %while3A_971 : vector<16xf32>
      %sub3A_2904 = arith.subf %add3A_2903, %mul3A_2902 : vector<16xf32>
      %mul3A_2905 = arith.constant 3.000000e-01 : f32
      %mul3A_2906 = vector.broadcast %mul3A_2905 : f32 to vector<16xf32>
      %mul3A_2907 = arith.mulf %mul3A_2906, %sub3A_2904 : vector<16xf32>
      %gt3A_2908 = arith.cmpf ogt, %mul3A_2902, %mul3A_2907 : vector<16xf32>
      %jit3A_2909 = arith.constant 0xFF800000 : f32
      %broadcast_in_dim3A_2910 = vector.broadcast %jit3A_2909 : f32 to vector<16xf32>
      %select_n3A_2911 = arith.select %gt3A_2908, %broadcast_in_dim3A_2910, %get3A_2889 : vector<16xi1>, vector<16xf32>
      %max3A_2912 = arith.maximumf %get3A_2878, %while3A_972 : vector<16xf32>
      %max3A_2913 = arith.maximumf %get3A_2880, %while3A_973 : vector<16xf32>
      %min3A_2914 = arith.minimumf %get3A_2882, %while3A_974 : vector<16xf32>
      %min3A_2915 = arith.minimumf %get3A_2884, %while3A_975 : vector<16xf32>
      %sub3A_2916 = arith.subf %min3A_2914, %max3A_2912 : vector<16xf32>
      %max3A_2917 = arith.constant 0.000000e+00 : f32
      %max3A_2918 = vector.broadcast %max3A_2917 : f32 to vector<16xf32>
      %max3A_2919 = arith.maximumf %sub3A_2916, %max3A_2918 : vector<16xf32>
      %sub3A_2920 = arith.subf %min3A_2915, %max3A_2913 : vector<16xf32>
      %max3A_2921 = arith.constant 0.000000e+00 : f32
      %max3A_2922 = vector.broadcast %max3A_2921 : f32 to vector<16xf32>
      %max3A_2923 = arith.maximumf %sub3A_2920, %max3A_2922 : vector<16xf32>
      %mul3A_2924 = arith.mulf %max3A_2919, %max3A_2923 : vector<16xf32>
      %add3A_2925 = arith.addf %mul3A_2887, %while3A_976 : vector<16xf32>
      %sub3A_2926 = arith.subf %add3A_2925, %mul3A_2924 : vector<16xf32>
      %mul3A_2927 = arith.constant 3.000000e-01 : f32
      %mul3A_2928 = vector.broadcast %mul3A_2927 : f32 to vector<16xf32>
      %mul3A_2929 = arith.mulf %mul3A_2928, %sub3A_2926 : vector<16xf32>
      %gt3A_2930 = arith.cmpf ogt, %mul3A_2924, %mul3A_2929 : vector<16xf32>
      %jit3A_2931 = arith.constant 0xFF800000 : f32
      %broadcast_in_dim3A_2932 = vector.broadcast %jit3A_2931 : f32 to vector<16xf32>
      %select_n3A_2933 = arith.select %gt3A_2930, %broadcast_in_dim3A_2932, %select_n3A_2911 : vector<16xi1>, vector<16xf32>
      %max3A_2934 = arith.maximumf %get3A_2878, %while3A_977 : vector<16xf32>
      %max3A_2935 = arith.maximumf %get3A_2880, %while3A_978 : vector<16xf32>
      %min3A_2936 = arith.minimumf %get3A_2882, %while3A_979 : vector<16xf32>
      %min3A_2937 = arith.minimumf %get3A_2884, %while3A_980 : vector<16xf32>
      %sub3A_2938 = arith.subf %min3A_2936, %max3A_2934 : vector<16xf32>
      %max3A_2939 = arith.constant 0.000000e+00 : f32
      %max3A_2940 = vector.broadcast %max3A_2939 : f32 to vector<16xf32>
      %max3A_2941 = arith.maximumf %sub3A_2938, %max3A_2940 : vector<16xf32>
      %sub3A_2942 = arith.subf %min3A_2937, %max3A_2935 : vector<16xf32>
      %max3A_2943 = arith.constant 0.000000e+00 : f32
      %max3A_2944 = vector.broadcast %max3A_2943 : f32 to vector<16xf32>
      %max3A_2945 = arith.maximumf %sub3A_2942, %max3A_2944 : vector<16xf32>
      %mul3A_2946 = arith.mulf %max3A_2941, %max3A_2945 : vector<16xf32>
      %add3A_2947 = arith.addf %mul3A_2887, %while3A_981 : vector<16xf32>
      %sub3A_2948 = arith.subf %add3A_2947, %mul3A_2946 : vector<16xf32>
      %mul3A_2949 = arith.constant 3.000000e-01 : f32
      %mul3A_2950 = vector.broadcast %mul3A_2949 : f32 to vector<16xf32>
      %mul3A_2951 = arith.mulf %mul3A_2950, %sub3A_2948 : vector<16xf32>
      %gt3A_2952 = arith.cmpf ogt, %mul3A_2946, %mul3A_2951 : vector<16xf32>
      %jit3A_2953 = arith.constant 0xFF800000 : f32
      %broadcast_in_dim3A_2954 = vector.broadcast %jit3A_2953 : f32 to vector<16xf32>
      %select_n3A_2955 = arith.select %gt3A_2952, %broadcast_in_dim3A_2954, %select_n3A_2933 : vector<16xi1>, vector<16xf32>
      %max3A_2956 = arith.maximumf %get3A_2878, %while3A_982 : vector<16xf32>
      %max3A_2957 = arith.maximumf %get3A_2880, %while3A_983 : vector<16xf32>
      %min3A_2958 = arith.minimumf %get3A_2882, %while3A_984 : vector<16xf32>
      %min3A_2959 = arith.minimumf %get3A_2884, %while3A_985 : vector<16xf32>
      %sub3A_2960 = arith.subf %min3A_2958, %max3A_2956 : vector<16xf32>
      %max3A_2961 = arith.constant 0.000000e+00 : f32
      %max3A_2962 = vector.broadcast %max3A_2961 : f32 to vector<16xf32>
      %max3A_2963 = arith.maximumf %sub3A_2960, %max3A_2962 : vector<16xf32>
      %sub3A_2964 = arith.subf %min3A_2959, %max3A_2957 : vector<16xf32>
      %max3A_2965 = arith.constant 0.000000e+00 : f32
      %max3A_2966 = vector.broadcast %max3A_2965 : f32 to vector<16xf32>
      %max3A_2967 = arith.maximumf %sub3A_2964, %max3A_2966 : vector<16xf32>
      %mul3A_2968 = arith.mulf %max3A_2963, %max3A_2967 : vector<16xf32>
      %add3A_2969 = arith.addf %mul3A_2887, %while3A_986 : vector<16xf32>
      %sub3A_2970 = arith.subf %add3A_2969, %mul3A_2968 : vector<16xf32>
      %mul3A_2971 = arith.constant 3.000000e-01 : f32
      %mul3A_2972 = vector.broadcast %mul3A_2971 : f32 to vector<16xf32>
      %mul3A_2973 = arith.mulf %mul3A_2972, %sub3A_2970 : vector<16xf32>
      %gt3A_2974 = arith.cmpf ogt, %mul3A_2968, %mul3A_2973 : vector<16xf32>
      %jit3A_2975 = arith.constant 0xFF800000 : f32
      %broadcast_in_dim3A_2976 = vector.broadcast %jit3A_2975 : f32 to vector<16xf32>
      %select_n3A_2977 = arith.select %gt3A_2974, %broadcast_in_dim3A_2976, %select_n3A_2955 : vector<16xi1>, vector<16xf32>
      %swap3A_2978 = arith.constant 272 : index
      %swap3A_2979 = tpu.vector_load %arg11[%swap3A_2978] {strides = array<i32>} : memref<320xf32, #tpu.memory_space<vmem>>, vector<16xf32>,
      tpu.vector_store %arg11[%swap3A_2978], %select_n3A_2977 {strides = array<i32>} : memref<320xf32, #tpu.memory_space<vmem>>, vector<16xf32>,
      %gt3A_2980 = arith.cmpf ogt, %select_n3A_2977, %select_n3A_2872 : vector<16xf32>
      %min3A_2981 = arith.minimumf %select_n3A_2872, %select_n3A_2977 : vector<16xf32>
      %max3A_2982 = arith.maximumf %max3A_2871, %min3A_2981 : vector<16xf32>
      %select_n3A_2983 = arith.select %gt3A_2980, %select_n3A_2977, %select_n3A_2872 : vector<16xi1>, vector<16xf32>
      %add3A_2984 = arith.constant 2.720000e+02 : f32
      %add3A_2985 = vector.broadcast %add3A_2984 : f32 to vector<16xf32>
      %add3A_2986 = arith.addf %add3A_956, %add3A_2985 : vector<16xf32>
      %select_n3A_2987 = arith.select %gt3A_2980, %add3A_2986, %select_n3A_2876 : vector<16xi1>, vector<16xf32>
      %get3A_2988 = arith.constant 288 : index
      %get3A_2989 = tpu.vector_load %arg7[%get3A_2988] {strides = array<i32>} : memref<320xf32, #tpu.memory_space<vmem>>, vector<16xf32>,
      %get3A_2990 = arith.constant 288 : index
      %get3A_2991 = tpu.vector_load %arg8[%get3A_2990] {strides = array<i32>} : memref<320xf32, #tpu.memory_space<vmem>>, vector<16xf32>,
      %get3A_2992 = arith.constant 288 : index
      %get3A_2993 = tpu.vector_load %arg9[%get3A_2992] {strides = array<i32>} : memref<320xf32, #tpu.memory_space<vmem>>, vector<16xf32>,
      %get3A_2994 = arith.constant 288 : index
      %get3A_2995 = tpu.vector_load %arg10[%get3A_2994] {strides = array<i32>} : memref<320xf32, #tpu.memory_space<vmem>>, vector<16xf32>,
      %sub3A_2996 = arith.subf %get3A_2993, %get3A_2989 : vector<16xf32>
      %sub3A_2997 = arith.subf %get3A_2995, %get3A_2991 : vector<16xf32>
      %mul3A_2998 = arith.mulf %sub3A_2996, %sub3A_2997 : vector<16xf32>
      %get3A_2999 = arith.constant 288 : index
      %get3A_3000 = tpu.vector_load %arg11[%get3A_2999] {strides = array<i32>} : memref<320xf32, #tpu.memory_space<vmem>>, vector<16xf32>,
      %max3A_3001 = arith.maximumf %get3A_2989, %while3A_967 : vector<16xf32>
      %max3A_3002 = arith.maximumf %get3A_2991, %while3A_968 : vector<16xf32>
      %min3A_3003 = arith.minimumf %get3A_2993, %while3A_969 : vector<16xf32>
      %min3A_3004 = arith.minimumf %get3A_2995, %while3A_970 : vector<16xf32>
      %sub3A_3005 = arith.subf %min3A_3003, %max3A_3001 : vector<16xf32>
      %max3A_3006 = arith.constant 0.000000e+00 : f32
      %max3A_3007 = vector.broadcast %max3A_3006 : f32 to vector<16xf32>
      %max3A_3008 = arith.maximumf %sub3A_3005, %max3A_3007 : vector<16xf32>
      %sub3A_3009 = arith.subf %min3A_3004, %max3A_3002 : vector<16xf32>
      %max3A_3010 = arith.constant 0.000000e+00 : f32
      %max3A_3011 = vector.broadcast %max3A_3010 : f32 to vector<16xf32>
      %max3A_3012 = arith.maximumf %sub3A_3009, %max3A_3011 : vector<16xf32>
      %mul3A_3013 = arith.mulf %max3A_3008, %max3A_3012 : vector<16xf32>
      %add3A_3014 = arith.addf %mul3A_2998, %while3A_971 : vector<16xf32>
      %sub3A_3015 = arith.subf %add3A_3014, %mul3A_3013 : vector<16xf32>
      %mul3A_3016 = arith.constant 3.000000e-01 : f32
      %mul3A_3017 = vector.broadcast %mul3A_3016 : f32 to vector<16xf32>
      %mul3A_3018 = arith.mulf %mul3A_3017, %sub3A_3015 : vector<16xf32>
      %gt3A_3019 = arith.cmpf ogt, %mul3A_3013, %mul3A_3018 : vector<16xf32>
      %jit3A_3020 = arith.constant 0xFF800000 : f32
      %broadcast_in_dim3A_3021 = vector.broadcast %jit3A_3020 : f32 to vector<16xf32>
      %select_n3A_3022 = arith.select %gt3A_3019, %broadcast_in_dim3A_3021, %get3A_3000 : vector<16xi1>, vector<16xf32>
      %max3A_3023 = arith.maximumf %get3A_2989, %while3A_972 : vector<16xf32>
      %max3A_3024 = arith.maximumf %get3A_2991, %while3A_973 : vector<16xf32>
      %min3A_3025 = arith.minimumf %get3A_2993, %while3A_974 : vector<16xf32>
      %min3A_3026 = arith.minimumf %get3A_2995, %while3A_975 : vector<16xf32>
      %sub3A_3027 = arith.subf %min3A_3025, %max3A_3023 : vector<16xf32>
      %max3A_3028 = arith.constant 0.000000e+00 : f32
      %max3A_3029 = vector.broadcast %max3A_3028 : f32 to vector<16xf32>
      %max3A_3030 = arith.maximumf %sub3A_3027, %max3A_3029 : vector<16xf32>
      %sub3A_3031 = arith.subf %min3A_3026, %max3A_3024 : vector<16xf32>
      %max3A_3032 = arith.constant 0.000000e+00 : f32
      %max3A_3033 = vector.broadcast %max3A_3032 : f32 to vector<16xf32>
      %max3A_3034 = arith.maximumf %sub3A_3031, %max3A_3033 : vector<16xf32>
      %mul3A_3035 = arith.mulf %max3A_3030, %max3A_3034 : vector<16xf32>
      %add3A_3036 = arith.addf %mul3A_2998, %while3A_976 : vector<16xf32>
      %sub3A_3037 = arith.subf %add3A_3036, %mul3A_3035 : vector<16xf32>
      %mul3A_3038 = arith.constant 3.000000e-01 : f32
      %mul3A_3039 = vector.broadcast %mul3A_3038 : f32 to vector<16xf32>
      %mul3A_3040 = arith.mulf %mul3A_3039, %sub3A_3037 : vector<16xf32>
      %gt3A_3041 = arith.cmpf ogt, %mul3A_3035, %mul3A_3040 : vector<16xf32>
      %jit3A_3042 = arith.constant 0xFF800000 : f32
      %broadcast_in_dim3A_3043 = vector.broadcast %jit3A_3042 : f32 to vector<16xf32>
      %select_n3A_3044 = arith.select %gt3A_3041, %broadcast_in_dim3A_3043, %select_n3A_3022 : vector<16xi1>, vector<16xf32>
      %max3A_3045 = arith.maximumf %get3A_2989, %while3A_977 : vector<16xf32>
      %max3A_3046 = arith.maximumf %get3A_2991, %while3A_978 : vector<16xf32>
      %min3A_3047 = arith.minimumf %get3A_2993, %while3A_979 : vector<16xf32>
      %min3A_3048 = arith.minimumf %get3A_2995, %while3A_980 : vector<16xf32>
      %sub3A_3049 = arith.subf %min3A_3047, %max3A_3045 : vector<16xf32>
      %max3A_3050 = arith.constant 0.000000e+00 : f32
      %max3A_3051 = vector.broadcast %max3A_3050 : f32 to vector<16xf32>
      %max3A_3052 = arith.maximumf %sub3A_3049, %max3A_3051 : vector<16xf32>
      %sub3A_3053 = arith.subf %min3A_3048, %max3A_3046 : vector<16xf32>
      %max3A_3054 = arith.constant 0.000000e+00 : f32
      %max3A_3055 = vector.broadcast %max3A_3054 : f32 to vector<16xf32>
      %max3A_3056 = arith.maximumf %sub3A_3053, %max3A_3055 : vector<16xf32>
      %mul3A_3057 = arith.mulf %max3A_3052, %max3A_3056 : vector<16xf32>
      %add3A_3058 = arith.addf %mul3A_2998, %while3A_981 : vector<16xf32>
      %sub3A_3059 = arith.subf %add3A_3058, %mul3A_3057 : vector<16xf32>
      %mul3A_3060 = arith.constant 3.000000e-01 : f32
      %mul3A_3061 = vector.broadcast %mul3A_3060 : f32 to vector<16xf32>
      %mul3A_3062 = arith.mulf %mul3A_3061, %sub3A_3059 : vector<16xf32>
      %gt3A_3063 = arith.cmpf ogt, %mul3A_3057, %mul3A_3062 : vector<16xf32>
      %jit3A_3064 = arith.constant 0xFF800000 : f32
      %broadcast_in_dim3A_3065 = vector.broadcast %jit3A_3064 : f32 to vector<16xf32>
      %select_n3A_3066 = arith.select %gt3A_3063, %broadcast_in_dim3A_3065, %select_n3A_3044 : vector<16xi1>, vector<16xf32>
      %max3A_3067 = arith.maximumf %get3A_2989, %while3A_982 : vector<16xf32>
      %max3A_3068 = arith.maximumf %get3A_2991, %while3A_983 : vector<16xf32>
      %min3A_3069 = arith.minimumf %get3A_2993, %while3A_984 : vector<16xf32>
      %min3A_3070 = arith.minimumf %get3A_2995, %while3A_985 : vector<16xf32>
      %sub3A_3071 = arith.subf %min3A_3069, %max3A_3067 : vector<16xf32>
      %max3A_3072 = arith.constant 0.000000e+00 : f32
      %max3A_3073 = vector.broadcast %max3A_3072 : f32 to vector<16xf32>
      %max3A_3074 = arith.maximumf %sub3A_3071, %max3A_3073 : vector<16xf32>
      %sub3A_3075 = arith.subf %min3A_3070, %max3A_3068 : vector<16xf32>
      %max3A_3076 = arith.constant 0.000000e+00 : f32
      %max3A_3077 = vector.broadcast %max3A_3076 : f32 to vector<16xf32>
      %max3A_3078 = arith.maximumf %sub3A_3075, %max3A_3077 : vector<16xf32>
      %mul3A_3079 = arith.mulf %max3A_3074, %max3A_3078 : vector<16xf32>
      %add3A_3080 = arith.addf %mul3A_2998, %while3A_986 : vector<16xf32>
      %sub3A_3081 = arith.subf %add3A_3080, %mul3A_3079 : vector<16xf32>
      %mul3A_3082 = arith.constant 3.000000e-01 : f32
      %mul3A_3083 = vector.broadcast %mul3A_3082 : f32 to vector<16xf32>
      %mul3A_3084 = arith.mulf %mul3A_3083, %sub3A_3081 : vector<16xf32>
      %gt3A_3085 = arith.cmpf ogt, %mul3A_3079, %mul3A_3084 : vector<16xf32>
      %jit3A_3086 = arith.constant 0xFF800000 : f32
      %broadcast_in_dim3A_3087 = vector.broadcast %jit3A_3086 : f32 to vector<16xf32>
      %select_n3A_3088 = arith.select %gt3A_3085, %broadcast_in_dim3A_3087, %select_n3A_3066 : vector<16xi1>, vector<16xf32>
      %swap3A_3089 = arith.constant 288 : index
      %swap3A_3090 = tpu.vector_load %arg11[%swap3A_3089] {strides = array<i32>} : memref<320xf32, #tpu.memory_space<vmem>>, vector<16xf32>,
      tpu.vector_store %arg11[%swap3A_3089], %select_n3A_3088 {strides = array<i32>} : memref<320xf32, #tpu.memory_space<vmem>>, vector<16xf32>,
      %gt3A_3091 = arith.cmpf ogt, %select_n3A_3088, %select_n3A_2983 : vector<16xf32>
      %min3A_3092 = arith.minimumf %select_n3A_2983, %select_n3A_3088 : vector<16xf32>
      %max3A_3093 = arith.maximumf %max3A_2982, %min3A_3092 : vector<16xf32>
      %select_n3A_3094 = arith.select %gt3A_3091, %select_n3A_3088, %select_n3A_2983 : vector<16xi1>, vector<16xf32>
      %add3A_3095 = arith.constant 2.880000e+02 : f32
      %add3A_3096 = vector.broadcast %add3A_3095 : f32 to vector<16xf32>
      %add3A_3097 = arith.addf %add3A_956, %add3A_3096 : vector<16xf32>
      %select_n3A_3098 = arith.select %gt3A_3091, %add3A_3097, %select_n3A_2987 : vector<16xi1>, vector<16xf32>
      %get3A_3099 = arith.constant 304 : index
      %get3A_3100 = tpu.vector_load %arg7[%get3A_3099] {strides = array<i32>} : memref<320xf32, #tpu.memory_space<vmem>>, vector<16xf32>,
      %get3A_3101 = arith.constant 304 : index
      %get3A_3102 = tpu.vector_load %arg8[%get3A_3101] {strides = array<i32>} : memref<320xf32, #tpu.memory_space<vmem>>, vector<16xf32>,
      %get3A_3103 = arith.constant 304 : index
      %get3A_3104 = tpu.vector_load %arg9[%get3A_3103] {strides = array<i32>} : memref<320xf32, #tpu.memory_space<vmem>>, vector<16xf32>,
      %get3A_3105 = arith.constant 304 : index
      %get3A_3106 = tpu.vector_load %arg10[%get3A_3105] {strides = array<i32>} : memref<320xf32, #tpu.memory_space<vmem>>, vector<16xf32>,
      %sub3A_3107 = arith.subf %get3A_3104, %get3A_3100 : vector<16xf32>
      %sub3A_3108 = arith.subf %get3A_3106, %get3A_3102 : vector<16xf32>
      %mul3A_3109 = arith.mulf %sub3A_3107, %sub3A_3108 : vector<16xf32>
      %get3A_3110 = arith.constant 304 : index
      %get3A_3111 = tpu.vector_load %arg11[%get3A_3110] {strides = array<i32>} : memref<320xf32, #tpu.memory_space<vmem>>, vector<16xf32>,
      %max3A_3112 = arith.maximumf %get3A_3100, %while3A_967 : vector<16xf32>
      %max3A_3113 = arith.maximumf %get3A_3102, %while3A_968 : vector<16xf32>
      %min3A_3114 = arith.minimumf %get3A_3104, %while3A_969 : vector<16xf32>
      %min3A_3115 = arith.minimumf %get3A_3106, %while3A_970 : vector<16xf32>
      %sub3A_3116 = arith.subf %min3A_3114, %max3A_3112 : vector<16xf32>
      %max3A_3117 = arith.constant 0.000000e+00 : f32
      %max3A_3118 = vector.broadcast %max3A_3117 : f32 to vector<16xf32>
      %max3A_3119 = arith.maximumf %sub3A_3116, %max3A_3118 : vector<16xf32>
      %sub3A_3120 = arith.subf %min3A_3115, %max3A_3113 : vector<16xf32>
      %max3A_3121 = arith.constant 0.000000e+00 : f32
      %max3A_3122 = vector.broadcast %max3A_3121 : f32 to vector<16xf32>
      %max3A_3123 = arith.maximumf %sub3A_3120, %max3A_3122 : vector<16xf32>
      %mul3A_3124 = arith.mulf %max3A_3119, %max3A_3123 : vector<16xf32>
      %add3A_3125 = arith.addf %mul3A_3109, %while3A_971 : vector<16xf32>
      %sub3A_3126 = arith.subf %add3A_3125, %mul3A_3124 : vector<16xf32>
      %mul3A_3127 = arith.constant 3.000000e-01 : f32
      %mul3A_3128 = vector.broadcast %mul3A_3127 : f32 to vector<16xf32>
      %mul3A_3129 = arith.mulf %mul3A_3128, %sub3A_3126 : vector<16xf32>
      %gt3A_3130 = arith.cmpf ogt, %mul3A_3124, %mul3A_3129 : vector<16xf32>
      %jit3A_3131 = arith.constant 0xFF800000 : f32
      %broadcast_in_dim3A_3132 = vector.broadcast %jit3A_3131 : f32 to vector<16xf32>
      %select_n3A_3133 = arith.select %gt3A_3130, %broadcast_in_dim3A_3132, %get3A_3111 : vector<16xi1>, vector<16xf32>
      %max3A_3134 = arith.maximumf %get3A_3100, %while3A_972 : vector<16xf32>
      %max3A_3135 = arith.maximumf %get3A_3102, %while3A_973 : vector<16xf32>
      %min3A_3136 = arith.minimumf %get3A_3104, %while3A_974 : vector<16xf32>
      %min3A_3137 = arith.minimumf %get3A_3106, %while3A_975 : vector<16xf32>
      %sub3A_3138 = arith.subf %min3A_3136, %max3A_3134 : vector<16xf32>
      %max3A_3139 = arith.constant 0.000000e+00 : f32
      %max3A_3140 = vector.broadcast %max3A_3139 : f32 to vector<16xf32>
      %max3A_3141 = arith.maximumf %sub3A_3138, %max3A_3140 : vector<16xf32>
      %sub3A_3142 = arith.subf %min3A_3137, %max3A_3135 : vector<16xf32>
      %max3A_3143 = arith.constant 0.000000e+00 : f32
      %max3A_3144 = vector.broadcast %max3A_3143 : f32 to vector<16xf32>
      %max3A_3145 = arith.maximumf %sub3A_3142, %max3A_3144 : vector<16xf32>
      %mul3A_3146 = arith.mulf %max3A_3141, %max3A_3145 : vector<16xf32>
      %add3A_3147 = arith.addf %mul3A_3109, %while3A_976 : vector<16xf32>
      %sub3A_3148 = arith.subf %add3A_3147, %mul3A_3146 : vector<16xf32>
      %mul3A_3149 = arith.constant 3.000000e-01 : f32
      %mul3A_3150 = vector.broadcast %mul3A_3149 : f32 to vector<16xf32>
      %mul3A_3151 = arith.mulf %mul3A_3150, %sub3A_3148 : vector<16xf32>
      %gt3A_3152 = arith.cmpf ogt, %mul3A_3146, %mul3A_3151 : vector<16xf32>
      %jit3A_3153 = arith.constant 0xFF800000 : f32
      %broadcast_in_dim3A_3154 = vector.broadcast %jit3A_3153 : f32 to vector<16xf32>
      %select_n3A_3155 = arith.select %gt3A_3152, %broadcast_in_dim3A_3154, %select_n3A_3133 : vector<16xi1>, vector<16xf32>
      %max3A_3156 = arith.maximumf %get3A_3100, %while3A_977 : vector<16xf32>
      %max3A_3157 = arith.maximumf %get3A_3102, %while3A_978 : vector<16xf32>
      %min3A_3158 = arith.minimumf %get3A_3104, %while3A_979 : vector<16xf32>
      %min3A_3159 = arith.minimumf %get3A_3106, %while3A_980 : vector<16xf32>
      %sub3A_3160 = arith.subf %min3A_3158, %max3A_3156 : vector<16xf32>
      %max3A_3161 = arith.constant 0.000000e+00 : f32
      %max3A_3162 = vector.broadcast %max3A_3161 : f32 to vector<16xf32>
      %max3A_3163 = arith.maximumf %sub3A_3160, %max3A_3162 : vector<16xf32>
      %sub3A_3164 = arith.subf %min3A_3159, %max3A_3157 : vector<16xf32>
      %max3A_3165 = arith.constant 0.000000e+00 : f32
      %max3A_3166 = vector.broadcast %max3A_3165 : f32 to vector<16xf32>
      %max3A_3167 = arith.maximumf %sub3A_3164, %max3A_3166 : vector<16xf32>
      %mul3A_3168 = arith.mulf %max3A_3163, %max3A_3167 : vector<16xf32>
      %add3A_3169 = arith.addf %mul3A_3109, %while3A_981 : vector<16xf32>
      %sub3A_3170 = arith.subf %add3A_3169, %mul3A_3168 : vector<16xf32>
      %mul3A_3171 = arith.constant 3.000000e-01 : f32
      %mul3A_3172 = vector.broadcast %mul3A_3171 : f32 to vector<16xf32>
      %mul3A_3173 = arith.mulf %mul3A_3172, %sub3A_3170 : vector<16xf32>
      %gt3A_3174 = arith.cmpf ogt, %mul3A_3168, %mul3A_3173 : vector<16xf32>
      %jit3A_3175 = arith.constant 0xFF800000 : f32
      %broadcast_in_dim3A_3176 = vector.broadcast %jit3A_3175 : f32 to vector<16xf32>
      %select_n3A_3177 = arith.select %gt3A_3174, %broadcast_in_dim3A_3176, %select_n3A_3155 : vector<16xi1>, vector<16xf32>
      %max3A_3178 = arith.maximumf %get3A_3100, %while3A_982 : vector<16xf32>
      %max3A_3179 = arith.maximumf %get3A_3102, %while3A_983 : vector<16xf32>
      %min3A_3180 = arith.minimumf %get3A_3104, %while3A_984 : vector<16xf32>
      %min3A_3181 = arith.minimumf %get3A_3106, %while3A_985 : vector<16xf32>
      %sub3A_3182 = arith.subf %min3A_3180, %max3A_3178 : vector<16xf32>
      %max3A_3183 = arith.constant 0.000000e+00 : f32
      %max3A_3184 = vector.broadcast %max3A_3183 : f32 to vector<16xf32>
      %max3A_3185 = arith.maximumf %sub3A_3182, %max3A_3184 : vector<16xf32>
      %sub3A_3186 = arith.subf %min3A_3181, %max3A_3179 : vector<16xf32>
      %max3A_3187 = arith.constant 0.000000e+00 : f32
      %max3A_3188 = vector.broadcast %max3A_3187 : f32 to vector<16xf32>
      %max3A_3189 = arith.maximumf %sub3A_3186, %max3A_3188 : vector<16xf32>
      %mul3A_3190 = arith.mulf %max3A_3185, %max3A_3189 : vector<16xf32>
      %add3A_3191 = arith.addf %mul3A_3109, %while3A_986 : vector<16xf32>
      %sub3A_3192 = arith.subf %add3A_3191, %mul3A_3190 : vector<16xf32>
      %mul3A_3193 = arith.constant 3.000000e-01 : f32
      %mul3A_3194 = vector.broadcast %mul3A_3193 : f32 to vector<16xf32>
      %mul3A_3195 = arith.mulf %mul3A_3194, %sub3A_3192 : vector<16xf32>
      %gt3A_3196 = arith.cmpf ogt, %mul3A_3190, %mul3A_3195 : vector<16xf32>
      %jit3A_3197 = arith.constant 0xFF800000 : f32
      %broadcast_in_dim3A_3198 = vector.broadcast %jit3A_3197 : f32 to vector<16xf32>
      %select_n3A_3199 = arith.select %gt3A_3196, %broadcast_in_dim3A_3198, %select_n3A_3177 : vector<16xi1>, vector<16xf32>
      %swap3A_3200 = arith.constant 304 : index
      %swap3A_3201 = tpu.vector_load %arg11[%swap3A_3200] {strides = array<i32>} : memref<320xf32, #tpu.memory_space<vmem>>, vector<16xf32>,
      tpu.vector_store %arg11[%swap3A_3200], %select_n3A_3199 {strides = array<i32>} : memref<320xf32, #tpu.memory_space<vmem>>, vector<16xf32>,
      %gt3A_3202 = arith.cmpf ogt, %select_n3A_3199, %select_n3A_3094 : vector<16xf32>
      %min3A_3203 = arith.minimumf %select_n3A_3094, %select_n3A_3199 : vector<16xf32>
      %max3A_3204 = arith.maximumf %max3A_3093, %min3A_3203 : vector<16xf32>
      %select_n3A_3205 = arith.select %gt3A_3202, %select_n3A_3199, %select_n3A_3094 : vector<16xi1>, vector<16xf32>
      %add3A_3206 = arith.constant 3.040000e+02 : f32
      %add3A_3207 = vector.broadcast %add3A_3206 : f32 to vector<16xf32>
      %add3A_3208 = arith.addf %add3A_956, %add3A_3207 : vector<16xf32>
      %select_n3A_3209 = arith.select %gt3A_3202, %add3A_3208, %select_n3A_3098 : vector<16xi1>, vector<16xf32>
      %reduce_max3A = arith.constant true
      %reduce_max3A_3210 = vector.broadcast %reduce_max3A : i1 to vector<16xi1>
      %reduce_max3A_3211 = tpu.scan <max>, %select_n3A_3205 masked %reduce_max3A_3210 : vector<16xf32>, vector<16xi1> -> vector<16xf32>
      %reduce_max3A_3212 = vector.extract %reduce_max3A_3211[15] : f32 from vector<16xf32>
      %eq3A_3213 = vector.broadcast %reduce_max3A_3212 : f32 to vector<16xf32>
      %eq3A_3214 = arith.cmpf oeq, %select_n3A_3205, %eq3A_3213 : vector<16xf32>
      %jit3A_3215 = arith.constant 1.000000e+09 : f32
      %broadcast_in_dim3A_3216 = vector.broadcast %jit3A_3215 : f32 to vector<16xf32>
      %select_n3A_3217 = arith.select %eq3A_3214, %select_n3A_3209, %broadcast_in_dim3A_3216 : vector<16xi1>, vector<16xf32>
      %reduce_min3A = arith.constant true
      %reduce_min3A_3218 = vector.broadcast %reduce_min3A : i1 to vector<16xi1>
      %reduce_min3A_3219 = tpu.scan <min>, %select_n3A_3217 masked %reduce_min3A_3218 : vector<16xf32>, vector<16xi1> -> vector<16xf32>
      %reduce_min3A_3220 = vector.extract %reduce_min3A_3219[15] : f32 from vector<16xf32>
      %all_reduce_population_count3A = tpu.all_reduce %eq3A_3214 {dim = 0 : i64, kind = #tpu.reduction_kind<sum>} : vector<16xi1> -> vector<16xi32>
      %select_n3A_3221 = arith.select %eq3A_3214, %max3A_3204, %select_n3A_3205 : vector<16xi1>, vector<16xf32>
      %ge3A = arith.constant 2 : i32
      %ge3A_3222 = vector.broadcast %ge3A : i32 to vector<16xi32>
      %ge3A_3223 = arith.cmpi sge, %all_reduce_population_count3A, %ge3A_3222 : vector<16xi32>
      %reduce_max3A_3224 = arith.constant true
      %reduce_max3A_3225 = vector.broadcast %reduce_max3A_3224 : i1 to vector<16xi1>
      %reduce_max3A_3226 = tpu.scan <max>, %select_n3A_3221 masked %reduce_max3A_3225 : vector<16xf32>, vector<16xi1> -> vector<16xf32>
      %reduce_max3A_3227 = vector.extract %reduce_max3A_3226[15] : f32 from vector<16xf32>
      %broadcast_in_dim3A_3228 = vector.broadcast %reduce_max3A_3212 : f32 to vector<16xf32>
      %broadcast_in_dim3A_3229 = vector.broadcast %reduce_max3A_3227 : f32 to vector<16xf32>
      %select_n3A_3230 = arith.select %ge3A_3223, %broadcast_in_dim3A_3228, %broadcast_in_dim3A_3229 : vector<16xi1>, vector<16xf32>
      %eq3A_3231 = arith.constant 0 : i32
      %eq3A_3232 = vector.broadcast %eq3A_3231 : i32 to vector<16xi32>
      %eq3A_3233 = arith.cmpi eq, %iota3A, %eq3A_3232 : vector<16xi32>
      %eq3A_3234 = arith.constant 1 : i32
      %eq3A_3235 = vector.broadcast %eq3A_3234 : i32 to vector<16xi32>
      %eq3A_3236 = arith.cmpi eq, %iota3A, %eq3A_3235 : vector<16xi32>
      %eq3A_3237 = arith.constant 2 : i32
      %eq3A_3238 = vector.broadcast %eq3A_3237 : i32 to vector<16xi32>
      %eq3A_3239 = arith.cmpi eq, %iota3A, %eq3A_3238 : vector<16xi32>
      %jit3A_3240 = arith.constant 0.000000e+00 : f32
      %broadcast_in_dim3A_3241 = vector.broadcast %jit3A_3240 : f32 to vector<16xf32>
      %select_n3A_3242 = arith.select %eq3A_3239, %select_n3A_3230, %broadcast_in_dim3A_3241 : vector<16xi1>, vector<16xf32>
      %broadcast_in_dim3A_3243 = vector.broadcast %reduce_min3A_3220 : f32 to vector<16xf32>
      %select_n3A_3244 = arith.select %eq3A_3236, %broadcast_in_dim3A_3243, %select_n3A_3242 : vector<16xi1>, vector<16xf32>
      %broadcast_in_dim3A_3245 = vector.broadcast %reduce_max3A_3212 : f32 to vector<16xf32>
      %select_n3A_3246 = arith.select %eq3A_3233, %broadcast_in_dim3A_3245, %select_n3A_3244 : vector<16xi1>, vector<16xf32>
      %swap3A_3247 = arith.constant 0 : index
      %swap3A_3248 = tpu.vector_load %arg12[%swap3A_3247] {strides = array<i32>} : memref<16xf32, #tpu.memory_space<vmem>>, vector<16xf32>,
      tpu.vector_store %arg12[%swap3A_3247], %select_n3A_3246 {strides = array<i32>} : memref<16xf32, #tpu.memory_space<vmem>>, vector<16xf32>,
      %and3A_3249 = arith.constant 1 : i32
      %and3A_3250 = arith.andi %while3A_964, %and3A_3249 : i32
      %mul3A_3251 = arith.constant 256 : i32
      %mul3A_3252 = arith.muli %and3A_3250, %mul3A_3251 : i32
      %mul3A_3253 = arith.constant 16 : i32
      %mul3A_3254 = arith.muli %arg1, %mul3A_3253 : i32
      %add3A_3255 = arith.addi %mul3A_3252, %mul3A_3254 : i32
      "tpu.region"() ({
        %run_scoped3A = tpu.sem_alloc : memref<!tpu.dma_semaphore, #tpu.memory_space<semaphore_mem>>
        %dma_start3A = tpu.memref_slice %arg15[%add3A_3255] : memref<512xf32, #tpu.memory_space<vmem_shared>> -> memref<16xf32, #tpu.memory_space<vmem_shared>>
        %dma_start3A_3671 = tpu.memref_slice %arg15[%add3A_3255] : memref<512xf32, #tpu.memory_space<vmem_shared>> -> memref<16xf32, #tpu.memory_space<vmem_shared>>
        tpu.enqueue_dma source(%arg12 : memref<16xf32, #tpu.memory_space<vmem>>) target(%dma_start3A_3671 : memref<16xf32, #tpu.memory_space<vmem_shared>>) target_semaphore(%run_scoped3A : memref<!tpu.dma_semaphore, #tpu.memory_space<semaphore_mem>>)
        %dma_wait3A = tpu.memref_slice %arg15[%add3A_3255] : memref<512xf32, #tpu.memory_space<vmem_shared>> -> memref<16xf32, #tpu.memory_space<vmem_shared>>
        %dma_wait3A_3672 = tpu.memref_slice %arg15[%add3A_3255] : memref<512xf32, #tpu.memory_space<vmem_shared>> -> memref<16xf32, #tpu.memory_space<vmem_shared>>
        tpu.wait_dma2 semaphore(%run_scoped3A : memref<!tpu.dma_semaphore, #tpu.memory_space<semaphore_mem>>) src(%arg12 : memref<16xf32, #tpu.memory_space<vmem>>) dst(%dma_wait3A_3672 : memref<16xf32, #tpu.memory_space<vmem_shared>>)
        tpu.yield
      }) : () -> ()
      %barrier3A = arith.constant 0 : index
      tpu.barrier barrier_id(%barrier3A)
      "tpu.region"() ({
        %run_scoped3A = tpu.sem_alloc : memref<!tpu.dma_semaphore, #tpu.memory_space<semaphore_mem>>
        %dma_start3A = tpu.memref_slice %arg15[%mul3A_3252] : memref<512xf32, #tpu.memory_space<vmem_shared>> -> memref<256xf32, #tpu.memory_space<vmem_shared>>
        %dma_start3A_3671 = tpu.memref_slice %arg15[%mul3A_3252] : memref<512xf32, #tpu.memory_space<vmem_shared>> -> memref<256xf32, #tpu.memory_space<vmem_shared>>
        tpu.enqueue_dma source(%dma_start3A_3671 : memref<256xf32, #tpu.memory_space<vmem_shared>>) target(%arg13 : memref<256xf32, #tpu.memory_space<vmem>>) target_semaphore(%run_scoped3A : memref<!tpu.dma_semaphore, #tpu.memory_space<semaphore_mem>>)
        %dma_wait3A = tpu.memref_slice %arg15[%mul3A_3252] : memref<512xf32, #tpu.memory_space<vmem_shared>> -> memref<256xf32, #tpu.memory_space<vmem_shared>>
        %dma_wait3A_3672 = tpu.memref_slice %arg15[%mul3A_3252] : memref<512xf32, #tpu.memory_space<vmem_shared>> -> memref<256xf32, #tpu.memory_space<vmem_shared>>
        tpu.wait_dma2 semaphore(%run_scoped3A : memref<!tpu.dma_semaphore, #tpu.memory_space<semaphore_mem>>) src(%dma_wait3A_3672 : memref<256xf32, #tpu.memory_space<vmem_shared>>) dst(%arg13 : memref<256xf32, #tpu.memory_space<vmem>>)
        tpu.yield
      }) : () -> ()
      %mul3A_3256 = arith.constant 16 : i32
      %mul3A_3257 = vector.broadcast %mul3A_3256 : i32 to vector<16xi32>
      %mul3A_3258 = arith.muli %iota3A, %mul3A_3257 : vector<16xi32>
      %gather3A_3259 = tpu.vector_load_idx %arg13[%mul3A_3258] : memref<256xf32, #tpu.memory_space<vmem>>[vector<16xi32>], vector<16xf32>,
      %mul3A_3260 = arith.constant 16 : i32
      %mul3A_3261 = vector.broadcast %mul3A_3260 : i32 to vector<16xi32>
      %mul3A_3262 = arith.muli %iota3A, %mul3A_3261 : vector<16xi32>
      %add3A_3263 = arith.constant 1 : i32
      %add3A_3264 = vector.broadcast %add3A_3263 : i32 to vector<16xi32>
      %add3A_3265 = arith.addi %mul3A_3262, %add3A_3264 : vector<16xi32>
      %gather3A_3266 = tpu.vector_load_idx %arg13[%add3A_3265] : memref<256xf32, #tpu.memory_space<vmem>>[vector<16xi32>], vector<16xf32>,
      %mul3A_3267 = arith.constant 16 : i32
      %mul3A_3268 = vector.broadcast %mul3A_3267 : i32 to vector<16xi32>
      %mul3A_3269 = arith.muli %iota3A, %mul3A_3268 : vector<16xi32>
      %add3A_3270 = arith.constant 2 : i32
      %add3A_3271 = vector.broadcast %add3A_3270 : i32 to vector<16xi32>
      %add3A_3272 = arith.addi %mul3A_3269, %add3A_3271 : vector<16xi32>
      %gather3A_3273 = tpu.vector_load_idx %arg13[%add3A_3272] : memref<256xf32, #tpu.memory_space<vmem>>[vector<16xi32>], vector<16xf32>,
      %reduce_max3A_3274 = arith.constant true
      %reduce_max3A_3275 = vector.broadcast %reduce_max3A_3274 : i1 to vector<16xi1>
      %reduce_max3A_3276 = tpu.scan <max>, %gather3A_3273 masked %reduce_max3A_3275 : vector<16xf32>, vector<16xi1> -> vector<16xf32>
      %reduce_max3A_3277 = vector.extract %reduce_max3A_3276[15] : f32 from vector<16xf32>
      %gt3A_3278 = arith.constant 0xFF800000 : f32
      %gt3A_3279 = vector.broadcast %gt3A_3278 : f32 to vector<16xf32>
      %gt3A_3280 = arith.cmpf ogt, %gather3A_3259, %gt3A_3279 : vector<16xf32>
      %jit3A_3281 = arith.constant 0.000000e+00 : f32
      %broadcast_in_dim3A_3282 = vector.broadcast %jit3A_3281 : f32 to vector<16xf32>
      %select_n3A_3283 = arith.select %gt3A_3280, %gather3A_3266, %broadcast_in_dim3A_3282 : vector<16xi1>, vector<16xf32>
      %convert_element_type3A_3284 = arith.fptosi %select_n3A_3283 : vector<16xf32> to vector<16xi32>
      %mul3A_3285 = arith.constant 4 : i32
      %mul3A_3286 = vector.broadcast %mul3A_3285 : i32 to vector<16xi32>
      %mul3A_3287 = arith.muli %convert_element_type3A_3284, %mul3A_3286 : vector<16xi32>
      %gather3A_3288 = tpu.vector_load_idx %arg5[%mul3A_3287] : memref<20480xf32, #tpu.memory_space<vmem>>[vector<16xi32>], vector<16xf32>,
      %add3A_3289 = arith.constant 1 : i32
      %add3A_3290 = vector.broadcast %add3A_3289 : i32 to vector<16xi32>
      %add3A_3291 = arith.addi %mul3A_3287, %add3A_3290 : vector<16xi32>
      %gather3A_3292 = tpu.vector_load_idx %arg5[%add3A_3291] : memref<20480xf32, #tpu.memory_space<vmem>>[vector<16xi32>], vector<16xf32>,
      %add3A_3293 = arith.constant 2 : i32
      %add3A_3294 = vector.broadcast %add3A_3293 : i32 to vector<16xi32>
      %add3A_3295 = arith.addi %mul3A_3287, %add3A_3294 : vector<16xi32>
      %gather3A_3296 = tpu.vector_load_idx %arg5[%add3A_3295] : memref<20480xf32, #tpu.memory_space<vmem>>[vector<16xi32>], vector<16xf32>,
      %add3A_3297 = arith.constant 3 : i32
      %add3A_3298 = vector.broadcast %add3A_3297 : i32 to vector<16xi32>
      %add3A_3299 = arith.addi %mul3A_3287, %add3A_3298 : vector<16xi32>
      %gather3A_3300 = tpu.vector_load_idx %arg5[%add3A_3299] : memref<20480xf32, #tpu.memory_space<vmem>>[vector<16xi32>], vector<16xf32>,
      %sub3A_3301 = arith.subf %gather3A_3296, %gather3A_3288 : vector<16xf32>
      %sub3A_3302 = arith.subf %gather3A_3300, %gather3A_3292 : vector<16xf32>
      %mul3A_3303 = arith.mulf %sub3A_3301, %sub3A_3302 : vector<16xf32>
      %reduce_max3A_3304 = arith.constant true
      %reduce_max3A_3305 = vector.broadcast %reduce_max3A_3304 : i1 to vector<16xi1>
      %reduce_max3A_3306 = tpu.scan <max>, %gather3A_3259 masked %reduce_max3A_3305 : vector<16xf32>, vector<16xi1> -> vector<16xf32>
      %reduce_max3A_3307 = vector.extract %reduce_max3A_3306[15] : f32 from vector<16xf32>
      %eq3A_3308 = vector.broadcast %reduce_max3A_3307 : f32 to vector<16xf32>
      %eq3A_3309 = arith.cmpf oeq, %gather3A_3259, %eq3A_3308 : vector<16xf32>
      %jit3A_3310 = arith.constant 1.000000e+09 : f32
      %broadcast_in_dim3A_3311 = vector.broadcast %jit3A_3310 : f32 to vector<16xf32>
      %select_n3A_3312 = arith.select %eq3A_3309, %gather3A_3266, %broadcast_in_dim3A_3311 : vector<16xi1>, vector<16xf32>
      %reduce_min3A_3313 = arith.constant true
      %reduce_min3A_3314 = vector.broadcast %reduce_min3A_3313 : i1 to vector<16xi1>
      %reduce_min3A_3315 = tpu.scan <min>, %select_n3A_3312 masked %reduce_min3A_3314 : vector<16xf32>, vector<16xi1> -> vector<16xf32>
      %reduce_min3A_3316 = vector.extract %reduce_min3A_3315[15] : f32 from vector<16xf32>
      %gt3A_3317 = arith.constant 0xFF800000 : f32
      %gt3A_3318 = arith.cmpf ogt, %reduce_max3A_3307, %gt3A_3317 : f32
      %add3A_3319 = arith.constant 0 : i32
      %add3A_3320 = arith.addi %while3A_965, %add3A_3319 : i32
      %lt3A = arith.constant 100 : i32
      %lt3A_3321 = arith.cmpi slt, %add3A_3320, %lt3A : i32
      %and3A_3322 = arith.andi %gt3A_3318, %lt3A_3321 : i1
      %jit3A_3323 = arith.constant 0.000000e+00 : f32
      %select_n3A_3324 = arith.select %and3A_3322, %reduce_min3A_3316, %jit3A_3323 : f32
      %convert_element_type3A_3325 = arith.fptosi %select_n3A_3324 : f32 to i32
      %mul3A_3326 = arith.constant 4 : i32
      %mul3A_3327 = arith.muli %convert_element_type3A_3325, %mul3A_3326 : i32
      %broadcast_in_dim3A_3328 = vector.broadcast %mul3A_3327 : i32 to vector<16xi32>
      %gather3A_3329 = tpu.vector_load_idx %arg5[%broadcast_in_dim3A_3328] : memref<20480xf32, #tpu.memory_space<vmem>>[vector<16xi32>], vector<16xf32>,
      %jit3A_3330 = arith.constant 0.000000e+00 : f32
      %broadcast_in_dim3A_3331 = vector.broadcast %jit3A_3330 : f32 to vector<16xf32>
      %select_n3A_3332 = arith.select %and3A_3322, %gather3A_3329, %broadcast_in_dim3A_3331 : vector<16xf32>
      %add3A_3333 = arith.constant 1 : i32
      %add3A_3334 = vector.broadcast %add3A_3333 : i32 to vector<16xi32>
      %add3A_3335 = arith.addi %broadcast_in_dim3A_3328, %add3A_3334 : vector<16xi32>
      %gather3A_3336 = tpu.vector_load_idx %arg5[%add3A_3335] : memref<20480xf32, #tpu.memory_space<vmem>>[vector<16xi32>], vector<16xf32>,
      %jit3A_3337 = arith.constant 0.000000e+00 : f32
      %broadcast_in_dim3A_3338 = vector.broadcast %jit3A_3337 : f32 to vector<16xf32>
      %select_n3A_3339 = arith.select %and3A_3322, %gather3A_3336, %broadcast_in_dim3A_3338 : vector<16xf32>
      %add3A_3340 = arith.constant 2 : i32
      %add3A_3341 = vector.broadcast %add3A_3340 : i32 to vector<16xi32>
      %add3A_3342 = arith.addi %broadcast_in_dim3A_3328, %add3A_3341 : vector<16xi32>
      %gather3A_3343 = tpu.vector_load_idx %arg5[%add3A_3342] : memref<20480xf32, #tpu.memory_space<vmem>>[vector<16xi32>], vector<16xf32>,
      %jit3A_3344 = arith.constant 0.000000e+00 : f32
      %broadcast_in_dim3A_3345 = vector.broadcast %jit3A_3344 : f32 to vector<16xf32>
      %select_n3A_3346 = arith.select %and3A_3322, %gather3A_3343, %broadcast_in_dim3A_3345 : vector<16xf32>
      %add3A_3347 = arith.constant 3 : i32
      %add3A_3348 = vector.broadcast %add3A_3347 : i32 to vector<16xi32>
      %add3A_3349 = arith.addi %broadcast_in_dim3A_3328, %add3A_3348 : vector<16xi32>
      %gather3A_3350 = tpu.vector_load_idx %arg5[%add3A_3349] : memref<20480xf32, #tpu.memory_space<vmem>>[vector<16xi32>], vector<16xf32>,
      %jit3A_3351 = arith.constant 0.000000e+00 : f32
      %broadcast_in_dim3A_3352 = vector.broadcast %jit3A_3351 : f32 to vector<16xf32>
      %select_n3A_3353 = arith.select %and3A_3322, %gather3A_3350, %broadcast_in_dim3A_3352 : vector<16xf32>
      %sub3A_3354 = arith.subf %select_n3A_3346, %select_n3A_3332 : vector<16xf32>
      %max3A_3355 = arith.constant 0.000000e+00 : f32
      %max3A_3356 = vector.broadcast %max3A_3355 : f32 to vector<16xf32>
      %max3A_3357 = arith.maximumf %sub3A_3354, %max3A_3356 : vector<16xf32>
      %sub3A_3358 = arith.subf %select_n3A_3353, %select_n3A_3339 : vector<16xf32>
      %max3A_3359 = arith.constant 0.000000e+00 : f32
      %max3A_3360 = vector.broadcast %max3A_3359 : f32 to vector<16xf32>
      %max3A_3361 = arith.maximumf %sub3A_3358, %max3A_3360 : vector<16xf32>
      %mul3A_3362 = arith.mulf %max3A_3357, %max3A_3361 : vector<16xf32>
      %and3A_3363 = arith.andi %and3A_3322, %and3A : i1
      %convert_element_type3A_3364 = arith.extui %and3A_3363 : i1 to i32
      %cond3A_3365 = arith.constant 0 : i32
      %cond3A_3366 = arith.constant 0 : i32
      %cond3A_3367 = arith.cmpi ne, %convert_element_type3A_3364, %cond3A_3366 : i32
      scf.if %cond3A_3367 {
        %eq3A_3671 = arith.constant 0 : i32
        %eq3A_3672 = vector.broadcast %eq3A_3671 : i32 to vector<16xi32>
        %eq3A_3673 = arith.cmpi eq, %iota3A, %eq3A_3672 : vector<16xi32>
        %eq3A_3674 = arith.constant 1 : i32
        %eq3A_3675 = vector.broadcast %eq3A_3674 : i32 to vector<16xi32>
        %eq3A_3676 = arith.cmpi eq, %iota3A, %eq3A_3675 : vector<16xi32>
        %eq3A_3677 = arith.constant 2 : i32
        %eq3A_3678 = vector.broadcast %eq3A_3677 : i32 to vector<16xi32>
        %eq3A_3679 = arith.cmpi eq, %iota3A, %eq3A_3678 : vector<16xi32>
        %eq3A_3680 = arith.constant 3 : i32
        %eq3A_3681 = vector.broadcast %eq3A_3680 : i32 to vector<16xi32>
        %eq3A_3682 = arith.cmpi eq, %iota3A, %eq3A_3681 : vector<16xi32>
        %eq3A_3683 = arith.constant 4 : i32
        %eq3A_3684 = vector.broadcast %eq3A_3683 : i32 to vector<16xi32>
        %eq3A_3685 = arith.cmpi eq, %iota3A, %eq3A_3684 : vector<16xi32>
        %broadcast_in_dim3A_3686 = vector.broadcast %reduce_max3A_3307 : f32 to vector<16xf32>
        %jit3A_3687 = arith.constant 0.000000e+00 : f32
        %broadcast_in_dim3A_3688 = vector.broadcast %jit3A_3687 : f32 to vector<16xf32>
        %select_n3A_3689 = arith.select %eq3A_3685, %broadcast_in_dim3A_3686, %broadcast_in_dim3A_3688 : vector<16xi1>, vector<16xf32>
        %select_n3A_3690 = arith.select %eq3A_3682, %select_n3A_3353, %select_n3A_3689 : vector<16xi1>, vector<16xf32>
        %select_n3A_3691 = arith.select %eq3A_3679, %select_n3A_3346, %select_n3A_3690 : vector<16xi1>, vector<16xf32>
        %select_n3A_3692 = arith.select %eq3A_3676, %select_n3A_3339, %select_n3A_3691 : vector<16xi1>, vector<16xf32>
        %select_n3A_3693 = arith.select %eq3A_3673, %select_n3A_3332, %select_n3A_3692 : vector<16xi1>, vector<16xf32>
        %add3A_3694 = arith.addi %while3A_965, %cond3A_3365 : i32
        %mul3A_3695 = arith.constant 5 : i32
        %mul3A_3696 = arith.muli %add3A_3694, %mul3A_3695 : i32
        %add3A_3697 = vector.broadcast %mul3A_3696 : i32 to vector<16xi32>
        %add3A_3698 = arith.addi %add3A_3697, %iota3A : vector<16xi32>
        %lt3A_3699 = arith.constant 5 : i32
        %lt3A_3700 = vector.broadcast %lt3A_3699 : i32 to vector<16xi32>
        %lt3A_3701 = arith.cmpi slt, %iota3A, %lt3A_3700 : vector<16xi32>
        tpu.vector_store_idx %arg14[%add3A_3698], %select_n3A_3693 masked %lt3A_3701 : memref<512xf32, #tpu.memory_space<vmem>>[vector<16xi32>], vector<16xf32>, vector<16xi1>
      } else {
      }
      %max3A_3368 = arith.maximumf %gather3A_3288, %select_n3A_3332 : vector<16xf32>
      %max3A_3369 = arith.maximumf %gather3A_3292, %select_n3A_3339 : vector<16xf32>
      %min3A_3370 = arith.minimumf %gather3A_3296, %select_n3A_3346 : vector<16xf32>
      %min3A_3371 = arith.minimumf %gather3A_3300, %select_n3A_3353 : vector<16xf32>
      %sub3A_3372 = arith.subf %min3A_3370, %max3A_3368 : vector<16xf32>
      %max3A_3373 = arith.constant 0.000000e+00 : f32
      %max3A_3374 = vector.broadcast %max3A_3373 : f32 to vector<16xf32>
      %max3A_3375 = arith.maximumf %sub3A_3372, %max3A_3374 : vector<16xf32>
      %sub3A_3376 = arith.subf %min3A_3371, %max3A_3369 : vector<16xf32>
      %max3A_3377 = arith.constant 0.000000e+00 : f32
      %max3A_3378 = vector.broadcast %max3A_3377 : f32 to vector<16xf32>
      %max3A_3379 = arith.maximumf %sub3A_3376, %max3A_3378 : vector<16xf32>
      %mul3A_3380 = arith.mulf %max3A_3375, %max3A_3379 : vector<16xf32>
      %add3A_3381 = arith.addf %mul3A_3303, %mul3A_3362 : vector<16xf32>
      %sub3A_3382 = arith.subf %add3A_3381, %mul3A_3380 : vector<16xf32>
      %mul3A_3383 = arith.constant 3.000000e-01 : f32
      %mul3A_3384 = vector.broadcast %mul3A_3383 : f32 to vector<16xf32>
      %mul3A_3385 = arith.mulf %mul3A_3384, %sub3A_3382 : vector<16xf32>
      %gt3A_3386 = arith.cmpf ogt, %mul3A_3380, %mul3A_3385 : vector<16xf32>
      %and3A_3387 = vector.broadcast %and3A_3322 : i1 to vector<16xi1>
      %and3A_3388 = arith.andi %and3A_3387, %gt3A_3386 : vector<16xi1>
      %jit3A_3389 = arith.constant 0xFF800000 : f32
      %broadcast_in_dim3A_3390 = vector.broadcast %jit3A_3389 : f32 to vector<16xf32>
      %select_n3A_3391 = arith.select %and3A_3388, %broadcast_in_dim3A_3390, %gather3A_3259 : vector<16xi1>, vector<16xf32>
      %convert_element_type3A_3392 = arith.extui %and3A_3322 : i1 to i32
      %add3A_3393 = arith.constant 0 : i32
      %add3A_3394 = arith.addi %add3A_3393, %convert_element_type3A_3392 : i32
      %reduce_max3A_3395 = arith.constant true
      %reduce_max3A_3396 = vector.broadcast %reduce_max3A_3395 : i1 to vector<16xi1>
      %reduce_max3A_3397 = tpu.scan <max>, %select_n3A_3391 masked %reduce_max3A_3396 : vector<16xf32>, vector<16xi1> -> vector<16xf32>
      %reduce_max3A_3398 = vector.extract %reduce_max3A_3397[15] : f32 from vector<16xf32>
      %eq3A_3399 = vector.broadcast %reduce_max3A_3398 : f32 to vector<16xf32>
      %eq3A_3400 = arith.cmpf oeq, %select_n3A_3391, %eq3A_3399 : vector<16xf32>
      %jit3A_3401 = arith.constant 1.000000e+09 : f32
      %broadcast_in_dim3A_3402 = vector.broadcast %jit3A_3401 : f32 to vector<16xf32>
      %select_n3A_3403 = arith.select %eq3A_3400, %gather3A_3266, %broadcast_in_dim3A_3402 : vector<16xi1>, vector<16xf32>
      %reduce_min3A_3404 = arith.constant true
      %reduce_min3A_3405 = vector.broadcast %reduce_min3A_3404 : i1 to vector<16xi1>
      %reduce_min3A_3406 = tpu.scan <min>, %select_n3A_3403 masked %reduce_min3A_3405 : vector<16xf32>, vector<16xi1> -> vector<16xf32>
      %reduce_min3A_3407 = vector.extract %reduce_min3A_3406[15] : f32 from vector<16xf32>
      %gt3A_3408 = arith.constant 0xFF800000 : f32
      %gt3A_3409 = arith.cmpf ogt, %reduce_max3A_3398, %gt3A_3408 : f32
      %gt3A_3410 = arith.cmpf ogt, %reduce_max3A_3398, %reduce_max3A_3277 : f32
      %and3A_3411 = arith.andi %gt3A_3409, %gt3A_3410 : i1
      %add3A_3412 = arith.addi %while3A_965, %add3A_3394 : i32
      %lt3A_3413 = arith.constant 100 : i32
      %lt3A_3414 = arith.cmpi slt, %add3A_3412, %lt3A_3413 : i32
      %and3A_3415 = arith.andi %and3A_3411, %lt3A_3414 : i1
      %jit3A_3416 = arith.constant 0.000000e+00 : f32
      %select_n3A_3417 = arith.select %and3A_3415, %reduce_min3A_3407, %jit3A_3416 : f32
      %convert_element_type3A_3418 = arith.fptosi %select_n3A_3417 : f32 to i32
      %mul3A_3419 = arith.constant 4 : i32
      %mul3A_3420 = arith.muli %convert_element_type3A_3418, %mul3A_3419 : i32
      %broadcast_in_dim3A_3421 = vector.broadcast %mul3A_3420 : i32 to vector<16xi32>
      %gather3A_3422 = tpu.vector_load_idx %arg5[%broadcast_in_dim3A_3421] : memref<20480xf32, #tpu.memory_space<vmem>>[vector<16xi32>], vector<16xf32>,
      %jit3A_3423 = arith.constant 0.000000e+00 : f32
      %broadcast_in_dim3A_3424 = vector.broadcast %jit3A_3423 : f32 to vector<16xf32>
      %select_n3A_3425 = arith.select %and3A_3415, %gather3A_3422, %broadcast_in_dim3A_3424 : vector<16xf32>
      %add3A_3426 = arith.constant 1 : i32
      %add3A_3427 = vector.broadcast %add3A_3426 : i32 to vector<16xi32>
      %add3A_3428 = arith.addi %broadcast_in_dim3A_3421, %add3A_3427 : vector<16xi32>
      %gather3A_3429 = tpu.vector_load_idx %arg5[%add3A_3428] : memref<20480xf32, #tpu.memory_space<vmem>>[vector<16xi32>], vector<16xf32>,
      %jit3A_3430 = arith.constant 0.000000e+00 : f32
      %broadcast_in_dim3A_3431 = vector.broadcast %jit3A_3430 : f32 to vector<16xf32>
      %select_n3A_3432 = arith.select %and3A_3415, %gather3A_3429, %broadcast_in_dim3A_3431 : vector<16xf32>
      %add3A_3433 = arith.constant 2 : i32
      %add3A_3434 = vector.broadcast %add3A_3433 : i32 to vector<16xi32>
      %add3A_3435 = arith.addi %broadcast_in_dim3A_3421, %add3A_3434 : vector<16xi32>
      %gather3A_3436 = tpu.vector_load_idx %arg5[%add3A_3435] : memref<20480xf32, #tpu.memory_space<vmem>>[vector<16xi32>], vector<16xf32>,
      %jit3A_3437 = arith.constant 0.000000e+00 : f32
      %broadcast_in_dim3A_3438 = vector.broadcast %jit3A_3437 : f32 to vector<16xf32>
      %select_n3A_3439 = arith.select %and3A_3415, %gather3A_3436, %broadcast_in_dim3A_3438 : vector<16xf32>
      %add3A_3440 = arith.constant 3 : i32
      %add3A_3441 = vector.broadcast %add3A_3440 : i32 to vector<16xi32>
      %add3A_3442 = arith.addi %broadcast_in_dim3A_3421, %add3A_3441 : vector<16xi32>
      %gather3A_3443 = tpu.vector_load_idx %arg5[%add3A_3442] : memref<20480xf32, #tpu.memory_space<vmem>>[vector<16xi32>], vector<16xf32>,
      %jit3A_3444 = arith.constant 0.000000e+00 : f32
      %broadcast_in_dim3A_3445 = vector.broadcast %jit3A_3444 : f32 to vector<16xf32>
      %select_n3A_3446 = arith.select %and3A_3415, %gather3A_3443, %broadcast_in_dim3A_3445 : vector<16xf32>
      %sub3A_3447 = arith.subf %select_n3A_3439, %select_n3A_3425 : vector<16xf32>
      %max3A_3448 = arith.constant 0.000000e+00 : f32
      %max3A_3449 = vector.broadcast %max3A_3448 : f32 to vector<16xf32>
      %max3A_3450 = arith.maximumf %sub3A_3447, %max3A_3449 : vector<16xf32>
      %sub3A_3451 = arith.subf %select_n3A_3446, %select_n3A_3432 : vector<16xf32>
      %max3A_3452 = arith.constant 0.000000e+00 : f32
      %max3A_3453 = vector.broadcast %max3A_3452 : f32 to vector<16xf32>
      %max3A_3454 = arith.maximumf %sub3A_3451, %max3A_3453 : vector<16xf32>
      %mul3A_3455 = arith.mulf %max3A_3450, %max3A_3454 : vector<16xf32>
      %and3A_3456 = arith.andi %and3A_3415, %and3A : i1
      %convert_element_type3A_3457 = arith.extui %and3A_3456 : i1 to i32
      %cond3A_3458 = arith.constant 0 : i32
      %cond3A_3459 = arith.cmpi ne, %convert_element_type3A_3457, %cond3A_3458 : i32
      scf.if %cond3A_3459 {
        %eq3A_3671 = arith.constant 0 : i32
        %eq3A_3672 = vector.broadcast %eq3A_3671 : i32 to vector<16xi32>
        %eq3A_3673 = arith.cmpi eq, %iota3A, %eq3A_3672 : vector<16xi32>
        %eq3A_3674 = arith.constant 1 : i32
        %eq3A_3675 = vector.broadcast %eq3A_3674 : i32 to vector<16xi32>
        %eq3A_3676 = arith.cmpi eq, %iota3A, %eq3A_3675 : vector<16xi32>
        %eq3A_3677 = arith.constant 2 : i32
        %eq3A_3678 = vector.broadcast %eq3A_3677 : i32 to vector<16xi32>
        %eq3A_3679 = arith.cmpi eq, %iota3A, %eq3A_3678 : vector<16xi32>
        %eq3A_3680 = arith.constant 3 : i32
        %eq3A_3681 = vector.broadcast %eq3A_3680 : i32 to vector<16xi32>
        %eq3A_3682 = arith.cmpi eq, %iota3A, %eq3A_3681 : vector<16xi32>
        %eq3A_3683 = arith.constant 4 : i32
        %eq3A_3684 = vector.broadcast %eq3A_3683 : i32 to vector<16xi32>
        %eq3A_3685 = arith.cmpi eq, %iota3A, %eq3A_3684 : vector<16xi32>
        %broadcast_in_dim3A_3686 = vector.broadcast %reduce_max3A_3398 : f32 to vector<16xf32>
        %jit3A_3687 = arith.constant 0.000000e+00 : f32
        %broadcast_in_dim3A_3688 = vector.broadcast %jit3A_3687 : f32 to vector<16xf32>
        %select_n3A_3689 = arith.select %eq3A_3685, %broadcast_in_dim3A_3686, %broadcast_in_dim3A_3688 : vector<16xi1>, vector<16xf32>
        %select_n3A_3690 = arith.select %eq3A_3682, %select_n3A_3446, %select_n3A_3689 : vector<16xi1>, vector<16xf32>
        %select_n3A_3691 = arith.select %eq3A_3679, %select_n3A_3439, %select_n3A_3690 : vector<16xi1>, vector<16xf32>
        %select_n3A_3692 = arith.select %eq3A_3676, %select_n3A_3432, %select_n3A_3691 : vector<16xi1>, vector<16xf32>
        %select_n3A_3693 = arith.select %eq3A_3673, %select_n3A_3425, %select_n3A_3692 : vector<16xi1>, vector<16xf32>
        %add3A_3694 = arith.addi %while3A_965, %add3A_3394 : i32
        %mul3A_3695 = arith.constant 5 : i32
        %mul3A_3696 = arith.muli %add3A_3694, %mul3A_3695 : i32
        %add3A_3697 = vector.broadcast %mul3A_3696 : i32 to vector<16xi32>
        %add3A_3698 = arith.addi %add3A_3697, %iota3A : vector<16xi32>
        %lt3A_3699 = arith.constant 5 : i32
        %lt3A_3700 = vector.broadcast %lt3A_3699 : i32 to vector<16xi32>
        %lt3A_3701 = arith.cmpi slt, %iota3A, %lt3A_3700 : vector<16xi32>
        tpu.vector_store_idx %arg14[%add3A_3698], %select_n3A_3693 masked %lt3A_3701 : memref<512xf32, #tpu.memory_space<vmem>>[vector<16xi32>], vector<16xf32>, vector<16xi1>
      } else {
      }
      %max3A_3460 = arith.maximumf %gather3A_3288, %select_n3A_3425 : vector<16xf32>
      %max3A_3461 = arith.maximumf %gather3A_3292, %select_n3A_3432 : vector<16xf32>
      %min3A_3462 = arith.minimumf %gather3A_3296, %select_n3A_3439 : vector<16xf32>
      %min3A_3463 = arith.minimumf %gather3A_3300, %select_n3A_3446 : vector<16xf32>
      %sub3A_3464 = arith.subf %min3A_3462, %max3A_3460 : vector<16xf32>
      %max3A_3465 = arith.constant 0.000000e+00 : f32
      %max3A_3466 = vector.broadcast %max3A_3465 : f32 to vector<16xf32>
      %max3A_3467 = arith.maximumf %sub3A_3464, %max3A_3466 : vector<16xf32>
      %sub3A_3468 = arith.subf %min3A_3463, %max3A_3461 : vector<16xf32>
      %max3A_3469 = arith.constant 0.000000e+00 : f32
      %max3A_3470 = vector.broadcast %max3A_3469 : f32 to vector<16xf32>
      %max3A_3471 = arith.maximumf %sub3A_3468, %max3A_3470 : vector<16xf32>
      %mul3A_3472 = arith.mulf %max3A_3467, %max3A_3471 : vector<16xf32>
      %add3A_3473 = arith.addf %mul3A_3303, %mul3A_3455 : vector<16xf32>
      %sub3A_3474 = arith.subf %add3A_3473, %mul3A_3472 : vector<16xf32>
      %mul3A_3475 = arith.constant 3.000000e-01 : f32
      %mul3A_3476 = vector.broadcast %mul3A_3475 : f32 to vector<16xf32>
      %mul3A_3477 = arith.mulf %mul3A_3476, %sub3A_3474 : vector<16xf32>
      %gt3A_3478 = arith.cmpf ogt, %mul3A_3472, %mul3A_3477 : vector<16xf32>
      %and3A_3479 = vector.broadcast %and3A_3415 : i1 to vector<16xi1>
      %and3A_3480 = arith.andi %and3A_3479, %gt3A_3478 : vector<16xi1>
      %jit3A_3481 = arith.constant 0xFF800000 : f32
      %broadcast_in_dim3A_3482 = vector.broadcast %jit3A_3481 : f32 to vector<16xf32>
      %select_n3A_3483 = arith.select %and3A_3480, %broadcast_in_dim3A_3482, %select_n3A_3391 : vector<16xi1>, vector<16xf32>
      %convert_element_type3A_3484 = arith.extui %and3A_3415 : i1 to i32
      %add3A_3485 = arith.addi %add3A_3394, %convert_element_type3A_3484 : i32
      %reduce_max3A_3486 = arith.constant true
      %reduce_max3A_3487 = vector.broadcast %reduce_max3A_3486 : i1 to vector<16xi1>
      %reduce_max3A_3488 = tpu.scan <max>, %select_n3A_3483 masked %reduce_max3A_3487 : vector<16xf32>, vector<16xi1> -> vector<16xf32>
      %reduce_max3A_3489 = vector.extract %reduce_max3A_3488[15] : f32 from vector<16xf32>
      %eq3A_3490 = vector.broadcast %reduce_max3A_3489 : f32 to vector<16xf32>
      %eq3A_3491 = arith.cmpf oeq, %select_n3A_3483, %eq3A_3490 : vector<16xf32>
      %jit3A_3492 = arith.constant 1.000000e+09 : f32
      %broadcast_in_dim3A_3493 = vector.broadcast %jit3A_3492 : f32 to vector<16xf32>
      %select_n3A_3494 = arith.select %eq3A_3491, %gather3A_3266, %broadcast_in_dim3A_3493 : vector<16xi1>, vector<16xf32>
      %reduce_min3A_3495 = arith.constant true
      %reduce_min3A_3496 = vector.broadcast %reduce_min3A_3495 : i1 to vector<16xi1>
      %reduce_min3A_3497 = tpu.scan <min>, %select_n3A_3494 masked %reduce_min3A_3496 : vector<16xf32>, vector<16xi1> -> vector<16xf32>
      %reduce_min3A_3498 = vector.extract %reduce_min3A_3497[15] : f32 from vector<16xf32>
      %gt3A_3499 = arith.constant 0xFF800000 : f32
      %gt3A_3500 = arith.cmpf ogt, %reduce_max3A_3489, %gt3A_3499 : f32
      %gt3A_3501 = arith.cmpf ogt, %reduce_max3A_3489, %reduce_max3A_3277 : f32
      %and3A_3502 = arith.andi %gt3A_3500, %gt3A_3501 : i1
      %add3A_3503 = arith.addi %while3A_965, %add3A_3485 : i32
      %lt3A_3504 = arith.constant 100 : i32
      %lt3A_3505 = arith.cmpi slt, %add3A_3503, %lt3A_3504 : i32
      %and3A_3506 = arith.andi %and3A_3502, %lt3A_3505 : i1
      %jit3A_3507 = arith.constant 0.000000e+00 : f32
      %select_n3A_3508 = arith.select %and3A_3506, %reduce_min3A_3498, %jit3A_3507 : f32
      %convert_element_type3A_3509 = arith.fptosi %select_n3A_3508 : f32 to i32
      %mul3A_3510 = arith.constant 4 : i32
      %mul3A_3511 = arith.muli %convert_element_type3A_3509, %mul3A_3510 : i32
      %broadcast_in_dim3A_3512 = vector.broadcast %mul3A_3511 : i32 to vector<16xi32>
      %gather3A_3513 = tpu.vector_load_idx %arg5[%broadcast_in_dim3A_3512] : memref<20480xf32, #tpu.memory_space<vmem>>[vector<16xi32>], vector<16xf32>,
      %jit3A_3514 = arith.constant 0.000000e+00 : f32
      %broadcast_in_dim3A_3515 = vector.broadcast %jit3A_3514 : f32 to vector<16xf32>
      %select_n3A_3516 = arith.select %and3A_3506, %gather3A_3513, %broadcast_in_dim3A_3515 : vector<16xf32>
      %add3A_3517 = arith.constant 1 : i32
      %add3A_3518 = vector.broadcast %add3A_3517 : i32 to vector<16xi32>
      %add3A_3519 = arith.addi %broadcast_in_dim3A_3512, %add3A_3518 : vector<16xi32>
      %gather3A_3520 = tpu.vector_load_idx %arg5[%add3A_3519] : memref<20480xf32, #tpu.memory_space<vmem>>[vector<16xi32>], vector<16xf32>,
      %jit3A_3521 = arith.constant 0.000000e+00 : f32
      %broadcast_in_dim3A_3522 = vector.broadcast %jit3A_3521 : f32 to vector<16xf32>
      %select_n3A_3523 = arith.select %and3A_3506, %gather3A_3520, %broadcast_in_dim3A_3522 : vector<16xf32>
      %add3A_3524 = arith.constant 2 : i32
      %add3A_3525 = vector.broadcast %add3A_3524 : i32 to vector<16xi32>
      %add3A_3526 = arith.addi %broadcast_in_dim3A_3512, %add3A_3525 : vector<16xi32>
      %gather3A_3527 = tpu.vector_load_idx %arg5[%add3A_3526] : memref<20480xf32, #tpu.memory_space<vmem>>[vector<16xi32>], vector<16xf32>,
      %jit3A_3528 = arith.constant 0.000000e+00 : f32
      %broadcast_in_dim3A_3529 = vector.broadcast %jit3A_3528 : f32 to vector<16xf32>
      %select_n3A_3530 = arith.select %and3A_3506, %gather3A_3527, %broadcast_in_dim3A_3529 : vector<16xf32>
      %add3A_3531 = arith.constant 3 : i32
      %add3A_3532 = vector.broadcast %add3A_3531 : i32 to vector<16xi32>
      %add3A_3533 = arith.addi %broadcast_in_dim3A_3512, %add3A_3532 : vector<16xi32>
      %gather3A_3534 = tpu.vector_load_idx %arg5[%add3A_3533] : memref<20480xf32, #tpu.memory_space<vmem>>[vector<16xi32>], vector<16xf32>,
      %jit3A_3535 = arith.constant 0.000000e+00 : f32
      %broadcast_in_dim3A_3536 = vector.broadcast %jit3A_3535 : f32 to vector<16xf32>
      %select_n3A_3537 = arith.select %and3A_3506, %gather3A_3534, %broadcast_in_dim3A_3536 : vector<16xf32>
      %sub3A_3538 = arith.subf %select_n3A_3530, %select_n3A_3516 : vector<16xf32>
      %max3A_3539 = arith.constant 0.000000e+00 : f32
      %max3A_3540 = vector.broadcast %max3A_3539 : f32 to vector<16xf32>
      %max3A_3541 = arith.maximumf %sub3A_3538, %max3A_3540 : vector<16xf32>
      %sub3A_3542 = arith.subf %select_n3A_3537, %select_n3A_3523 : vector<16xf32>
      %max3A_3543 = arith.constant 0.000000e+00 : f32
      %max3A_3544 = vector.broadcast %max3A_3543 : f32 to vector<16xf32>
      %max3A_3545 = arith.maximumf %sub3A_3542, %max3A_3544 : vector<16xf32>
      %mul3A_3546 = arith.mulf %max3A_3541, %max3A_3545 : vector<16xf32>
      %and3A_3547 = arith.andi %and3A_3506, %and3A : i1
      %convert_element_type3A_3548 = arith.extui %and3A_3547 : i1 to i32
      %cond3A_3549 = arith.constant 0 : i32
      %cond3A_3550 = arith.cmpi ne, %convert_element_type3A_3548, %cond3A_3549 : i32
      scf.if %cond3A_3550 {
        %eq3A_3671 = arith.constant 0 : i32
        %eq3A_3672 = vector.broadcast %eq3A_3671 : i32 to vector<16xi32>
        %eq3A_3673 = arith.cmpi eq, %iota3A, %eq3A_3672 : vector<16xi32>
        %eq3A_3674 = arith.constant 1 : i32
        %eq3A_3675 = vector.broadcast %eq3A_3674 : i32 to vector<16xi32>
        %eq3A_3676 = arith.cmpi eq, %iota3A, %eq3A_3675 : vector<16xi32>
        %eq3A_3677 = arith.constant 2 : i32
        %eq3A_3678 = vector.broadcast %eq3A_3677 : i32 to vector<16xi32>
        %eq3A_3679 = arith.cmpi eq, %iota3A, %eq3A_3678 : vector<16xi32>
        %eq3A_3680 = arith.constant 3 : i32
        %eq3A_3681 = vector.broadcast %eq3A_3680 : i32 to vector<16xi32>
        %eq3A_3682 = arith.cmpi eq, %iota3A, %eq3A_3681 : vector<16xi32>
        %eq3A_3683 = arith.constant 4 : i32
        %eq3A_3684 = vector.broadcast %eq3A_3683 : i32 to vector<16xi32>
        %eq3A_3685 = arith.cmpi eq, %iota3A, %eq3A_3684 : vector<16xi32>
        %broadcast_in_dim3A_3686 = vector.broadcast %reduce_max3A_3489 : f32 to vector<16xf32>
        %jit3A_3687 = arith.constant 0.000000e+00 : f32
        %broadcast_in_dim3A_3688 = vector.broadcast %jit3A_3687 : f32 to vector<16xf32>
        %select_n3A_3689 = arith.select %eq3A_3685, %broadcast_in_dim3A_3686, %broadcast_in_dim3A_3688 : vector<16xi1>, vector<16xf32>
        %select_n3A_3690 = arith.select %eq3A_3682, %select_n3A_3537, %select_n3A_3689 : vector<16xi1>, vector<16xf32>
        %select_n3A_3691 = arith.select %eq3A_3679, %select_n3A_3530, %select_n3A_3690 : vector<16xi1>, vector<16xf32>
        %select_n3A_3692 = arith.select %eq3A_3676, %select_n3A_3523, %select_n3A_3691 : vector<16xi1>, vector<16xf32>
        %select_n3A_3693 = arith.select %eq3A_3673, %select_n3A_3516, %select_n3A_3692 : vector<16xi1>, vector<16xf32>
        %add3A_3694 = arith.addi %while3A_965, %add3A_3485 : i32
        %mul3A_3695 = arith.constant 5 : i32
        %mul3A_3696 = arith.muli %add3A_3694, %mul3A_3695 : i32
        %add3A_3697 = vector.broadcast %mul3A_3696 : i32 to vector<16xi32>
        %add3A_3698 = arith.addi %add3A_3697, %iota3A : vector<16xi32>
        %lt3A_3699 = arith.constant 5 : i32
        %lt3A_3700 = vector.broadcast %lt3A_3699 : i32 to vector<16xi32>
        %lt3A_3701 = arith.cmpi slt, %iota3A, %lt3A_3700 : vector<16xi32>
        tpu.vector_store_idx %arg14[%add3A_3698], %select_n3A_3693 masked %lt3A_3701 : memref<512xf32, #tpu.memory_space<vmem>>[vector<16xi32>], vector<16xf32>, vector<16xi1>
      } else {
      }
      %max3A_3551 = arith.maximumf %gather3A_3288, %select_n3A_3516 : vector<16xf32>
      %max3A_3552 = arith.maximumf %gather3A_3292, %select_n3A_3523 : vector<16xf32>
      %min3A_3553 = arith.minimumf %gather3A_3296, %select_n3A_3530 : vector<16xf32>
      %min3A_3554 = arith.minimumf %gather3A_3300, %select_n3A_3537 : vector<16xf32>
      %sub3A_3555 = arith.subf %min3A_3553, %max3A_3551 : vector<16xf32>
      %max3A_3556 = arith.constant 0.000000e+00 : f32
      %max3A_3557 = vector.broadcast %max3A_3556 : f32 to vector<16xf32>
      %max3A_3558 = arith.maximumf %sub3A_3555, %max3A_3557 : vector<16xf32>
      %sub3A_3559 = arith.subf %min3A_3554, %max3A_3552 : vector<16xf32>
      %max3A_3560 = arith.constant 0.000000e+00 : f32
      %max3A_3561 = vector.broadcast %max3A_3560 : f32 to vector<16xf32>
      %max3A_3562 = arith.maximumf %sub3A_3559, %max3A_3561 : vector<16xf32>
      %mul3A_3563 = arith.mulf %max3A_3558, %max3A_3562 : vector<16xf32>
      %add3A_3564 = arith.addf %mul3A_3303, %mul3A_3546 : vector<16xf32>
      %sub3A_3565 = arith.subf %add3A_3564, %mul3A_3563 : vector<16xf32>
      %mul3A_3566 = arith.constant 3.000000e-01 : f32
      %mul3A_3567 = vector.broadcast %mul3A_3566 : f32 to vector<16xf32>
      %mul3A_3568 = arith.mulf %mul3A_3567, %sub3A_3565 : vector<16xf32>
      %gt3A_3569 = arith.cmpf ogt, %mul3A_3563, %mul3A_3568 : vector<16xf32>
      %and3A_3570 = vector.broadcast %and3A_3506 : i1 to vector<16xi1>
      %and3A_3571 = arith.andi %and3A_3570, %gt3A_3569 : vector<16xi1>
      %jit3A_3572 = arith.constant 0xFF800000 : f32
      %broadcast_in_dim3A_3573 = vector.broadcast %jit3A_3572 : f32 to vector<16xf32>
      %select_n3A_3574 = arith.select %and3A_3571, %broadcast_in_dim3A_3573, %select_n3A_3483 : vector<16xi1>, vector<16xf32>
      %convert_element_type3A_3575 = arith.extui %and3A_3506 : i1 to i32
      %add3A_3576 = arith.addi %add3A_3485, %convert_element_type3A_3575 : i32
      %reduce_max3A_3577 = arith.constant true
      %reduce_max3A_3578 = vector.broadcast %reduce_max3A_3577 : i1 to vector<16xi1>
      %reduce_max3A_3579 = tpu.scan <max>, %select_n3A_3574 masked %reduce_max3A_3578 : vector<16xf32>, vector<16xi1> -> vector<16xf32>
      %reduce_max3A_3580 = vector.extract %reduce_max3A_3579[15] : f32 from vector<16xf32>
      %eq3A_3581 = vector.broadcast %reduce_max3A_3580 : f32 to vector<16xf32>
      %eq3A_3582 = arith.cmpf oeq, %select_n3A_3574, %eq3A_3581 : vector<16xf32>
      %jit3A_3583 = arith.constant 1.000000e+09 : f32
      %broadcast_in_dim3A_3584 = vector.broadcast %jit3A_3583 : f32 to vector<16xf32>
      %select_n3A_3585 = arith.select %eq3A_3582, %gather3A_3266, %broadcast_in_dim3A_3584 : vector<16xi1>, vector<16xf32>
      %reduce_min3A_3586 = arith.constant true
      %reduce_min3A_3587 = vector.broadcast %reduce_min3A_3586 : i1 to vector<16xi1>
      %reduce_min3A_3588 = tpu.scan <min>, %select_n3A_3585 masked %reduce_min3A_3587 : vector<16xf32>, vector<16xi1> -> vector<16xf32>
      %reduce_min3A_3589 = vector.extract %reduce_min3A_3588[15] : f32 from vector<16xf32>
      %gt3A_3590 = arith.constant 0xFF800000 : f32
      %gt3A_3591 = arith.cmpf ogt, %reduce_max3A_3580, %gt3A_3590 : f32
      %gt3A_3592 = arith.cmpf ogt, %reduce_max3A_3580, %reduce_max3A_3277 : f32
      %and3A_3593 = arith.andi %gt3A_3591, %gt3A_3592 : i1
      %add3A_3594 = arith.addi %while3A_965, %add3A_3576 : i32
      %lt3A_3595 = arith.constant 100 : i32
      %lt3A_3596 = arith.cmpi slt, %add3A_3594, %lt3A_3595 : i32
      %and3A_3597 = arith.andi %and3A_3593, %lt3A_3596 : i1
      %jit3A_3598 = arith.constant 0.000000e+00 : f32
      %select_n3A_3599 = arith.select %and3A_3597, %reduce_min3A_3589, %jit3A_3598 : f32
      %convert_element_type3A_3600 = arith.fptosi %select_n3A_3599 : f32 to i32
      %mul3A_3601 = arith.constant 4 : i32
      %mul3A_3602 = arith.muli %convert_element_type3A_3600, %mul3A_3601 : i32
      %broadcast_in_dim3A_3603 = vector.broadcast %mul3A_3602 : i32 to vector<16xi32>
      %gather3A_3604 = tpu.vector_load_idx %arg5[%broadcast_in_dim3A_3603] : memref<20480xf32, #tpu.memory_space<vmem>>[vector<16xi32>], vector<16xf32>,
      %jit3A_3605 = arith.constant 0.000000e+00 : f32
      %broadcast_in_dim3A_3606 = vector.broadcast %jit3A_3605 : f32 to vector<16xf32>
      %select_n3A_3607 = arith.select %and3A_3597, %gather3A_3604, %broadcast_in_dim3A_3606 : vector<16xf32>
      %add3A_3608 = arith.constant 1 : i32
      %add3A_3609 = vector.broadcast %add3A_3608 : i32 to vector<16xi32>
      %add3A_3610 = arith.addi %broadcast_in_dim3A_3603, %add3A_3609 : vector<16xi32>
      %gather3A_3611 = tpu.vector_load_idx %arg5[%add3A_3610] : memref<20480xf32, #tpu.memory_space<vmem>>[vector<16xi32>], vector<16xf32>,
      %jit3A_3612 = arith.constant 0.000000e+00 : f32
      %broadcast_in_dim3A_3613 = vector.broadcast %jit3A_3612 : f32 to vector<16xf32>
      %select_n3A_3614 = arith.select %and3A_3597, %gather3A_3611, %broadcast_in_dim3A_3613 : vector<16xf32>
      %add3A_3615 = arith.constant 2 : i32
      %add3A_3616 = vector.broadcast %add3A_3615 : i32 to vector<16xi32>
      %add3A_3617 = arith.addi %broadcast_in_dim3A_3603, %add3A_3616 : vector<16xi32>
      %gather3A_3618 = tpu.vector_load_idx %arg5[%add3A_3617] : memref<20480xf32, #tpu.memory_space<vmem>>[vector<16xi32>], vector<16xf32>,
      %jit3A_3619 = arith.constant 0.000000e+00 : f32
      %broadcast_in_dim3A_3620 = vector.broadcast %jit3A_3619 : f32 to vector<16xf32>
      %select_n3A_3621 = arith.select %and3A_3597, %gather3A_3618, %broadcast_in_dim3A_3620 : vector<16xf32>
      %add3A_3622 = arith.constant 3 : i32
      %add3A_3623 = vector.broadcast %add3A_3622 : i32 to vector<16xi32>
      %add3A_3624 = arith.addi %broadcast_in_dim3A_3603, %add3A_3623 : vector<16xi32>
      %gather3A_3625 = tpu.vector_load_idx %arg5[%add3A_3624] : memref<20480xf32, #tpu.memory_space<vmem>>[vector<16xi32>], vector<16xf32>,
      %jit3A_3626 = arith.constant 0.000000e+00 : f32
      %broadcast_in_dim3A_3627 = vector.broadcast %jit3A_3626 : f32 to vector<16xf32>
      %select_n3A_3628 = arith.select %and3A_3597, %gather3A_3625, %broadcast_in_dim3A_3627 : vector<16xf32>
      %sub3A_3629 = arith.subf %select_n3A_3621, %select_n3A_3607 : vector<16xf32>
      %max3A_3630 = arith.constant 0.000000e+00 : f32
      %max3A_3631 = vector.broadcast %max3A_3630 : f32 to vector<16xf32>
      %max3A_3632 = arith.maximumf %sub3A_3629, %max3A_3631 : vector<16xf32>
      %sub3A_3633 = arith.subf %select_n3A_3628, %select_n3A_3614 : vector<16xf32>
      %max3A_3634 = arith.constant 0.000000e+00 : f32
      %max3A_3635 = vector.broadcast %max3A_3634 : f32 to vector<16xf32>
      %max3A_3636 = arith.maximumf %sub3A_3633, %max3A_3635 : vector<16xf32>
      %mul3A_3637 = arith.mulf %max3A_3632, %max3A_3636 : vector<16xf32>
      %and3A_3638 = arith.andi %and3A_3597, %and3A : i1
      %convert_element_type3A_3639 = arith.extui %and3A_3638 : i1 to i32
      %cond3A_3640 = arith.constant 0 : i32
      %cond3A_3641 = arith.cmpi ne, %convert_element_type3A_3639, %cond3A_3640 : i32
      scf.if %cond3A_3641 {
        %eq3A_3671 = arith.constant 0 : i32
        %eq3A_3672 = vector.broadcast %eq3A_3671 : i32 to vector<16xi32>
        %eq3A_3673 = arith.cmpi eq, %iota3A, %eq3A_3672 : vector<16xi32>
        %eq3A_3674 = arith.constant 1 : i32
        %eq3A_3675 = vector.broadcast %eq3A_3674 : i32 to vector<16xi32>
        %eq3A_3676 = arith.cmpi eq, %iota3A, %eq3A_3675 : vector<16xi32>
        %eq3A_3677 = arith.constant 2 : i32
        %eq3A_3678 = vector.broadcast %eq3A_3677 : i32 to vector<16xi32>
        %eq3A_3679 = arith.cmpi eq, %iota3A, %eq3A_3678 : vector<16xi32>
        %eq3A_3680 = arith.constant 3 : i32
        %eq3A_3681 = vector.broadcast %eq3A_3680 : i32 to vector<16xi32>
        %eq3A_3682 = arith.cmpi eq, %iota3A, %eq3A_3681 : vector<16xi32>
        %eq3A_3683 = arith.constant 4 : i32
        %eq3A_3684 = vector.broadcast %eq3A_3683 : i32 to vector<16xi32>
        %eq3A_3685 = arith.cmpi eq, %iota3A, %eq3A_3684 : vector<16xi32>
        %broadcast_in_dim3A_3686 = vector.broadcast %reduce_max3A_3580 : f32 to vector<16xf32>
        %jit3A_3687 = arith.constant 0.000000e+00 : f32
        %broadcast_in_dim3A_3688 = vector.broadcast %jit3A_3687 : f32 to vector<16xf32>
        %select_n3A_3689 = arith.select %eq3A_3685, %broadcast_in_dim3A_3686, %broadcast_in_dim3A_3688 : vector<16xi1>, vector<16xf32>
        %select_n3A_3690 = arith.select %eq3A_3682, %select_n3A_3628, %select_n3A_3689 : vector<16xi1>, vector<16xf32>
        %select_n3A_3691 = arith.select %eq3A_3679, %select_n3A_3621, %select_n3A_3690 : vector<16xi1>, vector<16xf32>
        %select_n3A_3692 = arith.select %eq3A_3676, %select_n3A_3614, %select_n3A_3691 : vector<16xi1>, vector<16xf32>
        %select_n3A_3693 = arith.select %eq3A_3673, %select_n3A_3607, %select_n3A_3692 : vector<16xi1>, vector<16xf32>
        %add3A_3694 = arith.addi %while3A_965, %add3A_3576 : i32
        %mul3A_3695 = arith.constant 5 : i32
        %mul3A_3696 = arith.muli %add3A_3694, %mul3A_3695 : i32
        %add3A_3697 = vector.broadcast %mul3A_3696 : i32 to vector<16xi32>
        %add3A_3698 = arith.addi %add3A_3697, %iota3A : vector<16xi32>
        %lt3A_3699 = arith.constant 5 : i32
        %lt3A_3700 = vector.broadcast %lt3A_3699 : i32 to vector<16xi32>
        %lt3A_3701 = arith.cmpi slt, %iota3A, %lt3A_3700 : vector<16xi32>
        tpu.vector_store_idx %arg14[%add3A_3698], %select_n3A_3693 masked %lt3A_3701 : memref<512xf32, #tpu.memory_space<vmem>>[vector<16xi32>], vector<16xf32>, vector<16xi1>
      } else {
      }
      %max3A_3642 = arith.maximumf %gather3A_3288, %select_n3A_3607 : vector<16xf32>
      %max3A_3643 = arith.maximumf %gather3A_3292, %select_n3A_3614 : vector<16xf32>
      %min3A_3644 = arith.minimumf %gather3A_3296, %select_n3A_3621 : vector<16xf32>
      %min3A_3645 = arith.minimumf %gather3A_3300, %select_n3A_3628 : vector<16xf32>
      %sub3A_3646 = arith.subf %min3A_3644, %max3A_3642 : vector<16xf32>
      %max3A_3647 = arith.constant 0.000000e+00 : f32
      %max3A_3648 = vector.broadcast %max3A_3647 : f32 to vector<16xf32>
      %max3A_3649 = arith.maximumf %sub3A_3646, %max3A_3648 : vector<16xf32>
      %sub3A_3650 = arith.subf %min3A_3645, %max3A_3643 : vector<16xf32>
      %max3A_3651 = arith.constant 0.000000e+00 : f32
      %max3A_3652 = vector.broadcast %max3A_3651 : f32 to vector<16xf32>
      %max3A_3653 = arith.maximumf %sub3A_3650, %max3A_3652 : vector<16xf32>
      %mul3A_3654 = arith.mulf %max3A_3649, %max3A_3653 : vector<16xf32>
      %add3A_3655 = arith.addf %mul3A_3303, %mul3A_3637 : vector<16xf32>
      %sub3A_3656 = arith.subf %add3A_3655, %mul3A_3654 : vector<16xf32>
      %mul3A_3657 = arith.constant 3.000000e-01 : f32
      %mul3A_3658 = vector.broadcast %mul3A_3657 : f32 to vector<16xf32>
      %mul3A_3659 = arith.mulf %mul3A_3658, %sub3A_3656 : vector<16xf32>
      %gt3A_3660 = arith.cmpf ogt, %mul3A_3654, %mul3A_3659 : vector<16xf32>
      %and3A_3661 = vector.broadcast %and3A_3597 : i1 to vector<16xi1>
      %and3A_3662 = arith.andi %and3A_3661, %gt3A_3660 : vector<16xi1>
      %jit3A_3663 = arith.constant 0xFF800000 : f32
      %broadcast_in_dim3A_3664 = vector.broadcast %jit3A_3663 : f32 to vector<16xf32>
      %select_n3A_3665 = arith.select %and3A_3662, %broadcast_in_dim3A_3664, %select_n3A_3574 : vector<16xi1>, vector<16xf32>
      %convert_element_type3A_3666 = arith.extui %and3A_3597 : i1 to i32
      %add3A_3667 = arith.addi %add3A_3576, %convert_element_type3A_3666 : i32
      %add3A_3668 = arith.constant 1 : i32
      %add3A_3669 = arith.addi %while3A_964, %add3A_3668 : i32
      %add3A_3670 = arith.addi %while3A_965, %add3A_3667 : i32
      scf.yield %add3A_3669, %add3A_3670, %add3A_3667, %select_n3A_3332, %select_n3A_3339, %select_n3A_3346, %select_n3A_3353, %mul3A_3362, %select_n3A_3425, %select_n3A_3432, %select_n3A_3439, %select_n3A_3446, %mul3A_3455, %select_n3A_3516, %select_n3A_3523, %select_n3A_3530, %select_n3A_3537, %mul3A_3546, %select_n3A_3607, %select_n3A_3614, %select_n3A_3621, %select_n3A_3628, %mul3A_3637 : i32, i32, i32, vector<16xf32>, vector<16xf32>, vector<16xf32>, vector<16xf32>, vector<16xf32>, vector<16xf32>, vector<16xf32>, vector<16xf32>, vector<16xf32>, vector<16xf32>, vector<16xf32>, vector<16xf32>, vector<16xf32>, vector<16xf32>, vector<16xf32>, vector<16xf32>, vector<16xf32>, vector<16xf32>, vector<16xf32>, vector<16xf32>
    }
    %convert_element_type3A_962 = arith.extui %and3A : i1 to i32
    %cond3A = arith.constant 0 : i32
    %cond3A_963 = arith.cmpi ne, %convert_element_type3A_962, %cond3A : i32
    scf.if %cond3A_963 {
      %while3A_964 = arith.constant 0 : i32
      %while3A_965 = arith.constant 100 : i32
      %while3A_966 = arith.subi %while3A_965, %while3A_961#1 : i32
      %while3A_967 = arith.addi %while3A_961#1, %while3A_966 : i32
      %while3A_968 = arith.constant 1 : i32
      %while3A_969 = arith.divsi %while3A_966, %while3A_968 : i32
      %while3A_970 = arith.muli %while3A_969, %while3A_968 : i32
      %while3A_971 = arith.addi %while3A_961#1, %while3A_970 : i32
      %while3A_972 = arith.constant 1 : i32
      scf.for %while3A_974 = %while3A_961#1 to %while3A_971 step %while3A_972  : i32 {
        %mul3A_975 = arith.constant 5 : i32
        %mul3A_976 = arith.muli %while3A_974, %mul3A_975 : i32
        %add3A_977 = vector.broadcast %mul3A_976 : i32 to vector<16xi32>
        %add3A_978 = arith.addi %add3A_977, %iota3A : vector<16xi32>
        %lt3A = arith.constant 5 : i32
        %lt3A_979 = vector.broadcast %lt3A : i32 to vector<16xi32>
        %lt3A_980 = arith.cmpi slt, %iota3A, %lt3A_979 : vector<16xi32>
        tpu.vector_store_idx %arg14[%add3A_978], %broadcast_in_dim3A_4 masked %lt3A_980 : memref<512xf32, #tpu.memory_space<vmem>>[vector<16xi32>], vector<16xf32>, vector<16xi1>
      }
      %while3A_973 = arith.constant 1 : i32
      scf.for %while3A_974 = %while3A_971 to %while3A_967 step %while3A_973  : i32 {
        %mul3A_975 = arith.constant 5 : i32
        %mul3A_976 = arith.muli %while3A_974, %mul3A_975 : i32
        %add3A_977 = vector.broadcast %mul3A_976 : i32 to vector<16xi32>
        %add3A_978 = arith.addi %add3A_977, %iota3A : vector<16xi32>
        %lt3A = arith.constant 5 : i32
        %lt3A_979 = vector.broadcast %lt3A : i32 to vector<16xi32>
        %lt3A_980 = arith.cmpi slt, %iota3A, %lt3A_979 : vector<16xi32>
        tpu.vector_store_idx %arg14[%add3A_978], %broadcast_in_dim3A_4 masked %lt3A_980 : memref<512xf32, #tpu.memory_space<vmem>>[vector<16xi32>], vector<16xf32>, vector<16xi1>
      }
      "tpu.region"() ({
        %run_scoped3A = tpu.sem_alloc : memref<!tpu.dma_semaphore, #tpu.memory_space<semaphore_mem>>
        %dma_start3A = arith.constant 0 : i32
        %dma_start3A_974 = tpu.memref_slice %arg14[%dma_start3A] : memref<512xf32, #tpu.memory_space<vmem>> -> memref<500xf32, #tpu.memory_space<vmem>>
        %dma_start3A_975 = arith.constant 0 : i32
        %dma_start3A_976 = tpu.memref_slice %arg14[%dma_start3A_975] : memref<512xf32, #tpu.memory_space<vmem>> -> memref<500xf32, #tpu.memory_space<vmem>>
        tpu.enqueue_dma source(%dma_start3A_976 : memref<500xf32, #tpu.memory_space<vmem>>) target(%arg4 : memref<500xf32, #tpu.memory_space<hbm>>) target_semaphore(%run_scoped3A : memref<!tpu.dma_semaphore, #tpu.memory_space<semaphore_mem>>)
        %dma_wait3A = arith.constant 0 : i32
        %dma_wait3A_977 = tpu.memref_slice %arg14[%dma_wait3A] : memref<512xf32, #tpu.memory_space<vmem>> -> memref<500xf32, #tpu.memory_space<vmem>>
        %dma_wait3A_978 = arith.constant 0 : i32
        %dma_wait3A_979 = tpu.memref_slice %arg14[%dma_wait3A_978] : memref<512xf32, #tpu.memory_space<vmem>> -> memref<500xf32, #tpu.memory_space<vmem>>
        tpu.wait_dma2 semaphore(%run_scoped3A : memref<!tpu.dma_semaphore, #tpu.memory_space<semaphore_mem>>) src(%dma_wait3A_979 : memref<500xf32, #tpu.memory_space<vmem>>) dst(%arg4 : memref<500xf32, #tpu.memory_space<hbm>>)
        tpu.yield
      }) : () -> ()
    } else {
    }
    return
  }
}

</mosaic_0001>

<sc_bundles>
// kernel: kernel.3.cloned.1.call-start
scs
__scs_entry_jumppad:
0x0: {  	(pc) =	sbr.rel $0x88, $3  }
0x1: {  	(tag) =	ssettag $0x0;
	lr =	simm.s32 $0x1  }
0x2: {  	[smem:$0x3F9F] =	sst lr;
	_ =	strace $0xD0000000  }
0x3: {  	_ = 	snop  }
0x4: {  	_ = 	snop  }
0x5: {  	_ = 	snop  }
0x6: {  	_ = 	snop  }
0x7: {  	_ = 	snop  }
__scs_overlays_trampoline_lowered:
0x8: {  	[smem:$0x3FAE] =	sst s0  }
0x9: {  	[smem:$0x3FAF] =	sst s1  }
0xa: {  	[smem:$0x3FB0] =	sst s2  }
0xb: {  	[smem:$0x3FB1] =	sst s3  }
0xc: {  	[smem:$0x3FB2] =	sst s4  }
0xd: {  	[smem:$0x3FB3] =	sst s5  }
0xe: {  	[smem:$0x3FB4] =	sst s6  }
0xf: {  	[smem:$0x3FB5] =	sst s7  }
0x10: {  	[smem:$0x3FB6] =	sst s8  }
0x11: {  	[smem:$0x3FB7] =	sst s9;
	s0 =	simm.s32 @!p0 $0x0  }
0x12: {  	s1 =	sld [smem:$0x3F9D];
	s0 =	simm.s32 @p0 $0x1  }
0x13: {  	[smem:$0x3FB8] =	sst s0;
	s0 =	simm.s32 @!p1 $0x0  }
0x14: {  	s2 =	sld [smem:$0x3F9C];
	s0 =	simm.s32 @p1 $0x1  }
0x15: {  	[smem:$0x3FB9] =	sst s0;
	s0 =	simm.s32 @!p2 $0x0  }
0x16: {  	s3 =	sld [smem:$0x3FDB];
	s0 =	simm.s32 @p2 $0x1  }
0x17: {  	s4 =	simm.s32 $0x1BF5;
	[smem:$0x3FBB] =	sst s0  }
0x18: {  	s0 =	sld [smem:$0x3F9E];
	_ =	swait.ge [sflag:s4], $0x0  }
0x19: {  	s7 =	sld [smem:$0x3F9F]  }
0x1a: {  	s8 =	sadd.s32 $0xFFFFE003, lr  }
0x1b: {  	s9 =	sadd.s32 $0xFFFFFEF7, lr;
	s5 =	simm.s32 $0xFFFFFFFF;
	p2 =	slt.u32 s8, $0xFFFFF086  }
0x1c: {  	p1 =	slt.u32 s9, $0xF7A;
	s5 =	simm.s32 @!p2 $0x0  }
0x1d: {  	s5 =	simm.s32 @p1 $0x1;
	p0 =	seq.s32 s7, s2  }
0x1e: {  	s7 =	smul.u32 @!p0 $0xF7A, s2;
	p2 =	seq.s32 @!p0 s5, $0x0  }
0x1f: {  	s9 =	smul.u32 $0xF7A, s1;
	s8 =	simm.s32 @!p0 $0x1BF5;
	p2 =	por !p2, p0  }
0x20: {  	[sflag:s8] =	ssyncset.s32 @!p0 $0xFFFFF086;
	s6 =	sadd.s32 @!p0 s3, s7;
	s7 =	simm.s32 @!p0 $0x108  }
0x21: {  	s3 =	sadd.s32 s3, s9;
	s6 =	sadd.s32 @!p0 $0x88, s6;
	s7 =	simm.s32 @p2 $0x1082  }
0x22: {  	[simem:s7], [sflag:s8] =	dma.local @!p0 [hbm:s6], $0xF7A  }
0x23: {  	s9 =	sor.u32 $0xD0000000, s2;
	s6 =	simm.s32 $0x108;
	_ =	swait.ge @!p0 [sflag:s8], $0x0  }
0x24: {  	s3 =	sadd.s32 $0x88, s3;
	s6 =	simm.s32 @!p1 $0x1082;
	[sflag:s4] =	ssyncset.s32 $0xFFFFF086  }
0x25: {  	[simem:s6], [sflag:s4] =	dma.local [hbm:s3], $0xF7A  }
0x26: {  	[smem:$0x3F9F] =	sst s1;
	(tag) =	ssettag s2;
	_ =	strace s9  }
0x27: {  	s1 =	sld [smem:$0x3FAF]  }
0x28: {  	s2 =	sld [smem:$0x3FB0]  }
0x29: {  	s4 =	sld [smem:$0x3FB2]  }
0x2a: {  	p0 =	seq.s32 s5, $0x0;
	s5 =	sld [smem:$0x3FB3]  }
0x2b: {  	s6 =	sld [smem:$0x3FB4]  }
0x2c: {  	s7 =	sld [smem:$0x3FB5]  }
0x2d: {  	s3 =	simm.s32 $0x108;
	s8 =	sld [smem:$0x3FB6]  }
0x2e: {  	s3 =	simm.s32 @!p0 $0x1082;
	s9 =	sld [smem:$0x3FB7]  }
0x2f: {  	lr =	sadd.s32 s0, s3;
	s0 =	sld [smem:$0x3FAE]  }
0x30: {  	s3 =	sld [smem:$0x3FB1]  }
0x31: {  	[smem:$0x3FBA] =	sst s10  }
0x32: {  	s10 =	sld [smem:$0x3FB8];
	_ =	sdelay $0x3  }
0x33: {  	p0 =	seq.s32 s10, $0x1;
	s10 =	sld [smem:$0x3FBA];
	_ =	sdelay $0x3  }
0x34: {  	[smem:$0x3FBA] =	sst s10  }
0x35: {  	s10 =	sld [smem:$0x3FB9];
	_ =	sdelay $0x3  }
0x36: {  	p1 =	seq.s32 s10, $0x1;
	s10 =	sld [smem:$0x3FBA];
	_ =	sdelay $0x3  }
0x37: {  	[smem:$0x3FBA] =	sst s10  }
0x38: {  	s10 =	sld [smem:$0x3FBB]  }
0x39: {  	_ = 	snop;
	(pc) =	sbr.ind lr, $3  }
0x3a: {  	_ = 	snop  }
0x3b: {  	_ = 	snop  }
0x3c: {  	p2 =	seq.s32 s10, $0x1;
	s10 =	sld [smem:$0x3FBA]  }
0x3d: {  	_ =	shalt  }
0x3e: {  	_ =	shalt  }
0x3f: {  	_ =	shalt  }
0x40: {  	_ =	shalt  }
0x41: {  	_ =	shalt  }
0x42: {  	_ =	shalt  }
0x43: {  	_ =	shalt  }
0x44: {  	_ =	shalt  }
0x45: {  	_ =	shalt  }
0x46: {  	_ =	shalt  }
0x47: {  	_ =	shalt  }
0x48: {  	_ =	shalt  }
0x49: {  	_ =	shalt  }
0x4a: {  	_ =	shalt  }
0x4b: {  	_ =	shalt  }
0x4c: {  	_ =	shalt  }
0x4d: {  	_ =	shalt  }
0x4e: {  	_ =	shalt  }
0x4f: {  	_ =	shalt  }
0x50: {  	_ =	shalt  }
0x51: {  	_ =	shalt  }
0x52: {  	_ =	shalt  }
0x53: {  	_ =	shalt  }
0x54: {  	_ =	shalt  }
0x55: {  	_ =	shalt  }
0x56: {  	_ =	shalt  }
0x57: {  	_ =	shalt  }
0x58: {  	_ =	shalt  }
0x59: {  	_ =	shalt  }
0x5a: {  	_ =	shalt  }
0x5b: {  	_ =	shalt  }
0x5c: {  	_ =	shalt  }
0x5d: {  	_ =	shalt  }
0x5e: {  	_ =	shalt  }
0x5f: {  	_ =	shalt  }
0x60: {  	_ =	shalt  }
0x61: {  	_ =	shalt  }
0x62: {  	_ =	shalt  }
0x63: {  	_ =	shalt  }
0x64: {  	_ =	shalt  }
0x65: {  	_ =	shalt  }
0x66: {  	_ =	shalt  }
0x67: {  	_ =	shalt  }
0x68: {  	_ =	shalt  }
0x69: {  	_ =	shalt  }
0x6a: {  	_ =	shalt  }
0x6b: {  	_ =	shalt  }
0x6c: {  	_ =	shalt  }
0x6d: {  	_ =	shalt  }
0x6e: {  	_ =	shalt  }
0x6f: {  	_ =	shalt  }
0x70: {  	_ =	shalt  }
0x71: {  	_ =	shalt  }
0x72: {  	_ =	shalt  }
0x73: {  	_ =	shalt  }
0x74: {  	_ =	shalt  }
0x75: {  	_ =	shalt  }
0x76: {  	_ =	shalt  }
0x77: {  	_ =	shalt  }
0x78: {  	_ =	shalt  }
0x79: {  	_ =	shalt  }
0x7a: {  	_ =	shalt  }
0x7b: {  	_ =	shalt  }
0x7c: {  	_ =	shalt  }
0x7d: {  	_ =	shalt  }
0x7e: {  	_ =	shalt  }
0x7f: {  	_ =	shalt  }
0x80: {  	_ =	shalt  }
0x81: {  	_ =	shalt  }
0x82: {  	_ =	shalt  }
0x83: {  	_ =	shalt  }
0x84: {  	_ =	shalt  }
0x85: {  	_ =	shalt  }
0x86: {  	_ =	shalt  }
0x87: {  	_ =	shalt  }
.Lfunc_end0:
.L_simem_size_0:
called_computation_lowered:
.L_overlay_start_0:
0x88: {  	s2 =	sld [smem:$0x3FD9]  }
0x89: {  	s3 =	sld [smem:$0x3FFE];
	_ =	sdelay $0x1  }
0x8a: {  	s1 =	srdreg.scid  }
0x8b: {  	s0 =	sand.u32 $0x1, s1  }
0x8c: {  	s17 =	sshll.u32 s0, $0xA;
	s2 =	sadd.s32 s3, s2  }
0x8d: {  	s2 =	sadd.s32 s2, s17  }
0x8e: {  	[smem:$0x3FC6] =	sst s2  }
0x8f: {  	_ = 	snop  }
0x90: {  	s2 =	sld [smem:$0x3FC8]  }
0x91: {  	s18 =	sld [smem:$0x3FD0];
	(tm) =	ssettm $0x1  }
0x92: {  	s4 =	sld [smem:$0x3FFB];
	_ =	sdelay $0x3  }
0x93: {  	_ =	strace s4  }
0x94: {  	s4 =	sld [smem:$0x3FFC];
	_ =	sdelay $0x3  }
0x95: {  	_ =	strace s4  }
0x96: {  	s4 =	sld [smem:$0x3FFD];
	_ =	sdelay $0x3  }
0x97: {  	_ =	strace s4  }
0x98: {  	_ =	strace $0x8FFFFFFF  }
0x99: {  	s19 =	sld [smem:$0x3FDB];
	_ =	sdelay $0x1  }
0x9a: {  	s5 =	simm.s32 $_scs_section_size  }
0x9b: {  	s6 =	simm.s32 $_size__tile_overlayer_lowered;
	s7 =	simm.s32 $_tile_overlayer_lowered  }
0x9c: {  	s22 =	simm.s32 $0x1BFF;
	s21 =	sshll.u32 s7, $0x1;
	s4 =	sadd.s32 s5, s19  }
0x9d: {  	s8 =	simm.s32 $0x0;
	s20 =	sshll.u32 s6, $0x1;
	s6 =	sadd.s32 s21, s4  }
0x9e: {  	[timem:s8], [sflag:s22] =	dma.local [hbm:s6], s20  }
0x9f: {  	_ =	swait.ge [sflag:s22], s20  }
0xa0: {  	s5 =	ssub.s32 $0x0, s20;
	[sflag:s22] =	ssyncset.done $0x0  }
0xa1: {  	[sflag:s22] =	ssyncadd.s32 s5;
	_ =	sdelay $0x1  }
0xa2: {  	s23 =	simm.s32 $0x1B8B  }
0xa3: {  	_ =	swait.ge [sflag:s23], $0x1  }
0xa4: {  	[sflag:s23] =	ssyncset.done $0x0  }
0xa5: {  	s25 =	simm.s32 $0x1B8E;
	s24 =	sld [smem:$0x3FFE];
	[sflag:s23] =	ssyncadd.s32 $0xFFFFFFFF  }
0xa6: {  	s26 =	simm.s32 $execute0_lowered;
	[smem:$0x3FD2] =	sst s25  }
0xa7: {  	s6 =	sshll.u32 s26, $0x1;
	_ =	strace $0x80000046;
	[dreg:$0x1] =	wrdreg $0xFFFFFFFF  }
0xa8: {  	s28 =	simm.s32 $_size_execute0_lowered;
	s4 =	sadd.s32 s4, s6;
	[dreg:$0x0] =	wrdreg $0x0  }
0xa9: {  	s6 =	sshll.u32 s28, $0x1;
	[dreg:$0x2] =	wrdreg s4  }
0xaa: {  	[dreg:$0x3] =	wrdreg s6  }
0xab: {  	[dreg:$0x4] =	wrdreg $0xC0  }
0xac: {  	_ =	task [dreg:s8], $0x5FFFF  }
0xad: {  	[dreg:$0x1] =	wrdreg $0xFFFFFFFF  }
0xae: {  	[dreg:$0x0] =	wrdreg $0x60  }
0xaf: {  	[dreg:$0x2] =	wrdreg s24  }
0xb0: {  	[dreg:$0x3] =	wrdreg s2  }
0xb1: {  	[dreg:$0x4] =	wrdreg s18  }
0xb2: {  	[dreg:$0x5] =	wrdreg $0x6F000  }
0xb3: {  	[dreg:$0x6] =	wrdreg $0x9  }
0xb4: {  	_ =	task.clear_ibuf [dreg:s8], $0x7FFFF;
	_ =	strace $0x90000046  }
0xb5: {  	s29 =	simm.s32 $0x9;
	_ =	strace $0x80000048  }
0xb6: {  	_ =	swait.ge [sflag:s29], $0x1  }
0xb7: {  	[sflag:s29] =	ssyncadd.s32 $0xFFFFFFFF  }
0xb8: {  	_ =	strace $0x90000048  }
0xb9: {  	_ =	sfence  }
0xba: {  	s30 =	sld [smem:$0x0];
	_ =	sdelay $0x2  }
0xbb: {  	s31 =	sshll.u32 s1, $0xD;
	s1 =	sshrl.u32 s1, $0x2  }
0xbc: {  	s3 =	sand.u32 $0x4000, s31;
	s1 =	sadd.s32 s1, s30  }
0xbd: {  	s0 =	sor.u32 s3, s0;
	s1 =	sshll.u32 s1, $0x11  }
0xbe: {  	s0 =	sor.u32 s1, s0  }
0xbf: {  	s0 =	sadd.s32 $0x8F2B, s0  }
0xc0: {  	[sflag:s0] =	ssyncadd.remote.s32 $0x1  }
0xc1: {  	_ =	sfence.sel $0xFFFF  }
0xc2: {  	[dreg:$0x0] =	wrdreg $0xFFFFFFFF;
	(pc) =	sbr.abs _section_cstart, $3  }
0xc3: {  	[dreg:$0x1] =	wrdreg $0xFFFFFFFF  }
0xc4: {  	_ =	task.clear_ibuf [dreg:s8], $0x2FFFF;
	_ =	strace $0x9FFFFFFF  }
0xc5: {  	(tm) =	ssettm $0x7FFFFFFF  }
tec
execute0_lowered:
.L_overlay_start_1:
0x0: {  	(tag) =	ssettag $0x1  }
0x1: {  	s7 =	stileid.u32  }
0x2: {  	s1 =	smul.u32 $0x140, s7  }
0x3: {  	v0 =	vlaneseq.u32  }
0x4: {  	v1 =	vmul.u32 $0x4, v0;
	v2 =	vmov s1  }
0x5: {  	s9 =	sor.u32 $0x10, s1;
	v2 =	vshll.u32 v2, $0x2  }
0x6: {  	v3 =	vmov s9;
	v4 =	vor.u32 v1, v2  }
0x7: {  	v2 =	vshll.u32 v3, $0x2;
	v3 =	vor.u32 $0x1, v4;
	[tilespmem:$0x1FA80] =	vst v4  }
0x8: {  	v5 =	vor.u32 v1, v2;
	v2 =	vor.u32 $0x3, v4;
	[tilespmem:$0x1FA60] =	vst v3  }
0x9: {  	[tilespmem:$0x1FA90] =	vst v2  }
0xa: {  	v3 =	vor.u32 $0x2, v4;
	[tilespmem:$0x1FAC0] =	vst v5  }
0xb: {  	s10 =	sor.u32 $0x20, s1;
	v2 =	vor.u32 $0x1, v5;
	[tilespmem:$0x1FA70] =	vst v3  }
0xc: {  	v45 =	vor.u32 $0x3, v5;
	[tilespmem:$0x1FAA0] =	vst v2;
	v2 =	vmov s10  }
0xd: {  	s11 =	sor.u32 $0x30, s1;
	v3 =	vor.u32 $0x2, v5;
	[tilespmem:$0x1FAD0] =	vst v45;
	v2 =	vshll.u32 v2, $0x2  }
0xe: {  	[tilespmem:$0x1FAB0] =	vst v3;
	v3 =	vmov s11;
	v46 =	vor.u32 v1, v2  }
0xf: {  	v2 =	vshll.u32 v3, $0x2;
	v3 =	vor.u32 $0x1, v46;
	[tilespmem:$0x1FB00] =	vst v46  }
0x10: {  	v47 =	vor.u32 v1, v2;
	v2 =	vor.u32 $0x3, v46;
	[tilespmem:$0x1FAE0] =	vst v3  }
0x11: {  	[tilespmem:$0x1FB10] =	vst v2  }
0x12: {  	s12 =	sadd.s32 $0x40, s1;
	v2 =	vor.u32 $0x1, v47;
	[tilespmem:$0x1FB40] =	vst v47  }
0x13: {  	v3 =	vor.u32 $0x2, v46;
	[tilespmem:$0x1FB20] =	vst v2;
	v2 =	vmov s12  }
0x14: {  	s13 =	sadd.s32 $0x50, s1;
	[tilespmem:$0x1FAF0] =	vst v3;
	v3 =	vor.u32 $0x2, v47;
	v2 =	vshll.u32 v2, $0x2  }
0x15: {  	v48 =	vor.u32 $0x3, v47;
	[tilespmem:$0x1FB30] =	vst v3;
	v3 =	vmov s13;
	v49 =	vor.u32 v1, v2  }
0x16: {  	[tilespmem:$0x1FB50] =	vst v48;
	v2 =	vshll.u32 v3, $0x2;
	v3 =	vor.u32 $0x1, v49  }
0x17: {  	v50 =	vor.u32 v1, v2;
	v2 =	vor.u32 $0x3, v49;
	[tilespmem:$0x1FB60] =	vst v3  }
0x18: {  	s14 =	sadd.s32 $0x60, s1;
	[tilespmem:$0x1FB90] =	vst v2;
	v2 =	vor.u32 $0x1, v50  }
0x19: {  	v3 =	vor.u32 $0x2, v49;
	[tilespmem:$0x1FBA0] =	vst v2;
	v2 =	vmov s14  }
0x1a: {  	s15 =	sadd.s32 $0x70, s1;
	[tilespmem:$0x1FB70] =	vst v3;
	v3 =	vor.u32 $0x2, v50;
	v2 =	vshll.u32 v2, $0x2  }
0x1b: {  	[tilespmem:$0x1FBB0] =	vst v3;
	v3 =	vmov s15;
	v52 =	vor.u32 v1, v2  }
0x1c: {  	[tilespmem:$0x1FB80] =	vst v49;
	v2 =	vshll.u32 v3, $0x2;
	v3 =	vor.u32 $0x1, v52  }
0x1d: {  	v53 =	vor.u32 v1, v2;
	v2 =	vor.u32 $0x3, v52;
	[tilespmem:$0x1FBE0] =	vst v3  }
0x1e: {  	s0 =	sadd.s32 $0x80, s1;
	[tilespmem:$0x1FC10] =	vst v2;
	v2 =	vor.u32 $0x1, v53  }
0x1f: {  	v3 =	vor.u32 $0x2, v52;
	[tilespmem:$0x1FC20] =	vst v2;
	v2 =	vmov s0  }
0x20: {  	s21 =	sadd.s32 $0x90, s1;
	[tilespmem:$0x1FBF0] =	vst v3;
	v3 =	vor.u32 $0x2, v53;
	v2 =	vshll.u32 v2, $0x2  }
0x21: {  	[tilespmem:$0x1FC30] =	vst v3;
	v3 =	vmov s21;
	v55 =	vor.u32 v1, v2  }
0x22: {  	[tilespmem:$0x1FBC0] =	vst v50;
	v2 =	vshll.u32 v3, $0x2;
	v3 =	vor.u32 $0x1, v55  }
0x23: {  	v56 =	vor.u32 v1, v2;
	v2 =	vor.u32 $0x3, v55;
	[tilespmem:$0x1FC60] =	vst v3  }
0x24: {  	s16 =	sadd.s32 $0xA0, s1;
	[tilespmem:$0x1FC90] =	vst v2;
	v2 =	vor.u32 $0x1, v56  }
0x25: {  	v3 =	vor.u32 $0x2, v55;
	[tilespmem:$0x1FCA0] =	vst v2;
	v2 =	vmov s16  }
0x26: {  	s24 =	sadd.s32 $0xB0, s1;
	[tilespmem:$0x1FC70] =	vst v3;
	v3 =	vor.u32 $0x2, v56;
	v2 =	vshll.u32 v2, $0x2  }
0x27: {  	v51 =	vor.u32 $0x3, v50;
	[tilespmem:$0x1FCB0] =	vst v3;
	v3 =	vmov s24;
	v58 =	vor.u32 v1, v2  }
0x28: {  	[tilespmem:$0x1FBD0] =	vst v51;
	v2 =	vshll.u32 v3, $0x2;
	v3 =	vor.u32 $0x1, v58  }
0x29: {  	v59 =	vor.u32 v1, v2;
	v2 =	vor.u32 $0x3, v58;
	[tilespmem:$0x1FCE0] =	vst v3  }
0x2a: {  	s25 =	sadd.s32 $0xC0, s1;
	[tilespmem:$0x1FD10] =	vst v2;
	v2 =	vor.u32 $0x1, v59  }
0x2b: {  	v3 =	vor.u32 $0x2, v58;
	[tilespmem:$0x1FD20] =	vst v2;
	v2 =	vmov s25  }
0x2c: {  	s17 =	sadd.s32 $0xD0, s1;
	[tilespmem:$0x1FCF0] =	vst v3;
	v3 =	vor.u32 $0x2, v59;
	v2 =	vshll.u32 v2, $0x2  }
0x2d: {  	[tilespmem:$0x1FD30] =	vst v3;
	v3 =	vmov s17;
	v61 =	vor.u32 v1, v2  }
0x2e: {  	[tilespmem:$0x1FC00] =	vst v52;
	v2 =	vshll.u32 v3, $0x2;
	v3 =	vor.u32 $0x1, v61  }
0x2f: {  	v62 =	vor.u32 v1, v2;
	v2 =	vor.u32 $0x3, v61;
	[tilespmem:$0x1FD60] =	vst v3  }
0x30: {  	vm0 =	vcmask $0x300;
	s20 =	sadd.s32 $0x130, s1;
	[tilespmem:$0x1FD90] =	vst v2;
	v2 =	vor.u32 $0x1, v62  }
0x31: {  	s26 =	sadd.s32 $0xE0, s1;
	v63 =	vmov s20;
	v54 =	vor.u32 $0x3, v53;
	[tilespmem:$0x1FDA0] =	vst v2;
	v2 =	vor.u32 $0x2, v62  }
0x32: {  	v57 =	vor.u32 $0x3, v56;
	v3 =	vor.u32 $0x2, v61;
	[tilespmem:$0x1FDB0] =	vst v2;
	v2 =	vmov s26  }
0x33: {  	v60 =	vor.u32 $0x3, v59;
	[tilespmem:$0x1FD70] =	vst v3;
	v3 =	vimm.f32 $1.500000000e+01;
	v2 =	vshll.u32 v2, $0x2  }
0x34: {  	s18 =	sadd.s32 $0xF0, s1;
	[tilespmem:$0x1FC40] =	vst v53;
	v3 =	vsel vm0, $0x0, v3;
	vm0 =	vcmask $0x704;
	v6 =	vor.u32 v1, v2  }
0x35: {  	[tilespmem:$0x1FC50] =	vst v54;
	v2 =	vsel vm0, $0x3F800000, v3;
	vm0 =	vcmask $0xB08;
	v3 =	vmov s18  }
0x36: {  	[tilespmem:$0x1FC80] =	vst v55;
	v2 =	vsel vm0, $0x40000000, v2;
	vm0 =	vcmask $0xF0C;
	v3 =	vshll.u32 v3, $0x2  }
0x37: {  	s2 =	sadd.s32 $0x100, s1;
	[tilespmem:$0x1FCC0] =	vst v56;
	v2 =	vsel vm0, $0x40400000, v2;
	vm0 =	vcmask $0x1310;
	v7 =	vor.u32 v1, v3  }
0x38: {  	[tilespmem:$0x1FCD0] =	vst v57;
	v3 =	vmov s2;
	v2 =	vsel vm0, $0x40800000, v2;
	vm0 =	vcmask $0x1714  }
0x39: {  	[tilespmem:$0x1FD00] =	vst v58;
	v3 =	vshll.u32 v3, $0x2;
	v2 =	vsel vm0, $0x40A00000, v2;
	vm0 =	vcmask $0x1B18  }
0x3a: {  	s19 =	sadd.s32 $0x110, s1;
	[tilespmem:$0x1FD40] =	vst v59;
	v8 =	vor.u32 v1, v3;
	v2 =	vsel vm0, $0x40C00000, v2;
	vm0 =	vcmask $0x1F1C  }
0x3b: {  	[tilespmem:$0x1FD50] =	vst v60;
	v3 =	vmov s19;
	v2 =	vsel vm0, $0x40E00000, v2;
	vm0 =	vcmask $0x2320  }
0x3c: {  	[tilespmem:$0x1FD80] =	vst v61;
	v3 =	vshll.u32 v3, $0x2;
	v2 =	vsel vm0, $0x41000000, v2;
	vm0 =	vcmask $0x2724  }
0x3d: {  	s3 =	sadd.s32 $0x120, s1;
	[tilespmem:$0x1FDC0] =	vst v62;
	v9 =	vor.u32 v1, v3;
	v2 =	vsel vm0, $0x41100000, v2;
	vm0 =	vcmask $0x2B28  }
0x3e: {  	[tilespmem:$0x1FE00] =	vst v6;
	v3 =	vmov s3;
	v2 =	vsel vm0, $0x41200000, v2;
	vm0 =	vcmask $0x2F2C  }
0x3f: {  	[tilespmem:$0x1FE40] =	vst v7;
	v3 =	vshll.u32 v3, $0x2;
	v2 =	vsel vm0, $0x41300000, v2;
	vm0 =	vcmask $0x3330  }
0x40: {  	[tilespmem:$0x1FE80] =	vst v8;
	v10 =	vor.u32 v1, v3;
	v2 =	vsel vm0, $0x41400000, v2;
	vm0 =	vcmask $0x3734  }
0x41: {  	s22 =	scvt.s32.f32 s1;
	[tilespmem:$0x1FEC0] =	vst v9;
	v3 =	vshll.u32 v63, $0x2;
	v2 =	vsel vm0, $0x41500000, v2;
	vm0 =	vcmask $0x3B38  }
0x42: {  	v1 =	vor.u32 v1, v3;
	v3 =	vor.u32 $0x3, v62;
	[tilespmem:$0x1FF00] =	vst v10;
	v2 =	vsel vm0, $0x41600000, v2  }
0x43: {  	[tilespmem:$0x1FDD0] =	vst v3;
	v15 =	vadd.f32 s22, v2;
	v2 =	vor.u32 $0x1, v6  }
0x44: {  	[tilespmem:$0x1FDE0] =	vst v2;
	v2 =	vor.u32 $0x2, v6  }
0x45: {  	[tilespmem:$0x1FDF0] =	vst v2;
	v2 =	vor.u32 $0x3, v6  }
0x46: {  	[tilespmem:$0x1FE10] =	vst v2;
	v2 =	vor.u32 $0x1, v7  }
0x47: {  	[tilespmem:$0x1FE20] =	vst v2;
	v2 =	vor.u32 $0x2, v7  }
0x48: {  	[tilespmem:$0x1FE30] =	vst v2;
	v2 =	vor.u32 $0x3, v7  }
0x49: {  	[tilespmem:$0x1FE50] =	vst v2;
	v2 =	vor.u32 $0x1, v8  }
0x4a: {  	[tilespmem:$0x1FE60] =	vst v2;
	v2 =	vor.u32 $0x2, v8  }
0x4b: {  	[tilespmem:$0x1FE70] =	vst v2;
	v2 =	vor.u32 $0x3, v8  }
0x4c: {  	[tilespmem:$0x1FE90] =	vst v2;
	v2 =	vor.u32 $0x1, v9  }
0x4d: {  	[tilespmem:$0x1FEA0] =	vst v2;
	v2 =	vor.u32 $0x2, v9  }
0x4e: {  	s4 =	rddreg [dreg:$0x0];
	[tilespmem:$0x1FEB0] =	vst v2;
	v2 =	vor.u32 $0x3, v9  }
0x4f: {  	s31 =	sand.u32 $0x40, s1;
	[dreg:$0x6] =	wrdreg s3;
	s0 =	sand.u32 $0x3F80, s0;
	[tilespmem:$0x1FED0] =	vst v2;
	v2 =	vor.u32 $0x1, v10  }
0x50: {  	[dreg:$0x7] =	wrdreg s20;
	s8 =	sand.u32 $0x3F80, s2;
	s0 =	sor.u32 s31, s0;
	[tilespmem:$0x1FEE0] =	vst v2;
	v2 =	vor.u32 $0x2, v10  }
0x51: {  	[dreg:$0x8] =	wrdreg s0;
	s0 =	sor.u32 s31, s8;
	[tilespmem:$0x1FEF0] =	vst v2;
	v2 =	vor.u32 $0x3, v10  }
0x52: {  	s23 =	srdreg.scid;
	[dreg:$0x9] =	wrdreg s0;
	[tilespmem:$0x1FF10] =	vst v2;
	v2 =	vor.u32 $0x1, v1  }
0x53: {  	s3 =	sand.u32 $0x1, s23;
	s23 =	rddreg [dreg:$0x3];
	v25 =	vadd.f32 $8.000000000e+01, v15;
	_ =	strace $0x80000047;
	[tilespmem:$0x1FF20] =	vst v2  }
0x54: {  	v34 =	vadd.f32 $9.600000000e+01, v15;
	[tilespmem:$0x1FF40] =	vst v1  }
0x55: {  	[tilespmem:$0x1FF60] =	vst v25  }
0x56: {  	v18 =	vadd.f32 $1.600000000e+01, v15;
	[tilespmem:$0x1FF70] =	vst v34  }
0x57: {  	v0 =	vadd.f32 $3.200000000e+01, v15;
	[tilespmem:$0x1FF80] =	vst v15  }
0x58: {  	v42 =	vadd.f32 $1.120000000e+02, v15;
	[tilespmem:$0x1FF90] =	vst v18  }
0x59: {  	s29 =	simm.s32 $0x0;
	v50 =	vadd.f32 $1.280000000e+02, v15;
	[tilespmem:$0x1FFA0] =	vst v0  }
0x5a: {  	vm1 =	vcmask $0x3F08;
	s30 =	simm.s32 $0x1;
	s20 =	sadd.s32 $0x400, s4;
	s5 =	ssub.s32 $0x2, s3;
	v48 =	vadd.f32 $1.440000000e+02, v15;
	[tilespmem:$0x1FFB0] =	vst v42  }
0x5b: {  	vm2 =	vcmask $0x3F04;
	s4 =	simm.s32 $0x0;
	s0 =	simm.s32 $0x6C00;
	s6 =	sshrl.u32 s5, $0x1;
	v60 =	vadd.f32 $4.800000000e+01, v15;
	v40 =	vadd.f32 $2.880000000e+02, v15;
	[tilespmem:$0x1FFC0] =	vst v50  }
.Ltmp0:
0x5c: {  	vm3 =	vmxor vm3, vm3;
	s3 =	sor.u32 s7, s3;
	s5 =	ssub.s32 s5, s6;
	v46 =	vadd.f32 $6.400000000e+01, v15;
	v43 =	vadd.f32 $3.040000000e+02, v15;
	[tilespmem:$0x1FFD0] =	vst v48;
	(pc) =	sbr.rel .LBB2_1-.Ltmp0, $4  }
0x5d: {  	p1 =	sne.s32 s3, $0x0;
	s31 =	smax.u32 s5, $0x1;
	vm0 =	vcmask $0x3F0C;
	v26 =	vadd.f32 $1.600000000e+02, v15;
	v27 =	vadd.f32 $1.760000000e+02, v15;
	[dreg:$0xa] =	wrdreg s20;
	[tilespmem:$0x1FFE0] =	vst v40  }
0x5e: {  	s2 =	simm.s32 @!p1 $0x0;
	s22 =	sshll.u32 s7, $0x6;
	v47 =	vadd.f32 $1.920000000e+02, v15;
	v31 =	vadd.f32 $2.080000000e+02, v15;
	[dreg:$0xb] =	wrdreg s31;
	v2 =	vor.u32 $0x2, v1;
	[tilespmem:$0x1FFF0] =	vst v43  }
0x5f: {  	s2 =	simm.s32 @p1 $0x1;
	s28 =	sshrl.u32 s22, $0x2;
	v35 =	vadd.f32 $2.240000000e+02, v15;
	v51 =	vadd.f32 $2.400000000e+02, v15;
	v1 =	vor.u32 $0x3, v1;
	[dreg:$0x5] =	wrdreg s19;
	[tilespmem:$0x1FF30] =	vst v2  }
0x60: {  	s22 =	simm.s32 $0x6B80;
	v38 =	vadd.f32 $2.560000000e+02, v15;
	v39 =	vadd.f32 $2.720000000e+02, v15;
	s20 =	simm.s32 $0x6D00;
	[smem:$0x7FD] =	sst s2;
	[tilespmem:$0x1FF50] =	vst v1;
	v2 =	vimm.f32 $0.0e+00  }
.LBB2_7:
0x61: {  	s9 =	smov.u32 s10  }
0x62: {  	s10 =	smov.u32 s11;
	s11 =	smov.u32 s12;
	s12 =	smov.u32 s13  }
0x63: {  	s13 =	smov.u32 s14;
	s14 =	smov.u32 s15;
	s15 =	smov.u32 s21  }
0x64: {  	s21 =	smov.u32 s16;
	s16 =	smov.u32 s24;
	s24 =	smov.u32 s25  }
0x65: {  	s25 =	smov.u32 s17;
	s17 =	smov.u32 s26;
	s26 =	smov.u32 s18  }
0x66: {  	[tilespmem:v1+s20+$0x0] =	vst.idx.msk $0x1f, v2;
	s18 =	smov.u32 s1;
	s1 =	smov.u32 s19;
	s19 =	rddreg [dreg:$0x5]  }
.LBB2_8:
0x67: {  	s2 =	rddreg [dreg:$0x2]  }
0x68: {  	[hbm4b:s2+s29] =	stream.linear.scatter [tilespmem:s20], [sflag:$0x1], $0x1F4, $0x38;
	[tilespmem:$0x6F20] =	vst v63  }
0x69: {  	_ =	swait.ge [sflag:s30], $0x1F4  }
0x6a: {  	[sflag:s30] =	ssyncset.done $0x0  }
0x6b: {  	s4 =	rddreg [dreg:$0xc];
	[sflag:s30] =	ssyncadd.s32 $0xFFFFFE0C  }
.LBB2_9:
0x6c: {  	s4 =	sadd.s32 $0x1, s4;
	s2 =	rddreg [dreg:$0xb]  }
0x6d: {  	p0 =	sne.s32 s4, s2  }
.Ltmp1:
0x6e: {  	_ = 	snop;
	(pc) =	sbr.rel @!p0 .LBB2_10-.Ltmp1, $1  }
0x6f: {  	_ =	sdelay $0x3  }
.LBB2_1:
0x70: {  	[tilespmem:$0x4E20] =	vst v2  }
0x71: {  	[tilespmem:$0x4E30] =	vst v2  }
0x72: {  	[tilespmem:$0x4E40] =	vst v2  }
0x73: {  	[tilespmem:$0x4E50] =	vst v2  }
0x74: {  	[tilespmem:$0x4E60] =	vst v2  }
0x75: {  	[tilespmem:$0x4E70] =	vst v2  }
0x76: {  	[tilespmem:$0x4E80] =	vst v2  }
0x77: {  	[tilespmem:$0x4E90] =	vst v2  }
0x78: {  	[tilespmem:$0x4EA0] =	vst v2  }
0x79: {  	[tilespmem:$0x4EB0] =	vst v2  }
0x7a: {  	[tilespmem:$0x4EC0] =	vst v2  }
0x7b: {  	[tilespmem:$0x4ED0] =	vst v2  }
0x7c: {  	[tilespmem:$0x4EE0] =	vst v2  }
0x7d: {  	[tilespmem:$0x4EF0] =	vst v2  }
0x7e: {  	[tilespmem:$0x4F00] =	vst v2  }
0x7f: {  	[tilespmem:$0x4F10] =	vst v2  }
0x80: {  	[tilespmem:$0x4F20] =	vst v2  }
0x81: {  	[tilespmem:$0x4F30] =	vst v2  }
0x82: {  	[tilespmem:$0x4F40] =	vst v2  }
0x83: {  	[tilespmem:$0x4F50] =	vst v2  }
0x84: {  	[tilespmem:$0x4F60] =	vst v2  }
0x85: {  	[tilespmem:$0x4F70] =	vst v2  }
0x86: {  	[tilespmem:$0x4F80] =	vst v2  }
0x87: {  	[tilespmem:$0x4F90] =	vst v2  }
0x88: {  	[tilespmem:$0x4FA0] =	vst v2  }
0x89: {  	[tilespmem:$0x4FB0] =	vst v2  }
0x8a: {  	[tilespmem:$0x4FC0] =	vst v2  }
0x8b: {  	[tilespmem:$0x4FD0] =	vst v2  }
0x8c: {  	[tilespmem:$0x4FE0] =	vst v2  }
0x8d: {  	[tilespmem:$0x4FF0] =	vst v2  }
0x8e: {  	[tilespmem:$0x6380] =	vst v2  }
0x8f: {  	[tilespmem:$0x6390] =	vst v2  }
0x90: {  	[tilespmem:$0x63A0] =	vst v2  }
0x91: {  	[tilespmem:$0x63B0] =	vst v2  }
0x92: {  	[tilespmem:$0x63C0] =	vst v2  }
0x93: {  	[tilespmem:$0x63D0] =	vst v2  }
0x94: {  	[dreg:$0xc] =	wrdreg s4;
	[tilespmem:$0x63E0] =	vst v2  }
0x95: {  	[tilespmem:$0x63F0] =	vst v2;
	s2 =	rddreg [dreg:$0xa]  }
0x96: {  	[tilespmem:s29], [sflag:$0x1] =	stream.linear.gather [hbm4b:s2+s29], $0x4E20, $0x38;
	[tilespmem:$0x6F20] =	vst v63  }
0x97: {  	_ =	swait.ge [sflag:s30], $0x4E20  }
0x98: {  	[sflag:s30] =	ssyncset.done $0x0  }
0x99: {  	[sflag:s30] =	ssyncadd.s32 $0xFFFFB1E0  }
0x9a: {  	s3 =	simm.s32 $0x5000;
	s4 =	rddreg [dreg:$0x1]  }
0x9b: {  	[tilespmem:s3], [sflag:$0x1] =	stream.linear.gather [hbm4b:s4+s29], $0x1388, $0x38;
	[tilespmem:$0x6F20] =	vst v63  }
0x9c: {  	_ =	swait.ge [sflag:s30], $0x1388  }
0x9d: {  	v1 =	vld [tilespmem:$0x1FA80]  }
0x9e: {  	v2 =	vld [tilespmem:$0x1FA60]  }
0x9f: {  	v3 =	vld [tilespmem:$0x1FA70]  }
0xa0: {  	v4 =	vld [tilespmem:$0x1FA90];
	_ =	sdelay $0x2  }
0xa1: {  	[sflag:s30] =	ssyncset.done $0x0  }
0xa2: {  	[sflag:s30] =	ssyncadd.s32 $0xFFFFEC78  }
0xa3: {  	v1 =	vld.idx.msk [tilespmem:v1+s29+$0x0], $0xffff  }
0xa4: {  	v2 =	vld.idx.msk [tilespmem:v2+s29+$0x0], $0xffff  }
0xa5: {  	v3 =	vld.idx.msk [tilespmem:v3+s29+$0x0], $0xffff  }
0xa6: {  	v4 =	vld.idx.msk [tilespmem:v4+s29+$0x0], $0xffff;
	_ =	sdelay $0x1  }
0xa7: {  	[tilespmem:$0x6400] =	vst v1  }
0xa8: {  	[tilespmem:$0x6580] =	vst v2  }
0xa9: {  	[tilespmem:$0x6700] =	vst v3  }
0xaa: {  	[tilespmem:$0x6880] =	vst v4  }
0xab: {  	v5 =	vld [tilespmem:s1+$0x5000];
	_ =	sdelay $0x3  }
0xac: {  	vm4 =	vgt.f32 v3, v1;
	vm5 =	vgt.f32 v4, v2  }
0xad: {  	v2 =	vld [tilespmem:$0x1FAA0];
	vm4 =	vmand vm4, vm5;
	vm5 =	vgt.f32 v5, $1.000000010e-01  }
0xae: {  	v3 =	vld [tilespmem:$0x1FAB0];
	vm4 =	vmand vm4, vm5  }
0xaf: {  	v4 =	vld [tilespmem:$0x1FAD0];
	v1 =	vnsel vm4, $0xFF800000, v5  }
0xb0: {  	[tilespmem:$0x6A00] =	vst v1;
	v1 =	vld [tilespmem:$0x1FAC0];
	_ =	sdelay $0x4  }
0xb1: {  	v2 =	vld.idx.msk [tilespmem:v2+s29+$0x0], $0xffff  }
0xb2: {  	v3 =	vld.idx.msk [tilespmem:v3+s29+$0x0], $0xffff  }
0xb3: {  	v4 =	vld.idx.msk [tilespmem:v4+s29+$0x0], $0xffff  }
0xb4: {  	v1 =	vld.idx.msk [tilespmem:v1+s29+$0x0], $0xffff;
	_ =	sdelay $0x1  }
0xb5: {  	[tilespmem:$0x6590] =	vst v2  }
0xb6: {  	[tilespmem:$0x6710] =	vst v3  }
0xb7: {  	[tilespmem:$0x6890] =	vst v4  }
0xb8: {  	[tilespmem:$0x6410] =	vst v1  }
0xb9: {  	v5 =	vld [tilespmem:s9+$0x5000];
	_ =	sdelay $0x3  }
0xba: {  	vm5 =	vgt.f32 v4, v2;
	vm4 =	vgt.f32 v3, v1  }
0xbb: {  	v2 =	vld [tilespmem:$0x1FAE0];
	vm4 =	vmand vm4, vm5;
	vm5 =	vgt.f32 v5, $1.000000010e-01  }
0xbc: {  	v3 =	vld [tilespmem:$0x1FAF0];
	vm4 =	vmand vm4, vm5  }
0xbd: {  	v4 =	vld [tilespmem:$0x1FB10];
	v1 =	vnsel vm4, $0xFF800000, v5  }
0xbe: {  	[tilespmem:$0x6A10] =	vst v1;
	v1 =	vld [tilespmem:$0x1FB00];
	_ =	sdelay $0x4  }
0xbf: {  	v2 =	vld.idx.msk [tilespmem:v2+s29+$0x0], $0xffff  }
0xc0: {  	v3 =	vld.idx.msk [tilespmem:v3+s29+$0x0], $0xffff  }
0xc1: {  	v4 =	vld.idx.msk [tilespmem:v4+s29+$0x0], $0xffff  }
0xc2: {  	v1 =	vld.idx.msk [tilespmem:v1+s29+$0x0], $0xffff;
	_ =	sdelay $0x1  }
0xc3: {  	[tilespmem:$0x65A0] =	vst v2  }
0xc4: {  	[tilespmem:$0x6720] =	vst v3  }
0xc5: {  	[tilespmem:$0x68A0] =	vst v4  }
0xc6: {  	[tilespmem:$0x6420] =	vst v1  }
0xc7: {  	v5 =	vld [tilespmem:s10+$0x5000];
	_ =	sdelay $0x3  }
0xc8: {  	vm5 =	vgt.f32 v4, v2;
	vm4 =	vgt.f32 v3, v1  }
0xc9: {  	v2 =	vld [tilespmem:$0x1FB20];
	vm4 =	vmand vm4, vm5;
	vm5 =	vgt.f32 v5, $1.000000010e-01  }
0xca: {  	v3 =	vld [tilespmem:$0x1FB30];
	vm4 =	vmand vm4, vm5  }
0xcb: {  	v4 =	vld [tilespmem:$0x1FB50];
	v1 =	vnsel vm4, $0xFF800000, v5  }
0xcc: {  	[tilespmem:$0x6A20] =	vst v1;
	v1 =	vld [tilespmem:$0x1FB40];
	_ =	sdelay $0x4  }
0xcd: {  	v2 =	vld.idx.msk [tilespmem:v2+s29+$0x0], $0xffff  }
0xce: {  	v3 =	vld.idx.msk [tilespmem:v3+s29+$0x0], $0xffff  }
0xcf: {  	v4 =	vld.idx.msk [tilespmem:v4+s29+$0x0], $0xffff  }
0xd0: {  	v1 =	vld.idx.msk [tilespmem:v1+s29+$0x0], $0xffff;
	_ =	sdelay $0x1  }
0xd1: {  	[tilespmem:$0x65B0] =	vst v2  }
0xd2: {  	[tilespmem:$0x6730] =	vst v3  }
0xd3: {  	[tilespmem:$0x68B0] =	vst v4  }
0xd4: {  	[tilespmem:$0x6430] =	vst v1  }
0xd5: {  	v5 =	vld [tilespmem:s11+$0x5000];
	_ =	sdelay $0x3  }
0xd6: {  	vm5 =	vgt.f32 v4, v2;
	vm4 =	vgt.f32 v3, v1  }
0xd7: {  	v2 =	vld [tilespmem:$0x1FB60];
	vm4 =	vmand vm4, vm5;
	vm5 =	vgt.f32 v5, $1.000000010e-01  }
0xd8: {  	v3 =	vld [tilespmem:$0x1FB70];
	vm4 =	vmand vm4, vm5  }
0xd9: {  	v4 =	vld [tilespmem:$0x1FB90];
	v1 =	vnsel vm4, $0xFF800000, v5  }
0xda: {  	[tilespmem:$0x6A30] =	vst v1;
	v1 =	vld [tilespmem:$0x1FB80];
	_ =	sdelay $0x4  }
0xdb: {  	v2 =	vld.idx.msk [tilespmem:v2+s29+$0x0], $0xffff  }
0xdc: {  	v3 =	vld.idx.msk [tilespmem:v3+s29+$0x0], $0xffff  }
0xdd: {  	v4 =	vld.idx.msk [tilespmem:v4+s29+$0x0], $0xffff  }
0xde: {  	v1 =	vld.idx.msk [tilespmem:v1+s29+$0x0], $0xffff;
	_ =	sdelay $0x1  }
0xdf: {  	[tilespmem:$0x65C0] =	vst v2  }
0xe0: {  	[tilespmem:$0x6740] =	vst v3  }
0xe1: {  	[tilespmem:$0x68C0] =	vst v4  }
0xe2: {  	[tilespmem:$0x6440] =	vst v1  }
0xe3: {  	v5 =	vld [tilespmem:s12+$0x5000];
	_ =	sdelay $0x3  }
0xe4: {  	vm5 =	vgt.f32 v4, v2;
	vm4 =	vgt.f32 v3, v1  }
0xe5: {  	v2 =	vld [tilespmem:$0x1FBA0];
	vm4 =	vmand vm4, vm5;
	vm5 =	vgt.f32 v5, $1.000000010e-01  }
0xe6: {  	v3 =	vld [tilespmem:$0x1FBB0];
	vm4 =	vmand vm4, vm5  }
0xe7: {  	v4 =	vld [tilespmem:$0x1FBD0];
	v1 =	vnsel vm4, $0xFF800000, v5  }
0xe8: {  	[tilespmem:$0x6A40] =	vst v1;
	v1 =	vld [tilespmem:$0x1FBC0];
	_ =	sdelay $0x4  }
0xe9: {  	v2 =	vld.idx.msk [tilespmem:v2+s29+$0x0], $0xffff  }
0xea: {  	v3 =	vld.idx.msk [tilespmem:v3+s29+$0x0], $0xffff  }
0xeb: {  	v4 =	vld.idx.msk [tilespmem:v4+s29+$0x0], $0xffff  }
0xec: {  	v1 =	vld.idx.msk [tilespmem:v1+s29+$0x0], $0xffff;
	_ =	sdelay $0x1  }
0xed: {  	[tilespmem:$0x65D0] =	vst v2  }
0xee: {  	[tilespmem:$0x6750] =	vst v3  }
0xef: {  	[tilespmem:$0x68D0] =	vst v4  }
0xf0: {  	[tilespmem:$0x6450] =	vst v1  }
0xf1: {  	v5 =	vld [tilespmem:s13+$0x5000];
	_ =	sdelay $0x3  }
0xf2: {  	vm5 =	vgt.f32 v4, v2;
	vm4 =	vgt.f32 v3, v1  }
0xf3: {  	v2 =	vld [tilespmem:$0x1FBE0];
	vm4 =	vmand vm4, vm5;
	vm5 =	vgt.f32 v5, $1.000000010e-01  }
0xf4: {  	v3 =	vld [tilespmem:$0x1FBF0];
	vm4 =	vmand vm4, vm5  }
0xf5: {  	v4 =	vld [tilespmem:$0x1FC10];
	v1 =	vnsel vm4, $0xFF800000, v5  }
0xf6: {  	[tilespmem:$0x6A50] =	vst v1;
	v1 =	vld [tilespmem:$0x1FC00];
	_ =	sdelay $0x4  }
0xf7: {  	v2 =	vld.idx.msk [tilespmem:v2+s29+$0x0], $0xffff  }
0xf8: {  	v3 =	vld.idx.msk [tilespmem:v3+s29+$0x0], $0xffff  }
0xf9: {  	v4 =	vld.idx.msk [tilespmem:v4+s29+$0x0], $0xffff  }
0xfa: {  	v1 =	vld.idx.msk [tilespmem:v1+s29+$0x0], $0xffff;
	_ =	sdelay $0x1  }
0xfb: {  	[tilespmem:$0x65E0] =	vst v2  }
0xfc: {  	[tilespmem:$0x6760] =	vst v3  }
0xfd: {  	[tilespmem:$0x68E0] =	vst v4  }
0xfe: {  	[tilespmem:$0x6460] =	vst v1  }
0xff: {  	v5 =	vld [tilespmem:s14+$0x5000];
	_ =	sdelay $0x3  }
0x100: {  	vm5 =	vgt.f32 v4, v2;
	vm4 =	vgt.f32 v3, v1  }
0x101: {  	v2 =	vld [tilespmem:$0x1FC20];
	vm4 =	vmand vm4, vm5;
	vm5 =	vgt.f32 v5, $1.000000010e-01  }
0x102: {  	v3 =	vld [tilespmem:$0x1FC30];
	vm4 =	vmand vm4, vm5  }
0x103: {  	v4 =	vld [tilespmem:$0x1FC50];
	v1 =	vnsel vm4, $0xFF800000, v5  }
0x104: {  	[tilespmem:$0x6A60] =	vst v1;
	v1 =	vld [tilespmem:$0x1FC40];
	_ =	sdelay $0x4  }
0x105: {  	v2 =	vld.idx.msk [tilespmem:v2+s29+$0x0], $0xffff  }
0x106: {  	v3 =	vld.idx.msk [tilespmem:v3+s29+$0x0], $0xffff  }
0x107: {  	v4 =	vld.idx.msk [tilespmem:v4+s29+$0x0], $0xffff  }
0x108: {  	v1 =	vld.idx.msk [tilespmem:v1+s29+$0x0], $0xffff;
	_ =	sdelay $0x1  }
0x109: {  	[tilespmem:$0x65F0] =	vst v2  }
0x10a: {  	[tilespmem:$0x6770] =	vst v3  }
0x10b: {  	[tilespmem:$0x68F0] =	vst v4  }
0x10c: {  	[tilespmem:$0x6470] =	vst v1  }
0x10d: {  	v5 =	vld [tilespmem:s15+$0x5000];
	_ =	sdelay $0x3  }
0x10e: {  	vm5 =	vgt.f32 v4, v2;
	vm4 =	vgt.f32 v3, v1  }
0x10f: {  	v2 =	vld [tilespmem:$0x1FC60];
	vm4 =	vmand vm4, vm5;
	vm5 =	vgt.f32 v5, $1.000000010e-01  }
0x110: {  	v3 =	vld [tilespmem:$0x1FC70];
	vm4 =	vmand vm4, vm5  }
0x111: {  	v4 =	vld [tilespmem:$0x1FC90];
	v1 =	vnsel vm4, $0xFF800000, v5  }
0x112: {  	[tilespmem:$0x6A70] =	vst v1;
	v1 =	vld [tilespmem:$0x1FC80];
	_ =	sdelay $0x4  }
0x113: {  	v2 =	vld.idx.msk [tilespmem:v2+s29+$0x0], $0xffff  }
0x114: {  	v3 =	vld.idx.msk [tilespmem:v3+s29+$0x0], $0xffff  }
0x115: {  	v4 =	vld.idx.msk [tilespmem:v4+s29+$0x0], $0xffff  }
0x116: {  	v1 =	vld.idx.msk [tilespmem:v1+s29+$0x0], $0xffff;
	_ =	sdelay $0x1  }
0x117: {  	[tilespmem:$0x6600] =	vst v2  }
0x118: {  	[tilespmem:$0x6780] =	vst v3  }
0x119: {  	[tilespmem:$0x6900] =	vst v4  }
0x11a: {  	s5 =	rddreg [dreg:$0x8];
	[tilespmem:$0x6480] =	vst v1  }
0x11b: {  	v5 =	vld [tilespmem:s5+$0x5000];
	_ =	sdelay $0x3  }
0x11c: {  	vm5 =	vgt.f32 v4, v2;
	vm4 =	vgt.f32 v3, v1  }
0x11d: {  	v2 =	vld [tilespmem:$0x1FCA0];
	vm4 =	vmand vm4, vm5;
	vm5 =	vgt.f32 v5, $1.000000010e-01  }
0x11e: {  	v3 =	vld [tilespmem:$0x1FCB0];
	vm4 =	vmand vm4, vm5  }
0x11f: {  	v4 =	vld [tilespmem:$0x1FCD0];
	v1 =	vnsel vm4, $0xFF800000, v5  }
0x120: {  	[tilespmem:$0x6A80] =	vst v1;
	v1 =	vld [tilespmem:$0x1FCC0];
	_ =	sdelay $0x4  }
0x121: {  	v2 =	vld.idx.msk [tilespmem:v2+s29+$0x0], $0xffff  }
0x122: {  	v3 =	vld.idx.msk [tilespmem:v3+s29+$0x0], $0xffff  }
0x123: {  	v4 =	vld.idx.msk [tilespmem:v4+s29+$0x0], $0xffff  }
0x124: {  	v1 =	vld.idx.msk [tilespmem:v1+s29+$0x0], $0xffff;
	_ =	sdelay $0x1  }
0x125: {  	[tilespmem:$0x6610] =	vst v2  }
0x126: {  	[tilespmem:$0x6790] =	vst v3  }
0x127: {  	[tilespmem:$0x6910] =	vst v4  }
0x128: {  	[tilespmem:$0x6490] =	vst v1  }
0x129: {  	v5 =	vld [tilespmem:s21+$0x5000];
	_ =	sdelay $0x3  }
0x12a: {  	vm5 =	vgt.f32 v4, v2;
	vm4 =	vgt.f32 v3, v1  }
0x12b: {  	v2 =	vld [tilespmem:$0x1FCE0];
	vm4 =	vmand vm4, vm5;
	vm5 =	vgt.f32 v5, $1.000000010e-01  }
0x12c: {  	v3 =	vld [tilespmem:$0x1FCF0];
	vm4 =	vmand vm4, vm5  }
0x12d: {  	v4 =	vld [tilespmem:$0x1FD10];
	v1 =	vnsel vm4, $0xFF800000, v5  }
0x12e: {  	[tilespmem:$0x6A90] =	vst v1;
	v1 =	vld [tilespmem:$0x1FD00];
	_ =	sdelay $0x4  }
0x12f: {  	v2 =	vld.idx.msk [tilespmem:v2+s29+$0x0], $0xffff  }
0x130: {  	v3 =	vld.idx.msk [tilespmem:v3+s29+$0x0], $0xffff  }
0x131: {  	v4 =	vld.idx.msk [tilespmem:v4+s29+$0x0], $0xffff  }
0x132: {  	v1 =	vld.idx.msk [tilespmem:v1+s29+$0x0], $0xffff;
	_ =	sdelay $0x1  }
0x133: {  	[tilespmem:$0x6620] =	vst v2  }
0x134: {  	[tilespmem:$0x67A0] =	vst v3  }
0x135: {  	[tilespmem:$0x6920] =	vst v4  }
0x136: {  	[tilespmem:$0x64A0] =	vst v1  }
0x137: {  	v5 =	vld [tilespmem:s16+$0x5000];
	_ =	sdelay $0x3  }
0x138: {  	vm5 =	vgt.f32 v4, v2;
	vm4 =	vgt.f32 v3, v1  }
0x139: {  	v2 =	vld [tilespmem:$0x1FD20];
	vm4 =	vmand vm4, vm5;
	vm5 =	vgt.f32 v5, $1.000000010e-01  }
0x13a: {  	v3 =	vld [tilespmem:$0x1FD30];
	vm4 =	vmand vm4, vm5  }
0x13b: {  	v4 =	vld [tilespmem:$0x1FD50];
	v1 =	vnsel vm4, $0xFF800000, v5  }
0x13c: {  	[tilespmem:$0x6AA0] =	vst v1;
	v1 =	vld [tilespmem:$0x1FD40];
	_ =	sdelay $0x4  }
0x13d: {  	v2 =	vld.idx.msk [tilespmem:v2+s29+$0x0], $0xffff  }
0x13e: {  	v3 =	vld.idx.msk [tilespmem:v3+s29+$0x0], $0xffff  }
0x13f: {  	v4 =	vld.idx.msk [tilespmem:v4+s29+$0x0], $0xffff  }
0x140: {  	v1 =	vld.idx.msk [tilespmem:v1+s29+$0x0], $0xffff;
	_ =	sdelay $0x1  }
0x141: {  	[tilespmem:$0x6630] =	vst v2  }
0x142: {  	[tilespmem:$0x67B0] =	vst v3  }
0x143: {  	[tilespmem:$0x6930] =	vst v4  }
0x144: {  	[tilespmem:$0x64B0] =	vst v1  }
0x145: {  	v5 =	vld [tilespmem:s24+$0x5000];
	_ =	sdelay $0x3  }
0x146: {  	vm5 =	vgt.f32 v4, v2;
	vm4 =	vgt.f32 v3, v1  }
0x147: {  	v2 =	vld [tilespmem:$0x1FD60];
	vm4 =	vmand vm4, vm5;
	vm5 =	vgt.f32 v5, $1.000000010e-01  }
0x148: {  	v3 =	vld [tilespmem:$0x1FD70];
	vm4 =	vmand vm4, vm5  }
0x149: {  	v4 =	vld [tilespmem:$0x1FD90];
	v1 =	vnsel vm4, $0xFF800000, v5  }
0x14a: {  	[tilespmem:$0x6AB0] =	vst v1;
	v1 =	vld [tilespmem:$0x1FD80];
	_ =	sdelay $0x4  }
0x14b: {  	v2 =	vld.idx.msk [tilespmem:v2+s29+$0x0], $0xffff  }
0x14c: {  	v3 =	vld.idx.msk [tilespmem:v3+s29+$0x0], $0xffff  }
0x14d: {  	v4 =	vld.idx.msk [tilespmem:v4+s29+$0x0], $0xffff  }
0x14e: {  	v1 =	vld.idx.msk [tilespmem:v1+s29+$0x0], $0xffff;
	_ =	sdelay $0x1  }
0x14f: {  	[tilespmem:$0x6640] =	vst v2  }
0x150: {  	[tilespmem:$0x67C0] =	vst v3  }
0x151: {  	[tilespmem:$0x6940] =	vst v4  }
0x152: {  	[tilespmem:$0x64C0] =	vst v1  }
0x153: {  	v5 =	vld [tilespmem:s25+$0x5000];
	_ =	sdelay $0x3  }
0x154: {  	vm5 =	vgt.f32 v4, v2;
	vm4 =	vgt.f32 v3, v1  }
0x155: {  	v2 =	vld [tilespmem:$0x1FDA0];
	vm4 =	vmand vm4, vm5;
	vm5 =	vgt.f32 v5, $1.000000010e-01  }
0x156: {  	v3 =	vld [tilespmem:$0x1FDB0];
	vm4 =	vmand vm4, vm5  }
0x157: {  	v4 =	vld [tilespmem:$0x1FDD0];
	v1 =	vnsel vm4, $0xFF800000, v5  }
0x158: {  	[tilespmem:$0x6AC0] =	vst v1;
	v1 =	vld [tilespmem:$0x1FDC0];
	_ =	sdelay $0x4  }
0x159: {  	v2 =	vld.idx.msk [tilespmem:v2+s29+$0x0], $0xffff  }
0x15a: {  	v3 =	vld.idx.msk [tilespmem:v3+s29+$0x0], $0xffff  }
0x15b: {  	v4 =	vld.idx.msk [tilespmem:v4+s29+$0x0], $0xffff  }
0x15c: {  	v1 =	vld.idx.msk [tilespmem:v1+s29+$0x0], $0xffff;
	_ =	sdelay $0x1  }
0x15d: {  	[tilespmem:$0x6650] =	vst v2  }
0x15e: {  	[tilespmem:$0x67D0] =	vst v3  }
0x15f: {  	[tilespmem:$0x6950] =	vst v4  }
0x160: {  	[tilespmem:$0x64D0] =	vst v1  }
0x161: {  	v5 =	vld [tilespmem:s17+$0x5000];
	_ =	sdelay $0x3  }
0x162: {  	vm5 =	vgt.f32 v4, v2;
	vm4 =	vgt.f32 v3, v1  }
0x163: {  	v2 =	vld [tilespmem:$0x1FDE0];
	vm4 =	vmand vm4, vm5;
	vm5 =	vgt.f32 v5, $1.000000010e-01  }
0x164: {  	v3 =	vld [tilespmem:$0x1FDF0];
	vm4 =	vmand vm4, vm5  }
0x165: {  	v4 =	vld [tilespmem:$0x1FE10];
	v1 =	vnsel vm4, $0xFF800000, v5  }
0x166: {  	[tilespmem:$0x6AD0] =	vst v1;
	v1 =	vld [tilespmem:$0x1FE00];
	_ =	sdelay $0x4  }
0x167: {  	v2 =	vld.idx.msk [tilespmem:v2+s29+$0x0], $0xffff  }
0x168: {  	v3 =	vld.idx.msk [tilespmem:v3+s29+$0x0], $0xffff  }
0x169: {  	v4 =	vld.idx.msk [tilespmem:v4+s29+$0x0], $0xffff  }
0x16a: {  	v1 =	vld.idx.msk [tilespmem:v1+s29+$0x0], $0xffff;
	_ =	sdelay $0x1  }
0x16b: {  	[tilespmem:$0x6660] =	vst v2  }
0x16c: {  	[tilespmem:$0x67E0] =	vst v3  }
0x16d: {  	[tilespmem:$0x6960] =	vst v4  }
0x16e: {  	[tilespmem:$0x64E0] =	vst v1  }
0x16f: {  	v5 =	vld [tilespmem:s26+$0x5000];
	_ =	sdelay $0x3  }
0x170: {  	vm5 =	vgt.f32 v4, v2;
	vm4 =	vgt.f32 v3, v1  }
0x171: {  	v2 =	vld [tilespmem:$0x1FE20];
	vm4 =	vmand vm4, vm5;
	vm5 =	vgt.f32 v5, $1.000000010e-01  }
0x172: {  	v3 =	vld [tilespmem:$0x1FE30];
	vm4 =	vmand vm4, vm5  }
0x173: {  	v4 =	vld [tilespmem:$0x1FE50];
	v1 =	vnsel vm4, $0xFF800000, v5  }
0x174: {  	[tilespmem:$0x6AE0] =	vst v1;
	v1 =	vld [tilespmem:$0x1FE40];
	_ =	sdelay $0x4  }
0x175: {  	v2 =	vld.idx.msk [tilespmem:v2+s29+$0x0], $0xffff  }
0x176: {  	v3 =	vld.idx.msk [tilespmem:v3+s29+$0x0], $0xffff  }
0x177: {  	v4 =	vld.idx.msk [tilespmem:v4+s29+$0x0], $0xffff  }
0x178: {  	v1 =	vld.idx.msk [tilespmem:v1+s29+$0x0], $0xffff;
	_ =	sdelay $0x1  }
0x179: {  	[tilespmem:$0x6670] =	vst v2  }
0x17a: {  	[tilespmem:$0x67F0] =	vst v3  }
0x17b: {  	[tilespmem:$0x6970] =	vst v4  }
0x17c: {  	[tilespmem:$0x64F0] =	vst v1  }
0x17d: {  	v5 =	vld [tilespmem:s18+$0x5000];
	_ =	sdelay $0x3  }
0x17e: {  	vm5 =	vgt.f32 v4, v2;
	vm4 =	vgt.f32 v3, v1  }
0x17f: {  	v2 =	vld [tilespmem:$0x1FE60];
	vm4 =	vmand vm4, vm5;
	vm5 =	vgt.f32 v5, $1.000000010e-01  }
0x180: {  	v3 =	vld [tilespmem:$0x1FE70];
	vm4 =	vmand vm4, vm5  }
0x181: {  	v4 =	vld [tilespmem:$0x1FE90];
	v1 =	vnsel vm4, $0xFF800000, v5  }
0x182: {  	[tilespmem:$0x6AF0] =	vst v1;
	v1 =	vld [tilespmem:$0x1FE80];
	_ =	sdelay $0x4  }
0x183: {  	v2 =	vld.idx.msk [tilespmem:v2+s29+$0x0], $0xffff  }
0x184: {  	v3 =	vld.idx.msk [tilespmem:v3+s29+$0x0], $0xffff  }
0x185: {  	v4 =	vld.idx.msk [tilespmem:v4+s29+$0x0], $0xffff  }
0x186: {  	v1 =	vld.idx.msk [tilespmem:v1+s29+$0x0], $0xffff;
	_ =	sdelay $0x1  }
0x187: {  	[tilespmem:$0x6680] =	vst v2  }
0x188: {  	[tilespmem:$0x6800] =	vst v3  }
0x189: {  	[tilespmem:$0x6980] =	vst v4  }
0x18a: {  	s6 =	rddreg [dreg:$0x9];
	[tilespmem:$0x6500] =	vst v1  }
0x18b: {  	v5 =	vld [tilespmem:s6+$0x5000];
	_ =	sdelay $0x3  }
0x18c: {  	vm5 =	vgt.f32 v4, v2;
	vm4 =	vgt.f32 v3, v1  }
0x18d: {  	v2 =	vld [tilespmem:$0x1FEA0];
	vm4 =	vmand vm4, vm5;
	vm5 =	vgt.f32 v5, $1.000000010e-01  }
0x18e: {  	v3 =	vld [tilespmem:$0x1FEB0];
	vm4 =	vmand vm4, vm5  }
0x18f: {  	v4 =	vld [tilespmem:$0x1FED0];
	v1 =	vnsel vm4, $0xFF800000, v5  }
0x190: {  	[tilespmem:$0x6B00] =	vst v1;
	v1 =	vld [tilespmem:$0x1FEC0];
	_ =	sdelay $0x4  }
0x191: {  	v2 =	vld.idx.msk [tilespmem:v2+s29+$0x0], $0xffff  }
0x192: {  	v3 =	vld.idx.msk [tilespmem:v3+s29+$0x0], $0xffff  }
0x193: {  	v4 =	vld.idx.msk [tilespmem:v4+s29+$0x0], $0xffff  }
0x194: {  	v1 =	vld.idx.msk [tilespmem:v1+s29+$0x0], $0xffff;
	_ =	sdelay $0x1  }
0x195: {  	[tilespmem:$0x6690] =	vst v2  }
0x196: {  	[tilespmem:$0x6810] =	vst v3  }
0x197: {  	[tilespmem:$0x6990] =	vst v4  }
0x198: {  	[tilespmem:$0x6510] =	vst v1  }
0x199: {  	v5 =	vld [tilespmem:s19+$0x5000];
	_ =	sdelay $0x3  }
0x19a: {  	vm5 =	vgt.f32 v4, v2;
	vm4 =	vgt.f32 v3, v1  }
0x19b: {  	v2 =	vld [tilespmem:$0x1FEE0];
	vm4 =	vmand vm4, vm5;
	vm5 =	vgt.f32 v5, $1.000000010e-01  }
0x19c: {  	v3 =	vld [tilespmem:$0x1FEF0];
	vm4 =	vmand vm4, vm5  }
0x19d: {  	v4 =	vld [tilespmem:$0x1FF10];
	v1 =	vnsel vm4, $0xFF800000, v5  }
0x19e: {  	[tilespmem:$0x6B10] =	vst v1;
	v1 =	vld [tilespmem:$0x1FF00];
	_ =	sdelay $0x4  }
0x19f: {  	v2 =	vld.idx.msk [tilespmem:v2+s29+$0x0], $0xffff  }
0x1a0: {  	v3 =	vld.idx.msk [tilespmem:v3+s29+$0x0], $0xffff  }
0x1a1: {  	v4 =	vld.idx.msk [tilespmem:v4+s29+$0x0], $0xffff  }
0x1a2: {  	v1 =	vld.idx.msk [tilespmem:v1+s29+$0x0], $0xffff;
	_ =	sdelay $0x1  }
0x1a3: {  	[tilespmem:$0x66A0] =	vst v2  }
0x1a4: {  	[tilespmem:$0x6820] =	vst v3  }
0x1a5: {  	[tilespmem:$0x69A0] =	vst v4  }
0x1a6: {  	s7 =	rddreg [dreg:$0x6];
	[tilespmem:$0x6520] =	vst v1  }
0x1a7: {  	v5 =	vld [tilespmem:s7+$0x5000];
	_ =	sdelay $0x3  }
0x1a8: {  	vm5 =	vgt.f32 v4, v2;
	vm4 =	vgt.f32 v3, v1  }
0x1a9: {  	v2 =	vld [tilespmem:$0x1FF20];
	vm4 =	vmand vm4, vm5;
	vm5 =	vgt.f32 v5, $1.000000010e-01  }
0x1aa: {  	v3 =	vld [tilespmem:$0x1FF30];
	vm4 =	vmand vm4, vm5  }
0x1ab: {  	v4 =	vld [tilespmem:$0x1FF50];
	v1 =	vnsel vm4, $0xFF800000, v5  }
0x1ac: {  	[tilespmem:$0x6B20] =	vst v1;
	v1 =	vld [tilespmem:$0x1FF40];
	_ =	sdelay $0x4  }
0x1ad: {  	v2 =	vld.idx.msk [tilespmem:v2+s29+$0x0], $0xffff  }
0x1ae: {  	v3 =	vld.idx.msk [tilespmem:v3+s29+$0x0], $0xffff  }
0x1af: {  	v4 =	vld.idx.msk [tilespmem:v4+s29+$0x0], $0xffff  }
0x1b0: {  	v1 =	vld.idx.msk [tilespmem:v1+s29+$0x0], $0xffff;
	_ =	sdelay $0x1  }
0x1b1: {  	[tilespmem:$0x66B0] =	vst v2  }
0x1b2: {  	[tilespmem:$0x6830] =	vst v3  }
0x1b3: {  	[tilespmem:$0x69B0] =	vst v4  }
0x1b4: {  	s8 =	rddreg [dreg:$0x7];
	[tilespmem:$0x6530] =	vst v1  }
0x1b5: {  	v32 =	vimm.f32 $0.0e+00;
	v21 =	vimm.f32 $0.0e+00;
	v5 =	vld [tilespmem:s8+$0x5000]  }
0x1b6: {  	v24 =	vimm.f32 $0.0e+00;
	v29 =	vimm.f32 $0.0e+00;
	v37 =	vimm.f32 $0.0e+00  }
0x1b7: {  	v10 =	vimm.f32 $0.0e+00;
	v11 =	vimm.f32 $0.0e+00;
	v13 =	vimm.f32 $0.0e+00  }
0x1b8: {  	v14 =	vimm.f32 $0.0e+00;
	v16 =	vimm.f32 $0.0e+00;
	v6 =	vimm.f32 $0.0e+00  }
0x1b9: {  	v7 =	vimm.f32 $0.0e+00;
	vm5 =	vgt.f32 v4, v2;
	vm4 =	vgt.f32 v3, v1  }
0x1ba: {  	v8 =	vimm.f32 $0.0e+00;
	vm4 =	vmand vm4, vm5;
	vm5 =	vgt.f32 v5, $1.000000010e-01  }
0x1bb: {  	v53 =	vimm.f32 $0.0e+00;
	v54 =	vimm.f32 $0.0e+00;
	vm4 =	vmand vm4, vm5  }
0x1bc: {  	v62 =	vimm.f32 $0.0e+00;
	v55 =	vimm.f32 $0.0e+00;
	v1 =	vnsel vm4, $0xFF800000, v5  }
0x1bd: {  	s31 =	simm.s32 $0x0;
	s4 =	simm.s32 $0x0;
	v2 =	vimm.f32 $0.0e+00;
	v3 =	vimm.f32 $0.0e+00;
	v5 =	vimm.f32 $0.0e+00;
	[tilespmem:$0x6B30] =	vst v1  }
.LBB2_2:
0x1be: {  	v1 =	vld [tilespmem:$0x6400]  }
0x1bf: {  	v4 =	vld [tilespmem:$0x6580]  }
0x1c0: {  	v9 =	vld [tilespmem:$0x6700]  }
0x1c1: {  	v12 =	vld [tilespmem:$0x6880];
	_ =	sdelay $0x3  }
0x1c2: {  	v17 =	vsub.f32 v9, v1  }
0x1c3: {  	v20 =	vsub.f32 v12, v4;
	v25 =	vmax.f32 v1, v2;
	v28 =	vmax.f32 v4, v55  }
0x1c4: {  	v59 =	vld [tilespmem:$0x6410];
	v33 =	vmin.f32 v9, v62;
	v36 =	vmin.f32 v12, v54;
	v48 =	vmax.f32 v4, v7  }
0x1c5: {  	v63 =	vld [tilespmem:$0x6890];
	v49 =	vmin.f32 v9, v6;
	v40 =	vmin.f32 v12, v5;
	v52 =	vmax.f32 v1, v16  }
0x1c6: {  	v56 =	vmax.f32 v4, v14;
	v41 =	vmin.f32 v9, v13;
	v44 =	vmin.f32 v12, v11  }
0x1c7: {  	v4 =	vmax.f32 v4, v29;
	v25 =	vsub.f32 v33, v25;
	v28 =	vsub.f32 v36, v28  }
0x1c8: {  	v12 =	vmin.f32 v12, v21;
	v33 =	vsub.f32 v40, v48;
	v36 =	vsub.f32 v41, v52  }
0x1c9: {  	v9 =	vmin.f32 v9, v24;
	v40 =	vsub.f32 v44, v56;
	v4 =	vsub.f32 v12, v4  }
0x1ca: {  	v52 =	vmin.f32 v63, v11;
	v56 =	vmax.f32 v59, v37;
	v17 =	vmul.f32 v20, v17  }
0x1cb: {  	v20 =	vmax.f32 v25, $0.0e+00;
	v25 =	vmax.f32 v28, $0.0e+00;
	v28 =	vmax.f32 v1, v8  }
0x1cc: {  	v1 =	vmax.f32 v1, v37;
	v12 =	vmax.f32 v36, $0.0e+00;
	v57 =	vmax.f32 v40, $0.0e+00  }
0x1cd: {  	v61 =	vld [tilespmem:$0x6710];
	v4 =	vmax.f32 v4, $0.0e+00;
	v20 =	vmul.f32 v25, v20;
	v1 =	vsub.f32 v9, v1  }
0x1ce: {  	v25 =	vadd.f32 v17, v53;
	v28 =	vsub.f32 v49, v28;
	v9 =	vmax.f32 v33, $0.0e+00  }
0x1cf: {  	v41 =	vld [tilespmem:$0x6720];
	v12 =	vmul.f32 v57, v12;
	v58 =	vadd.f32 v17, v10;
	v1 =	vmax.f32 v1, $0.0e+00  }
0x1d0: {  	v28 =	vmax.f32 v28, $0.0e+00;
	v25 =	vsub.f32 v25, v20;
	v1 =	vmul.f32 v4, v1  }
0x1d1: {  	v4 =	vadd.f32 v17, v32;
	v9 =	vmul.f32 v9, v28;
	v17 =	vadd.f32 v17, v3  }
0x1d2: {  	v49 =	vmin.f32 v61, v13;
	v57 =	vmin.f32 v61, v24;
	v33 =	vsub.f32 v58, v12  }
0x1d3: {  	v28 =	vld [tilespmem:$0x6590];
	v25 =	vmul.f32 $3.000000120e-01, v25;
	v4 =	vsub.f32 v4, v1;
	v17 =	vsub.f32 v17, v9  }
0x1d4: {  	v58 =	vmin.f32 v63, v21;
	v42 =	vmin.f32 v41, v6;
	v33 =	vmul.f32 $3.000000120e-01, v33  }
0x1d5: {  	vm4 =	vgt.f32 v20, v25;
	v4 =	vmul.f32 $3.000000120e-01, v4;
	v17 =	vmul.f32 $3.000000120e-01, v17  }
0x1d6: {  	vm5 =	vgt.f32 v12, v33;
	v12 =	vmin.f32 v63, v54;
	v20 =	vmin.f32 v61, v6  }
0x1d7: {  	v25 =	vmin.f32 v63, v5;
	vm6 =	vgt.f32 v1, v4;
	vm7 =	vgt.f32 v9, v17  }
0x1d8: {  	v48 =	vld [tilespmem:$0x6A00];
	v1 =	vmax.f32 v59, v2;
	v4 =	vmax.f32 v28, v55;
	v9 =	vmin.f32 v61, v62  }
0x1d9: {  	v17 =	vsub.f32 v63, v28;
	vm5 =	vmor vm6, vm5;
	v9 =	vsub.f32 v9, v1  }
0x1da: {  	v36 =	vld [tilespmem:$0x6420];
	v4 =	vsub.f32 v12, v4;
	v12 =	vsub.f32 v61, v59;
	vm5 =	vmor vm5, vm7  }
0x1db: {  	v33 =	vsub.f32 v57, v56;
	v56 =	vmin.f32 v41, v13;
	vm4 =	vmor vm5, vm4  }
0x1dc: {  	v9 =	vmax.f32 v9, $0.0e+00;
	v4 =	vmax.f32 v4, $0.0e+00;
	v12 =	vmul.f32 v17, v12  }
0x1dd: {  	v63 =	vld [tilespmem:$0x68A0];
	v17 =	vmax.f32 v28, v7;
	v1 =	vsel vm4, $0xFF800000, v48;
	v4 =	vmul.f32 v4, v9  }
0x1de: {  	v9 =	vmax.f32 v59, v8;
	v17 =	vsub.f32 v25, v17;
	v25 =	vmax.f32 v28, v14  }
0x1df: {  	v28 =	vmax.f32 v28, v29;
	v48 =	vmax.f32 v36, v16;
	v9 =	vsub.f32 v20, v9  }
0x1e0: {  	v20 =	vmax.f32 v59, v16;
	v25 =	vsub.f32 v52, v25;
	v28 =	vsub.f32 v58, v28  }
0x1e1: {  	v59 =	vadd.f32 v12, v10;
	v61 =	vadd.f32 v12, v53;
	vm4 =	vlt.f32 v1, $-Inf  }
0x1e2: {  	vm5 =	vgt.f32 v1, $-Inf;
	v45 =	vmin.f32 v1, $-Inf;
	v52 =	vmin.f32 v63, v5  }
0x1e3: {  	v57 =	vmin.f32 v63, v11;
	v44 =	vmin.f32 v63, v21;
	v20 =	vsub.f32 v49, v20  }
0x1e4: {  	v17 =	vmax.f32 v17, $0.0e+00;
	v9 =	vmax.f32 v9, $0.0e+00;
	v25 =	vmax.f32 v25, $0.0e+00  }
0x1e5: {  	v28 =	vmax.f32 v28, $0.0e+00;
	v40 =	vsub.f32 v61, v4;
	v20 =	vmax.f32 v20, $0.0e+00  }
0x1e6: {  	v9 =	vmul.f32 v17, v9;
	v20 =	vmul.f32 v25, v20;
	v25 =	vmax.f32 v33, $0.0e+00  }
0x1e7: {  	v17 =	vld [tilespmem:$0x65A0];
	v25 =	vmul.f32 v28, v25;
	v28 =	vadd.f32 v12, v32;
	v12 =	vadd.f32 v12, v3  }
0x1e8: {  	vm4 =	vmor vm5, vm4;
	v40 =	vmul.f32 $3.000000120e-01, v40;
	v33 =	vsub.f32 v59, v20  }
0x1e9: {  	v49 =	vnsel vm4, $0xFF800000, v1;
	v28 =	vsub.f32 v28, v25;
	v12 =	vsub.f32 v12, v9  }
0x1ea: {  	vm14 =	vgt.f32 v4, v40;
	v4 =	vsub.f32 v41, v36;
	v33 =	vmul.f32 $3.000000120e-01, v33  }
0x1eb: {  	v40 =	vmin.f32 v63, v54;
	v28 =	vmul.f32 $3.000000120e-01, v28;
	v12 =	vmul.f32 $3.000000120e-01, v12  }
0x1ec: {  	v61 =	vmax.f32 v17, v14;
	vm5 =	vgt.f32 v20, v33;
	v33 =	vsub.f32 v56, v48  }
0x1ed: {  	vm13 =	vgt.f32 v25, v28;
	vm8 =	vgt.f32 v9, v12;
	v9 =	vsub.f32 v63, v17  }
0x1ee: {  	v20 =	vld [tilespmem:$0x6A10];
	v12 =	vmax.f32 v36, v2;
	v25 =	vmax.f32 v17, v55;
	v28 =	vmin.f32 v41, v62  }
0x1ef: {  	v41 =	vmin.f32 v41, v24;
	vm5 =	vmor vm13, vm5;
	v12 =	vsub.f32 v28, v12  }
0x1f0: {  	v25 =	vsub.f32 v40, v25;
	v28 =	vnsel vm4, $0x4E6E6B28, v15;
	vm5 =	vmor vm5, vm8  }
0x1f1: {  	v4 =	vmul.f32 v9, v4;
	vm4 =	vmor vm5, vm14;
	v9 =	vmax.f32 v12, $0.0e+00  }
0x1f2: {  	v12 =	vmax.f32 v25, $0.0e+00;
	v25 =	vmax.f32 v17, v7;
	v17 =	vmax.f32 v17, v29  }
0x1f3: {  	v43 =	vsel vm4, $0xFF800000, v20;
	v9 =	vmul.f32 v12, v9;
	v12 =	vadd.f32 v4, v53  }
0x1f4: {  	v20 =	vmax.f32 v36, v8;
	v25 =	vsub.f32 v52, v25;
	v52 =	vsub.f32 v57, v61  }
0x1f5: {  	v36 =	vmax.f32 v36, v37;
	v17 =	vsub.f32 v44, v17;
	v34 =	vadd.f32 v4, v10  }
0x1f6: {  	v33 =	vmax.f32 v33, $0.0e+00;
	v20 =	vsub.f32 v42, v20;
	v36 =	vsub.f32 v41, v36  }
0x1f7: {  	v57 =	vld [tilespmem:$0x68B0];
	vm4 =	vgt.f32 v43, v49;
	v40 =	vmin.f32 v49, v43;
	v25 =	vmax.f32 v25, $0.0e+00  }
0x1f8: {  	v44 =	vld [tilespmem:$0x6430];
	v63 =	vmax.f32 v52, $0.0e+00;
	v17 =	vmax.f32 v17, $0.0e+00;
	v12 =	vsub.f32 v12, v9  }
0x1f9: {  	v52 =	vld [tilespmem:$0x6730];
	v45 =	vmax.f32 v45, v40;
	v49 =	vsel vm4, v43, v49;
	v36 =	vmax.f32 v36, $0.0e+00  }
0x1fa: {  	v20 =	vmax.f32 v20, $0.0e+00;
	v33 =	vmul.f32 v63, v33;
	v36 =	vmul.f32 v17, v36  }
0x1fb: {  	v17 =	vadd.f32 v4, v32;
	v20 =	vmul.f32 v25, v20;
	v4 =	vadd.f32 v4, v3  }
0x1fc: {  	v25 =	vld [tilespmem:$0x65B0];
	v12 =	vmul.f32 $3.000000120e-01, v12;
	v41 =	vsub.f32 v34, v33;
	v59 =	vmin.f32 v57, v5  }
0x1fd: {  	v61 =	vmax.f32 v44, v16;
	v48 =	vmin.f32 v57, v11;
	v17 =	vsub.f32 v17, v36  }
0x1fe: {  	v4 =	vsub.f32 v4, v20;
	v41 =	vmul.f32 $3.000000120e-01, v41;
	v58 =	vmin.f32 v52, v6  }
0x1ff: {  	v34 =	vmin.f32 v52, v13;
	v42 =	vmul.f32 $3.000000120e-01, v17;
	v17 =	vsel vm4, v18, v28  }
0x200: {  	v4 =	vmul.f32 $3.000000120e-01, v4;
	vm4 =	vgt.f32 v9, v12;
	v12 =	vmin.f32 v52, v62  }
0x201: {  	vm5 =	vgt.f32 v33, v41;
	v9 =	vmax.f32 v25, v55;
	v56 =	vsub.f32 v57, v25  }
0x202: {  	v63 =	vmax.f32 v25, v14;
	v33 =	vsub.f32 v34, v61;
	v61 =	vmin.f32 v52, v24  }
0x203: {  	v28 =	vld [tilespmem:$0x6A20];
	vm15 =	vgt.f32 v36, v42;
	vm9 =	vgt.f32 v20, v4;
	v4 =	vmax.f32 v44, v2  }
0x204: {  	v20 =	vmin.f32 v57, v54;
	v36 =	vsub.f32 v48, v63;
	v63 =	vmin.f32 v57, v21  }
0x205: {  	vm5 =	vmor vm15, vm5;
	v12 =	vsub.f32 v12, v4;
	v9 =	vsub.f32 v20, v9  }
0x206: {  	v20 =	vsub.f32 v52, v44;
	v33 =	vmax.f32 v33, $0.0e+00;
	vm5 =	vmor vm5, vm9  }
0x207: {  	v36 =	vmax.f32 v36, $0.0e+00;
	vm4 =	vmor vm5, vm4;
	v12 =	vmax.f32 v12, $0.0e+00  }
0x208: {  	v9 =	vmax.f32 v9, $0.0e+00;
	v20 =	vmul.f32 v56, v20;
	v4 =	vsel vm4, $0xFF800000, v28  }
0x209: {  	v28 =	vmul.f32 v9, v12;
	v9 =	vmax.f32 v44, v8;
	v12 =	vmax.f32 v25, v7  }
0x20a: {  	v25 =	vmax.f32 v25, v29;
	v9 =	vsub.f32 v58, v9;
	v12 =	vsub.f32 v59, v12  }
0x20b: {  	v59 =	vmax.f32 v44, v37;
	v25 =	vsub.f32 v63, v25;
	v48 =	vadd.f32 v20, v10  }
0x20c: {  	v52 =	vld [tilespmem:$0x65C0];
	v33 =	vmul.f32 v36, v33;
	v63 =	vadd.f32 v20, v53;
	v41 =	vsub.f32 v61, v59  }
0x20d: {  	vm4 =	vgt.f32 v4, v49;
	v44 =	vld [tilespmem:$0x68C0];
	v61 =	vadd.f32 v20, v32;
	v9 =	vmax.f32 v9, $0.0e+00  }
0x20e: {  	v12 =	vmax.f32 v12, $0.0e+00;
	v25 =	vmax.f32 v25, $0.0e+00;
	v34 =	vmax.f32 v41, $0.0e+00;
	v41 =	vld [tilespmem:$0x6440]  }
0x20f: {  	v57 =	vmul.f32 v12, v9;
	v9 =	vadd.f32 v20, v3;
	v20 =	vld [tilespmem:$0x6740];
	v25 =	vmul.f32 v25, v34  }
0x210: {  	v58 =	vmin.f32 v49, v4;
	v56 =	vsub.f32 v63, v28;
	v12 =	vsub.f32 v48, v33  }
0x211: {  	v48 =	vmax.f32 v45, v58;
	v59 =	vsub.f32 v9, v57;
	v36 =	vsub.f32 v61, v25  }
0x212: {  	v40 =	vmul.f32 $3.000000120e-01, v56;
	v34 =	vmul.f32 $3.000000120e-01, v12;
	v12 =	vsel vm4, v4, v49  }
0x213: {  	v61 =	vsub.f32 v44, v52;
	v42 =	vmul.f32 $3.000000120e-01, v59;
	v36 =	vmul.f32 $3.000000120e-01, v36  }
0x214: {  	vm5 =	vgt.f32 v33, v34;
	v63 =	vmax.f32 v41, v2;
	v34 =	vmin.f32 v20, v62  }
0x215: {  	v59 =	vld [tilespmem:$0x68D0];
	vm11 =	vgt.f32 v57, v42;
	v42 =	vmax.f32 v41, v8;
	vm10 =	vgt.f32 v25, v36  }
0x216: {  	v25 =	vsub.f32 v20, v41;
	v36 =	vsub.f32 v34, v63;
	v63 =	vmax.f32 v52, v7  }
0x217: {  	vm6 =	vmor vm10, vm5;
	vm5 =	vgt.f32 v28, v40;
	v28 =	vmax.f32 v52, v55  }
0x218: {  	v40 =	vmin.f32 v44, v54;
	vm6 =	vmor vm6, vm11;
	v25 =	vmul.f32 v61, v25  }
0x219: {  	v36 =	vmax.f32 v36, $0.0e+00;
	v28 =	vsub.f32 v40, v28;
	v61 =	vmin.f32 v20, v6  }
0x21a: {  	v40 =	vmin.f32 v44, v5;
	v15 =	vmin.f32 v59, v54;
	v33 =	vsub.f32 v61, v42  }
0x21b: {  	v42 =	vsub.f32 v40, v63;
	v61 =	vmax.f32 v41, v16;
	v63 =	vmin.f32 v20, v13  }
0x21c: {  	v40 =	vmax.f32 v52, v14;
	v41 =	vmax.f32 v41, v37;
	v52 =	vmax.f32 v52, v29  }
0x21d: {  	v20 =	vmin.f32 v20, v24;
	vm5 =	vmor vm6, vm5;
	v49 =	vsub.f32 v63, v61  }
0x21e: {  	v28 =	vmax.f32 v28, $0.0e+00;
	v20 =	vsub.f32 v20, v41;
	v61 =	vadd.f32 v25, v10  }
0x21f: {  	v63 =	vadd.f32 v25, v3;
	v45 =	vmax.f32 v42, $0.0e+00;
	v42 =	vmin.f32 v44, v11  }
0x220: {  	v58 =	vld [tilespmem:$0x6750];
	v33 =	vmax.f32 v33, $0.0e+00;
	v44 =	vmin.f32 v44, v21;
	v56 =	vsub.f32 v42, v40  }
0x221: {  	v28 =	vmul.f32 v28, v36;
	v36 =	vadd.f32 v25, v53;
	v41 =	vsub.f32 v44, v52;
	v44 =	vld [tilespmem:$0x6450]  }
0x222: {  	v49 =	vmax.f32 v49, $0.0e+00;
	v33 =	vmul.f32 v45, v33;
	v52 =	vld [tilespmem:$0x65D0];
	v56 =	vmax.f32 v56, $0.0e+00  }
0x223: {  	v20 =	vmax.f32 v20, $0.0e+00;
	v41 =	vmax.f32 v41, $0.0e+00;
	v49 =	vmul.f32 v56, v49  }
0x224: {  	v57 =	vld [tilespmem:$0x6A30];
	v20 =	vmul.f32 v41, v20;
	v41 =	vadd.f32 v25, v32;
	v56 =	vsub.f32 v63, v33  }
0x225: {  	v25 =	vsel vm4, v0, v17;
	v17 =	vsub.f32 v36, v28;
	v63 =	vmin.f32 v58, v13  }
0x226: {  	v45 =	vsub.f32 v61, v49;
	v41 =	vsub.f32 v41, v20;
	v36 =	vmul.f32 $3.000000120e-01, v56  }
0x227: {  	v40 =	vmax.f32 v44, v2;
	v42 =	vmax.f32 v52, v55;
	v61 =	vmin.f32 v58, v62  }
0x228: {  	v17 =	vmul.f32 $3.000000120e-01, v17;
	v56 =	vmax.f32 v52, v7;
	v15 =	vsub.f32 v15, v42  }
0x229: {  	v34 =	vmul.f32 $3.000000120e-01, v45;
	v45 =	vsel vm5, $0xFF800000, v57;
	v41 =	vmul.f32 $3.000000120e-01, v41  }
0x22a: {  	vm5 =	vgt.f32 v33, v36;
	v57 =	vmin.f32 v59, v5;
	v15 =	vmax.f32 v15, $0.0e+00  }
0x22b: {  	v9 =	vmovc v60;
	v60 =	vsub.f32 v57, v56;
	vm4 =	vgt.f32 v49, v34;
	v49 =	vsub.f32 v58, v44  }
0x22c: {  	vm12 =	vgt.f32 v20, v41;
	v20 =	vsub.f32 v61, v40;
	v61 =	vmax.f32 v44, v16  }
0x22d: {  	v34 =	vsub.f32 v59, v52;
	vm6 =	vmor vm12, vm4;
	v41 =	vsub.f32 v63, v61  }
0x22e: {  	v36 =	vmax.f32 v60, $0.0e+00;
	v60 =	vmin.f32 v59, v11;
	v59 =	vmin.f32 v59, v21  }
0x22f: {  	vm4 =	vgt.f32 v28, v17;
	v33 =	vmul.f32 v34, v49;
	v20 =	vmax.f32 v20, $0.0e+00  }
0x230: {  	v34 =	vmin.f32 v58, v6;
	v58 =	vmin.f32 v58, v24;
	vm5 =	vmor vm6, vm5  }
0x231: {  	v15 =	vmul.f32 v15, v20;
	v20 =	vmax.f32 v44, v8;
	v41 =	vmax.f32 v41, $0.0e+00  }
0x232: {  	v44 =	vmax.f32 v44, v37;
	v20 =	vsub.f32 v34, v20;
	v56 =	vadd.f32 v33, v53  }
0x233: {  	v57 =	vld [tilespmem:$0x6460];
	v34 =	vmax.f32 v52, v14;
	v44 =	vsub.f32 v58, v44;
	v61 =	vadd.f32 v33, v10  }
0x234: {  	v52 =	vmax.f32 v52, v29;
	v58 =	vld [tilespmem:$0x6760];
	v63 =	vadd.f32 v33, v3;
	v33 =	vadd.f32 v33, v32  }
0x235: {  	vm4 =	vmor vm5, vm4;
	v49 =	vsub.f32 v60, v34;
	v52 =	vsub.f32 v59, v52  }
0x236: {  	v60 =	vld [tilespmem:$0x65E0];
	v20 =	vmax.f32 v20, $0.0e+00;
	v44 =	vmax.f32 v44, $0.0e+00;
	v17 =	vsub.f32 v56, v15  }
0x237: {  	v49 =	vmax.f32 v49, $0.0e+00;
	v20 =	vmul.f32 v36, v20;
	v52 =	vmax.f32 v52, $0.0e+00  }
0x238: {  	v40 =	vmax.f32 v57, v2;
	v36 =	vmul.f32 v49, v41;
	v44 =	vmul.f32 v52, v44  }
0x239: {  	v49 =	vld [tilespmem:$0x68E0];
	v17 =	vmul.f32 $3.000000120e-01, v17;
	v28 =	vsub.f32 v63, v20;
	v52 =	vsub.f32 v58, v57  }
0x23a: {  	v63 =	vmin.f32 v58, v62;
	v41 =	vsub.f32 v61, v36;
	v33 =	vsub.f32 v33, v44  }
0x23b: {  	v42 =	vmax.f32 v60, v55;
	v59 =	vsub.f32 v63, v40;
	v56 =	vmax.f32 v60, v7  }
0x23c: {  	v40 =	vmin.f32 v58, v6;
	v61 =	vmax.f32 v60, v14;
	v28 =	vmul.f32 $3.000000120e-01, v28  }
0x23d: {  	vm12 =	vgt.f32 v15, v17;
	v41 =	vmul.f32 $3.000000120e-01, v41;
	v33 =	vmul.f32 $3.000000120e-01, v33  }
0x23e: {  	v63 =	vmax.f32 v59, $0.0e+00;
	v34 =	vsub.f32 v49, v60;
	v18 =	vmin.f32 v49, v54  }
0x23f: {  	vm15 =	vgt.f32 v20, v28;
	v60 =	vmax.f32 v60, v29;
	v18 =	vsub.f32 v18, v42  }
0x240: {  	vm13 =	vgt.f32 v36, v41;
	v42 =	vmin.f32 v49, v5;
	vm14 =	vgt.f32 v44, v33  }
0x241: {  	v36 =	vmul.f32 v34, v52;
	v34 =	vmax.f32 v57, v8;
	v59 =	vsub.f32 v42, v56  }
0x242: {  	vm6 =	vmor vm14, vm13;
	v42 =	vmax.f32 v57, v37;
	v18 =	vmax.f32 v18, $0.0e+00  }
0x243: {  	v52 =	vsub.f32 v40, v34;
	v34 =	vmin.f32 v49, v11;
	v49 =	vmin.f32 v49, v21  }
0x244: {  	vm6 =	vmor vm6, vm15;
	v18 =	vmul.f32 v18, v63;
	v41 =	vadd.f32 v36, v53  }
0x245: {  	v33 =	vmax.f32 v59, $0.0e+00;
	v63 =	vmin.f32 v58, v13;
	v44 =	vsub.f32 v34, v61  }
0x246: {  	v61 =	vmin.f32 v58, v24;
	v49 =	vsub.f32 v49, v60;
	v60 =	vadd.f32 v36, v3  }
0x247: {  	v28 =	vmax.f32 v52, $0.0e+00;
	v20 =	vsub.f32 v41, v18;
	v41 =	vmax.f32 v57, v16  }
0x248: {  	vm5 =	vmor vm6, vm12;
	v52 =	vld [tilespmem:$0x6470];
	v28 =	vmul.f32 v33, v28;
	v41 =	vsub.f32 v63, v41  }
0x249: {  	v44 =	vmax.f32 v44, $0.0e+00;
	v57 =	vld [tilespmem:$0x65F0];
	v63 =	vsub.f32 v61, v42;
	v61 =	vmax.f32 v49, $0.0e+00  }
0x24a: {  	v49 =	vld [tilespmem:$0x6770];
	v15 =	vsub.f32 v60, v28;
	v17 =	vmul.f32 $3.000000120e-01, v20;
	v41 =	vmax.f32 v41, $0.0e+00  }
0x24b: {  	v33 =	vmax.f32 v63, $0.0e+00;
	v63 =	vadd.f32 v36, v10;
	v41 =	vmul.f32 v44, v41  }
0x24c: {  	v36 =	vadd.f32 v36, v32;
	v33 =	vmul.f32 v61, v33;
	v15 =	vmul.f32 $3.000000120e-01, v15  }
0x24d: {  	v44 =	vld [tilespmem:$0x68F0];
	vm13 =	vgt.f32 v18, v17;
	v58 =	vmax.f32 v52, v2;
	v60 =	vmax.f32 v52, v16  }
0x24e: {  	v34 =	vmax.f32 v57, v55;
	v61 =	vmax.f32 v57, v14;
	v20 =	vsub.f32 v63, v41  }
0x24f: {  	v36 =	vsub.f32 v36, v33;
	v40 =	vmin.f32 v49, v62;
	vm14 =	vgt.f32 v28, v15  }
0x250: {  	v63 =	vmin.f32 v49, v13;
	v15 =	vsub.f32 v40, v58;
	v58 =	vmax.f32 v52, v8  }
0x251: {  	v17 =	vmul.f32 $3.000000120e-01, v20;
	v18 =	vmul.f32 $3.000000120e-01, v36;
	v36 =	vsub.f32 v49, v52  }
0x252: {  	v52 =	vmax.f32 v52, v37;
	v56 =	vsub.f32 v44, v57;
	v42 =	vmin.f32 v44, v54  }
0x253: {  	v59 =	vld [tilespmem:$0x6A50];
	v15 =	vmax.f32 v15, $0.0e+00;
	v40 =	vmin.f32 v44, v21;
	v28 =	vsub.f32 v42, v34  }
0x254: {  	v20 =	vld [tilespmem:$0x6A40];
	vm15 =	vgt.f32 v41, v17;
	vm9 =	vgt.f32 v33, v18;
	v41 =	vmax.f32 v57, v7  }
0x255: {  	v34 =	vmin.f32 v44, v11;
	v57 =	vmax.f32 v57, v29;
	v44 =	vmin.f32 v44, v5  }
0x256: {  	v18 =	vmul.f32 v56, v36;
	vm8 =	vmor vm9, vm15;
	v36 =	vsub.f32 v63, v60  }
0x257: {  	v56 =	vsub.f32 v34, v61;
	v63 =	vsub.f32 v40, v57;
	v17 =	vmax.f32 v28, $0.0e+00  }
0x258: {  	v41 =	vsub.f32 v44, v41;
	vm7 =	vmor vm8, vm14;
	v15 =	vmul.f32 v17, v15  }
0x259: {  	v60 =	vld [tilespmem:$0x6600];
	v28 =	vadd.f32 v18, v53;
	v20 =	vsel vm4, $0xFF800000, v20;
	v17 =	vsel vm5, $0xFF800000, v59  }
0x25a: {  	v57 =	vld [tilespmem:$0x6780];
	vm4 =	vmor vm7, vm13;
	v59 =	vmin.f32 v49, v6;
	v49 =	vmin.f32 v49, v24  }
0x25b: {  	v36 =	vmax.f32 v36, $0.0e+00;
	v34 =	vmax.f32 v56, $0.0e+00;
	v61 =	vadd.f32 v18, v10  }
0x25c: {  	v56 =	vld [tilespmem:$0x6900];
	v41 =	vmax.f32 v41, $0.0e+00;
	v33 =	vsub.f32 v59, v58;
	v49 =	vsub.f32 v49, v52  }
0x25d: {  	v36 =	vmul.f32 v34, v36;
	v59 =	vmax.f32 v63, $0.0e+00;
	v63 =	vadd.f32 v18, v32  }
0x25e: {  	v58 =	vld [tilespmem:$0x6480];
	v18 =	vadd.f32 v18, v3;
	v28 =	vsub.f32 v28, v15;
	v40 =	vmax.f32 v49, $0.0e+00  }
0x25f: {  	v33 =	vmax.f32 v33, $0.0e+00;
	v42 =	vmax.f32 v60, v55;
	v19 =	vmin.f32 v57, v62  }
0x260: {  	v44 =	vmul.f32 v59, v40;
	v33 =	vmul.f32 v41, v33;
	v41 =	vsub.f32 v61, v36  }
0x261: {  	v28 =	vmul.f32 $3.000000120e-01, v28;
	v61 =	vmax.f32 v60, v14;
	v34 =	vsub.f32 v56, v60  }
0x262: {  	v22 =	vmin.f32 v56, v54;
	v23 =	vmin.f32 v56, v5;
	v49 =	vsub.f32 v63, v44  }
0x263: {  	v52 =	vsub.f32 v57, v58;
	v40 =	vmax.f32 v58, v2;
	v22 =	vsub.f32 v22, v42  }
0x264: {  	v18 =	vsub.f32 v18, v33;
	v41 =	vmul.f32 $3.000000120e-01, v41;
	v42 =	vmin.f32 v57, v6  }
0x265: {  	v63 =	vmin.f32 v57, v13;
	v57 =	vmin.f32 v57, v24;
	vm12 =	vgt.f32 v15, v28  }
0x266: {  	v19 =	vsub.f32 v19, v40;
	v40 =	vmax.f32 v60, v7;
	v60 =	vmax.f32 v60, v29  }
0x267: {  	v52 =	vmul.f32 v34, v52;
	v49 =	vmul.f32 $3.000000120e-01, v49;
	v22 =	vmax.f32 v22, $0.0e+00  }
0x268: {  	v34 =	vmax.f32 v58, v8;
	v18 =	vmul.f32 $3.000000120e-01, v18;
	v23 =	vsub.f32 v23, v40  }
0x269: {  	vm5 =	vgt.f32 v36, v41;
	v41 =	vmax.f32 v58, v16;
	v19 =	vmax.f32 v19, $0.0e+00  }
0x26a: {  	v59 =	vsub.f32 v42, v34;
	v34 =	vmin.f32 v56, v11;
	v41 =	vsub.f32 v63, v41  }
0x26b: {  	v42 =	vmax.f32 v58, v37;
	v56 =	vmin.f32 v56, v21;
	v19 =	vmul.f32 v22, v19  }
0x26c: {  	v22 =	vadd.f32 v52, v53;
	vm10 =	vgt.f32 v44, v49;
	v44 =	vsub.f32 v34, v61  }
0x26d: {  	v23 =	vmax.f32 v23, $0.0e+00;
	v61 =	vsub.f32 v57, v42;
	v63 =	vsub.f32 v56, v60  }
0x26e: {  	v58 =	vld [tilespmem:$0x6610];
	v34 =	vadd.f32 v52, v3;
	v60 =	vadd.f32 v52, v10;
	vm11 =	vgt.f32 v33, v18  }
0x26f: {  	v56 =	vld [tilespmem:$0x6490];
	v36 =	vmax.f32 v59, $0.0e+00;
	v41 =	vmax.f32 v41, $0.0e+00;
	vm5 =	vmor vm10, vm5  }
0x270: {  	v49 =	vld [tilespmem:$0x6790];
	v22 =	vsub.f32 v22, v19;
	v23 =	vmul.f32 v23, v36;
	v44 =	vmax.f32 v44, $0.0e+00  }
0x271: {  	v36 =	vmax.f32 v61, $0.0e+00;
	v40 =	vmax.f32 v63, $0.0e+00;
	v61 =	vadd.f32 v52, v32  }
0x272: {  	v52 =	vld [tilespmem:$0x6910];
	vm5 =	vmor vm5, vm11;
	v41 =	vmul.f32 v44, v41;
	v36 =	vmul.f32 v40, v36  }
0x273: {  	v18 =	vsub.f32 v34, v23;
	v22 =	vmul.f32 $3.000000120e-01, v22;
	v34 =	vmax.f32 v58, v55  }
0x274: {  	v63 =	vsub.f32 v60, v41;
	v44 =	vsub.f32 v61, v36;
	v33 =	vmax.f32 v56, v2  }
0x275: {  	v40 =	vmin.f32 v49, v62;
	v60 =	vmax.f32 v58, v14;
	v61 =	vmin.f32 v49, v13  }
0x276: {  	v15 =	vmul.f32 $3.000000120e-01, v18;
	vm13 =	vgt.f32 v19, v22;
	v22 =	vsub.f32 v49, v56  }
0x277: {  	v18 =	vmul.f32 $3.000000120e-01, v63;
	v19 =	vmul.f32 $3.000000120e-01, v44;
	v28 =	vsub.f32 v52, v58  }
0x278: {  	v42 =	vmin.f32 v52, v54;
	v63 =	vmin.f32 v52, v11;
	vm14 =	vgt.f32 v23, v15  }
0x279: {  	v59 =	vld [tilespmem:$0x6920];
	v15 =	vsub.f32 v40, v33;
	v23 =	vsub.f32 v42, v34;
	v33 =	vmax.f32 v58, v7  }
0x27a: {  	v34 =	vmax.f32 v56, v37;
	vm15 =	vgt.f32 v41, v18;
	vm10 =	vgt.f32 v36, v19  }
0x27b: {  	v44 =	vld [tilespmem:$0x6A60];
	v18 =	vmul.f32 v28, v22;
	v22 =	vmax.f32 v56, v8;
	v36 =	vsub.f32 v63, v60  }
0x27c: {  	v60 =	vmax.f32 v58, v29;
	vm9 =	vmor vm10, vm15;
	v15 =	vmax.f32 v15, $0.0e+00  }
0x27d: {  	v19 =	vmax.f32 v23, $0.0e+00;
	v23 =	vmin.f32 v49, v6;
	v49 =	vmin.f32 v49, v24  }
0x27e: {  	v42 =	vmovc v27;
	v27 =	vmin.f32 v59, v54;
	vm8 =	vmor vm9, vm14;
	v15 =	vmul.f32 v19, v15  }
0x27f: {  	v19 =	vadd.f32 v18, v53;
	v22 =	vsub.f32 v23, v22;
	v23 =	vmax.f32 v56, v16  }
0x280: {  	v41 =	vsub.f32 v49, v34;
	v36 =	vmax.f32 v36, $0.0e+00;
	v28 =	vsel vm4, $0xFF800000, v44  }
0x281: {  	v57 =	vld [tilespmem:$0x6A70];
	vm4 =	vmor vm5, vm12;
	vm5 =	vmor vm8, vm13;
	v23 =	vsub.f32 v61, v23  }
0x282: {  	v49 =	vld [tilespmem:$0x67A0];
	v61 =	vmin.f32 v52, v21;
	v52 =	vmin.f32 v52, v5;
	v19 =	vsub.f32 v19, v15  }
0x283: {  	v44 =	vld [tilespmem:$0x6A80];
	v63 =	vsub.f32 v61, v60;
	v33 =	vsub.f32 v52, v33;
	v34 =	vmax.f32 v41, $0.0e+00  }
0x284: {  	v56 =	vld [tilespmem:$0x64A0];
	v61 =	vadd.f32 v18, v10;
	v22 =	vmax.f32 v22, $0.0e+00;
	v23 =	vmax.f32 v23, $0.0e+00  }
0x285: {  	v52 =	vld [tilespmem:$0x6620];
	v23 =	vmul.f32 v36, v23;
	v60 =	vmax.f32 v63, $0.0e+00;
	v63 =	vadd.f32 v18, v32  }
0x286: {  	v33 =	vmax.f32 v33, $0.0e+00;
	v18 =	vadd.f32 v18, v3;
	v19 =	vmul.f32 $3.000000120e-01, v19  }
0x287: {  	v36 =	vsel vm4, $0xFF800000, v57;
	v41 =	vmul.f32 v60, v34;
	v22 =	vmul.f32 v33, v22  }
0x288: {  	v50 =	vmovc v26;
	v26 =	vmin.f32 v49, v62;
	v58 =	vsub.f32 v61, v23;
	v33 =	vsel vm5, $0xFF800000, v44  }
0x289: {  	v61 =	vmax.f32 v56, v2;
	v40 =	vsub.f32 v63, v41;
	v18 =	vsub.f32 v18, v22  }
0x28a: {  	v60 =	vsub.f32 v59, v52;
	v34 =	vmax.f32 v52, v55;
	v26 =	vsub.f32 v26, v61  }
0x28b: {  	v61 =	vmin.f32 v49, v6;
	v63 =	vmin.f32 v59, v5;
	v44 =	vmul.f32 $3.000000120e-01, v58  }
0x28c: {  	v58 =	vsub.f32 v49, v56;
	v27 =	vsub.f32 v27, v34;
	v34 =	vmax.f32 v56, v8  }
0x28d: {  	v57 =	vmul.f32 $3.000000120e-01, v40;
	v18 =	vmul.f32 $3.000000120e-01, v18;
	v26 =	vmax.f32 v26, $0.0e+00  }
0x28e: {  	v40 =	vmin.f32 v59, v11;
	v59 =	vmin.f32 v59, v21;
	vm4 =	vgt.f32 v23, v44  }
0x28f: {  	v23 =	vmul.f32 v60, v58;
	v27 =	vmax.f32 v27, $0.0e+00;
	v60 =	vmax.f32 v52, v7  }
0x290: {  	v58 =	vmax.f32 v52, v14;
	v52 =	vmax.f32 v52, v29;
	vm5 =	vgt.f32 v41, v57  }
0x291: {  	v41 =	vsub.f32 v61, v34;
	v44 =	vsub.f32 v63, v60;
	v57 =	vmax.f32 v56, v16  }
0x292: {  	v34 =	vmin.f32 v49, v13;
	v58 =	vsub.f32 v40, v58;
	v56 =	vmax.f32 v56, v37  }
0x293: {  	v49 =	vmin.f32 v49, v24;
	v52 =	vsub.f32 v59, v52;
	v57 =	vsub.f32 v34, v57  }
0x294: {  	vm12 =	vgt.f32 v22, v18;
	v49 =	vsub.f32 v49, v56;
	v63 =	vadd.f32 v23, v10  }
0x295: {  	v34 =	vadd.f32 v23, v32;
	v41 =	vmax.f32 v41, $0.0e+00;
	v44 =	vmax.f32 v44, $0.0e+00  }
0x296: {  	v61 =	vmax.f32 v58, $0.0e+00;
	v52 =	vmax.f32 v52, $0.0e+00;
	v60 =	vmax.f32 v57, $0.0e+00  }
0x297: {  	v22 =	vld [tilespmem:$0x67B0];
	v49 =	vmax.f32 v49, $0.0e+00;
	v41 =	vmul.f32 v44, v41;
	v56 =	vmul.f32 v61, v60  }
0x298: {  	v49 =	vmul.f32 v52, v49;
	v60 =	vadd.f32 v23, v53;
	v23 =	vadd.f32 v23, v3;
	v61 =	vld [tilespmem:$0x64B0]  }
0x299: {  	v26 =	vmul.f32 v27, v26;
	vm4 =	vmor vm5, vm4;
	v27 =	vsub.f32 v63, v56  }
0x29a: {  	vm5 =	vgt.f32 v15, v19;
	v52 =	vsub.f32 v34, v49;
	v63 =	vld [tilespmem:$0x6630];
	v18 =	vsub.f32 v23, v41  }
0x29b: {  	vm4 =	vmor vm4, vm12;
	v23 =	vsub.f32 v60, v26;
	v34 =	vld [tilespmem:$0x6930];
	v27 =	vmul.f32 $3.000000120e-01, v27  }
0x29c: {  	vm4 =	vmor vm4, vm5;
	v52 =	vmul.f32 $3.000000120e-01, v52;
	v15 =	vmul.f32 $3.000000120e-01, v18  }
0x29d: {  	v18 =	vmul.f32 $3.000000120e-01, v23;
	v23 =	vmin.f32 v22, v62;
	v19 =	vmax.f32 v61, v2  }
0x29e: {  	v44 =	vmax.f32 v61, v37;
	vm13 =	vgt.f32 v56, v27;
	vm14 =	vgt.f32 v49, v52  }
0x29f: {  	vm15 =	vgt.f32 v41, v15;
	vm5 =	vgt.f32 v26, v18;
	v15 =	vsub.f32 v22, v61  }
0x2a0: {  	v19 =	vsub.f32 v23, v19;
	vm6 =	vmor vm14, vm13;
	v18 =	vsub.f32 v34, v63  }
0x2a1: {  	v26 =	vmax.f32 v63, v55;
	v27 =	vmin.f32 v34, v54;
	v52 =	vmax.f32 v63, v7  }
0x2a2: {  	v56 =	vmin.f32 v34, v5;
	v59 =	vmax.f32 v63, v14;
	v60 =	vmin.f32 v34, v11  }
0x2a3: {  	v23 =	vsub.f32 v27, v26;
	v26 =	vmax.f32 v61, v8;
	v27 =	vmin.f32 v22, v6  }
0x2a4: {  	v19 =	vmax.f32 v19, $0.0e+00;
	v26 =	vsub.f32 v27, v26;
	v27 =	vsub.f32 v56, v52  }
0x2a5: {  	v49 =	vsub.f32 v60, v59;
	v15 =	vmul.f32 v18, v15;
	v23 =	vmax.f32 v23, $0.0e+00  }
0x2a6: {  	v18 =	vmul.f32 v23, v19;
	v19 =	vmax.f32 v26, $0.0e+00;
	v23 =	vmax.f32 v27, $0.0e+00  }
0x2a7: {  	v58 =	vld [tilespmem:$0x6640];
	v26 =	vmax.f32 v61, v16;
	v27 =	vmin.f32 v22, v13;
	v41 =	vadd.f32 v15, v53  }
0x2a8: {  	v52 =	vld [tilespmem:$0x64C0];
	v61 =	vmax.f32 v63, v29;
	v22 =	vmin.f32 v22, v24;
	v63 =	vmin.f32 v34, v21  }
0x2a9: {  	v56 =	vld [tilespmem:$0x67C0];
	v19 =	vmul.f32 v23, v19;
	v23 =	vsub.f32 v27, v26;
	v27 =	vadd.f32 v15, v3  }
0x2aa: {  	vm6 =	vmor vm6, vm15;
	v22 =	vsub.f32 v22, v44;
	v34 =	vsub.f32 v63, v61  }
0x2ab: {  	v49 =	vmax.f32 v49, $0.0e+00;
	v26 =	vld [tilespmem:$0x6A90];
	v61 =	vadd.f32 v15, v10;
	v15 =	vadd.f32 v15, v32  }
0x2ac: {  	v60 =	vsub.f32 v41, v18;
	v23 =	vmax.f32 v23, $0.0e+00;
	v27 =	vsub.f32 v27, v19  }
0x2ad: {  	v22 =	vmax.f32 v22, $0.0e+00;
	v44 =	vmax.f32 v34, $0.0e+00;
	v23 =	vmul.f32 v49, v23  }
0x2ae: {  	v57 =	vsub.f32 v56, v52;
	v34 =	vmax.f32 v58, v55;
	v30 =	vmin.f32 v56, v62;
	v49 =	vld [tilespmem:$0x6940]  }
0x2af: {  	v22 =	vmul.f32 v44, v22;
	v27 =	vmul.f32 $3.000000120e-01, v27;
	v63 =	vsub.f32 v61, v23  }
0x2b0: {  	v41 =	vsel vm4, $0xFF800000, v26;
	v26 =	vmul.f32 $3.000000120e-01, v60;
	v60 =	vmax.f32 v52, v2  }
0x2b1: {  	vm4 =	vmor vm6, vm5;
	v15 =	vsub.f32 v15, v22;
	v30 =	vsub.f32 v30, v60  }
0x2b2: {  	v40 =	vmovc v39;
	v61 =	vld [tilespmem:$0x6AA0];
	vm5 =	vgt.f32 v19, v27;
	v27 =	vmax.f32 v58, v14;
	v44 =	vmul.f32 $3.000000120e-01, v63  }
0x2b3: {  	v39 =	vmovc v38;
	v38 =	vmovc v31;
	v60 =	vmax.f32 v58, v29;
	v15 =	vmul.f32 $3.000000120e-01, v15;
	v31 =	vmin.f32 v49, v54  }
0x2b4: {  	v59 =	vsub.f32 v49, v58;
	v31 =	vsub.f32 v31, v34;
	vm10 =	vgt.f32 v23, v44  }
0x2b5: {  	vm11 =	vgt.f32 v22, v15;
	v15 =	vmax.f32 v30, $0.0e+00;
	v23 =	vmin.f32 v56, v6  }
0x2b6: {  	v30 =	vmin.f32 v56, v13;
	v56 =	vmin.f32 v56, v24;
	v19 =	vmul.f32 v59, v57  }
0x2b7: {  	vm6 =	vmor vm11, vm10;
	v44 =	vsel vm4, $0xFF800000, v61;
	vm4 =	vgt.f32 v18, v26  }
0x2b8: {  	v26 =	vmax.f32 v58, v7;
	v61 =	vmin.f32 v49, v21;
	v22 =	vmax.f32 v31, $0.0e+00  }
0x2b9: {  	v57 =	vld [tilespmem:$0x6950];
	vm5 =	vmor vm6, vm5;
	v31 =	vmin.f32 v49, v11;
	v49 =	vmin.f32 v49, v5  }
0x2ba: {  	v58 =	vld [tilespmem:$0x6650];
	v15 =	vmul.f32 v22, v15;
	v22 =	vadd.f32 v19, v53;
	v27 =	vsub.f32 v31, v27  }
0x2bb: {  	v26 =	vsub.f32 v49, v26;
	v63 =	vadd.f32 v19, v10;
	vm4 =	vmor vm5, vm4  }
0x2bc: {  	v18 =	vsub.f32 v22, v15;
	v22 =	vmax.f32 v52, v8;
	v27 =	vmax.f32 v27, $0.0e+00  }
0x2bd: {  	v26 =	vmax.f32 v26, $0.0e+00;
	v22 =	vsub.f32 v23, v22;
	v23 =	vmax.f32 v52, v16  }
0x2be: {  	v31 =	vld [tilespmem:$0x64D0];
	v34 =	vmin.f32 v57, v54;
	v23 =	vsub.f32 v30, v23;
	v30 =	vmax.f32 v52, v37  }
0x2bf: {  	v52 =	vsub.f32 v61, v60;
	v60 =	vmax.f32 v58, v55;
	v30 =	vsub.f32 v56, v30;
	v56 =	vld [tilespmem:$0x67D0]  }
0x2c0: {  	v18 =	vmul.f32 $3.000000120e-01, v18;
	v22 =	vmax.f32 v22, $0.0e+00;
	v23 =	vmax.f32 v23, $0.0e+00  }
0x2c1: {  	v60 =	vsub.f32 v34, v60;
	v22 =	vmul.f32 v26, v22;
	v23 =	vmul.f32 v27, v23  }
0x2c2: {  	v27 =	vmax.f32 v30, $0.0e+00;
	v30 =	vmax.f32 v52, $0.0e+00;
	v52 =	vsub.f32 v57, v58  }
0x2c3: {  	v27 =	vmul.f32 v30, v27;
	v30 =	vadd.f32 v19, v32;
	v19 =	vadd.f32 v19, v3  }
0x2c4: {  	v59 =	vmax.f32 v31, v2;
	v26 =	vsub.f32 v63, v23;
	v49 =	vsub.f32 v56, v31  }
0x2c5: {  	v30 =	vsub.f32 v30, v27;
	v61 =	vmin.f32 v56, v62;
	v19 =	vsub.f32 v19, v22  }
0x2c6: {  	v59 =	vsub.f32 v61, v59;
	v26 =	vmul.f32 $3.000000120e-01, v26;
	v52 =	vmul.f32 v52, v49  }
0x2c7: {  	v60 =	vmax.f32 v60, $0.0e+00;
	v30 =	vmul.f32 $3.000000120e-01, v30;
	v19 =	vmul.f32 $3.000000120e-01, v19  }
0x2c8: {  	v61 =	vld [tilespmem:$0x6AB0];
	v34 =	vmax.f32 v59, $0.0e+00;
	vm5 =	vgt.f32 v23, v26;
	v23 =	vmin.f32 v57, v5  }
0x2c9: {  	v26 =	vmax.f32 v58, v14;
	v59 =	vmul.f32 v60, v34;
	v63 =	vadd.f32 v52, v53  }
0x2ca: {  	vm12 =	vgt.f32 v27, v30;
	vm13 =	vgt.f32 v22, v19;
	v22 =	vmax.f32 v58, v7  }
0x2cb: {  	v27 =	vmin.f32 v57, v11;
	v30 =	vadd.f32 v52, v10;
	v58 =	vmax.f32 v58, v29  }
0x2cc: {  	v57 =	vmin.f32 v57, v21;
	vm5 =	vmor vm12, vm5;
	v19 =	vsub.f32 v63, v59  }
0x2cd: {  	v60 =	vld [tilespmem:$0x67E0];
	v49 =	vsel vm4, $0xFF800000, v61;
	vm4 =	vgt.f32 v15, v18;
	vm5 =	vmor vm5, vm13  }
0x2ce: {  	v18 =	vmax.f32 v31, v8;
	v15 =	vmul.f32 $3.000000120e-01, v19;
	v19 =	vmin.f32 v56, v6  }
0x2cf: {  	vm4 =	vmor vm5, vm4;
	v18 =	vsub.f32 v19, v18;
	v19 =	vsub.f32 v23, v22  }
0x2d0: {  	v22 =	vmax.f32 v31, v16;
	v23 =	vmin.f32 v56, v13;
	v31 =	vmax.f32 v31, v37  }
0x2d1: {  	v56 =	vmin.f32 v56, v24;
	v22 =	vsub.f32 v23, v22;
	v23 =	vsub.f32 v27, v26  }
0x2d2: {  	v63 =	vmin.f32 v60, v62;
	v26 =	vld [tilespmem:$0x64E0];
	v18 =	vmax.f32 v18, $0.0e+00;
	v19 =	vmax.f32 v19, $0.0e+00  }
0x2d3: {  	v27 =	vld [tilespmem:$0x6660];
	v18 =	vmul.f32 v19, v18;
	v22 =	vmax.f32 v22, $0.0e+00;
	v23 =	vmax.f32 v23, $0.0e+00  }
0x2d4: {  	v61 =	vld [tilespmem:$0x6960];
	v19 =	vadd.f32 v52, v3;
	v22 =	vmul.f32 v23, v22;
	v23 =	vsub.f32 v56, v31  }
0x2d5: {  	vm14 =	vgt.f32 v59, v15;
	v59 =	vmin.f32 v60, v6;
	v31 =	vsub.f32 v57, v58  }
0x2d6: {  	v15 =	vsub.f32 v19, v18;
	v19 =	vsub.f32 v30, v22;
	v23 =	vmax.f32 v23, $0.0e+00  }
0x2d7: {  	v30 =	vmax.f32 v31, $0.0e+00;
	v31 =	vsub.f32 v60, v26;
	v34 =	vmax.f32 v26, v2  }
0x2d8: {  	v57 =	vmax.f32 v26, v8;
	v58 =	vmax.f32 v27, v7;
	v23 =	vmul.f32 v30, v23  }
0x2d9: {  	v30 =	vadd.f32 v52, v32;
	v52 =	vsub.f32 v61, v27;
	v15 =	vmul.f32 $3.000000120e-01, v15  }
0x2da: {  	v56 =	vsub.f32 v63, v34;
	v34 =	vmax.f32 v27, v55;
	v63 =	vmin.f32 v61, v54  }
0x2db: {  	v57 =	vsub.f32 v59, v57;
	v19 =	vmul.f32 $3.000000120e-01, v19;
	v30 =	vsub.f32 v30, v23  }
0x2dc: {  	v31 =	vmul.f32 v52, v31;
	v56 =	vmax.f32 v56, $0.0e+00;
	v52 =	vsub.f32 v63, v34  }
0x2dd: {  	v34 =	vmin.f32 v61, v5;
	v57 =	vmax.f32 v57, $0.0e+00;
	vm15 =	vgt.f32 v18, v15  }
0x2de: {  	v58 =	vsub.f32 v34, v58;
	vm12 =	vgt.f32 v22, v19;
	v52 =	vmax.f32 v52, $0.0e+00  }
0x2df: {  	v15 =	vld [tilespmem:$0x64F0];
	v22 =	vmax.f32 v26, v16;
	v63 =	vadd.f32 v31, v53;
	v52 =	vmul.f32 v52, v56  }
0x2e0: {  	v26 =	vmax.f32 v26, v37;
	v30 =	vmul.f32 $3.000000120e-01, v30;
	v58 =	vmax.f32 v58, $0.0e+00  }
0x2e1: {  	v34 =	vadd.f32 v31, v3;
	v57 =	vmul.f32 v58, v57;
	v56 =	vsub.f32 v63, v52  }
0x2e2: {  	vm13 =	vgt.f32 v23, v30;
	v23 =	vld [tilespmem:$0x6670];
	v30 =	vmax.f32 v27, v14;
	v58 =	vmin.f32 v60, v24  }
0x2e3: {  	v63 =	vmin.f32 v60, v13;
	v26 =	vsub.f32 v58, v26;
	v18 =	vmul.f32 $3.000000120e-01, v56  }
0x2e4: {  	v59 =	vld [tilespmem:$0x67F0];
	v58 =	vmax.f32 v15, v2;
	v19 =	vsub.f32 v34, v57;
	v34 =	vmin.f32 v61, v11  }
0x2e5: {  	vm5 =	vgt.f32 v52, v18;
	v18 =	vsub.f32 v63, v22;
	v22 =	vsub.f32 v34, v30  }
0x2e6: {  	v26 =	vmax.f32 v26, $0.0e+00;
	v19 =	vmul.f32 $3.000000120e-01, v19;
	v30 =	vld [tilespmem:$0x6970];
	v52 =	vadd.f32 v31, v10  }
0x2e7: {  	v60 =	vmax.f32 v23, v55;
	v34 =	vld [tilespmem:$0x6AC0];
	v18 =	vmax.f32 v18, $0.0e+00;
	v22 =	vmax.f32 v22, $0.0e+00  }
0x2e8: {  	v18 =	vmul.f32 v22, v18;
	v22 =	vmax.f32 v27, v29;
	v27 =	vmin.f32 v61, v21  }
0x2e9: {  	vm7 =	vgt.f32 v57, v19;
	v61 =	vmin.f32 v59, v62;
	v22 =	vsub.f32 v27, v22  }
0x2ea: {  	v57 =	vmax.f32 v15, v16;
	v27 =	vsub.f32 v59, v15;
	v58 =	vsub.f32 v61, v58  }
0x2eb: {  	v56 =	vsub.f32 v30, v23;
	v63 =	vmin.f32 v30, v54;
	v61 =	vsub.f32 v52, v18  }
0x2ec: {  	v0 =	vmovc v35;
	v35 =	vmin.f32 v30, v5;
	v52 =	vsel vm4, $0xFF800000, v34;
	vm4 =	vmor vm13, vm12  }
0x2ed: {  	v22 =	vmax.f32 v22, $0.0e+00;
	v60 =	vsub.f32 v63, v60;
	v63 =	vmin.f32 v59, v6  }
0x2ee: {  	vm8 =	vmor vm4, vm15;
	v22 =	vmul.f32 v22, v26;
	v26 =	vmul.f32 v56, v27  }
0x2ef: {  	v27 =	vadd.f32 v31, v32;
	v31 =	vmax.f32 v58, $0.0e+00;
	v58 =	vmax.f32 v15, v8  }
0x2f0: {  	v19 =	vmul.f32 $3.000000120e-01, v61;
	v61 =	vmin.f32 v30, v11;
	v15 =	vmax.f32 v15, v37  }
0x2f1: {  	v30 =	vmin.f32 v30, v21;
	v60 =	vmax.f32 v60, $0.0e+00;
	v63 =	vsub.f32 v63, v58  }
0x2f2: {  	v58 =	vmax.f32 v23, v14;
	v31 =	vmul.f32 v60, v31;
	v56 =	vadd.f32 v26, v53  }
0x2f3: {  	v60 =	vmax.f32 v23, v7;
	v27 =	vsub.f32 v27, v22;
	v58 =	vsub.f32 v61, v58  }
0x2f4: {  	vm10 =	vgt.f32 v18, v19;
	v23 =	vmax.f32 v23, v29;
	v35 =	vsub.f32 v35, v60  }
0x2f5: {  	v34 =	vmax.f32 v63, $0.0e+00;
	v60 =	vmin.f32 v59, v13;
	v23 =	vsub.f32 v30, v23  }
0x2f6: {  	v59 =	vmin.f32 v59, v24;
	v56 =	vsub.f32 v56, v31;
	v57 =	vsub.f32 v60, v57  }
0x2f7: {  	v18 =	vmul.f32 $3.000000120e-01, v27;
	v61 =	vmax.f32 v58, $0.0e+00;
	v35 =	vmax.f32 v35, $0.0e+00  }
0x2f8: {  	v27 =	vld [tilespmem:$0x6500];
	v15 =	vsub.f32 v59, v15;
	v34 =	vmul.f32 v35, v34;
	v35 =	vadd.f32 v26, v3  }
0x2f9: {  	v58 =	vld [tilespmem:$0x6680];
	v19 =	vmul.f32 $3.000000120e-01, v56;
	v60 =	vmax.f32 v57, $0.0e+00;
	vm11 =	vgt.f32 v22, v18  }
0x2fa: {  	v15 =	vmax.f32 v15, $0.0e+00;
	v22 =	vmax.f32 v23, $0.0e+00;
	v56 =	vmul.f32 v61, v60;
	v60 =	vld [tilespmem:$0x6800]  }
0x2fb: {  	vm9 =	vmor vm8, vm14;
	v57 =	vadd.f32 v26, v10;
	v61 =	vld [tilespmem:$0x6980];
	v15 =	vmul.f32 v22, v15  }
0x2fc: {  	v22 =	vadd.f32 v26, v32;
	vm14 =	vmor vm11, vm10;
	v35 =	vsub.f32 v35, v34  }
0x2fd: {  	vm4 =	vgt.f32 v31, v19;
	vm6 =	vmor vm14, vm7;
	v18 =	vsub.f32 v57, v56  }
0x2fe: {  	v30 =	vmax.f32 v27, v2;
	v31 =	vmax.f32 v58, v55;
	vm13 =	vmor vm6, vm5  }
0x2ff: {  	v19 =	vmul.f32 $3.000000120e-01, v35;
	v18 =	vmul.f32 $3.000000120e-01, v18;
	v23 =	vsub.f32 v60, v27  }
0x300: {  	v57 =	vld [tilespmem:$0x6990];
	v26 =	vsub.f32 v61, v58;
	v35 =	vmin.f32 v60, v62;
	v63 =	vmin.f32 v61, v54  }
0x301: {  	vm8 =	vgt.f32 v34, v19;
	v34 =	vmin.f32 v60, v13;
	v30 =	vsub.f32 v35, v30  }
0x302: {  	v31 =	vsub.f32 v63, v31;
	vm12 =	vgt.f32 v56, v18;
	v18 =	vsub.f32 v22, v15  }
0x303: {  	v56 =	vmax.f32 v58, v14;
	v63 =	vmin.f32 v61, v11;
	v19 =	vmul.f32 v26, v23  }
0x304: {  	v26 =	vmin.f32 v60, v6;
	v56 =	vsub.f32 v63, v56;
	v60 =	vmin.f32 v60, v24  }
0x305: {  	v63 =	vmin.f32 v57, v54;
	v22 =	vmax.f32 v30, $0.0e+00;
	v23 =	vmax.f32 v31, $0.0e+00  }
0x306: {  	v30 =	vmax.f32 v58, v7;
	v31 =	vmin.f32 v61, v5;
	v58 =	vmax.f32 v58, v29  }
0x307: {  	v35 =	vld [tilespmem:$0x6690];
	v61 =	vmin.f32 v61, v21;
	v18 =	vmul.f32 $3.000000120e-01, v18;
	v22 =	vmul.f32 v23, v22  }
0x308: {  	v23 =	vmax.f32 v27, v8;
	v30 =	vsub.f32 v31, v30;
	v31 =	vmax.f32 v27, v16  }
0x309: {  	v59 =	vadd.f32 v19, v53;
	v27 =	vmax.f32 v27, v37;
	v23 =	vsub.f32 v26, v23;
	v26 =	vld [tilespmem:$0x6510]  }
0x30a: {  	v56 =	vmax.f32 v56, $0.0e+00;
	v31 =	vsub.f32 v34, v31;
	v34 =	vld [tilespmem:$0x6810];
	v27 =	vsub.f32 v60, v27  }
0x30b: {  	vm14 =	vgt.f32 v15, v18;
	v30 =	vmax.f32 v30, $0.0e+00;
	v59 =	vsub.f32 v59, v22  }
0x30c: {  	v60 =	vsub.f32 v57, v35;
	vm14 =	vmor vm14, vm12;
	v23 =	vmax.f32 v23, $0.0e+00  }
0x30d: {  	v31 =	vmax.f32 v31, $0.0e+00;
	v27 =	vmax.f32 v27, $0.0e+00;
	vm14 =	vmor vm14, vm8  }
0x30e: {  	v23 =	vmul.f32 v30, v23;
	v30 =	vsub.f32 v61, v58;
	v61 =	vadd.f32 v19, v3  }
0x30f: {  	v31 =	vmul.f32 v56, v31;
	v59 =	vmul.f32 $3.000000120e-01, v59;
	v58 =	vsub.f32 v34, v26  }
0x310: {  	vm4 =	vmor vm14, vm4;
	v30 =	vmax.f32 v30, $0.0e+00;
	v56 =	vmax.f32 v26, v2  }
0x311: {  	v27 =	vmul.f32 v30, v27;
	v30 =	vmul.f32 v60, v58;
	v58 =	vmin.f32 v34, v62  }
0x312: {  	vm14 =	vgt.f32 v45, v12;
	v60 =	vmax.f32 v35, v55;
	v56 =	vsub.f32 v58, v56  }
0x313: {  	v25 =	vsel vm14, v9, v25;
	v58 =	vsub.f32 v63, v60;
	v60 =	vadd.f32 v19, v10  }
0x314: {  	v61 =	vsub.f32 v61, v23;
	vm6 =	vgt.f32 v22, v59;
	v19 =	vadd.f32 v19, v32  }
0x315: {  	v18 =	vmax.f32 v26, v8;
	v22 =	vmax.f32 v35, v7;
	v60 =	vsub.f32 v60, v31  }
0x316: {  	v19 =	vsub.f32 v19, v27;
	v56 =	vmax.f32 v56, $0.0e+00;
	v58 =	vmax.f32 v58, $0.0e+00  }
0x317: {  	v61 =	vmul.f32 $3.000000120e-01, v61;
	v56 =	vmul.f32 v58, v56;
	v58 =	vadd.f32 v30, v53  }
0x318: {  	v63 =	vmin.f32 v57, v21;
	v60 =	vmul.f32 $3.000000120e-01, v60;
	v19 =	vmul.f32 $3.000000120e-01, v19  }
0x319: {  	vm7 =	vgt.f32 v23, v61;
	v23 =	vmin.f32 v57, v5;
	v15 =	vsub.f32 v58, v56  }
0x31a: {  	vm10 =	vgt.f32 v31, v60;
	vm11 =	vgt.f32 v27, v19;
	v19 =	vmin.f32 v34, v6  }
0x31b: {  	v31 =	vmin.f32 v57, v11;
	v15 =	vmul.f32 $3.000000120e-01, v15;
	v18 =	vsub.f32 v19, v18  }
0x31c: {  	v19 =	vsub.f32 v23, v22;
	v22 =	vmax.f32 v26, v16;
	v23 =	vmin.f32 v34, v13  }
0x31d: {  	v58 =	vld [tilespmem:$0x6820];
	v26 =	vmax.f32 v26, v37;
	v34 =	vmin.f32 v34, v24;
	vm10 =	vmor vm11, vm10  }
0x31e: {  	v27 =	vld [tilespmem:$0x6520];
	v26 =	vsub.f32 v34, v26;
	vm10 =	vmor vm10, vm7;
	vm5 =	vgt.f32 v56, v15  }
0x31f: {  	v15 =	vmax.f32 v18, $0.0e+00;
	v18 =	vsub.f32 v23, v22;
	v22 =	vld [tilespmem:$0x66A0];
	v23 =	vmax.f32 v35, v14  }
0x320: {  	v19 =	vmax.f32 v19, $0.0e+00;
	v35 =	vmax.f32 v35, v29;
	v23 =	vsub.f32 v31, v23;
	v31 =	vld [tilespmem:$0x69A0]  }
0x321: {  	v57 =	vsub.f32 v63, v35;
	v15 =	vmul.f32 v19, v15;
	v19 =	vadd.f32 v30, v3  }
0x322: {  	v26 =	vmax.f32 v26, $0.0e+00;
	v60 =	vmin.f32 v58, v62;
	v18 =	vmax.f32 v18, $0.0e+00  }
0x323: {  	v56 =	vsub.f32 v58, v27;
	v59 =	vmax.f32 v27, v2;
	v23 =	vmax.f32 v23, $0.0e+00  }
0x324: {  	v34 =	vmax.f32 v57, $0.0e+00;
	v59 =	vsub.f32 v60, v59;
	v18 =	vmul.f32 v23, v18;
	v23 =	vld [tilespmem:$0x6AE0]  }
0x325: {  	v35 =	vld [tilespmem:$0x6AD0];
	v19 =	vsub.f32 v19, v15;
	v61 =	vmax.f32 v22, v55;
	v60 =	vmin.f32 v31, v54  }
0x326: {  	v26 =	vmul.f32 v34, v26;
	v57 =	vsub.f32 v31, v22;
	v34 =	vsub.f32 v60, v61  }
0x327: {  	vm6 =	vmor vm10, vm6;
	v60 =	vadd.f32 v30, v10;
	v30 =	vadd.f32 v30, v32  }
0x328: {  	v63 =	vmax.f32 v27, v8;
	v19 =	vmul.f32 $3.000000120e-01, v19;
	v61 =	vmul.f32 v57, v56  }
0x329: {  	v56 =	vsel vm13, $0xFF800000, v23;
	v23 =	vsub.f32 v60, v18;
	v30 =	vsub.f32 v30, v26  }
0x32a: {  	v59 =	vmax.f32 v59, $0.0e+00;
	v57 =	vsel vm9, $0xFF800000, v35;
	vm9 =	vgt.f32 v15, v19  }
0x32b: {  	v35 =	vld [tilespmem:$0x6530];
	v34 =	vmax.f32 v34, $0.0e+00;
	v23 =	vmul.f32 $3.000000120e-01, v23;
	v15 =	vmul.f32 $3.000000120e-01, v30  }
0x32c: {  	v19 =	vmul.f32 v34, v59;
	v59 =	vmin.f32 v58, v6;
	v30 =	vadd.f32 v61, v53  }
0x32d: {  	vm12 =	vgt.f32 v18, v23;
	vm13 =	vgt.f32 v26, v15;
	v15 =	vsub.f32 v59, v63  }
0x32e: {  	v18 =	vsub.f32 v30, v19;
	v23 =	vmax.f32 v22, v7;
	v26 =	vmin.f32 v31, v5  }
0x32f: {  	v30 =	vmax.f32 v22, v14;
	v63 =	vmin.f32 v58, v13;
	v59 =	vmin.f32 v31, v11  }
0x330: {  	v22 =	vmax.f32 v22, v29;
	v31 =	vmin.f32 v31, v21;
	v8 =	vmax.f32 v35, v8  }
0x331: {  	v2 =	vmax.f32 v35, v2;
	v23 =	vsub.f32 v26, v23;
	v26 =	vmax.f32 v27, v16  }
0x332: {  	v30 =	vsub.f32 v59, v30;
	v27 =	vmax.f32 v27, v37;
	v22 =	vsub.f32 v31, v22  }
0x333: {  	v34 =	vld [tilespmem:$0x6AF0];
	v31 =	vsel vm14, v45, v12;
	v15 =	vmax.f32 v15, $0.0e+00;
	v26 =	vsub.f32 v63, v26  }
0x334: {  	v18 =	vmul.f32 $3.000000120e-01, v18;
	v23 =	vmax.f32 v23, $0.0e+00;
	v30 =	vmax.f32 v30, $0.0e+00  }
0x335: {  	v15 =	vmul.f32 v23, v15;
	v23 =	vadd.f32 v61, v3;
	v26 =	vmax.f32 v26, $0.0e+00  }
0x336: {  	vm8 =	vgt.f32 v19, v18;
	v19 =	vmul.f32 v30, v26;
	v30 =	vmin.f32 v58, v24;
	v58 =	vld [tilespmem:$0x6830]  }
0x337: {  	vm12 =	vmor vm13, vm12;
	v26 =	vadd.f32 v61, v10;
	v18 =	vsub.f32 v23, v15;
	v23 =	vld [tilespmem:$0x66B0]  }
0x338: {  	v63 =	vmin.f32 v12, v45;
	v12 =	vsel vm4, $0xFF800000, v34;
	v27 =	vsub.f32 v30, v27;
	v30 =	vld [tilespmem:$0x69B0]  }
0x339: {  	vm15 =	vgt.f32 v20, v31;
	v26 =	vsub.f32 v26, v19;
	v18 =	vmul.f32 $3.000000120e-01, v18  }
0x33a: {  	v60 =	vmovc v9;
	vm12 =	vmor vm12, vm9;
	v22 =	vmax.f32 v22, $0.0e+00;
	v9 =	vmax.f32 v48, v63  }
0x33b: {  	vm12 =	vmor vm12, vm5;
	vm4 =	vgt.f32 v15, v18;
	v15 =	vmul.f32 $3.000000120e-01, v26  }
0x33c: {  	v18 =	vmax.f32 v27, $0.0e+00;
	v26 =	vsub.f32 v58, v35;
	v6 =	vmin.f32 v58, v6  }
0x33d: {  	v27 =	vsub.f32 v30, v23;
	v6 =	vsub.f32 v6, v8;
	v7 =	vmax.f32 v23, v7  }
0x33e: {  	v5 =	vmin.f32 v30, v5;
	v8 =	vmin.f32 v58, v13;
	v11 =	vmin.f32 v30, v11  }
0x33f: {  	v13 =	vsel vm15, v20, v31;
	v21 =	vmin.f32 v30, v21;
	vm14 =	vgt.f32 v19, v15  }
0x340: {  	v15 =	vmul.f32 v22, v18;
	v5 =	vsub.f32 v5, v7;
	v7 =	vmax.f32 v35, v16  }
0x341: {  	v16 =	vmin.f32 v31, v20;
	v18 =	vmul.f32 v27, v26;
	v7 =	vsub.f32 v8, v7  }
0x342: {  	v8 =	vmax.f32 v23, v14;
	v14 =	vadd.f32 v61, v32;
	v6 =	vmax.f32 v6, $0.0e+00  }
0x343: {  	v8 =	vsub.f32 v11, v8;
	v11 =	vsel vm15, v46, v25;
	v25 =	vld [tilespmem:$0x1FF60];
	v5 =	vmax.f32 v5, $0.0e+00  }
0x344: {  	vm11 =	vgt.f32 v17, v13;
	v5 =	vmul.f32 v5, v6;
	v6 =	vsub.f32 v14, v15  }
0x345: {  	v59 =	vld [tilespmem:$0x1FF70];
	v22 =	vmin.f32 v30, v54;
	v3 =	vadd.f32 v18, v3;
	v7 =	vmax.f32 v7, $0.0e+00  }
0x346: {  	v14 =	vsel vm11, v17, v13;
	v8 =	vmax.f32 v8, $0.0e+00;
	v6 =	vmul.f32 $3.000000120e-01, v6  }
0x347: {  	v10 =	vadd.f32 v18, v10;
	v7 =	vmul.f32 v8, v7;
	v3 =	vsub.f32 v3, v5  }
0x348: {  	v63 =	vld [tilespmem:$0x1FFB0];
	v11 =	vsel vm11, v25, v11;
	vm11 =	vgt.f32 v28, v14;
	vm15 =	vgt.f32 v15, v6  }
0x349: {  	v6 =	vmax.f32 v9, v16;
	v3 =	vmul.f32 $3.000000120e-01, v3;
	v9 =	vsub.f32 v10, v7  }
0x34a: {  	v16 =	vmin.f32 v58, v24;
	v8 =	vsel vm11, v59, v11;
	v11 =	vsel vm11, v28, v14  }
0x34b: {  	v26 =	vmovc v50;
	v50 =	vld [tilespmem:$0x1FFC0];
	vm14 =	vmor vm15, vm14;
	vm11 =	vgt.f32 v36, v11;
	vm7 =	vgt.f32 v5, v3  }
0x34c: {  	v5 =	vmul.f32 $3.000000120e-01, v9;
	v9 =	vmin.f32 v13, v17;
	vm14 =	vmor vm14, vm4  }
0x34d: {  	v3 =	vld [tilespmem:$0x6B00];
	v8 =	vsel vm11, v63, v8;
	v10 =	vsel vm11, v36, v11;
	v11 =	vmin.f32 v11, v36  }
0x34e: {  	vm14 =	vmor vm14, vm8;
	vm10 =	vgt.f32 v33, v10;
	vm11 =	vgt.f32 v7, v5  }
0x34f: {  	v5 =	vmax.f32 v6, v9;
	v6 =	vmin.f32 v14, v28;
	v13 =	vsel vm10, v33, v10  }
0x350: {  	v15 =	vld [tilespmem:$0x6B10];
	v9 =	vmax.f32 v23, v55;
	v8 =	vsel vm10, v50, v8;
	vm10 =	vgt.f32 v41, v13  }
0x351: {  	v14 =	vmax.f32 v23, v29;
	v5 =	vmax.f32 v5, v6;
	v7 =	vsel vm10, v41, v13  }
0x352: {  	v6 =	vmin.f32 v58, v62;
	v3 =	vsel vm6, $0xFF800000, v3;
	vm6 =	vgt.f32 v44, v7  }
0x353: {  	v14 =	vsub.f32 v21, v14;
	v9 =	vsub.f32 v22, v9;
	v19 =	vsel vm6, v44, v7  }
0x354: {  	v2 =	vsub.f32 v6, v2;
	v6 =	vmax.f32 v35, v37;
	vm9 =	vgt.f32 v49, v19  }
0x355: {  	v15 =	vsel vm12, $0xFF800000, v15;
	v6 =	vsub.f32 v16, v6;
	v16 =	vsel vm9, v49, v19  }
0x356: {  	v22 =	vadd.f32 v18, v32;
	v18 =	vadd.f32 v18, v53;
	vm5 =	vgt.f32 v52, v16  }
0x357: {  	v14 =	vmax.f32 v14, $0.0e+00;
	v6 =	vmax.f32 v6, $0.0e+00;
	v21 =	vsel vm5, v52, v16  }
0x358: {  	v48 =	vld [tilespmem:$0x1FFD0];
	v10 =	vmin.f32 v10, v33;
	v6 =	vmul.f32 v14, v6;
	vm12 =	vgt.f32 v57, v21  }
0x359: {  	v5 =	vmax.f32 v5, v11;
	v11 =	vld [tilespmem:$0x6B20];
	v9 =	vmax.f32 v9, $0.0e+00;
	v14 =	vsel vm12, v57, v21  }
0x35a: {  	v2 =	vmax.f32 v2, $0.0e+00;
	v22 =	vsub.f32 v22, v6;
	vm13 =	vgt.f32 v56, v14  }
0x35b: {  	v5 =	vmax.f32 v5, v10;
	v2 =	vmul.f32 v9, v2;
	v9 =	vsel vm13, v56, v14  }
0x35c: {  	v10 =	vmin.f32 v13, v41;
	v22 =	vmul.f32 $3.000000120e-01, v22;
	vm4 =	vgt.f32 v12, v9  }
0x35d: {  	v8 =	vsel vm10, v48, v8;
	v18 =	vsub.f32 v18, v2;
	v23 =	vsel vm4, v12, v9  }
0x35e: {  	v11 =	vsel vm14, $0xFF800000, v11;
	vm14 =	vgt.f32 v6, v22;
	v6 =	vld [tilespmem:$0x6B30];
	vm8 =	vgt.f32 v3, v23  }
0x35f: {  	v5 =	vmax.f32 v5, v10;
	v18 =	vmul.f32 $3.000000120e-01, v18;
	v22 =	vsel vm8, v3, v23  }
0x360: {  	v7 =	vmin.f32 v7, v44;
	vm14 =	vmor vm14, vm11;
	vm11 =	vgt.f32 v15, v22  }
0x361: {  	vm7 =	vmor vm14, vm7;
	vm14 =	vgt.f32 v2, v18;
	v2 =	vsel vm11, v15, v22  }
0x362: {  	v5 =	vmax.f32 v5, v7;
	vm14 =	vmor vm7, vm14;
	vm7 =	vgt.f32 v11, v2  }
0x363: {  	v7 =	vmin.f32 v19, v49;
	v6 =	vsel vm14, $0xFF800000, v6;
	v10 =	vsel vm7, v11, v2  }
0x364: {  	v5 =	vmax.f32 v5, v7;
	v7 =	vmin.f32 v16, v52;
	vm15 =	vgt.f32 v6, v10  }
0x365: {  	v27 =	vmovc v42;
	v5 =	vmax.f32 v5, v7;
	v7 =	vmin.f32 v21, v57;
	v13 =	vsel vm15, v6, v10  }
0x366: {  	v8 =	vsel vm6, v26, v8;
	v5 =	vmax.f32 v5, v7;
	v7 =	vmin.f32 v14, v56;
	(xrf0) =	vmax.scan.msk.f32 $0xffff, v13  }
0x367: {  	v8 =	vsel vm9, v27, v8;
	v5 =	vmax.f32 v5, v7;
	v7 =	vmin.f32 v9, v12  }
0x368: {  	v31 =	vmovc v38;
	v8 =	vsel vm5, v47, v8;
	v5 =	vmax.f32 v5, v7;
	v7 =	vmin.f32 v23, v3  }
0x369: {  	[tilespmem:$0x6A00] =	vst v1;
	v61 =	vld [tilespmem:$0x1FFE0];
	v8 =	vsel vm12, v31, v8;
	v1 =	vmax.f32 v5, v7;
	v5 =	vmin.f32 v22, v15  }
0x36a: {  	v63 =	vld [tilespmem:$0x1FFF0];
	v8 =	vsel vm13, v0, v8  }
0x36b: {  	v38 =	vmov v39;
	v8 =	vsel vm4, v51, v8  }
0x36c: {  	[tilespmem:$0x6A10] =	vst v43;
	v39 =	vmov v40;
	v7 =	vsel vm8, v38, v8;
	v1 =	vmax.f32 v1, v5;
	v5, _, _ =	vpop (xrf0)  }
0x36d: {  	[tilespmem:$0x6A20] =	vst v4;
	v4 =	vsel vm11, v39, v7;
	v2 =	vmin.f32 v2, v11;
	v5 =	vbroadcast v5, $0xF  }
0x36e: {  	[tilespmem:$0x6A30] =	vst v45;
	v1 =	vmax.f32 v1, v2;
	v2 =	vsel vm7, v61, v4  }
0x36f: {  	[tilespmem:$0x6A40] =	vst v20;
	v4 =	vmin.f32 v10, v6;
	v2 =	vsel vm15, v63, v2;
	vm4 =	veq.f32 v13, v5  }
0x370: {  	[tilespmem:$0x6A50] =	vst v17;
	v1 =	vmax.f32 v1, v4;
	v2 =	vnsel vm4, $0x4E6E6B28, v2  }
0x371: {  	[tilespmem:$0x6A60] =	vst v28;
	v1 =	vsel vm4, v1, v13;
	(xrf0) =	vmin.scan.msk.f32 $0xffff, v2  }
0x372: {  	[tilespmem:$0x6A70] =	vst v36;
	(xrf0) =	vmax.scan.msk.f32 $0xffff, v1  }
0x373: {  	[tilespmem:$0x6A80] =	vst v33  }
0x374: {  	[tilespmem:$0x6A90] =	vst v41  }
0x375: {  	[tilespmem:$0x6AA0] =	vst v44  }
0x376: {  	[tilespmem:$0x6AB0] =	vst v49  }
0x377: {  	[tilespmem:$0x6AC0] =	vst v52;
	v1, _, _ =	vpop (xrf0)  }
0x378: {  	[tilespmem:$0x6AD0] =	vst v57;
	v2 =	vmpcnt.ones.xlane vm4;
	v4, _, _ =	vpop (xrf0)  }
0x379: {  	[tilespmem:$0x6AE0] =	vst v56;
	v4 =	vbroadcast v4, $0xF  }
0x37a: {  	[tilespmem:$0x6AF0] =	vst v12;
	vm4 =	vgt.s32 v2, $0x1  }
0x37b: {  	[tilespmem:$0x6B10] =	vst v15;
	v1 =	vbroadcast v1, $0xF;
	v2 =	vsel vm4, v5, v4  }
0x37c: {  	[tilespmem:$0x6B00] =	vst v3;
	v2 =	vsel vm0, $0x0, v2  }
0x37d: {  	s2 =	sand.u32 $0x100, s31;
	[tilespmem:$0x6B20] =	vst v11;
	v1 =	vsel vm1, v2, v1  }
0x37e: {  	s2 =	sadd.s32 s2, s23;
	[tilespmem:$0x6B30] =	vst v6;
	v1 =	vsel vm2, v1, v5  }
0x37f: {  	s3 =	sadd.s32 s28, s2;
	[tilespmem:$0x6B80] =	vst v1  }
0x380: {  	[spmem:s3] =	stream.linear.scatter [tilespmem:s22], [sflag:$0x1], $0x10, $0x38;
	[tilespmem:$0x6F20] =	vst v63  }
0x381: {  	v22 =	vlaneseq.u32;
	_ =	swait.ge [sflag:s30], $0x10  }
0x382: {  	v1 =	vmul.u32 $0x10, v22;
	[sflag:s30] =	ssyncset.done $0x0  }
0x383: {  	[sflag:s30] =	ssyncadd.s32 $0xFFFFFFF0  }
0x384: {  	v2 =	vor.u32 $0x2, v1;
	[bflag:$0x0] =	sbarrier.arrive $0xFFFF  }
0x385: {  	[tilespmem:s0], [sflag:$0x1] =	stream.linear.gather [spmem:s2], $0x100, $0x38;
	[tilespmem:$0x6F20] =	vst v63  }
0x386: {  	_ =	swait.ge [sflag:s30], $0x100  }
0x387: {  	[sflag:s30] =	ssyncset.done $0x0  }
0x388: {  	[sflag:s30] =	ssyncadd.s32 $0xFFFFFF00  }
0x389: {  	v2 =	vld.idx.msk [tilespmem:v2+s0+$0x0], $0xffff  }
0x38a: {  	v3 =	vld.idx.msk [tilespmem:v1+s0+$0x0], $0xffff;
	_ =	sdelay $0x3  }
0x38b: {  	(xrf0) =	vmax.scan.msk.f32 $0xffff, v2  }
0x38c: {  	v1 =	vor.u32 $0x1, v1;
	(xrf0) =	vmax.scan.msk.f32 $0xffff, v3;
	_ =	sdelay $0x4  }
0x38d: {  	v1 =	vld.idx.msk [tilespmem:v1+s0+$0x0], $0xffff;
	v2, _, _ =	vpop (xrf0)  }
0x38e: {  	v4, _, _ =	vpop (xrf0)  }
0x38f: {  	v5 =	vbroadcast v4, $0xF;
	_ =	sdelay $0x1  }
0x390: {  	vm4 =	veq.f32 v3, v5  }
0x391: {  	v6 =	vnsel vm4, $0x4E6E6B28, v1  }
0x392: {  	(xrf0) =	vmin.scan.msk.f32 $0xffff, v6;
	_ =	sdelay $0x3  }
0x393: {  	(v2sf) =	vpush v2, $0xF  }
0x394: {  	(v2sf) =	vpush v4, $0xF  }
0x395: {  	v2, _, _ =	vpop (xrf0)  }
0x396: {  	(v2sf) =	vpush v2, $0xF;
	_ =	sdelay $0x9  }
0x397: {  	vm5 =	vgt.f32 v3, $-Inf;
	vm4 =	vlt.f32 v3, $-Inf  }
0x398: {  	vm4 =	vmor vm5, vm4  }
0x399: {  	v2 =	vnsel vm4, $0x0, v1;
	s5 =	spop (v2sf)  }
0x39a: {  	v2 =	vtrunc.f32 v2;
	s2 =	spop (v2sf)  }
0x39b: {  	v2 =	vcvt.f32.s32 v2;
	p0 =	sgt.f32 s2, $-Inf  }
0x39c: {  	s3 =	spop (v2sf)  }
0x39d: {  	v2 =	vshll.u32 v2, $0x2;
	s3 =	simm.s32 @!p0 $0x0  }
0x39e: {  	v6 =	vor.u32 $0x1, v2;
	s3 =	scvt.f32.s32 s3  }
0x39f: {  	v7 =	vor.u32 $0x2, v2  }
0x3a0: {  	v8 =	vor.u32 $0x3, v2;
	s3 =	sshll.u32 s3, $0x2  }
0x3a1: {  	v11 =	vmov s3  }
0x3a2: {  	v4 =	vld.idx.msk [tilespmem:v2+s29+$0x0], $0xffff;
	v2 =	vor.u32 $0x2, v11  }
0x3a3: {  	v9 =	vld.idx.msk [tilespmem:v6+s29+$0x0], $0xffff;
	v6 =	vor.u32 $0x1, v11  }
0x3a4: {  	v10 =	vld.idx.msk [tilespmem:v7+s29+$0x0], $0xffff;
	v7 =	vor.u32 $0x3, v11  }
0x3a5: {  	v12 =	vld.idx.msk [tilespmem:v8+s29+$0x0], $0xffff  }
0x3a6: {  	v8 =	vld.idx.msk [tilespmem:v11+s29+$0x0], $0xffff  }
0x3a7: {  	v11 =	vld.idx.msk [tilespmem:v2+s29+$0x0], $0xffff  }
0x3a8: {  	v6 =	vld.idx.msk [tilespmem:v6+s29+$0x0], $0xffff  }
0x3a9: {  	v7 =	vld.idx.msk [tilespmem:v7+s29+$0x0], $0xffff;
	_ =	sdelay $0x2  }
0x3aa: {  	v13 =	vsub.f32 v12, v9  }
0x3ab: {  	v2 =	vpsel !p0, $0x0, v8;
	v8 =	vsub.f32 v10, v4;
	v62 =	vpsel !p0, $0x0, v11  }
0x3ac: {  	v55 =	vpsel !p0, $0x0, v6;
	v54 =	vpsel !p0, $0x0, v7;
	v11 =	vsub.f32 v62, v2  }
0x3ad: {  	v7 =	vsub.f32 v54, v55;
	v14 =	vmax.f32 v9, v55;
	v15 =	vmin.f32 v10, v62  }
0x3ae: {  	v16 =	vmin.f32 v12, v54;
	v6 =	vmax.f32 v11, $0.0e+00;
	v11 =	vmax.f32 v4, v2  }
0x3af: {  	v14 =	vsub.f32 v16, v14;
	v7 =	vmax.f32 v7, $0.0e+00;
	v11 =	vsub.f32 v15, v11  }
0x3b0: {  	v17 =	vmul.f32 v13, v8;
	v53 =	vmul.f32 v7, v6  }
0x3b1: {  	v7 =	vmax.f32 v14, $0.0e+00;
	v6 =	vmax.f32 v11, $0.0e+00  }
0x3b2: {  	v6 =	vmul.f32 v7, v6;
	v7 =	vadd.f32 v53, v17;
	_ =	sdelay $0x1  }
0x3b3: {  	v7 =	vsub.f32 v7, v6;
	_ =	sdelay $0x1  }
0x3b4: {  	v7 =	vmul.f32 $3.000000120e-01, v7  }
0x3b5: {  	vm4 =	vmmov vm3  }
0x3b6: {  	vm4 =	vmneg @p0 vm4;
	vm5 =	vgt.f32 v6, v7  }
0x3b7: {  	vm4 =	vmand vm4, vm5  }
0x3b8: {  	v11 =	vsel vm4, $0xFF800000, v3  }
0x3b9: {  	(xrf0) =	vmax.scan.msk.f32 $0xffff, v11;
	_ =	sdelay $0x5  }
0x3ba: {  	v3, _, _ =	vpop (xrf0)  }
0x3bb: {  	v13 =	vbroadcast v3, $0xF;
	_ =	sdelay $0x1  }
0x3bc: {  	vm4 =	veq.f32 v11, v13  }
0x3bd: {  	v6 =	vnsel vm4, $0x4E6E6B28, v1  }
0x3be: {  	(xrf0) =	vmin.scan.msk.f32 $0xffff, v6  }
0x3bf: {  	(v2sf) =	vpush v3, $0xF;
	_ =	sdelay $0x4  }
0x3c0: {  	v3, _, _ =	vpop (xrf0)  }
0x3c1: {  	(v2sf) =	vpush v3, $0xF;
	_ =	sdelay $0x3  }
0x3c2: {  	s6 =	sld [smem:$0x7FD];
	_ =	sdelay $0x2  }
0x3c3: {  	p5 =	seq.s32 s6, $0x1  }
0x3c4: {  	p1 =	slt.f32 @!p5 s2, $-Inf;
	p2 =	sgt.f32 @!p5 s2, $-Inf  }
0x3c5: {  	s7 =	spop (v2sf)  }
0x3c6: {  	p1 =	por @!p5 p2, p1;
	p2 =	sgt.f32 s7, $-Inf  }
0x3c7: {  	s2 =	smov.u32 s4;
	p1 =	por @!p5 !p1, !p1  }
0x3c8: {  	s3 =	simm.s32 $0x1;
	p3 =	sgt.f32 s7, s5;
	s7 =	simm.s32 @!p2 $0x0  }
0x3c9: {  	p1 =	por p1, p5;
	s3 =	simm.s32 @!p0 $0x0;
	s7 =	simm.s32 @p2 $0x1  }
0x3ca: {  	s4 =	sadd.s32 s3, s4;
	p2 =	por !p2, !p3;
	[smem:$0x7F8] =	sst s7  }
0x3cb: {  	s7 =	simm.s32 @!p3 $0x0;
	p0 =	por !p2, !p2;
	s6 =	spop (v2sf)  }
0x3cc: {  	p2 =	slt.u32 s4, $0x64;
	s7 =	simm.s32 @p3 $0x1;
	s6 =	scvt.f32.s32 s6  }
0x3cd: {  	p0 =	por !p2, !p0;
	[smem:$0x7F9] =	sst s7;
	s7 =	smul.u32 @!p1 $0x5, s2  }
0x3ce: {  	vm4 =	vcmask @!p1 $0x3F14;
	v3 =	vlaneseq.u32 @!p1;
	p0 =	por !p0, !p0;
	s6 =	sshll.u32 s6, $0x2  }
0x3cf: {  	v5 =	vsel @!p1 vm4, $0x0, v5;
	vm4 =	vcmask @!p1 $0x3F10;
	v3 =	vadd.s32 @!p1 s7, v3;
	s6 =	simm.s32 @!p0 $0x0  }
0x3d0: {  	v5 =	vsel @!p1 vm4, v5, v54;
	vm4 =	vcmask @!p1 $0x3F0C;
	v6 =	vmov s6  }
0x3d1: {  	v5 =	vsel @!p1 vm4, v5, v62;
	vm4 =	vcmask @!p1 $0x3F08;
	v7 =	vor.u32 $0x2, v6  }
0x3d2: {  	v5 =	vsel @!p1 vm4, v5, v55;
	vm4 =	vmmov @!p1 $0x1;
	v8 =	vor.u32 $0x1, v6  }
0x3d3: {  	v5 =	vsel @!p1 vm4, v2, v5;
	s6 =	simm.s32 @!p1 $0x6D00;
	v14 =	vor.u32 $0x3, v6  }
0x3d4: {  	[tilespmem:v3+s6+$0x0] =	vst.idx.msk @!p1 $0x1f, v5  }
0x3d5: {  	v3 =	vld.idx.msk [tilespmem:v6+s29+$0x0], $0xffff  }
0x3d6: {  	v5 =	vld.idx.msk [tilespmem:v7+s29+$0x0], $0xffff  }
0x3d7: {  	v7 =	vld.idx.msk [tilespmem:v8+s29+$0x0], $0xffff  }
0x3d8: {  	v14 =	vld.idx.msk [tilespmem:v14+s29+$0x0], $0xffff;
	_ =	sdelay $0x3  }
0x3d9: {  	v8 =	vpsel !p0, $0x0, v3;
	v6 =	vpsel !p0, $0x0, v5  }
0x3da: {  	v7 =	vpsel !p0, $0x0, v7;
	v5 =	vpsel !p0, $0x0, v14;
	v15 =	vmax.f32 v4, v8  }
0x3db: {  	v3 =	vsub.f32 v6, v8;
	v14 =	vsub.f32 v5, v7;
	v18 =	vmin.f32 v10, v6  }
0x3dc: {  	v16 =	vmax.f32 v9, v7;
	v19 =	vmin.f32 v12, v5;
	v15 =	vsub.f32 v18, v15  }
0x3dd: {  	v16 =	vsub.f32 v19, v16;
	v3 =	vmax.f32 v3, $0.0e+00;
	v14 =	vmax.f32 v14, $0.0e+00  }
0x3de: {  	v3 =	vmul.f32 v14, v3  }
0x3df: {  	v14 =	vmax.f32 v15, $0.0e+00;
	v15 =	vmax.f32 v16, $0.0e+00  }
0x3e0: {  	v14 =	vmul.f32 v15, v14;
	v15 =	vadd.f32 v3, v17;
	_ =	sdelay $0x1  }
0x3e1: {  	v15 =	vsub.f32 v15, v14;
	_ =	sdelay $0x1  }
0x3e2: {  	v15 =	vmul.f32 $3.000000120e-01, v15  }
0x3e3: {  	vm4 =	vmmov vm3  }
0x3e4: {  	vm4 =	vmneg @p0 vm4;
	vm5 =	vgt.f32 v14, v15  }
0x3e5: {  	vm4 =	vmand vm4, vm5  }
0x3e6: {  	v15 =	vsel vm4, $0xFF800000, v11  }
0x3e7: {  	(xrf0) =	vmax.scan.msk.f32 $0xffff, v15;
	_ =	sdelay $0x5  }
0x3e8: {  	v11, _, _ =	vpop (xrf0)  }
0x3e9: {  	v18 =	vbroadcast v11, $0xF;
	_ =	sdelay $0x1  }
0x3ea: {  	vm4 =	veq.f32 v15, v18  }
0x3eb: {  	v14 =	vnsel vm4, $0x4E6E6B28, v1  }
0x3ec: {  	(v2sf) =	vpush v11, $0xF;
	(xrf0) =	vmin.scan.msk.f32 $0xffff, v14;
	_ =	sdelay $0x5  }
0x3ed: {  	v11, _, _ =	vpop (xrf0)  }
0x3ee: {  	(v2sf) =	vpush v11, $0xF;
	_ =	sdelay $0x5  }
0x3ef: {  	s8 =	simm.s32 @!p2 $0x0  }
0x3f0: {  	s8 =	simm.s32 @p2 $0x1  }
0x3f1: {  	[smem:$0x7FA] =	sst s8;
	s8 =	spop (v2sf)  }
0x3f2: {  	s6 =	simm.s32 $0x1;
	p1 =	sgt.f32 s8, $-Inf  }
0x3f3: {  	s6 =	simm.s32 @!p0 $0x0  }
0x3f4: {  	s7 =	sadd.s32 s3, s6;
	p2 =	sgt.f32 s8, s5;
	s6 =	simm.s32 @!p1 $0x0  }
0x3f5: {  	s6 =	simm.s32 @p1 $0x1  }
0x3f6: {  	[smem:$0x7FB] =	sst s6;
	s6 =	simm.s32 @!p2 $0x0  }
0x3f7: {  	p0 =	por !p0, p5;
	p1 =	por !p1, !p2;
	s6 =	simm.s32 @p2 $0x1  }
0x3f8: {  	[smem:$0x7FC] =	sst s6;
	s6 =	sadd.s32 s2, s7;
	s8 =	spop (v2sf)  }
0x3f9: {  	p1 =	por !p1, !p1;
	p6 =	slt.u32 s6, $0x64;
	s8 =	scvt.f32.s32 s8  }
0x3fa: {  	s4 =	smul.u32 @!p0 $0x5, s4;
	p1 =	por !p6, !p1  }
0x3fb: {  	vm4 =	vcmask @!p0 $0x3F14;
	v11 =	vlaneseq.u32 @!p0;
	p2 =	por !p1, !p1;
	s8 =	sshll.u32 s8, $0x2  }
0x3fc: {  	v13 =	vsel @!p0 vm4, $0x0, v13;
	vm4 =	vcmask @!p0 $0x3F10;
	v11 =	vadd.s32 @!p0 s4, v11;
	s8 =	simm.s32 @!p2 $0x0  }
0x3fd: {  	v13 =	vsel @!p0 vm4, v13, v5;
	vm4 =	vcmask @!p0 $0x3F0C;
	v14 =	vmov s8  }
0x3fe: {  	v13 =	vsel @!p0 vm4, v13, v6;
	vm4 =	vcmask @!p0 $0x3F08;
	v16 =	vor.u32 $0x2, v14  }
0x3ff: {  	v13 =	vsel @!p0 vm4, v13, v7;
	vm4 =	vmmov @!p0 $0x1;
	v19 =	vor.u32 $0x1, v14  }
0x400: {  	v13 =	vsel @!p0 vm4, v8, v13;
	s4 =	simm.s32 @!p0 $0x6D00;
	v20 =	vor.u32 $0x3, v14  }
0x401: {  	[tilespmem:v11+s4+$0x0] =	vst.idx.msk @!p0 $0x1f, v13  }
0x402: {  	v11 =	vld.idx.msk [tilespmem:v14+s29+$0x0], $0xffff  }
0x403: {  	v13 =	vld.idx.msk [tilespmem:v16+s29+$0x0], $0xffff  }
0x404: {  	v14 =	vld.idx.msk [tilespmem:v19+s29+$0x0], $0xffff  }
0x405: {  	v19 =	vld.idx.msk [tilespmem:v20+s29+$0x0], $0xffff;
	_ =	sdelay $0x2  }
0x406: {  	v16 =	vpsel !p2, $0x0, v11;
	v13 =	vpsel !p2, $0x0, v13  }
0x407: {  	v20 =	vsub.f32 v13, v16  }
0x408: {  	v14 =	vpsel !p2, $0x0, v14;
	v11 =	vpsel !p2, $0x0, v19  }
0x409: {  	v4 =	vmax.f32 v4, v16;
	v19 =	vmax.f32 v20, $0.0e+00;
	v20 =	vsub.f32 v11, v14  }
0x40a: {  	v9 =	vmax.f32 v9, v14;
	v10 =	vmin.f32 v10, v13;
	v12 =	vmin.f32 v12, v11  }
0x40b: {  	v4 =	vsub.f32 v10, v4;
	v9 =	vsub.f32 v12, v9;
	v20 =	vmax.f32 v20, $0.0e+00  }
0x40c: {  	v10 =	vmul.f32 v20, v19  }
0x40d: {  	v4 =	vmax.f32 v4, $0.0e+00;
	v9 =	vmax.f32 v9, $0.0e+00  }
0x40e: {  	v4 =	vmul.f32 v9, v4;
	v9 =	vadd.f32 v10, v17;
	_ =	sdelay $0x1  }
0x40f: {  	v9 =	vsub.f32 v9, v4;
	_ =	sdelay $0x1  }
0x410: {  	v9 =	vmul.f32 $3.000000120e-01, v9  }
0x411: {  	vm4 =	vmmov vm3  }
0x412: {  	vm4 =	vmneg @p2 vm4;
	vm5 =	vgt.f32 v4, v9  }
0x413: {  	vm4 =	vmand vm4, vm5  }
0x414: {  	v4 =	vsel vm4, $0xFF800000, v15  }
0x415: {  	(xrf0) =	vmax.scan.msk.f32 $0xffff, v4;
	_ =	sdelay $0x5  }
0x416: {  	v9, _, _ =	vpop (xrf0)  }
0x417: {  	v12 =	vbroadcast v9, $0xF;
	_ =	sdelay $0x1  }
0x418: {  	vm4 =	veq.f32 v4, v12  }
0x419: {  	v1 =	vnsel vm4, $0x4E6E6B28, v1  }
0x41a: {  	(xrf0) =	vmin.scan.msk.f32 $0xffff, v1;
	_ =	sdelay $0x3  }
0x41b: {  	(v2sf) =	vpush v9, $0xF;
	_ =	sdelay $0x1  }
0x41c: {  	v1, _, _ =	vpop (xrf0)  }
0x41d: {  	(v2sf) =	vpush v1, $0xF;
	_ =	sdelay $0xb  }
0x41e: {  	s4 =	simm.s32 $0x1;
	s8 =	spop (v2sf)  }
0x41f: {  	s4 =	simm.s32 @!p2 $0x0;
	p1 =	sgt.f32 s8, s5;
	p0 =	sgt.f32 s8, $-Inf  }
0x420: {  	p4 =	por !p2, p5;
	s4 =	sadd.s32 s4, s7  }
0x421: {  	s7 =	sadd.s32 s2, s4;
	p3 =	por !p0, !p1;
	s8 =	spop (v2sf)  }
0x422: {  	p2 =	slt.u32 s7, $0x64;
	p3 =	por !p3, !p3;
	s5 =	scvt.f32.s32 s8  }
0x423: {  	s6 =	smul.u32 @!p4 $0x5, s6;
	p3 =	por !p2, !p3  }
0x424: {  	vm4 =	vcmask @!p4 $0x3F14;
	v1 =	vlaneseq.u32 @!p4;
	p3 =	por !p3, !p3;
	s5 =	sshll.u32 s5, $0x2  }
0x425: {  	v4 =	vsel @!p4 vm4, $0x0, v18;
	vm4 =	vcmask @!p4 $0x3F10;
	v1 =	vadd.s32 @!p4 s6, v1;
	s5 =	simm.s32 @!p3 $0x0  }
0x426: {  	v4 =	vsel @!p4 vm4, v4, v11;
	vm4 =	vcmask @!p4 $0x3F0C;
	v9 =	vmov s5  }
0x427: {  	v4 =	vsel @!p4 vm4, v4, v13;
	vm4 =	vcmask @!p4 $0x3F08;
	v15 =	vor.u32 $0x1, v9  }
0x428: {  	v4 =	vsel @!p4 vm4, v4, v14;
	vm4 =	vmmov @!p4 $0x1;
	v17 =	vor.u32 $0x2, v9  }
0x429: {  	v4 =	vsel @!p4 vm4, v16, v4;
	s5 =	simm.s32 @!p4 $0x6D00;
	v18 =	vor.u32 $0x3, v9  }
0x42a: {  	[tilespmem:v1+s5+$0x0] =	vst.idx.msk @!p4 $0x1f, v4  }
0x42b: {  	v1 =	vld.idx.msk [tilespmem:v9+s29+$0x0], $0xffff  }
0x42c: {  	v4 =	vld.idx.msk [tilespmem:v15+s29+$0x0], $0xffff  }
0x42d: {  	v9 =	vld.idx.msk [tilespmem:v17+s29+$0x0], $0xffff  }
0x42e: {  	p4 =	por !p3, p5;
	v15 =	vld.idx.msk [tilespmem:v18+s29+$0x0], $0xffff  }
0x42f: {  	s6 =	simm.s32 $0x1;
	s5 =	smul.u32 @!p4 $0x5, s7  }
0x430: {  	s6 =	simm.s32 @!p3 $0x0;
	v37 =	vpsel !p3, $0x0, v1;
	v1 =	vlaneseq.u32 @!p4  }
0x431: {  	v1 =	vadd.s32 @!p4 s5, v1;
	s5 =	sadd.s32 s6, s4  }
0x432: {  	s4 =	sadd.s32 s2, s5  }
0x433: {  	v29 =	vpsel !p3, $0x0, v4;
	v24 =	vpsel !p3, $0x0, v9;
	v21 =	vpsel !p3, $0x0, v15;
	p3 =	sgt.u32 s4, $0x63  }
0x434: {  	vm4 =	vcmask @!p4 $0x3F14;
	p5 =	sne.s32 @!p3 s5, $0x0  }
0x435: {  	v4 =	vsel @!p4 vm4, $0x0, v12;
	vm4 =	vcmask @!p4 $0x3F10;
	p5 =	por p3, !p5  }
.Ltmp2:
0x436: {  	v9 =	vsub.f32 v24, v37;
	v4 =	vsel @!p4 vm4, v4, v21;
	vm4 =	vcmask @!p4 $0x3F0C;
	(pc) =	sbr.rel @!p5 .LBB2_2-.Ltmp2, $4  }
0x437: {  	v12 =	vsub.f32 v21, v29;
	v4 =	vsel @!p4 vm4, v4, v24;
	vm4 =	vcmask @!p4 $0x3F08  }
0x438: {  	v35 =	vmov v0;
	v0 =	vld [tilespmem:$0x1FFA0];
	v4 =	vsel @!p4 vm4, v4, v29;
	vm4 =	vmmov @!p4 $0x1  }
0x439: {  	v18 =	vld [tilespmem:$0x1FF90];
	v9 =	vmax.f32 v9, $0.0e+00;
	v12 =	vmax.f32 v12, $0.0e+00;
	s5 =	simm.s32 @!p4 $0x6D00;
	v4 =	vsel @!p4 vm4, v37, v4  }
0x43a: {  	s31 =	sadd.s32 $0x100, s31;
	v15 =	vld [tilespmem:$0x1FF80];
	v32 =	vmul.f32 v12, v9;
	[tilespmem:v1+s5+$0x0] =	vst.idx.msk @!p4 $0x1f, v4  }
0x43b: {  	s31 =	sld [smem:$0x7FD];
	_ =	sdelay $0x1  }
0x43c: {  	s4 =	simm.s32 @!p6 $0x0  }
0x43d: {  	s4 =	simm.s32 @p6 $0x1;
	p6 =	seq.s32 s31, $0x1  }
.Ltmp3:
0x43e: {  	s7 =	sld [smem:$0x7F9];
	(pc) =	sbr.rel @p6 .LBB2_9-.Ltmp3, $3  }
0x43f: {  	s8 =	sld [smem:$0x7F8];
	_ =	sdelay $0x1  }
0x440: {  	[smem:$0x7F7] =	sst s4  }
0x441: {  	v2 =	vimm.f32 $0.0e+00;
	s4 =	rddreg [dreg:$0xc];
	p4 =	seq.s32 s7, $0x1;
	p5 =	seq.s32 s8, $0x1  }
.Ltmp4:
0x442: {  	(pc) =	sbr.rel @p3 .LBB2_8-.Ltmp4, $1  }
0x443: {  	_ =	sdelay $0x3  }
0x444: {  	s19 =	smov.u32 s1;
	s1 =	smov.u32 s18  }
0x445: {  	s18 =	smov.u32 s26;
	s26 =	smov.u32 s17;
	s17 =	smov.u32 s25  }
0x446: {  	s25 =	smov.u32 s24;
	s24 =	smov.u32 s16;
	s16 =	smov.u32 s21  }
0x447: {  	s21 =	smov.u32 s15;
	s15 =	smov.u32 s14;
	s14 =	smov.u32 s13  }
0x448: {  	s13 =	smov.u32 s12;
	s12 =	smov.u32 s11;
	s11 =	smov.u32 s10  }
0x449: {  	s10 =	smov.u32 s9;
	s4 =	simm.s32 $0x1;
	s7 =	sld [smem:$0x7FA]  }
0x44a: {  	s5 =	simm.s32 $0x1;
	s6 =	simm.s32 $0x1;
	s8 =	sld [smem:$0x7FC]  }
0x44b: {  	s9 =	sld [smem:$0x7FB];
	s4 =	simm.s32 @!p4 $0x0;
	s5 =	simm.s32 @!p5 $0x0  }
0x44c: {  	s4 =	smin.u32 s4, s5;
	s5 =	simm.s32 $0x1;
	p3 =	seq.s32 s7, $0x1  }
0x44d: {  	s7 =	simm.s32 $0x1;
	s6 =	simm.s32 @!p3 $0x0;
	p3 =	seq.s32 s8, $0x1  }
0x44e: {  	s7 =	simm.s32 @!p3 $0x0;
	p3 =	seq.s32 s9, $0x1;
	s9 =	sld [smem:$0x7F7]  }
0x44f: {  	s31 =	simm.s32 $0x1;
	s5 =	simm.s32 @!p1 $0x0;
	s8 =	simm.s32 $0x1  }
0x450: {  	s4 =	smin.u32 s4, s6;
	s6 =	simm.s32 $0x1;
	s8 =	simm.s32 @!p3 $0x0  }
0x451: {  	s2 =	sadd.s32 s4, s2;
	p3 =	seq.s32 s9, $0x1;
	s9 =	simm.s32 $0x1  }
0x452: {  	s8 =	smin.u32 s7, s8;
	s31 =	simm.s32 @!p3 $0x0;
	s9 =	simm.s32 @!p0 $0x0  }
0x453: {  	s6 =	simm.s32 @!p2 $0x0;
	s4 =	smin.u32 s8, s31;
	s5 =	smin.u32 s5, s9  }
0x454: {  	s2 =	sadd.s32 s4, s2;
	s31 =	smin.u32 s5, s6  }
0x455: {  	s2 =	sadd.s32 s31, s2  }
0x456: {  	s2 =	sadd.s32 s3, s2  }
0x457: {  	s3 =	ssub.s32 $0x64, s2  }
0x458: {  	p0 =	sne.s32 s3, $0x1  }
.Ltmp5:
0x459: {  	_ = 	snop;
	(pc) =	sbr.rel @!p0 .LBB2_7-.Ltmp5, $3  }
0x45a: {  	_ = 	snop  }
0x45b: {  	s2 =	smul.u32 $0x5, s2;
	_ =	sdelay $0x1  }
0x45c: {  	s3 =	sadd.s32 $0xFFFFFFFF, s3;
	v1 =	vadd.s32 s2, v22  }
.LBB2_6:
0x45d: {  	p0 =	sne.s32 s3, $0x1  }
.Ltmp6:
0x45e: {  	_ = 	snop;
	(pc) =	sbr.rel @p0 .LBB2_6-.Ltmp6, $3  }
0x45f: {  	_ =	sdelay $0x1  }
0x460: {  	s3 =	sadd.s32 $0xFFFFFFFF, s3;
	[tilespmem:v1+s20+$0x0] =	vst.idx.msk $0x1f, v2;
	s2 =	sadd.s32 $0x5, s2  }
0x461: {  	v1 =	vadd.s32 s2, v22  }
.Ltmp7:
0x462: {  	_ = 	snop;
	(pc) =	sbr.rel .LBB2_7-.Ltmp7, $1  }
0x463: {  	_ =	sdelay $0x3  }
.LBB2_10:
0x464: {  	_ =	sfence.sel $0x180000  }
0x465: {  	[bflag:$0x0] =	sbarrier.arrive $0xFFFF  }
0x466: {  	_ =	strace $0x90000047  }
0x467: {  	s0 =	stileid.u32;
	[bflag:$0x2] =	sbarrier.arrive $0xFFFF  }
0x468: {  	p0 =	sne.s32 s0, $0x0;
	s0 =	rddreg [dreg:$0x4]  }
0x469: {  	s0 =	sadd.s32 @!p0 $0x100000, s0  }
0x46a: {  	[sflag:s0] =	ssyncadd.tile.s32 @!p0 $0x1;
	_ =	shalt  }
.Lfunc_end2:
_tile_overlayer_lowered:
.L_overlay_start_2:
0x46b: {  	(tag) =	ssettag $0x2  }
0x46c: {  	s0 =	rddreg [dreg:$0x0];
	s2 =	stileid.u32  }
0x46d: {  	s1 =	rddreg [dreg:$0x1];
	p0 =	sne.s32 s2, $0x0  }
0x46e: {  	s3 =	rddreg [dreg:$0x2];
	[bflag:$0x3] =	sbarrier.arrive $0xFFFF;
	s2 =	simm.s32 @!p0 $0x1C01  }
0x46f: {  	[timem:s3], [sflag:s2] =	dma.local @!p0 [hbm:s0], s1  }
0x470: {  	s0 =	simm.s32 @!p0 $0x1  }
0x471: {  	_ =	swait.ge @!p0 [sflag:s0], s1  }
0x472: {  	s1 =	ssub.s32 @!p0 $0x0, s1;
	[sflag:s0] =	ssyncset.done @!p0 $0x0  }
0x473: {  	[sflag:s0] =	ssyncadd.s32 @!p0 s1  }
0x474: {  	[bflag:$0x3] =	sbarrier.arrive $0xFFFF  }
0x475: {  	_ =	shalt  }

</sc_bundles>
